<compile_context>
chip_gen: v7x
topology: tpu7x:2x2x1
jax: 0.10.2.dev20260603
libtpu: 0.0.44.dev20260713+nightly
codegen_flags: <defaults>
</compile_context>

<pallas_src>
import jax
import jax.numpy as jnp
from jax import lax
from jax.experimental import pallas as pl
from jax.experimental.pallas import tpu as pltpu
from jax.experimental.pallas import tpu_sc as plsc

N = 8192
C = 8
K = 512
G = N * C
R = 1024
TC_ROWS = 45056
SC_ROWS = G - TC_ROWS
NW = 32
GW = SC_ROWS // NW
CH = 64
SL = K // 16


def _select_kernel(x_ref, k_ref, o_ref):
    x = x_ref[...]
    kk = k_ref[0]
    xt = x.T
    b = jax.lax.bitcast_convert_type(xt, jnp.int32)
    key = jnp.where(b < 0, (~b) ^ jnp.int32(-2**31), b)

    kf = kk.astype(jnp.float32)
    lo0 = jnp.full((1, R), -2**31, jnp.int32)
    hi0 = jnp.full((1, R), 2**31 - 1, jnp.int32)

    def body(_, carry):
        lo, hi = carry
        mid = (lo >> 1) + (hi >> 1) + (lo & hi & 1)
        gt = jnp.where(key > mid, 1.0, 0.0)
        cnt = jnp.sum(gt, axis=0, keepdims=True)
        go_up = cnt > kf
        lo = jnp.where(go_up, mid + 1, lo)
        hi = jnp.where(go_up, hi, mid)
        return lo, hi

    lo, _ = jax.lax.fori_loop(0, 32, body, (lo0, hi0))
    a = lo
    eq = key == a
    m = jnp.sum(jnp.where(key > a, 1.0, 0.0), axis=0, keepdims=True)
    ii = jax.lax.broadcasted_iota(jnp.int32, (K, K), 0)
    jj = jax.lax.broadcasted_iota(jnp.int32, (K, K), 1)
    tril = jnp.where(jj < ii, 1.0, 0.0).astype(jnp.bfloat16)
    eqf = jnp.where(eq, 1.0, 0.0).astype(jnp.bfloat16)
    t = jax.lax.dot(tril, eqf, preferred_element_type=jnp.float32)
    sel = jnp.logical_and(eq, t == (kf - m))
    o_ref[...] = jnp.where(sel, 1.0, 0.0).astype(jnp.float32).T


def _sc_select(x_hbm, k_hbm, out_hbm, xbuf, kv, obuf):
    wid = lax.axis_index("s") * 2 + lax.axis_index("c")
    base = TC_ROWS + wid * GW
    pltpu.sync_copy(k_hbm, kv)
    lanes = lax.iota(jnp.int32, 16)

    def chunk_body(cc, _c):
        row0 = base + cc * CH
        pltpu.sync_copy(x_hbm.at[pl.ds(row0, CH)], xbuf)

        def prep_body(sl, _p):
            for gp in range(CH):
                v = xbuf[gp, pl.ds(sl * 16, 16)]
                b = lax.bitcast_convert_type(v, jnp.int32)
                key = jnp.where(b < 0, (~b) ^ jnp.int32(-2**31), b)
                xbuf[gp, pl.ds(sl * 16, 16)] = lax.bitcast_convert_type(
                    key, jnp.float32)
            return 0

        lax.fori_loop(0, SL, prep_body, 0)

        def group_body(gp, ovec):
            kvec = kv[gp & 7]
            lo0 = jnp.broadcast_to(jnp.int32(-2**31), (16,))
            hi0 = jnp.broadcast_to(jnp.int32(2**31 - 1), (16,))

            def bis(_, carry):
                lo, hi = carry
                mid = (lo >> 1) + (hi >> 1) + (lo & hi & 1)
                acc = jnp.zeros((16,), jnp.int32)
                for sl in range(SL):
                    kk = lax.bitcast_convert_type(
                        xbuf[gp, pl.ds(sl * 16, 16)], jnp.int32)
                    acc = acc + plsc.all_reduce_population_count(kk > mid)
                up = acc > kvec
                lo = jnp.where(up, mid + 1, lo)
                hi = jnp.where(up, hi, mid)
                return lo, hi

            lo, _ = lax.fori_loop(0, 32, bis, (lo0, hi0))
            a = lo

            macc = jnp.zeros((16,), jnp.int32)
            for sl in range(SL):
                kk = lax.bitcast_convert_type(
                    xbuf[gp, pl.ds(sl * 16, 16)], jnp.int32)
                macc = macc + plsc.all_reduce_population_count(kk > a)
            target = kvec - macc

            sidx_vec = jnp.zeros((16,), jnp.int32)
            cum = jnp.zeros((16,), jnp.int32)
            for sl in range(SL):
                kk = lax.bitcast_convert_type(
                    xbuf[gp, pl.ds(sl * 16, 16)], jnp.int32)
                eq = kk == a
                eqi = jnp.where(eq, 1, 0)
                excl = plsc.cumsum(eqi) - eqi
                hit = jnp.logical_and(eq, (excl + cum) == target)
                f = plsc.all_reduce_ffs(hit)
                sidx_vec = jnp.where(f < 16, sl * 16 + f, sidx_vec)
                cum = cum + plsc.all_reduce_population_count(eq)

            ovec = jnp.where(lanes == (gp & 15), sidx_vec, ovec)

            @pl.when((gp & 15) == 15)
            def _store():
                obuf[pl.ds((gp // 16) * 16, 16)] = ovec

            return ovec

        lax.fori_loop(0, CH, group_body, jnp.zeros((16,), jnp.int32))
        pltpu.sync_copy(obuf, out_hbm.at[pl.ds(row0 - TC_ROWS, CH)])
        return 0

    lax.fori_loop(0, GW // CH, chunk_body, 0)


def _expand_kernel(prev_ref, i_ref, o_ref):
    del prev_ref
    idx = i_ref[...]
    lanes = jax.lax.broadcasted_iota(jnp.int32, (idx.shape[0], K), 1)
    o_ref[...] = jnp.where(lanes == idx, 1.0, 0.0).astype(jnp.float32)


def kernel(latents, k):
    x = latents.reshape(G, K)
    ki = k.astype(jnp.int32)

    k16 = jnp.broadcast_to(ki[:, None], (8, 16))
    mesh = plsc.VectorSubcoreMesh(
        core_axis_name="c", subcore_axis_name="s", num_cores=2)
    sel = pl.kernel(
        _sc_select,
        mesh=mesh,
        compiler_params=pltpu.CompilerParams(needs_layout_passes=False),
        out_type=jax.ShapeDtypeStruct((SC_ROWS,), jnp.int32),
        scratch_types=[
            pltpu.VMEM((CH, K), jnp.float32),
            pltpu.VMEM((8, 16), jnp.int32),
            pltpu.VMEM((CH,), jnp.int32),
        ],
    )(x, k16)

    k_rows = jnp.tile(ki, TC_ROWS // C).reshape(TC_ROWS // R, 1, R)
    out_tc = pl.pallas_call(
        _select_kernel,
        grid=(TC_ROWS // R,),
        in_specs=[
            pl.BlockSpec((R, K), lambda i: (i, 0)),
            pl.BlockSpec((1, 1, R), lambda i: (i, 0, 0)),
        ],
        out_specs=pl.BlockSpec((R, K), lambda i: (i, 0)),
        out_shape=jax.ShapeDtypeStruct((G, K), jnp.float32),
    )(x, k_rows)

    RE = 512
    out = pl.pallas_call(
        _expand_kernel,
        grid=(SC_ROWS // RE,),
        in_specs=[
            pl.BlockSpec(memory_space=pl.ANY),
            pl.BlockSpec((RE, 1), lambda i: (i, 0)),
        ],
        out_specs=pl.BlockSpec((RE, K), lambda i: (i + TC_ROWS // RE, 0)),
        out_shape=jax.ShapeDtypeStruct((G, K), jnp.float32),
        input_output_aliases={0: 0},
    )(out_tc, sel.reshape(SC_ROWS, 1))
    return out.reshape(N, C * K)

# --- scband reference (transcript-rebuilt; emitter-appended) ---
"""Pipeline reference for scband-arg-max-quantizer-34969623724292 (READ-ONLY COPY).

The authoritative reference and input builder live on the scoring server;
editing this copy changes nothing except your own understanding.
"""

import jax, jax.numpy as jnp
import numpy as np

K = 512
C = 8
N = 8192

def setup_inputs(seed: int = 0) -> dict:
    key = jax.random.key(seed)
    k1, k2 = jax.random.split(key)
    latents = jax.random.normal(k1, (N, C * K), dtype=jnp.float32)
    k = jax.random.randint(k2, (C,), 0, K)
    return {"latents": latents, "k": k}

def reference(latents, k):
    # values: [N, C, K], softmax over K
    values = latents.reshape(-1, C, K)
    values = jax.nn.softmax(values, axis=2)
    # descending argsort over K (rank ordering of codes per channel)
    encoding_inds = jnp.argsort(-values, axis=2)  # [N, C, K]
    # select the k[i]-th ranked code index for each channel i
    kk = k.astype(jnp.int32)[None, :, None]  # [1, C, 1]
    select = jnp.take_along_axis(encoding_inds, kk, axis=2)[:, :, 0]  # [N, C]
    # one-hot encode selected indices per channel
    encoding_one_hot = jax.nn.one_hot(select, K, dtype=values.dtype)  # [N, C, K]
    encoding_one_hot = encoding_one_hot.reshape(-1, C * K)
    values_flat = values.reshape(-1, C * K)
    # straight-through estimator: hard one-hot forward, soft values backward
    out = values_flat + jax.lax.stop_gradient(encoding_one_hot - values_flat)
    return out

if __name__ == "__main__":
    import jax
    _d = setup_inputs()
    print(jax.jit(kernel)(*tuple(_d.values())))

</pallas_src>

<mosaic_0001>
#map = affine_map<(d0, d1) -> (0, 0)>
#map1 = affine_map<(d0, d1) -> (0)>
module attributes {stable_mosaic.version = 14 : i64} {
  func.func @_sc_select(%arg0: i32, %arg1: i32, %arg2: memref<65536x512xf32, #tpu.memory_space<hbm>>, %arg3: memref<8x16xi32, #tpu.memory_space<hbm>>, %arg4: memref<20480xi32, #tpu.memory_space<hbm>>, %arg5: memref<64x512xf32, #tpu.memory_space<vmem>>, %arg6: memref<8x16xi32, #tpu.memory_space<vmem>>, %arg7: memref<64xi32, #tpu.memory_space<vmem>>) attributes {dimension_semantics = [#tpu.dimension_semantics<core_parallel>, #tpu.dimension_semantics<subcore_parallel>], iteration_bounds = array<i64: 2, 16>, scalar_prefetch = 0 : i64, scratch_operands = 3 : i64, tpu.core_type = #tpu.core_type<sc_vector_subcore>, window_params = [{transform_indices = #map}, {transform_indices = #map}, {transform_indices = #map1}]} {
    %mul3A = arith.constant 2 : i32
    %mul3A_0 = arith.muli %arg1, %mul3A : i32
    %add3A = arith.addi %mul3A_0, %arg0 : i32
    %mul3A_1 = arith.constant 640 : i32
    %mul3A_2 = arith.muli %add3A, %mul3A_1 : i32
    %add3A_3 = arith.constant 45056 : i32
    %add3A_4 = arith.addi %add3A_3, %mul3A_2 : i32
    "tpu.region"() ({
      %run_scoped3A = tpu.sem_alloc : memref<!tpu.dma_semaphore, #tpu.memory_space<semaphore_mem>>
      tpu.enqueue_dma source(%arg3 : memref<8x16xi32, #tpu.memory_space<hbm>>) target(%arg6 : memref<8x16xi32, #tpu.memory_space<vmem>>) target_semaphore(%run_scoped3A : memref<!tpu.dma_semaphore, #tpu.memory_space<semaphore_mem>>)
      tpu.wait_dma2 semaphore(%run_scoped3A : memref<!tpu.dma_semaphore, #tpu.memory_space<semaphore_mem>>) src(%arg3 : memref<8x16xi32, #tpu.memory_space<hbm>>) dst(%arg6 : memref<8x16xi32, #tpu.memory_space<vmem>>)
      tpu.yield
    }) : () -> ()
    %iota3A = tpu.iota {dimensions = array<i32: 0>} : vector<16xi32>
    %scan3A = arith.constant 0 : i32
    %scan3A_5 = arith.constant 0 : i32
    %scan3A_6 = arith.constant 10 : i32
    %scan3A_7 = arith.addi %scan3A_5, %scan3A_6 : i32
    %scan3A_8 = arith.constant 1 : i32
    %scan3A_9 = scf.for %scan3A_11 = %scan3A_5 to %scan3A_7 step %scan3A_8 iter_args(%scan3A_12 = %scan3A) -> (i32)  : i32 {
      %mul3A_13 = arith.constant 64 : i32
      %mul3A_14 = arith.muli %scan3A_11, %mul3A_13 : i32
      %add3A_15 = arith.addi %add3A_4, %mul3A_14 : i32
      "tpu.region"() ({
        %run_scoped3A = tpu.sem_alloc : memref<!tpu.dma_semaphore, #tpu.memory_space<semaphore_mem>>
        %dma_start3A = arith.constant 0 : i32
        %dma_start3A_32 = tpu.memref_slice %arg2[%add3A_15, %dma_start3A] : memref<65536x512xf32, #tpu.memory_space<hbm>> -> memref<64x512xf32, #tpu.memory_space<hbm>>
        %dma_start3A_33 = arith.constant 0 : i32
        %dma_start3A_34 = tpu.memref_slice %arg2[%add3A_15, %dma_start3A_33] : memref<65536x512xf32, #tpu.memory_space<hbm>> -> memref<64x512xf32, #tpu.memory_space<hbm>>
        tpu.enqueue_dma source(%dma_start3A_34 : memref<64x512xf32, #tpu.memory_space<hbm>>) target(%arg5 : memref<64x512xf32, #tpu.memory_space<vmem>>) target_semaphore(%run_scoped3A : memref<!tpu.dma_semaphore, #tpu.memory_space<semaphore_mem>>)
        %dma_wait3A = arith.constant 0 : i32
        %dma_wait3A_35 = tpu.memref_slice %arg2[%add3A_15, %dma_wait3A] : memref<65536x512xf32, #tpu.memory_space<hbm>> -> memref<64x512xf32, #tpu.memory_space<hbm>>
        %dma_wait3A_36 = arith.constant 0 : i32
        %dma_wait3A_37 = tpu.memref_slice %arg2[%add3A_15, %dma_wait3A_36] : memref<65536x512xf32, #tpu.memory_space<hbm>> -> memref<64x512xf32, #tpu.memory_space<hbm>>
        tpu.wait_dma2 semaphore(%run_scoped3A : memref<!tpu.dma_semaphore, #tpu.memory_space<semaphore_mem>>) src(%dma_wait3A_37 : memref<64x512xf32, #tpu.memory_space<hbm>>) dst(%arg5 : memref<64x512xf32, #tpu.memory_space<vmem>>)
        tpu.yield
      }) : () -> ()
      %scan3A_16 = arith.constant 0 : i32
      %scan3A_17 = arith.constant 0 : i32
      %scan3A_18 = arith.constant 32 : i32
      %scan3A_19 = arith.addi %scan3A_17, %scan3A_18 : i32
      %scan3A_20 = arith.constant 1 : i32
      %scan3A_21 = scf.for %scan3A_32 = %scan3A_17 to %scan3A_19 step %scan3A_20 iter_args(%scan3A_33 = %scan3A_16) -> (i32)  : i32 {
        %mul3A_34 = arith.constant 16 : i32
        %mul3A_35 = arith.muli %scan3A_32, %mul3A_34 : i32
        %get3A = arith.constant 0 : i32
        %get3A_36 = arith.index_cast %get3A : i32 to index
        %get3A_37 = arith.index_cast %mul3A_35 : i32 to index
        %get3A_38 = tpu.vector_load %arg5[%get3A_36, %get3A_37] {strides = array<i32>} : memref<64x512xf32, #tpu.memory_space<vmem>>, vector<16xf32>,
        %bitcast_convert_type3A = tpu.bitcast %get3A_38 : vector<16xf32> -> vector<16xi32>
        %lt3A = arith.constant 0 : i32
        %lt3A_39 = vector.broadcast %lt3A : i32 to vector<16xi32>
        %lt3A_40 = arith.cmpi slt, %bitcast_convert_type3A, %lt3A_39 : vector<16xi32>
        %not3A = arith.constant dense<-1> : vector<16xi32>
        %not3A_41 = arith.xori %bitcast_convert_type3A, %not3A : vector<16xi32>
        %xor3A = arith.constant -2147483648 : i32
        %xor3A_42 = vector.broadcast %xor3A : i32 to vector<16xi32>
        %xor3A_43 = arith.xori %not3A_41, %xor3A_42 : vector<16xi32>
        %select_n3A = arith.select %lt3A_40, %xor3A_43, %bitcast_convert_type3A : vector<16xi1>, vector<16xi32>
        %bitcast_convert_type3A_44 = tpu.bitcast %select_n3A : vector<16xi32> -> vector<16xf32>
        %mul3A_45 = arith.constant 16 : i32
        %mul3A_46 = arith.muli %scan3A_32, %mul3A_45 : i32
        %swap3A = arith.constant 0 : i32
        %swap3A_47 = arith.index_cast %swap3A : i32 to index
        %swap3A_48 = arith.index_cast %mul3A_46 : i32 to index
        %swap3A_49 = tpu.vector_load %arg5[%swap3A_47, %swap3A_48] {strides = array<i32>} : memref<64x512xf32, #tpu.memory_space<vmem>>, vector<16xf32>,
        tpu.vector_store %arg5[%swap3A_47, %swap3A_48], %bitcast_convert_type3A_44 {strides = array<i32>} : memref<64x512xf32, #tpu.memory_space<vmem>>, vector<16xf32>,
        %mul3A_50 = arith.constant 16 : i32
        %mul3A_51 = arith.muli %scan3A_32, %mul3A_50 : i32
        %get3A_52 = arith.constant 1 : i32
        %get3A_53 = arith.index_cast %get3A_52 : i32 to index
        %get3A_54 = arith.index_cast %mul3A_51 : i32 to index
        %get3A_55 = tpu.vector_load %arg5[%get3A_53, %get3A_54] {strides = array<i32>} : memref<64x512xf32, #tpu.memory_space<vmem>>, vector<16xf32>,
        %bitcast_convert_type3A_56 = tpu.bitcast %get3A_55 : vector<16xf32> -> vector<16xi32>
        %lt3A_57 = arith.constant 0 : i32
        %lt3A_58 = vector.broadcast %lt3A_57 : i32 to vector<16xi32>
        %lt3A_59 = arith.cmpi slt, %bitcast_convert_type3A_56, %lt3A_58 : vector<16xi32>
        %not3A_60 = arith.constant dense<-1> : vector<16xi32>
        %not3A_61 = arith.xori %bitcast_convert_type3A_56, %not3A_60 : vector<16xi32>
        %xor3A_62 = arith.constant -2147483648 : i32
        %xor3A_63 = vector.broadcast %xor3A_62 : i32 to vector<16xi32>
        %xor3A_64 = arith.xori %not3A_61, %xor3A_63 : vector<16xi32>
        %select_n3A_65 = arith.select %lt3A_59, %xor3A_64, %bitcast_convert_type3A_56 : vector<16xi1>, vector<16xi32>
        %bitcast_convert_type3A_66 = tpu.bitcast %select_n3A_65 : vector<16xi32> -> vector<16xf32>
        %mul3A_67 = arith.constant 16 : i32
        %mul3A_68 = arith.muli %scan3A_32, %mul3A_67 : i32
        %swap3A_69 = arith.constant 1 : i32
        %swap3A_70 = arith.index_cast %swap3A_69 : i32 to index
        %swap3A_71 = arith.index_cast %mul3A_68 : i32 to index
        %swap3A_72 = tpu.vector_load %arg5[%swap3A_70, %swap3A_71] {strides = array<i32>} : memref<64x512xf32, #tpu.memory_space<vmem>>, vector<16xf32>,
        tpu.vector_store %arg5[%swap3A_70, %swap3A_71], %bitcast_convert_type3A_66 {strides = array<i32>} : memref<64x512xf32, #tpu.memory_space<vmem>>, vector<16xf32>,
        %mul3A_73 = arith.constant 16 : i32
        %mul3A_74 = arith.muli %scan3A_32, %mul3A_73 : i32
        %get3A_75 = arith.constant 2 : i32
        %get3A_76 = arith.index_cast %get3A_75 : i32 to index
        %get3A_77 = arith.index_cast %mul3A_74 : i32 to index
        %get3A_78 = tpu.vector_load %arg5[%get3A_76, %get3A_77] {strides = array<i32>} : memref<64x512xf32, #tpu.memory_space<vmem>>, vector<16xf32>,
        %bitcast_convert_type3A_79 = tpu.bitcast %get3A_78 : vector<16xf32> -> vector<16xi32>
        %lt3A_80 = arith.constant 0 : i32
        %lt3A_81 = vector.broadcast %lt3A_80 : i32 to vector<16xi32>
        %lt3A_82 = arith.cmpi slt, %bitcast_convert_type3A_79, %lt3A_81 : vector<16xi32>
        %not3A_83 = arith.constant dense<-1> : vector<16xi32>
        %not3A_84 = arith.xori %bitcast_convert_type3A_79, %not3A_83 : vector<16xi32>
        %xor3A_85 = arith.constant -2147483648 : i32
        %xor3A_86 = vector.broadcast %xor3A_85 : i32 to vector<16xi32>
        %xor3A_87 = arith.xori %not3A_84, %xor3A_86 : vector<16xi32>
        %select_n3A_88 = arith.select %lt3A_82, %xor3A_87, %bitcast_convert_type3A_79 : vector<16xi1>, vector<16xi32>
        %bitcast_convert_type3A_89 = tpu.bitcast %select_n3A_88 : vector<16xi32> -> vector<16xf32>
        %mul3A_90 = arith.constant 16 : i32
        %mul3A_91 = arith.muli %scan3A_32, %mul3A_90 : i32
        %swap3A_92 = arith.constant 2 : i32
        %swap3A_93 = arith.index_cast %swap3A_92 : i32 to index
        %swap3A_94 = arith.index_cast %mul3A_91 : i32 to index
        %swap3A_95 = tpu.vector_load %arg5[%swap3A_93, %swap3A_94] {strides = array<i32>} : memref<64x512xf32, #tpu.memory_space<vmem>>, vector<16xf32>,
        tpu.vector_store %arg5[%swap3A_93, %swap3A_94], %bitcast_convert_type3A_89 {strides = array<i32>} : memref<64x512xf32, #tpu.memory_space<vmem>>, vector<16xf32>,
        %mul3A_96 = arith.constant 16 : i32
        %mul3A_97 = arith.muli %scan3A_32, %mul3A_96 : i32
        %get3A_98 = arith.constant 3 : i32
        %get3A_99 = arith.index_cast %get3A_98 : i32 to index
        %get3A_100 = arith.index_cast %mul3A_97 : i32 to index
        %get3A_101 = tpu.vector_load %arg5[%get3A_99, %get3A_100] {strides = array<i32>} : memref<64x512xf32, #tpu.memory_space<vmem>>, vector<16xf32>,
        %bitcast_convert_type3A_102 = tpu.bitcast %get3A_101 : vector<16xf32> -> vector<16xi32>
        %lt3A_103 = arith.constant 0 : i32
        %lt3A_104 = vector.broadcast %lt3A_103 : i32 to vector<16xi32>
        %lt3A_105 = arith.cmpi slt, %bitcast_convert_type3A_102, %lt3A_104 : vector<16xi32>
        %not3A_106 = arith.constant dense<-1> : vector<16xi32>
        %not3A_107 = arith.xori %bitcast_convert_type3A_102, %not3A_106 : vector<16xi32>
        %xor3A_108 = arith.constant -2147483648 : i32
        %xor3A_109 = vector.broadcast %xor3A_108 : i32 to vector<16xi32>
        %xor3A_110 = arith.xori %not3A_107, %xor3A_109 : vector<16xi32>
        %select_n3A_111 = arith.select %lt3A_105, %xor3A_110, %bitcast_convert_type3A_102 : vector<16xi1>, vector<16xi32>
        %bitcast_convert_type3A_112 = tpu.bitcast %select_n3A_111 : vector<16xi32> -> vector<16xf32>
        %mul3A_113 = arith.constant 16 : i32
        %mul3A_114 = arith.muli %scan3A_32, %mul3A_113 : i32
        %swap3A_115 = arith.constant 3 : i32
        %swap3A_116 = arith.index_cast %swap3A_115 : i32 to index
        %swap3A_117 = arith.index_cast %mul3A_114 : i32 to index
        %swap3A_118 = tpu.vector_load %arg5[%swap3A_116, %swap3A_117] {strides = array<i32>} : memref<64x512xf32, #tpu.memory_space<vmem>>, vector<16xf32>,
        tpu.vector_store %arg5[%swap3A_116, %swap3A_117], %bitcast_convert_type3A_112 {strides = array<i32>} : memref<64x512xf32, #tpu.memory_space<vmem>>, vector<16xf32>,
        %mul3A_119 = arith.constant 16 : i32
        %mul3A_120 = arith.muli %scan3A_32, %mul3A_119 : i32
        %get3A_121 = arith.constant 4 : i32
        %get3A_122 = arith.index_cast %get3A_121 : i32 to index
        %get3A_123 = arith.index_cast %mul3A_120 : i32 to index
        %get3A_124 = tpu.vector_load %arg5[%get3A_122, %get3A_123] {strides = array<i32>} : memref<64x512xf32, #tpu.memory_space<vmem>>, vector<16xf32>,
        %bitcast_convert_type3A_125 = tpu.bitcast %get3A_124 : vector<16xf32> -> vector<16xi32>
        %lt3A_126 = arith.constant 0 : i32
        %lt3A_127 = vector.broadcast %lt3A_126 : i32 to vector<16xi32>
        %lt3A_128 = arith.cmpi slt, %bitcast_convert_type3A_125, %lt3A_127 : vector<16xi32>
        %not3A_129 = arith.constant dense<-1> : vector<16xi32>
        %not3A_130 = arith.xori %bitcast_convert_type3A_125, %not3A_129 : vector<16xi32>
        %xor3A_131 = arith.constant -2147483648 : i32
        %xor3A_132 = vector.broadcast %xor3A_131 : i32 to vector<16xi32>
        %xor3A_133 = arith.xori %not3A_130, %xor3A_132 : vector<16xi32>
        %select_n3A_134 = arith.select %lt3A_128, %xor3A_133, %bitcast_convert_type3A_125 : vector<16xi1>, vector<16xi32>
        %bitcast_convert_type3A_135 = tpu.bitcast %select_n3A_134 : vector<16xi32> -> vector<16xf32>
        %mul3A_136 = arith.constant 16 : i32
        %mul3A_137 = arith.muli %scan3A_32, %mul3A_136 : i32
        %swap3A_138 = arith.constant 4 : i32
        %swap3A_139 = arith.index_cast %swap3A_138 : i32 to index
        %swap3A_140 = arith.index_cast %mul3A_137 : i32 to index
        %swap3A_141 = tpu.vector_load %arg5[%swap3A_139, %swap3A_140] {strides = array<i32>} : memref<64x512xf32, #tpu.memory_space<vmem>>, vector<16xf32>,
        tpu.vector_store %arg5[%swap3A_139, %swap3A_140], %bitcast_convert_type3A_135 {strides = array<i32>} : memref<64x512xf32, #tpu.memory_space<vmem>>, vector<16xf32>,
        %mul3A_142 = arith.constant 16 : i32
        %mul3A_143 = arith.muli %scan3A_32, %mul3A_142 : i32
        %get3A_144 = arith.constant 5 : i32
        %get3A_145 = arith.index_cast %get3A_144 : i32 to index
        %get3A_146 = arith.index_cast %mul3A_143 : i32 to index
        %get3A_147 = tpu.vector_load %arg5[%get3A_145, %get3A_146] {strides = array<i32>} : memref<64x512xf32, #tpu.memory_space<vmem>>, vector<16xf32>,
        %bitcast_convert_type3A_148 = tpu.bitcast %get3A_147 : vector<16xf32> -> vector<16xi32>
        %lt3A_149 = arith.constant 0 : i32
        %lt3A_150 = vector.broadcast %lt3A_149 : i32 to vector<16xi32>
        %lt3A_151 = arith.cmpi slt, %bitcast_convert_type3A_148, %lt3A_150 : vector<16xi32>
        %not3A_152 = arith.constant dense<-1> : vector<16xi32>
        %not3A_153 = arith.xori %bitcast_convert_type3A_148, %not3A_152 : vector<16xi32>
        %xor3A_154 = arith.constant -2147483648 : i32
        %xor3A_155 = vector.broadcast %xor3A_154 : i32 to vector<16xi32>
        %xor3A_156 = arith.xori %not3A_153, %xor3A_155 : vector<16xi32>
        %select_n3A_157 = arith.select %lt3A_151, %xor3A_156, %bitcast_convert_type3A_148 : vector<16xi1>, vector<16xi32>
        %bitcast_convert_type3A_158 = tpu.bitcast %select_n3A_157 : vector<16xi32> -> vector<16xf32>
        %mul3A_159 = arith.constant 16 : i32
        %mul3A_160 = arith.muli %scan3A_32, %mul3A_159 : i32
        %swap3A_161 = arith.constant 5 : i32
        %swap3A_162 = arith.index_cast %swap3A_161 : i32 to index
        %swap3A_163 = arith.index_cast %mul3A_160 : i32 to index
        %swap3A_164 = tpu.vector_load %arg5[%swap3A_162, %swap3A_163] {strides = array<i32>} : memref<64x512xf32, #tpu.memory_space<vmem>>, vector<16xf32>,
        tpu.vector_store %arg5[%swap3A_162, %swap3A_163], %bitcast_convert_type3A_158 {strides = array<i32>} : memref<64x512xf32, #tpu.memory_space<vmem>>, vector<16xf32>,
        %mul3A_165 = arith.constant 16 : i32
        %mul3A_166 = arith.muli %scan3A_32, %mul3A_165 : i32
        %get3A_167 = arith.constant 6 : i32
        %get3A_168 = arith.index_cast %get3A_167 : i32 to index
        %get3A_169 = arith.index_cast %mul3A_166 : i32 to index
        %get3A_170 = tpu.vector_load %arg5[%get3A_168, %get3A_169] {strides = array<i32>} : memref<64x512xf32, #tpu.memory_space<vmem>>, vector<16xf32>,
        %bitcast_convert_type3A_171 = tpu.bitcast %get3A_170 : vector<16xf32> -> vector<16xi32>
        %lt3A_172 = arith.constant 0 : i32
        %lt3A_173 = vector.broadcast %lt3A_172 : i32 to vector<16xi32>
        %lt3A_174 = arith.cmpi slt, %bitcast_convert_type3A_171, %lt3A_173 : vector<16xi32>
        %not3A_175 = arith.constant dense<-1> : vector<16xi32>
        %not3A_176 = arith.xori %bitcast_convert_type3A_171, %not3A_175 : vector<16xi32>
        %xor3A_177 = arith.constant -2147483648 : i32
        %xor3A_178 = vector.broadcast %xor3A_177 : i32 to vector<16xi32>
        %xor3A_179 = arith.xori %not3A_176, %xor3A_178 : vector<16xi32>
        %select_n3A_180 = arith.select %lt3A_174, %xor3A_179, %bitcast_convert_type3A_171 : vector<16xi1>, vector<16xi32>
        %bitcast_convert_type3A_181 = tpu.bitcast %select_n3A_180 : vector<16xi32> -> vector<16xf32>
        %mul3A_182 = arith.constant 16 : i32
        %mul3A_183 = arith.muli %scan3A_32, %mul3A_182 : i32
        %swap3A_184 = arith.constant 6 : i32
        %swap3A_185 = arith.index_cast %swap3A_184 : i32 to index
        %swap3A_186 = arith.index_cast %mul3A_183 : i32 to index
        %swap3A_187 = tpu.vector_load %arg5[%swap3A_185, %swap3A_186] {strides = array<i32>} : memref<64x512xf32, #tpu.memory_space<vmem>>, vector<16xf32>,
        tpu.vector_store %arg5[%swap3A_185, %swap3A_186], %bitcast_convert_type3A_181 {strides = array<i32>} : memref<64x512xf32, #tpu.memory_space<vmem>>, vector<16xf32>,
        %mul3A_188 = arith.constant 16 : i32
        %mul3A_189 = arith.muli %scan3A_32, %mul3A_188 : i32
        %get3A_190 = arith.constant 7 : i32
        %get3A_191 = arith.index_cast %get3A_190 : i32 to index
        %get3A_192 = arith.index_cast %mul3A_189 : i32 to index
        %get3A_193 = tpu.vector_load %arg5[%get3A_191, %get3A_192] {strides = array<i32>} : memref<64x512xf32, #tpu.memory_space<vmem>>, vector<16xf32>,
        %bitcast_convert_type3A_194 = tpu.bitcast %get3A_193 : vector<16xf32> -> vector<16xi32>
        %lt3A_195 = arith.constant 0 : i32
        %lt3A_196 = vector.broadcast %lt3A_195 : i32 to vector<16xi32>
        %lt3A_197 = arith.cmpi slt, %bitcast_convert_type3A_194, %lt3A_196 : vector<16xi32>
        %not3A_198 = arith.constant dense<-1> : vector<16xi32>
        %not3A_199 = arith.xori %bitcast_convert_type3A_194, %not3A_198 : vector<16xi32>
        %xor3A_200 = arith.constant -2147483648 : i32
        %xor3A_201 = vector.broadcast %xor3A_200 : i32 to vector<16xi32>
        %xor3A_202 = arith.xori %not3A_199, %xor3A_201 : vector<16xi32>
        %select_n3A_203 = arith.select %lt3A_197, %xor3A_202, %bitcast_convert_type3A_194 : vector<16xi1>, vector<16xi32>
        %bitcast_convert_type3A_204 = tpu.bitcast %select_n3A_203 : vector<16xi32> -> vector<16xf32>
        %mul3A_205 = arith.constant 16 : i32
        %mul3A_206 = arith.muli %scan3A_32, %mul3A_205 : i32
        %swap3A_207 = arith.constant 7 : i32
        %swap3A_208 = arith.index_cast %swap3A_207 : i32 to index
        %swap3A_209 = arith.index_cast %mul3A_206 : i32 to index
        %swap3A_210 = tpu.vector_load %arg5[%swap3A_208, %swap3A_209] {strides = array<i32>} : memref<64x512xf32, #tpu.memory_space<vmem>>, vector<16xf32>,
        tpu.vector_store %arg5[%swap3A_208, %swap3A_209], %bitcast_convert_type3A_204 {strides = array<i32>} : memref<64x512xf32, #tpu.memory_space<vmem>>, vector<16xf32>,
        %mul3A_211 = arith.constant 16 : i32
        %mul3A_212 = arith.muli %scan3A_32, %mul3A_211 : i32
        %get3A_213 = arith.constant 8 : i32
        %get3A_214 = arith.index_cast %get3A_213 : i32 to index
        %get3A_215 = arith.index_cast %mul3A_212 : i32 to index
        %get3A_216 = tpu.vector_load %arg5[%get3A_214, %get3A_215] {strides = array<i32>} : memref<64x512xf32, #tpu.memory_space<vmem>>, vector<16xf32>,
        %bitcast_convert_type3A_217 = tpu.bitcast %get3A_216 : vector<16xf32> -> vector<16xi32>
        %lt3A_218 = arith.constant 0 : i32
        %lt3A_219 = vector.broadcast %lt3A_218 : i32 to vector<16xi32>
        %lt3A_220 = arith.cmpi slt, %bitcast_convert_type3A_217, %lt3A_219 : vector<16xi32>
        %not3A_221 = arith.constant dense<-1> : vector<16xi32>
        %not3A_222 = arith.xori %bitcast_convert_type3A_217, %not3A_221 : vector<16xi32>
        %xor3A_223 = arith.constant -2147483648 : i32
        %xor3A_224 = vector.broadcast %xor3A_223 : i32 to vector<16xi32>
        %xor3A_225 = arith.xori %not3A_222, %xor3A_224 : vector<16xi32>
        %select_n3A_226 = arith.select %lt3A_220, %xor3A_225, %bitcast_convert_type3A_217 : vector<16xi1>, vector<16xi32>
        %bitcast_convert_type3A_227 = tpu.bitcast %select_n3A_226 : vector<16xi32> -> vector<16xf32>
        %mul3A_228 = arith.constant 16 : i32
        %mul3A_229 = arith.muli %scan3A_32, %mul3A_228 : i32
        %swap3A_230 = arith.constant 8 : i32
        %swap3A_231 = arith.index_cast %swap3A_230 : i32 to index
        %swap3A_232 = arith.index_cast %mul3A_229 : i32 to index
        %swap3A_233 = tpu.vector_load %arg5[%swap3A_231, %swap3A_232] {strides = array<i32>} : memref<64x512xf32, #tpu.memory_space<vmem>>, vector<16xf32>,
        tpu.vector_store %arg5[%swap3A_231, %swap3A_232], %bitcast_convert_type3A_227 {strides = array<i32>} : memref<64x512xf32, #tpu.memory_space<vmem>>, vector<16xf32>,
        %mul3A_234 = arith.constant 16 : i32
        %mul3A_235 = arith.muli %scan3A_32, %mul3A_234 : i32
        %get3A_236 = arith.constant 9 : i32
        %get3A_237 = arith.index_cast %get3A_236 : i32 to index
        %get3A_238 = arith.index_cast %mul3A_235 : i32 to index
        %get3A_239 = tpu.vector_load %arg5[%get3A_237, %get3A_238] {strides = array<i32>} : memref<64x512xf32, #tpu.memory_space<vmem>>, vector<16xf32>,
        %bitcast_convert_type3A_240 = tpu.bitcast %get3A_239 : vector<16xf32> -> vector<16xi32>
        %lt3A_241 = arith.constant 0 : i32
        %lt3A_242 = vector.broadcast %lt3A_241 : i32 to vector<16xi32>
        %lt3A_243 = arith.cmpi slt, %bitcast_convert_type3A_240, %lt3A_242 : vector<16xi32>
        %not3A_244 = arith.constant dense<-1> : vector<16xi32>
        %not3A_245 = arith.xori %bitcast_convert_type3A_240, %not3A_244 : vector<16xi32>
        %xor3A_246 = arith.constant -2147483648 : i32
        %xor3A_247 = vector.broadcast %xor3A_246 : i32 to vector<16xi32>
        %xor3A_248 = arith.xori %not3A_245, %xor3A_247 : vector<16xi32>
        %select_n3A_249 = arith.select %lt3A_243, %xor3A_248, %bitcast_convert_type3A_240 : vector<16xi1>, vector<16xi32>
        %bitcast_convert_type3A_250 = tpu.bitcast %select_n3A_249 : vector<16xi32> -> vector<16xf32>
        %mul3A_251 = arith.constant 16 : i32
        %mul3A_252 = arith.muli %scan3A_32, %mul3A_251 : i32
        %swap3A_253 = arith.constant 9 : i32
        %swap3A_254 = arith.index_cast %swap3A_253 : i32 to index
        %swap3A_255 = arith.index_cast %mul3A_252 : i32 to index
        %swap3A_256 = tpu.vector_load %arg5[%swap3A_254, %swap3A_255] {strides = array<i32>} : memref<64x512xf32, #tpu.memory_space<vmem>>, vector<16xf32>,
        tpu.vector_store %arg5[%swap3A_254, %swap3A_255], %bitcast_convert_type3A_250 {strides = array<i32>} : memref<64x512xf32, #tpu.memory_space<vmem>>, vector<16xf32>,
        %mul3A_257 = arith.constant 16 : i32
        %mul3A_258 = arith.muli %scan3A_32, %mul3A_257 : i32
        %get3A_259 = arith.constant 10 : i32
        %get3A_260 = arith.index_cast %get3A_259 : i32 to index
        %get3A_261 = arith.index_cast %mul3A_258 : i32 to index
        %get3A_262 = tpu.vector_load %arg5[%get3A_260, %get3A_261] {strides = array<i32>} : memref<64x512xf32, #tpu.memory_space<vmem>>, vector<16xf32>,
        %bitcast_convert_type3A_263 = tpu.bitcast %get3A_262 : vector<16xf32> -> vector<16xi32>
        %lt3A_264 = arith.constant 0 : i32
        %lt3A_265 = vector.broadcast %lt3A_264 : i32 to vector<16xi32>
        %lt3A_266 = arith.cmpi slt, %bitcast_convert_type3A_263, %lt3A_265 : vector<16xi32>
        %not3A_267 = arith.constant dense<-1> : vector<16xi32>
        %not3A_268 = arith.xori %bitcast_convert_type3A_263, %not3A_267 : vector<16xi32>
        %xor3A_269 = arith.constant -2147483648 : i32
        %xor3A_270 = vector.broadcast %xor3A_269 : i32 to vector<16xi32>
        %xor3A_271 = arith.xori %not3A_268, %xor3A_270 : vector<16xi32>
        %select_n3A_272 = arith.select %lt3A_266, %xor3A_271, %bitcast_convert_type3A_263 : vector<16xi1>, vector<16xi32>
        %bitcast_convert_type3A_273 = tpu.bitcast %select_n3A_272 : vector<16xi32> -> vector<16xf32>
        %mul3A_274 = arith.constant 16 : i32
        %mul3A_275 = arith.muli %scan3A_32, %mul3A_274 : i32
        %swap3A_276 = arith.constant 10 : i32
        %swap3A_277 = arith.index_cast %swap3A_276 : i32 to index
        %swap3A_278 = arith.index_cast %mul3A_275 : i32 to index
        %swap3A_279 = tpu.vector_load %arg5[%swap3A_277, %swap3A_278] {strides = array<i32>} : memref<64x512xf32, #tpu.memory_space<vmem>>, vector<16xf32>,
        tpu.vector_store %arg5[%swap3A_277, %swap3A_278], %bitcast_convert_type3A_273 {strides = array<i32>} : memref<64x512xf32, #tpu.memory_space<vmem>>, vector<16xf32>,
        %mul3A_280 = arith.constant 16 : i32
        %mul3A_281 = arith.muli %scan3A_32, %mul3A_280 : i32
        %get3A_282 = arith.constant 11 : i32
        %get3A_283 = arith.index_cast %get3A_282 : i32 to index
        %get3A_284 = arith.index_cast %mul3A_281 : i32 to index
        %get3A_285 = tpu.vector_load %arg5[%get3A_283, %get3A_284] {strides = array<i32>} : memref<64x512xf32, #tpu.memory_space<vmem>>, vector<16xf32>,
        %bitcast_convert_type3A_286 = tpu.bitcast %get3A_285 : vector<16xf32> -> vector<16xi32>
        %lt3A_287 = arith.constant 0 : i32
        %lt3A_288 = vector.broadcast %lt3A_287 : i32 to vector<16xi32>
        %lt3A_289 = arith.cmpi slt, %bitcast_convert_type3A_286, %lt3A_288 : vector<16xi32>
        %not3A_290 = arith.constant dense<-1> : vector<16xi32>
        %not3A_291 = arith.xori %bitcast_convert_type3A_286, %not3A_290 : vector<16xi32>
        %xor3A_292 = arith.constant -2147483648 : i32
        %xor3A_293 = vector.broadcast %xor3A_292 : i32 to vector<16xi32>
        %xor3A_294 = arith.xori %not3A_291, %xor3A_293 : vector<16xi32>
        %select_n3A_295 = arith.select %lt3A_289, %xor3A_294, %bitcast_convert_type3A_286 : vector<16xi1>, vector<16xi32>
        %bitcast_convert_type3A_296 = tpu.bitcast %select_n3A_295 : vector<16xi32> -> vector<16xf32>
        %mul3A_297 = arith.constant 16 : i32
        %mul3A_298 = arith.muli %scan3A_32, %mul3A_297 : i32
        %swap3A_299 = arith.constant 11 : i32
        %swap3A_300 = arith.index_cast %swap3A_299 : i32 to index
        %swap3A_301 = arith.index_cast %mul3A_298 : i32 to index
        %swap3A_302 = tpu.vector_load %arg5[%swap3A_300, %swap3A_301] {strides = array<i32>} : memref<64x512xf32, #tpu.memory_space<vmem>>, vector<16xf32>,
        tpu.vector_store %arg5[%swap3A_300, %swap3A_301], %bitcast_convert_type3A_296 {strides = array<i32>} : memref<64x512xf32, #tpu.memory_space<vmem>>, vector<16xf32>,
        %mul3A_303 = arith.constant 16 : i32
        %mul3A_304 = arith.muli %scan3A_32, %mul3A_303 : i32
        %get3A_305 = arith.constant 12 : i32
        %get3A_306 = arith.index_cast %get3A_305 : i32 to index
        %get3A_307 = arith.index_cast %mul3A_304 : i32 to index
        %get3A_308 = tpu.vector_load %arg5[%get3A_306, %get3A_307] {strides = array<i32>} : memref<64x512xf32, #tpu.memory_space<vmem>>, vector<16xf32>,
        %bitcast_convert_type3A_309 = tpu.bitcast %get3A_308 : vector<16xf32> -> vector<16xi32>
        %lt3A_310 = arith.constant 0 : i32
        %lt3A_311 = vector.broadcast %lt3A_310 : i32 to vector<16xi32>
        %lt3A_312 = arith.cmpi slt, %bitcast_convert_type3A_309, %lt3A_311 : vector<16xi32>
        %not3A_313 = arith.constant dense<-1> : vector<16xi32>
        %not3A_314 = arith.xori %bitcast_convert_type3A_309, %not3A_313 : vector<16xi32>
        %xor3A_315 = arith.constant -2147483648 : i32
        %xor3A_316 = vector.broadcast %xor3A_315 : i32 to vector<16xi32>
        %xor3A_317 = arith.xori %not3A_314, %xor3A_316 : vector<16xi32>
        %select_n3A_318 = arith.select %lt3A_312, %xor3A_317, %bitcast_convert_type3A_309 : vector<16xi1>, vector<16xi32>
        %bitcast_convert_type3A_319 = tpu.bitcast %select_n3A_318 : vector<16xi32> -> vector<16xf32>
        %mul3A_320 = arith.constant 16 : i32
        %mul3A_321 = arith.muli %scan3A_32, %mul3A_320 : i32
        %swap3A_322 = arith.constant 12 : i32
        %swap3A_323 = arith.index_cast %swap3A_322 : i32 to index
        %swap3A_324 = arith.index_cast %mul3A_321 : i32 to index
        %swap3A_325 = tpu.vector_load %arg5[%swap3A_323, %swap3A_324] {strides = array<i32>} : memref<64x512xf32, #tpu.memory_space<vmem>>, vector<16xf32>,
        tpu.vector_store %arg5[%swap3A_323, %swap3A_324], %bitcast_convert_type3A_319 {strides = array<i32>} : memref<64x512xf32, #tpu.memory_space<vmem>>, vector<16xf32>,
        %mul3A_326 = arith.constant 16 : i32
        %mul3A_327 = arith.muli %scan3A_32, %mul3A_326 : i32
        %get3A_328 = arith.constant 13 : i32
        %get3A_329 = arith.index_cast %get3A_328 : i32 to index
        %get3A_330 = arith.index_cast %mul3A_327 : i32 to index
        %get3A_331 = tpu.vector_load %arg5[%get3A_329, %get3A_330] {strides = array<i32>} : memref<64x512xf32, #tpu.memory_space<vmem>>, vector<16xf32>,
        %bitcast_convert_type3A_332 = tpu.bitcast %get3A_331 : vector<16xf32> -> vector<16xi32>
        %lt3A_333 = arith.constant 0 : i32
        %lt3A_334 = vector.broadcast %lt3A_333 : i32 to vector<16xi32>
        %lt3A_335 = arith.cmpi slt, %bitcast_convert_type3A_332, %lt3A_334 : vector<16xi32>
        %not3A_336 = arith.constant dense<-1> : vector<16xi32>
        %not3A_337 = arith.xori %bitcast_convert_type3A_332, %not3A_336 : vector<16xi32>
        %xor3A_338 = arith.constant -2147483648 : i32
        %xor3A_339 = vector.broadcast %xor3A_338 : i32 to vector<16xi32>
        %xor3A_340 = arith.xori %not3A_337, %xor3A_339 : vector<16xi32>
        %select_n3A_341 = arith.select %lt3A_335, %xor3A_340, %bitcast_convert_type3A_332 : vector<16xi1>, vector<16xi32>
        %bitcast_convert_type3A_342 = tpu.bitcast %select_n3A_341 : vector<16xi32> -> vector<16xf32>
        %mul3A_343 = arith.constant 16 : i32
        %mul3A_344 = arith.muli %scan3A_32, %mul3A_343 : i32
        %swap3A_345 = arith.constant 13 : i32
        %swap3A_346 = arith.index_cast %swap3A_345 : i32 to index
        %swap3A_347 = arith.index_cast %mul3A_344 : i32 to index
        %swap3A_348 = tpu.vector_load %arg5[%swap3A_346, %swap3A_347] {strides = array<i32>} : memref<64x512xf32, #tpu.memory_space<vmem>>, vector<16xf32>,
        tpu.vector_store %arg5[%swap3A_346, %swap3A_347], %bitcast_convert_type3A_342 {strides = array<i32>} : memref<64x512xf32, #tpu.memory_space<vmem>>, vector<16xf32>,
        %mul3A_349 = arith.constant 16 : i32
        %mul3A_350 = arith.muli %scan3A_32, %mul3A_349 : i32
        %get3A_351 = arith.constant 14 : i32
        %get3A_352 = arith.index_cast %get3A_351 : i32 to index
        %get3A_353 = arith.index_cast %mul3A_350 : i32 to index
        %get3A_354 = tpu.vector_load %arg5[%get3A_352, %get3A_353] {strides = array<i32>} : memref<64x512xf32, #tpu.memory_space<vmem>>, vector<16xf32>,
        %bitcast_convert_type3A_355 = tpu.bitcast %get3A_354 : vector<16xf32> -> vector<16xi32>
        %lt3A_356 = arith.constant 0 : i32
        %lt3A_357 = vector.broadcast %lt3A_356 : i32 to vector<16xi32>
        %lt3A_358 = arith.cmpi slt, %bitcast_convert_type3A_355, %lt3A_357 : vector<16xi32>
        %not3A_359 = arith.constant dense<-1> : vector<16xi32>
        %not3A_360 = arith.xori %bitcast_convert_type3A_355, %not3A_359 : vector<16xi32>
        %xor3A_361 = arith.constant -2147483648 : i32
        %xor3A_362 = vector.broadcast %xor3A_361 : i32 to vector<16xi32>
        %xor3A_363 = arith.xori %not3A_360, %xor3A_362 : vector<16xi32>
        %select_n3A_364 = arith.select %lt3A_358, %xor3A_363, %bitcast_convert_type3A_355 : vector<16xi1>, vector<16xi32>
        %bitcast_convert_type3A_365 = tpu.bitcast %select_n3A_364 : vector<16xi32> -> vector<16xf32>
        %mul3A_366 = arith.constant 16 : i32
        %mul3A_367 = arith.muli %scan3A_32, %mul3A_366 : i32
        %swap3A_368 = arith.constant 14 : i32
        %swap3A_369 = arith.index_cast %swap3A_368 : i32 to index
        %swap3A_370 = arith.index_cast %mul3A_367 : i32 to index
        %swap3A_371 = tpu.vector_load %arg5[%swap3A_369, %swap3A_370] {strides = array<i32>} : memref<64x512xf32, #tpu.memory_space<vmem>>, vector<16xf32>,
        tpu.vector_store %arg5[%swap3A_369, %swap3A_370], %bitcast_convert_type3A_365 {strides = array<i32>} : memref<64x512xf32, #tpu.memory_space<vmem>>, vector<16xf32>,
        %mul3A_372 = arith.constant 16 : i32
        %mul3A_373 = arith.muli %scan3A_32, %mul3A_372 : i32
        %get3A_374 = arith.constant 15 : i32
        %get3A_375 = arith.index_cast %get3A_374 : i32 to index
        %get3A_376 = arith.index_cast %mul3A_373 : i32 to index
        %get3A_377 = tpu.vector_load %arg5[%get3A_375, %get3A_376] {strides = array<i32>} : memref<64x512xf32, #tpu.memory_space<vmem>>, vector<16xf32>,
        %bitcast_convert_type3A_378 = tpu.bitcast %get3A_377 : vector<16xf32> -> vector<16xi32>
        %lt3A_379 = arith.constant 0 : i32
        %lt3A_380 = vector.broadcast %lt3A_379 : i32 to vector<16xi32>
        %lt3A_381 = arith.cmpi slt, %bitcast_convert_type3A_378, %lt3A_380 : vector<16xi32>
        %not3A_382 = arith.constant dense<-1> : vector<16xi32>
        %not3A_383 = arith.xori %bitcast_convert_type3A_378, %not3A_382 : vector<16xi32>
        %xor3A_384 = arith.constant -2147483648 : i32
        %xor3A_385 = vector.broadcast %xor3A_384 : i32 to vector<16xi32>
        %xor3A_386 = arith.xori %not3A_383, %xor3A_385 : vector<16xi32>
        %select_n3A_387 = arith.select %lt3A_381, %xor3A_386, %bitcast_convert_type3A_378 : vector<16xi1>, vector<16xi32>
        %bitcast_convert_type3A_388 = tpu.bitcast %select_n3A_387 : vector<16xi32> -> vector<16xf32>
        %mul3A_389 = arith.constant 16 : i32
        %mul3A_390 = arith.muli %scan3A_32, %mul3A_389 : i32
        %swap3A_391 = arith.constant 15 : i32
        %swap3A_392 = arith.index_cast %swap3A_391 : i32 to index
        %swap3A_393 = arith.index_cast %mul3A_390 : i32 to index
        %swap3A_394 = tpu.vector_load %arg5[%swap3A_392, %swap3A_393] {strides = array<i32>} : memref<64x512xf32, #tpu.memory_space<vmem>>, vector<16xf32>,
        tpu.vector_store %arg5[%swap3A_392, %swap3A_393], %bitcast_convert_type3A_388 {strides = array<i32>} : memref<64x512xf32, #tpu.memory_space<vmem>>, vector<16xf32>,
        %mul3A_395 = arith.constant 16 : i32
        %mul3A_396 = arith.muli %scan3A_32, %mul3A_395 : i32
        %get3A_397 = arith.constant 16 : i32
        %get3A_398 = arith.index_cast %get3A_397 : i32 to index
        %get3A_399 = arith.index_cast %mul3A_396 : i32 to index
        %get3A_400 = tpu.vector_load %arg5[%get3A_398, %get3A_399] {strides = array<i32>} : memref<64x512xf32, #tpu.memory_space<vmem>>, vector<16xf32>,
        %bitcast_convert_type3A_401 = tpu.bitcast %get3A_400 : vector<16xf32> -> vector<16xi32>
        %lt3A_402 = arith.constant 0 : i32
        %lt3A_403 = vector.broadcast %lt3A_402 : i32 to vector<16xi32>
        %lt3A_404 = arith.cmpi slt, %bitcast_convert_type3A_401, %lt3A_403 : vector<16xi32>
        %not3A_405 = arith.constant dense<-1> : vector<16xi32>
        %not3A_406 = arith.xori %bitcast_convert_type3A_401, %not3A_405 : vector<16xi32>
        %xor3A_407 = arith.constant -2147483648 : i32
        %xor3A_408 = vector.broadcast %xor3A_407 : i32 to vector<16xi32>
        %xor3A_409 = arith.xori %not3A_406, %xor3A_408 : vector<16xi32>
        %select_n3A_410 = arith.select %lt3A_404, %xor3A_409, %bitcast_convert_type3A_401 : vector<16xi1>, vector<16xi32>
        %bitcast_convert_type3A_411 = tpu.bitcast %select_n3A_410 : vector<16xi32> -> vector<16xf32>
        %mul3A_412 = arith.constant 16 : i32
        %mul3A_413 = arith.muli %scan3A_32, %mul3A_412 : i32
        %swap3A_414 = arith.constant 16 : i32
        %swap3A_415 = arith.index_cast %swap3A_414 : i32 to index
        %swap3A_416 = arith.index_cast %mul3A_413 : i32 to index
        %swap3A_417 = tpu.vector_load %arg5[%swap3A_415, %swap3A_416] {strides = array<i32>} : memref<64x512xf32, #tpu.memory_space<vmem>>, vector<16xf32>,
        tpu.vector_store %arg5[%swap3A_415, %swap3A_416], %bitcast_convert_type3A_411 {strides = array<i32>} : memref<64x512xf32, #tpu.memory_space<vmem>>, vector<16xf32>,
        %mul3A_418 = arith.constant 16 : i32
        %mul3A_419 = arith.muli %scan3A_32, %mul3A_418 : i32
        %get3A_420 = arith.constant 17 : i32
        %get3A_421 = arith.index_cast %get3A_420 : i32 to index
        %get3A_422 = arith.index_cast %mul3A_419 : i32 to index
        %get3A_423 = tpu.vector_load %arg5[%get3A_421, %get3A_422] {strides = array<i32>} : memref<64x512xf32, #tpu.memory_space<vmem>>, vector<16xf32>,
        %bitcast_convert_type3A_424 = tpu.bitcast %get3A_423 : vector<16xf32> -> vector<16xi32>
        %lt3A_425 = arith.constant 0 : i32
        %lt3A_426 = vector.broadcast %lt3A_425 : i32 to vector<16xi32>
        %lt3A_427 = arith.cmpi slt, %bitcast_convert_type3A_424, %lt3A_426 : vector<16xi32>
        %not3A_428 = arith.constant dense<-1> : vector<16xi32>
        %not3A_429 = arith.xori %bitcast_convert_type3A_424, %not3A_428 : vector<16xi32>
        %xor3A_430 = arith.constant -2147483648 : i32
        %xor3A_431 = vector.broadcast %xor3A_430 : i32 to vector<16xi32>
        %xor3A_432 = arith.xori %not3A_429, %xor3A_431 : vector<16xi32>
        %select_n3A_433 = arith.select %lt3A_427, %xor3A_432, %bitcast_convert_type3A_424 : vector<16xi1>, vector<16xi32>
        %bitcast_convert_type3A_434 = tpu.bitcast %select_n3A_433 : vector<16xi32> -> vector<16xf32>
        %mul3A_435 = arith.constant 16 : i32
        %mul3A_436 = arith.muli %scan3A_32, %mul3A_435 : i32
        %swap3A_437 = arith.constant 17 : i32
        %swap3A_438 = arith.index_cast %swap3A_437 : i32 to index
        %swap3A_439 = arith.index_cast %mul3A_436 : i32 to index
        %swap3A_440 = tpu.vector_load %arg5[%swap3A_438, %swap3A_439] {strides = array<i32>} : memref<64x512xf32, #tpu.memory_space<vmem>>, vector<16xf32>,
        tpu.vector_store %arg5[%swap3A_438, %swap3A_439], %bitcast_convert_type3A_434 {strides = array<i32>} : memref<64x512xf32, #tpu.memory_space<vmem>>, vector<16xf32>,
        %mul3A_441 = arith.constant 16 : i32
        %mul3A_442 = arith.muli %scan3A_32, %mul3A_441 : i32
        %get3A_443 = arith.constant 18 : i32
        %get3A_444 = arith.index_cast %get3A_443 : i32 to index
        %get3A_445 = arith.index_cast %mul3A_442 : i32 to index
        %get3A_446 = tpu.vector_load %arg5[%get3A_444, %get3A_445] {strides = array<i32>} : memref<64x512xf32, #tpu.memory_space<vmem>>, vector<16xf32>,
        %bitcast_convert_type3A_447 = tpu.bitcast %get3A_446 : vector<16xf32> -> vector<16xi32>
        %lt3A_448 = arith.constant 0 : i32
        %lt3A_449 = vector.broadcast %lt3A_448 : i32 to vector<16xi32>
        %lt3A_450 = arith.cmpi slt, %bitcast_convert_type3A_447, %lt3A_449 : vector<16xi32>
        %not3A_451 = arith.constant dense<-1> : vector<16xi32>
        %not3A_452 = arith.xori %bitcast_convert_type3A_447, %not3A_451 : vector<16xi32>
        %xor3A_453 = arith.constant -2147483648 : i32
        %xor3A_454 = vector.broadcast %xor3A_453 : i32 to vector<16xi32>
        %xor3A_455 = arith.xori %not3A_452, %xor3A_454 : vector<16xi32>
        %select_n3A_456 = arith.select %lt3A_450, %xor3A_455, %bitcast_convert_type3A_447 : vector<16xi1>, vector<16xi32>
        %bitcast_convert_type3A_457 = tpu.bitcast %select_n3A_456 : vector<16xi32> -> vector<16xf32>
        %mul3A_458 = arith.constant 16 : i32
        %mul3A_459 = arith.muli %scan3A_32, %mul3A_458 : i32
        %swap3A_460 = arith.constant 18 : i32
        %swap3A_461 = arith.index_cast %swap3A_460 : i32 to index
        %swap3A_462 = arith.index_cast %mul3A_459 : i32 to index
        %swap3A_463 = tpu.vector_load %arg5[%swap3A_461, %swap3A_462] {strides = array<i32>} : memref<64x512xf32, #tpu.memory_space<vmem>>, vector<16xf32>,
        tpu.vector_store %arg5[%swap3A_461, %swap3A_462], %bitcast_convert_type3A_457 {strides = array<i32>} : memref<64x512xf32, #tpu.memory_space<vmem>>, vector<16xf32>,
        %mul3A_464 = arith.constant 16 : i32
        %mul3A_465 = arith.muli %scan3A_32, %mul3A_464 : i32
        %get3A_466 = arith.constant 19 : i32
        %get3A_467 = arith.index_cast %get3A_466 : i32 to index
        %get3A_468 = arith.index_cast %mul3A_465 : i32 to index
        %get3A_469 = tpu.vector_load %arg5[%get3A_467, %get3A_468] {strides = array<i32>} : memref<64x512xf32, #tpu.memory_space<vmem>>, vector<16xf32>,
        %bitcast_convert_type3A_470 = tpu.bitcast %get3A_469 : vector<16xf32> -> vector<16xi32>
        %lt3A_471 = arith.constant 0 : i32
        %lt3A_472 = vector.broadcast %lt3A_471 : i32 to vector<16xi32>
        %lt3A_473 = arith.cmpi slt, %bitcast_convert_type3A_470, %lt3A_472 : vector<16xi32>
        %not3A_474 = arith.constant dense<-1> : vector<16xi32>
        %not3A_475 = arith.xori %bitcast_convert_type3A_470, %not3A_474 : vector<16xi32>
        %xor3A_476 = arith.constant -2147483648 : i32
        %xor3A_477 = vector.broadcast %xor3A_476 : i32 to vector<16xi32>
        %xor3A_478 = arith.xori %not3A_475, %xor3A_477 : vector<16xi32>
        %select_n3A_479 = arith.select %lt3A_473, %xor3A_478, %bitcast_convert_type3A_470 : vector<16xi1>, vector<16xi32>
        %bitcast_convert_type3A_480 = tpu.bitcast %select_n3A_479 : vector<16xi32> -> vector<16xf32>
        %mul3A_481 = arith.constant 16 : i32
        %mul3A_482 = arith.muli %scan3A_32, %mul3A_481 : i32
        %swap3A_483 = arith.constant 19 : i32
        %swap3A_484 = arith.index_cast %swap3A_483 : i32 to index
        %swap3A_485 = arith.index_cast %mul3A_482 : i32 to index
        %swap3A_486 = tpu.vector_load %arg5[%swap3A_484, %swap3A_485] {strides = array<i32>} : memref<64x512xf32, #tpu.memory_space<vmem>>, vector<16xf32>,
        tpu.vector_store %arg5[%swap3A_484, %swap3A_485], %bitcast_convert_type3A_480 {strides = array<i32>} : memref<64x512xf32, #tpu.memory_space<vmem>>, vector<16xf32>,
        %mul3A_487 = arith.constant 16 : i32
        %mul3A_488 = arith.muli %scan3A_32, %mul3A_487 : i32
        %get3A_489 = arith.constant 20 : i32
        %get3A_490 = arith.index_cast %get3A_489 : i32 to index
        %get3A_491 = arith.index_cast %mul3A_488 : i32 to index
        %get3A_492 = tpu.vector_load %arg5[%get3A_490, %get3A_491] {strides = array<i32>} : memref<64x512xf32, #tpu.memory_space<vmem>>, vector<16xf32>,
        %bitcast_convert_type3A_493 = tpu.bitcast %get3A_492 : vector<16xf32> -> vector<16xi32>
        %lt3A_494 = arith.constant 0 : i32
        %lt3A_495 = vector.broadcast %lt3A_494 : i32 to vector<16xi32>
        %lt3A_496 = arith.cmpi slt, %bitcast_convert_type3A_493, %lt3A_495 : vector<16xi32>
        %not3A_497 = arith.constant dense<-1> : vector<16xi32>
        %not3A_498 = arith.xori %bitcast_convert_type3A_493, %not3A_497 : vector<16xi32>
        %xor3A_499 = arith.constant -2147483648 : i32
        %xor3A_500 = vector.broadcast %xor3A_499 : i32 to vector<16xi32>
        %xor3A_501 = arith.xori %not3A_498, %xor3A_500 : vector<16xi32>
        %select_n3A_502 = arith.select %lt3A_496, %xor3A_501, %bitcast_convert_type3A_493 : vector<16xi1>, vector<16xi32>
        %bitcast_convert_type3A_503 = tpu.bitcast %select_n3A_502 : vector<16xi32> -> vector<16xf32>
        %mul3A_504 = arith.constant 16 : i32
        %mul3A_505 = arith.muli %scan3A_32, %mul3A_504 : i32
        %swap3A_506 = arith.constant 20 : i32
        %swap3A_507 = arith.index_cast %swap3A_506 : i32 to index
        %swap3A_508 = arith.index_cast %mul3A_505 : i32 to index
        %swap3A_509 = tpu.vector_load %arg5[%swap3A_507, %swap3A_508] {strides = array<i32>} : memref<64x512xf32, #tpu.memory_space<vmem>>, vector<16xf32>,
        tpu.vector_store %arg5[%swap3A_507, %swap3A_508], %bitcast_convert_type3A_503 {strides = array<i32>} : memref<64x512xf32, #tpu.memory_space<vmem>>, vector<16xf32>,
        %mul3A_510 = arith.constant 16 : i32
        %mul3A_511 = arith.muli %scan3A_32, %mul3A_510 : i32
        %get3A_512 = arith.constant 21 : i32
        %get3A_513 = arith.index_cast %get3A_512 : i32 to index
        %get3A_514 = arith.index_cast %mul3A_511 : i32 to index
        %get3A_515 = tpu.vector_load %arg5[%get3A_513, %get3A_514] {strides = array<i32>} : memref<64x512xf32, #tpu.memory_space<vmem>>, vector<16xf32>,
        %bitcast_convert_type3A_516 = tpu.bitcast %get3A_515 : vector<16xf32> -> vector<16xi32>
        %lt3A_517 = arith.constant 0 : i32
        %lt3A_518 = vector.broadcast %lt3A_517 : i32 to vector<16xi32>
        %lt3A_519 = arith.cmpi slt, %bitcast_convert_type3A_516, %lt3A_518 : vector<16xi32>
        %not3A_520 = arith.constant dense<-1> : vector<16xi32>
        %not3A_521 = arith.xori %bitcast_convert_type3A_516, %not3A_520 : vector<16xi32>
        %xor3A_522 = arith.constant -2147483648 : i32
        %xor3A_523 = vector.broadcast %xor3A_522 : i32 to vector<16xi32>
        %xor3A_524 = arith.xori %not3A_521, %xor3A_523 : vector<16xi32>
        %select_n3A_525 = arith.select %lt3A_519, %xor3A_524, %bitcast_convert_type3A_516 : vector<16xi1>, vector<16xi32>
        %bitcast_convert_type3A_526 = tpu.bitcast %select_n3A_525 : vector<16xi32> -> vector<16xf32>
        %mul3A_527 = arith.constant 16 : i32
        %mul3A_528 = arith.muli %scan3A_32, %mul3A_527 : i32
        %swap3A_529 = arith.constant 21 : i32
        %swap3A_530 = arith.index_cast %swap3A_529 : i32 to index
        %swap3A_531 = arith.index_cast %mul3A_528 : i32 to index
        %swap3A_532 = tpu.vector_load %arg5[%swap3A_530, %swap3A_531] {strides = array<i32>} : memref<64x512xf32, #tpu.memory_space<vmem>>, vector<16xf32>,
        tpu.vector_store %arg5[%swap3A_530, %swap3A_531], %bitcast_convert_type3A_526 {strides = array<i32>} : memref<64x512xf32, #tpu.memory_space<vmem>>, vector<16xf32>,
        %mul3A_533 = arith.constant 16 : i32
        %mul3A_534 = arith.muli %scan3A_32, %mul3A_533 : i32
        %get3A_535 = arith.constant 22 : i32
        %get3A_536 = arith.index_cast %get3A_535 : i32 to index
        %get3A_537 = arith.index_cast %mul3A_534 : i32 to index
        %get3A_538 = tpu.vector_load %arg5[%get3A_536, %get3A_537] {strides = array<i32>} : memref<64x512xf32, #tpu.memory_space<vmem>>, vector<16xf32>,
        %bitcast_convert_type3A_539 = tpu.bitcast %get3A_538 : vector<16xf32> -> vector<16xi32>
        %lt3A_540 = arith.constant 0 : i32
        %lt3A_541 = vector.broadcast %lt3A_540 : i32 to vector<16xi32>
        %lt3A_542 = arith.cmpi slt, %bitcast_convert_type3A_539, %lt3A_541 : vector<16xi32>
        %not3A_543 = arith.constant dense<-1> : vector<16xi32>
        %not3A_544 = arith.xori %bitcast_convert_type3A_539, %not3A_543 : vector<16xi32>
        %xor3A_545 = arith.constant -2147483648 : i32
        %xor3A_546 = vector.broadcast %xor3A_545 : i32 to vector<16xi32>
        %xor3A_547 = arith.xori %not3A_544, %xor3A_546 : vector<16xi32>
        %select_n3A_548 = arith.select %lt3A_542, %xor3A_547, %bitcast_convert_type3A_539 : vector<16xi1>, vector<16xi32>
        %bitcast_convert_type3A_549 = tpu.bitcast %select_n3A_548 : vector<16xi32> -> vector<16xf32>
        %mul3A_550 = arith.constant 16 : i32
        %mul3A_551 = arith.muli %scan3A_32, %mul3A_550 : i32
        %swap3A_552 = arith.constant 22 : i32
        %swap3A_553 = arith.index_cast %swap3A_552 : i32 to index
        %swap3A_554 = arith.index_cast %mul3A_551 : i32 to index
        %swap3A_555 = tpu.vector_load %arg5[%swap3A_553, %swap3A_554] {strides = array<i32>} : memref<64x512xf32, #tpu.memory_space<vmem>>, vector<16xf32>,
        tpu.vector_store %arg5[%swap3A_553, %swap3A_554], %bitcast_convert_type3A_549 {strides = array<i32>} : memref<64x512xf32, #tpu.memory_space<vmem>>, vector<16xf32>,
        %mul3A_556 = arith.constant 16 : i32
        %mul3A_557 = arith.muli %scan3A_32, %mul3A_556 : i32
        %get3A_558 = arith.constant 23 : i32
        %get3A_559 = arith.index_cast %get3A_558 : i32 to index
        %get3A_560 = arith.index_cast %mul3A_557 : i32 to index
        %get3A_561 = tpu.vector_load %arg5[%get3A_559, %get3A_560] {strides = array<i32>} : memref<64x512xf32, #tpu.memory_space<vmem>>, vector<16xf32>,
        %bitcast_convert_type3A_562 = tpu.bitcast %get3A_561 : vector<16xf32> -> vector<16xi32>
        %lt3A_563 = arith.constant 0 : i32
        %lt3A_564 = vector.broadcast %lt3A_563 : i32 to vector<16xi32>
        %lt3A_565 = arith.cmpi slt, %bitcast_convert_type3A_562, %lt3A_564 : vector<16xi32>
        %not3A_566 = arith.constant dense<-1> : vector<16xi32>
        %not3A_567 = arith.xori %bitcast_convert_type3A_562, %not3A_566 : vector<16xi32>
        %xor3A_568 = arith.constant -2147483648 : i32
        %xor3A_569 = vector.broadcast %xor3A_568 : i32 to vector<16xi32>
        %xor3A_570 = arith.xori %not3A_567, %xor3A_569 : vector<16xi32>
        %select_n3A_571 = arith.select %lt3A_565, %xor3A_570, %bitcast_convert_type3A_562 : vector<16xi1>, vector<16xi32>
        %bitcast_convert_type3A_572 = tpu.bitcast %select_n3A_571 : vector<16xi32> -> vector<16xf32>
        %mul3A_573 = arith.constant 16 : i32
        %mul3A_574 = arith.muli %scan3A_32, %mul3A_573 : i32
        %swap3A_575 = arith.constant 23 : i32
        %swap3A_576 = arith.index_cast %swap3A_575 : i32 to index
        %swap3A_577 = arith.index_cast %mul3A_574 : i32 to index
        %swap3A_578 = tpu.vector_load %arg5[%swap3A_576, %swap3A_577] {strides = array<i32>} : memref<64x512xf32, #tpu.memory_space<vmem>>, vector<16xf32>,
        tpu.vector_store %arg5[%swap3A_576, %swap3A_577], %bitcast_convert_type3A_572 {strides = array<i32>} : memref<64x512xf32, #tpu.memory_space<vmem>>, vector<16xf32>,
        %mul3A_579 = arith.constant 16 : i32
        %mul3A_580 = arith.muli %scan3A_32, %mul3A_579 : i32
        %get3A_581 = arith.constant 24 : i32
        %get3A_582 = arith.index_cast %get3A_581 : i32 to index
        %get3A_583 = arith.index_cast %mul3A_580 : i32 to index
        %get3A_584 = tpu.vector_load %arg5[%get3A_582, %get3A_583] {strides = array<i32>} : memref<64x512xf32, #tpu.memory_space<vmem>>, vector<16xf32>,
        %bitcast_convert_type3A_585 = tpu.bitcast %get3A_584 : vector<16xf32> -> vector<16xi32>
        %lt3A_586 = arith.constant 0 : i32
        %lt3A_587 = vector.broadcast %lt3A_586 : i32 to vector<16xi32>
        %lt3A_588 = arith.cmpi slt, %bitcast_convert_type3A_585, %lt3A_587 : vector<16xi32>
        %not3A_589 = arith.constant dense<-1> : vector<16xi32>
        %not3A_590 = arith.xori %bitcast_convert_type3A_585, %not3A_589 : vector<16xi32>
        %xor3A_591 = arith.constant -2147483648 : i32
        %xor3A_592 = vector.broadcast %xor3A_591 : i32 to vector<16xi32>
        %xor3A_593 = arith.xori %not3A_590, %xor3A_592 : vector<16xi32>
        %select_n3A_594 = arith.select %lt3A_588, %xor3A_593, %bitcast_convert_type3A_585 : vector<16xi1>, vector<16xi32>
        %bitcast_convert_type3A_595 = tpu.bitcast %select_n3A_594 : vector<16xi32> -> vector<16xf32>
        %mul3A_596 = arith.constant 16 : i32
        %mul3A_597 = arith.muli %scan3A_32, %mul3A_596 : i32
        %swap3A_598 = arith.constant 24 : i32
        %swap3A_599 = arith.index_cast %swap3A_598 : i32 to index
        %swap3A_600 = arith.index_cast %mul3A_597 : i32 to index
        %swap3A_601 = tpu.vector_load %arg5[%swap3A_599, %swap3A_600] {strides = array<i32>} : memref<64x512xf32, #tpu.memory_space<vmem>>, vector<16xf32>,
        tpu.vector_store %arg5[%swap3A_599, %swap3A_600], %bitcast_convert_type3A_595 {strides = array<i32>} : memref<64x512xf32, #tpu.memory_space<vmem>>, vector<16xf32>,
        %mul3A_602 = arith.constant 16 : i32
        %mul3A_603 = arith.muli %scan3A_32, %mul3A_602 : i32
        %get3A_604 = arith.constant 25 : i32
        %get3A_605 = arith.index_cast %get3A_604 : i32 to index
        %get3A_606 = arith.index_cast %mul3A_603 : i32 to index
        %get3A_607 = tpu.vector_load %arg5[%get3A_605, %get3A_606] {strides = array<i32>} : memref<64x512xf32, #tpu.memory_space<vmem>>, vector<16xf32>,
        %bitcast_convert_type3A_608 = tpu.bitcast %get3A_607 : vector<16xf32> -> vector<16xi32>
        %lt3A_609 = arith.constant 0 : i32
        %lt3A_610 = vector.broadcast %lt3A_609 : i32 to vector<16xi32>
        %lt3A_611 = arith.cmpi slt, %bitcast_convert_type3A_608, %lt3A_610 : vector<16xi32>
        %not3A_612 = arith.constant dense<-1> : vector<16xi32>
        %not3A_613 = arith.xori %bitcast_convert_type3A_608, %not3A_612 : vector<16xi32>
        %xor3A_614 = arith.constant -2147483648 : i32
        %xor3A_615 = vector.broadcast %xor3A_614 : i32 to vector<16xi32>
        %xor3A_616 = arith.xori %not3A_613, %xor3A_615 : vector<16xi32>
        %select_n3A_617 = arith.select %lt3A_611, %xor3A_616, %bitcast_convert_type3A_608 : vector<16xi1>, vector<16xi32>
        %bitcast_convert_type3A_618 = tpu.bitcast %select_n3A_617 : vector<16xi32> -> vector<16xf32>
        %mul3A_619 = arith.constant 16 : i32
        %mul3A_620 = arith.muli %scan3A_32, %mul3A_619 : i32
        %swap3A_621 = arith.constant 25 : i32
        %swap3A_622 = arith.index_cast %swap3A_621 : i32 to index
        %swap3A_623 = arith.index_cast %mul3A_620 : i32 to index
        %swap3A_624 = tpu.vector_load %arg5[%swap3A_622, %swap3A_623] {strides = array<i32>} : memref<64x512xf32, #tpu.memory_space<vmem>>, vector<16xf32>,
        tpu.vector_store %arg5[%swap3A_622, %swap3A_623], %bitcast_convert_type3A_618 {strides = array<i32>} : memref<64x512xf32, #tpu.memory_space<vmem>>, vector<16xf32>,
        %mul3A_625 = arith.constant 16 : i32
        %mul3A_626 = arith.muli %scan3A_32, %mul3A_625 : i32
        %get3A_627 = arith.constant 26 : i32
        %get3A_628 = arith.index_cast %get3A_627 : i32 to index
        %get3A_629 = arith.index_cast %mul3A_626 : i32 to index
        %get3A_630 = tpu.vector_load %arg5[%get3A_628, %get3A_629] {strides = array<i32>} : memref<64x512xf32, #tpu.memory_space<vmem>>, vector<16xf32>,
        %bitcast_convert_type3A_631 = tpu.bitcast %get3A_630 : vector<16xf32> -> vector<16xi32>
        %lt3A_632 = arith.constant 0 : i32
        %lt3A_633 = vector.broadcast %lt3A_632 : i32 to vector<16xi32>
        %lt3A_634 = arith.cmpi slt, %bitcast_convert_type3A_631, %lt3A_633 : vector<16xi32>
        %not3A_635 = arith.constant dense<-1> : vector<16xi32>
        %not3A_636 = arith.xori %bitcast_convert_type3A_631, %not3A_635 : vector<16xi32>
        %xor3A_637 = arith.constant -2147483648 : i32
        %xor3A_638 = vector.broadcast %xor3A_637 : i32 to vector<16xi32>
        %xor3A_639 = arith.xori %not3A_636, %xor3A_638 : vector<16xi32>
        %select_n3A_640 = arith.select %lt3A_634, %xor3A_639, %bitcast_convert_type3A_631 : vector<16xi1>, vector<16xi32>
        %bitcast_convert_type3A_641 = tpu.bitcast %select_n3A_640 : vector<16xi32> -> vector<16xf32>
        %mul3A_642 = arith.constant 16 : i32
        %mul3A_643 = arith.muli %scan3A_32, %mul3A_642 : i32
        %swap3A_644 = arith.constant 26 : i32
        %swap3A_645 = arith.index_cast %swap3A_644 : i32 to index
        %swap3A_646 = arith.index_cast %mul3A_643 : i32 to index
        %swap3A_647 = tpu.vector_load %arg5[%swap3A_645, %swap3A_646] {strides = array<i32>} : memref<64x512xf32, #tpu.memory_space<vmem>>, vector<16xf32>,
        tpu.vector_store %arg5[%swap3A_645, %swap3A_646], %bitcast_convert_type3A_641 {strides = array<i32>} : memref<64x512xf32, #tpu.memory_space<vmem>>, vector<16xf32>,
        %mul3A_648 = arith.constant 16 : i32
        %mul3A_649 = arith.muli %scan3A_32, %mul3A_648 : i32
        %get3A_650 = arith.constant 27 : i32
        %get3A_651 = arith.index_cast %get3A_650 : i32 to index
        %get3A_652 = arith.index_cast %mul3A_649 : i32 to index
        %get3A_653 = tpu.vector_load %arg5[%get3A_651, %get3A_652] {strides = array<i32>} : memref<64x512xf32, #tpu.memory_space<vmem>>, vector<16xf32>,
        %bitcast_convert_type3A_654 = tpu.bitcast %get3A_653 : vector<16xf32> -> vector<16xi32>
        %lt3A_655 = arith.constant 0 : i32
        %lt3A_656 = vector.broadcast %lt3A_655 : i32 to vector<16xi32>
        %lt3A_657 = arith.cmpi slt, %bitcast_convert_type3A_654, %lt3A_656 : vector<16xi32>
        %not3A_658 = arith.constant dense<-1> : vector<16xi32>
        %not3A_659 = arith.xori %bitcast_convert_type3A_654, %not3A_658 : vector<16xi32>
        %xor3A_660 = arith.constant -2147483648 : i32
        %xor3A_661 = vector.broadcast %xor3A_660 : i32 to vector<16xi32>
        %xor3A_662 = arith.xori %not3A_659, %xor3A_661 : vector<16xi32>
        %select_n3A_663 = arith.select %lt3A_657, %xor3A_662, %bitcast_convert_type3A_654 : vector<16xi1>, vector<16xi32>
        %bitcast_convert_type3A_664 = tpu.bitcast %select_n3A_663 : vector<16xi32> -> vector<16xf32>
        %mul3A_665 = arith.constant 16 : i32
        %mul3A_666 = arith.muli %scan3A_32, %mul3A_665 : i32
        %swap3A_667 = arith.constant 27 : i32
        %swap3A_668 = arith.index_cast %swap3A_667 : i32 to index
        %swap3A_669 = arith.index_cast %mul3A_666 : i32 to index
        %swap3A_670 = tpu.vector_load %arg5[%swap3A_668, %swap3A_669] {strides = array<i32>} : memref<64x512xf32, #tpu.memory_space<vmem>>, vector<16xf32>,
        tpu.vector_store %arg5[%swap3A_668, %swap3A_669], %bitcast_convert_type3A_664 {strides = array<i32>} : memref<64x512xf32, #tpu.memory_space<vmem>>, vector<16xf32>,
        %mul3A_671 = arith.constant 16 : i32
        %mul3A_672 = arith.muli %scan3A_32, %mul3A_671 : i32
        %get3A_673 = arith.constant 28 : i32
        %get3A_674 = arith.index_cast %get3A_673 : i32 to index
        %get3A_675 = arith.index_cast %mul3A_672 : i32 to index
        %get3A_676 = tpu.vector_load %arg5[%get3A_674, %get3A_675] {strides = array<i32>} : memref<64x512xf32, #tpu.memory_space<vmem>>, vector<16xf32>,
        %bitcast_convert_type3A_677 = tpu.bitcast %get3A_676 : vector<16xf32> -> vector<16xi32>
        %lt3A_678 = arith.constant 0 : i32
        %lt3A_679 = vector.broadcast %lt3A_678 : i32 to vector<16xi32>
        %lt3A_680 = arith.cmpi slt, %bitcast_convert_type3A_677, %lt3A_679 : vector<16xi32>
        %not3A_681 = arith.constant dense<-1> : vector<16xi32>
        %not3A_682 = arith.xori %bitcast_convert_type3A_677, %not3A_681 : vector<16xi32>
        %xor3A_683 = arith.constant -2147483648 : i32
        %xor3A_684 = vector.broadcast %xor3A_683 : i32 to vector<16xi32>
        %xor3A_685 = arith.xori %not3A_682, %xor3A_684 : vector<16xi32>
        %select_n3A_686 = arith.select %lt3A_680, %xor3A_685, %bitcast_convert_type3A_677 : vector<16xi1>, vector<16xi32>
        %bitcast_convert_type3A_687 = tpu.bitcast %select_n3A_686 : vector<16xi32> -> vector<16xf32>
        %mul3A_688 = arith.constant 16 : i32
        %mul3A_689 = arith.muli %scan3A_32, %mul3A_688 : i32
        %swap3A_690 = arith.constant 28 : i32
        %swap3A_691 = arith.index_cast %swap3A_690 : i32 to index
        %swap3A_692 = arith.index_cast %mul3A_689 : i32 to index
        %swap3A_693 = tpu.vector_load %arg5[%swap3A_691, %swap3A_692] {strides = array<i32>} : memref<64x512xf32, #tpu.memory_space<vmem>>, vector<16xf32>,
        tpu.vector_store %arg5[%swap3A_691, %swap3A_692], %bitcast_convert_type3A_687 {strides = array<i32>} : memref<64x512xf32, #tpu.memory_space<vmem>>, vector<16xf32>,
        %mul3A_694 = arith.constant 16 : i32
        %mul3A_695 = arith.muli %scan3A_32, %mul3A_694 : i32
        %get3A_696 = arith.constant 29 : i32
        %get3A_697 = arith.index_cast %get3A_696 : i32 to index
        %get3A_698 = arith.index_cast %mul3A_695 : i32 to index
        %get3A_699 = tpu.vector_load %arg5[%get3A_697, %get3A_698] {strides = array<i32>} : memref<64x512xf32, #tpu.memory_space<vmem>>, vector<16xf32>,
        %bitcast_convert_type3A_700 = tpu.bitcast %get3A_699 : vector<16xf32> -> vector<16xi32>
        %lt3A_701 = arith.constant 0 : i32
        %lt3A_702 = vector.broadcast %lt3A_701 : i32 to vector<16xi32>
        %lt3A_703 = arith.cmpi slt, %bitcast_convert_type3A_700, %lt3A_702 : vector<16xi32>
        %not3A_704 = arith.constant dense<-1> : vector<16xi32>
        %not3A_705 = arith.xori %bitcast_convert_type3A_700, %not3A_704 : vector<16xi32>
        %xor3A_706 = arith.constant -2147483648 : i32
        %xor3A_707 = vector.broadcast %xor3A_706 : i32 to vector<16xi32>
        %xor3A_708 = arith.xori %not3A_705, %xor3A_707 : vector<16xi32>
        %select_n3A_709 = arith.select %lt3A_703, %xor3A_708, %bitcast_convert_type3A_700 : vector<16xi1>, vector<16xi32>
        %bitcast_convert_type3A_710 = tpu.bitcast %select_n3A_709 : vector<16xi32> -> vector<16xf32>
        %mul3A_711 = arith.constant 16 : i32
        %mul3A_712 = arith.muli %scan3A_32, %mul3A_711 : i32
        %swap3A_713 = arith.constant 29 : i32
        %swap3A_714 = arith.index_cast %swap3A_713 : i32 to index
        %swap3A_715 = arith.index_cast %mul3A_712 : i32 to index
        %swap3A_716 = tpu.vector_load %arg5[%swap3A_714, %swap3A_715] {strides = array<i32>} : memref<64x512xf32, #tpu.memory_space<vmem>>, vector<16xf32>,
        tpu.vector_store %arg5[%swap3A_714, %swap3A_715], %bitcast_convert_type3A_710 {strides = array<i32>} : memref<64x512xf32, #tpu.memory_space<vmem>>, vector<16xf32>,
        %mul3A_717 = arith.constant 16 : i32
        %mul3A_718 = arith.muli %scan3A_32, %mul3A_717 : i32
        %get3A_719 = arith.constant 30 : i32
        %get3A_720 = arith.index_cast %get3A_719 : i32 to index
        %get3A_721 = arith.index_cast %mul3A_718 : i32 to index
        %get3A_722 = tpu.vector_load %arg5[%get3A_720, %get3A_721] {strides = array<i32>} : memref<64x512xf32, #tpu.memory_space<vmem>>, vector<16xf32>,
        %bitcast_convert_type3A_723 = tpu.bitcast %get3A_722 : vector<16xf32> -> vector<16xi32>
        %lt3A_724 = arith.constant 0 : i32
        %lt3A_725 = vector.broadcast %lt3A_724 : i32 to vector<16xi32>
        %lt3A_726 = arith.cmpi slt, %bitcast_convert_type3A_723, %lt3A_725 : vector<16xi32>
        %not3A_727 = arith.constant dense<-1> : vector<16xi32>
        %not3A_728 = arith.xori %bitcast_convert_type3A_723, %not3A_727 : vector<16xi32>
        %xor3A_729 = arith.constant -2147483648 : i32
        %xor3A_730 = vector.broadcast %xor3A_729 : i32 to vector<16xi32>
        %xor3A_731 = arith.xori %not3A_728, %xor3A_730 : vector<16xi32>
        %select_n3A_732 = arith.select %lt3A_726, %xor3A_731, %bitcast_convert_type3A_723 : vector<16xi1>, vector<16xi32>
        %bitcast_convert_type3A_733 = tpu.bitcast %select_n3A_732 : vector<16xi32> -> vector<16xf32>
        %mul3A_734 = arith.constant 16 : i32
        %mul3A_735 = arith.muli %scan3A_32, %mul3A_734 : i32
        %swap3A_736 = arith.constant 30 : i32
        %swap3A_737 = arith.index_cast %swap3A_736 : i32 to index
        %swap3A_738 = arith.index_cast %mul3A_735 : i32 to index
        %swap3A_739 = tpu.vector_load %arg5[%swap3A_737, %swap3A_738] {strides = array<i32>} : memref<64x512xf32, #tpu.memory_space<vmem>>, vector<16xf32>,
        tpu.vector_store %arg5[%swap3A_737, %swap3A_738], %bitcast_convert_type3A_733 {strides = array<i32>} : memref<64x512xf32, #tpu.memory_space<vmem>>, vector<16xf32>,
        %mul3A_740 = arith.constant 16 : i32
        %mul3A_741 = arith.muli %scan3A_32, %mul3A_740 : i32
        %get3A_742 = arith.constant 31 : i32
        %get3A_743 = arith.index_cast %get3A_742 : i32 to index
        %get3A_744 = arith.index_cast %mul3A_741 : i32 to index
        %get3A_745 = tpu.vector_load %arg5[%get3A_743, %get3A_744] {strides = array<i32>} : memref<64x512xf32, #tpu.memory_space<vmem>>, vector<16xf32>,
        %bitcast_convert_type3A_746 = tpu.bitcast %get3A_745 : vector<16xf32> -> vector<16xi32>
        %lt3A_747 = arith.constant 0 : i32
        %lt3A_748 = vector.broadcast %lt3A_747 : i32 to vector<16xi32>
        %lt3A_749 = arith.cmpi slt, %bitcast_convert_type3A_746, %lt3A_748 : vector<16xi32>
        %not3A_750 = arith.constant dense<-1> : vector<16xi32>
        %not3A_751 = arith.xori %bitcast_convert_type3A_746, %not3A_750 : vector<16xi32>
        %xor3A_752 = arith.constant -2147483648 : i32
        %xor3A_753 = vector.broadcast %xor3A_752 : i32 to vector<16xi32>
        %xor3A_754 = arith.xori %not3A_751, %xor3A_753 : vector<16xi32>
        %select_n3A_755 = arith.select %lt3A_749, %xor3A_754, %bitcast_convert_type3A_746 : vector<16xi1>, vector<16xi32>
        %bitcast_convert_type3A_756 = tpu.bitcast %select_n3A_755 : vector<16xi32> -> vector<16xf32>
        %mul3A_757 = arith.constant 16 : i32
        %mul3A_758 = arith.muli %scan3A_32, %mul3A_757 : i32
        %swap3A_759 = arith.constant 31 : i32
        %swap3A_760 = arith.index_cast %swap3A_759 : i32 to index
        %swap3A_761 = arith.index_cast %mul3A_758 : i32 to index
        %swap3A_762 = tpu.vector_load %arg5[%swap3A_760, %swap3A_761] {strides = array<i32>} : memref<64x512xf32, #tpu.memory_space<vmem>>, vector<16xf32>,
        tpu.vector_store %arg5[%swap3A_760, %swap3A_761], %bitcast_convert_type3A_756 {strides = array<i32>} : memref<64x512xf32, #tpu.memory_space<vmem>>, vector<16xf32>,
        %mul3A_763 = arith.constant 16 : i32
        %mul3A_764 = arith.muli %scan3A_32, %mul3A_763 : i32
        %get3A_765 = arith.constant 32 : i32
        %get3A_766 = arith.index_cast %get3A_765 : i32 to index
        %get3A_767 = arith.index_cast %mul3A_764 : i32 to index
        %get3A_768 = tpu.vector_load %arg5[%get3A_766, %get3A_767] {strides = array<i32>} : memref<64x512xf32, #tpu.memory_space<vmem>>, vector<16xf32>,
        %bitcast_convert_type3A_769 = tpu.bitcast %get3A_768 : vector<16xf32> -> vector<16xi32>
        %lt3A_770 = arith.constant 0 : i32
        %lt3A_771 = vector.broadcast %lt3A_770 : i32 to vector<16xi32>
        %lt3A_772 = arith.cmpi slt, %bitcast_convert_type3A_769, %lt3A_771 : vector<16xi32>
        %not3A_773 = arith.constant dense<-1> : vector<16xi32>
        %not3A_774 = arith.xori %bitcast_convert_type3A_769, %not3A_773 : vector<16xi32>
        %xor3A_775 = arith.constant -2147483648 : i32
        %xor3A_776 = vector.broadcast %xor3A_775 : i32 to vector<16xi32>
        %xor3A_777 = arith.xori %not3A_774, %xor3A_776 : vector<16xi32>
        %select_n3A_778 = arith.select %lt3A_772, %xor3A_777, %bitcast_convert_type3A_769 : vector<16xi1>, vector<16xi32>
        %bitcast_convert_type3A_779 = tpu.bitcast %select_n3A_778 : vector<16xi32> -> vector<16xf32>
        %mul3A_780 = arith.constant 16 : i32
        %mul3A_781 = arith.muli %scan3A_32, %mul3A_780 : i32
        %swap3A_782 = arith.constant 32 : i32
        %swap3A_783 = arith.index_cast %swap3A_782 : i32 to index
        %swap3A_784 = arith.index_cast %mul3A_781 : i32 to index
        %swap3A_785 = tpu.vector_load %arg5[%swap3A_783, %swap3A_784] {strides = array<i32>} : memref<64x512xf32, #tpu.memory_space<vmem>>, vector<16xf32>,
        tpu.vector_store %arg5[%swap3A_783, %swap3A_784], %bitcast_convert_type3A_779 {strides = array<i32>} : memref<64x512xf32, #tpu.memory_space<vmem>>, vector<16xf32>,
        %mul3A_786 = arith.constant 16 : i32
        %mul3A_787 = arith.muli %scan3A_32, %mul3A_786 : i32
        %get3A_788 = arith.constant 33 : i32
        %get3A_789 = arith.index_cast %get3A_788 : i32 to index
        %get3A_790 = arith.index_cast %mul3A_787 : i32 to index
        %get3A_791 = tpu.vector_load %arg5[%get3A_789, %get3A_790] {strides = array<i32>} : memref<64x512xf32, #tpu.memory_space<vmem>>, vector<16xf32>,
        %bitcast_convert_type3A_792 = tpu.bitcast %get3A_791 : vector<16xf32> -> vector<16xi32>
        %lt3A_793 = arith.constant 0 : i32
        %lt3A_794 = vector.broadcast %lt3A_793 : i32 to vector<16xi32>
        %lt3A_795 = arith.cmpi slt, %bitcast_convert_type3A_792, %lt3A_794 : vector<16xi32>
        %not3A_796 = arith.constant dense<-1> : vector<16xi32>
        %not3A_797 = arith.xori %bitcast_convert_type3A_792, %not3A_796 : vector<16xi32>
        %xor3A_798 = arith.constant -2147483648 : i32
        %xor3A_799 = vector.broadcast %xor3A_798 : i32 to vector<16xi32>
        %xor3A_800 = arith.xori %not3A_797, %xor3A_799 : vector<16xi32>
        %select_n3A_801 = arith.select %lt3A_795, %xor3A_800, %bitcast_convert_type3A_792 : vector<16xi1>, vector<16xi32>
        %bitcast_convert_type3A_802 = tpu.bitcast %select_n3A_801 : vector<16xi32> -> vector<16xf32>
        %mul3A_803 = arith.constant 16 : i32
        %mul3A_804 = arith.muli %scan3A_32, %mul3A_803 : i32
        %swap3A_805 = arith.constant 33 : i32
        %swap3A_806 = arith.index_cast %swap3A_805 : i32 to index
        %swap3A_807 = arith.index_cast %mul3A_804 : i32 to index
        %swap3A_808 = tpu.vector_load %arg5[%swap3A_806, %swap3A_807] {strides = array<i32>} : memref<64x512xf32, #tpu.memory_space<vmem>>, vector<16xf32>,
        tpu.vector_store %arg5[%swap3A_806, %swap3A_807], %bitcast_convert_type3A_802 {strides = array<i32>} : memref<64x512xf32, #tpu.memory_space<vmem>>, vector<16xf32>,
        %mul3A_809 = arith.constant 16 : i32
        %mul3A_810 = arith.muli %scan3A_32, %mul3A_809 : i32
        %get3A_811 = arith.constant 34 : i32
        %get3A_812 = arith.index_cast %get3A_811 : i32 to index
        %get3A_813 = arith.index_cast %mul3A_810 : i32 to index
        %get3A_814 = tpu.vector_load %arg5[%get3A_812, %get3A_813] {strides = array<i32>} : memref<64x512xf32, #tpu.memory_space<vmem>>, vector<16xf32>,
        %bitcast_convert_type3A_815 = tpu.bitcast %get3A_814 : vector<16xf32> -> vector<16xi32>
        %lt3A_816 = arith.constant 0 : i32
        %lt3A_817 = vector.broadcast %lt3A_816 : i32 to vector<16xi32>
        %lt3A_818 = arith.cmpi slt, %bitcast_convert_type3A_815, %lt3A_817 : vector<16xi32>
        %not3A_819 = arith.constant dense<-1> : vector<16xi32>
        %not3A_820 = arith.xori %bitcast_convert_type3A_815, %not3A_819 : vector<16xi32>
        %xor3A_821 = arith.constant -2147483648 : i32
        %xor3A_822 = vector.broadcast %xor3A_821 : i32 to vector<16xi32>
        %xor3A_823 = arith.xori %not3A_820, %xor3A_822 : vector<16xi32>
        %select_n3A_824 = arith.select %lt3A_818, %xor3A_823, %bitcast_convert_type3A_815 : vector<16xi1>, vector<16xi32>
        %bitcast_convert_type3A_825 = tpu.bitcast %select_n3A_824 : vector<16xi32> -> vector<16xf32>
        %mul3A_826 = arith.constant 16 : i32
        %mul3A_827 = arith.muli %scan3A_32, %mul3A_826 : i32
        %swap3A_828 = arith.constant 34 : i32
        %swap3A_829 = arith.index_cast %swap3A_828 : i32 to index
        %swap3A_830 = arith.index_cast %mul3A_827 : i32 to index
        %swap3A_831 = tpu.vector_load %arg5[%swap3A_829, %swap3A_830] {strides = array<i32>} : memref<64x512xf32, #tpu.memory_space<vmem>>, vector<16xf32>,
        tpu.vector_store %arg5[%swap3A_829, %swap3A_830], %bitcast_convert_type3A_825 {strides = array<i32>} : memref<64x512xf32, #tpu.memory_space<vmem>>, vector<16xf32>,
        %mul3A_832 = arith.constant 16 : i32
        %mul3A_833 = arith.muli %scan3A_32, %mul3A_832 : i32
        %get3A_834 = arith.constant 35 : i32
        %get3A_835 = arith.index_cast %get3A_834 : i32 to index
        %get3A_836 = arith.index_cast %mul3A_833 : i32 to index
        %get3A_837 = tpu.vector_load %arg5[%get3A_835, %get3A_836] {strides = array<i32>} : memref<64x512xf32, #tpu.memory_space<vmem>>, vector<16xf32>,
        %bitcast_convert_type3A_838 = tpu.bitcast %get3A_837 : vector<16xf32> -> vector<16xi32>
        %lt3A_839 = arith.constant 0 : i32
        %lt3A_840 = vector.broadcast %lt3A_839 : i32 to vector<16xi32>
        %lt3A_841 = arith.cmpi slt, %bitcast_convert_type3A_838, %lt3A_840 : vector<16xi32>
        %not3A_842 = arith.constant dense<-1> : vector<16xi32>
        %not3A_843 = arith.xori %bitcast_convert_type3A_838, %not3A_842 : vector<16xi32>
        %xor3A_844 = arith.constant -2147483648 : i32
        %xor3A_845 = vector.broadcast %xor3A_844 : i32 to vector<16xi32>
        %xor3A_846 = arith.xori %not3A_843, %xor3A_845 : vector<16xi32>
        %select_n3A_847 = arith.select %lt3A_841, %xor3A_846, %bitcast_convert_type3A_838 : vector<16xi1>, vector<16xi32>
        %bitcast_convert_type3A_848 = tpu.bitcast %select_n3A_847 : vector<16xi32> -> vector<16xf32>
        %mul3A_849 = arith.constant 16 : i32
        %mul3A_850 = arith.muli %scan3A_32, %mul3A_849 : i32
        %swap3A_851 = arith.constant 35 : i32
        %swap3A_852 = arith.index_cast %swap3A_851 : i32 to index
        %swap3A_853 = arith.index_cast %mul3A_850 : i32 to index
        %swap3A_854 = tpu.vector_load %arg5[%swap3A_852, %swap3A_853] {strides = array<i32>} : memref<64x512xf32, #tpu.memory_space<vmem>>, vector<16xf32>,
        tpu.vector_store %arg5[%swap3A_852, %swap3A_853], %bitcast_convert_type3A_848 {strides = array<i32>} : memref<64x512xf32, #tpu.memory_space<vmem>>, vector<16xf32>,
        %mul3A_855 = arith.constant 16 : i32
        %mul3A_856 = arith.muli %scan3A_32, %mul3A_855 : i32
        %get3A_857 = arith.constant 36 : i32
        %get3A_858 = arith.index_cast %get3A_857 : i32 to index
        %get3A_859 = arith.index_cast %mul3A_856 : i32 to index
        %get3A_860 = tpu.vector_load %arg5[%get3A_858, %get3A_859] {strides = array<i32>} : memref<64x512xf32, #tpu.memory_space<vmem>>, vector<16xf32>,
        %bitcast_convert_type3A_861 = tpu.bitcast %get3A_860 : vector<16xf32> -> vector<16xi32>
        %lt3A_862 = arith.constant 0 : i32
        %lt3A_863 = vector.broadcast %lt3A_862 : i32 to vector<16xi32>
        %lt3A_864 = arith.cmpi slt, %bitcast_convert_type3A_861, %lt3A_863 : vector<16xi32>
        %not3A_865 = arith.constant dense<-1> : vector<16xi32>
        %not3A_866 = arith.xori %bitcast_convert_type3A_861, %not3A_865 : vector<16xi32>
        %xor3A_867 = arith.constant -2147483648 : i32
        %xor3A_868 = vector.broadcast %xor3A_867 : i32 to vector<16xi32>
        %xor3A_869 = arith.xori %not3A_866, %xor3A_868 : vector<16xi32>
        %select_n3A_870 = arith.select %lt3A_864, %xor3A_869, %bitcast_convert_type3A_861 : vector<16xi1>, vector<16xi32>
        %bitcast_convert_type3A_871 = tpu.bitcast %select_n3A_870 : vector<16xi32> -> vector<16xf32>
        %mul3A_872 = arith.constant 16 : i32
        %mul3A_873 = arith.muli %scan3A_32, %mul3A_872 : i32
        %swap3A_874 = arith.constant 36 : i32
        %swap3A_875 = arith.index_cast %swap3A_874 : i32 to index
        %swap3A_876 = arith.index_cast %mul3A_873 : i32 to index
        %swap3A_877 = tpu.vector_load %arg5[%swap3A_875, %swap3A_876] {strides = array<i32>} : memref<64x512xf32, #tpu.memory_space<vmem>>, vector<16xf32>,
        tpu.vector_store %arg5[%swap3A_875, %swap3A_876], %bitcast_convert_type3A_871 {strides = array<i32>} : memref<64x512xf32, #tpu.memory_space<vmem>>, vector<16xf32>,
        %mul3A_878 = arith.constant 16 : i32
        %mul3A_879 = arith.muli %scan3A_32, %mul3A_878 : i32
        %get3A_880 = arith.constant 37 : i32
        %get3A_881 = arith.index_cast %get3A_880 : i32 to index
        %get3A_882 = arith.index_cast %mul3A_879 : i32 to index
        %get3A_883 = tpu.vector_load %arg5[%get3A_881, %get3A_882] {strides = array<i32>} : memref<64x512xf32, #tpu.memory_space<vmem>>, vector<16xf32>,
        %bitcast_convert_type3A_884 = tpu.bitcast %get3A_883 : vector<16xf32> -> vector<16xi32>
        %lt3A_885 = arith.constant 0 : i32
        %lt3A_886 = vector.broadcast %lt3A_885 : i32 to vector<16xi32>
        %lt3A_887 = arith.cmpi slt, %bitcast_convert_type3A_884, %lt3A_886 : vector<16xi32>
        %not3A_888 = arith.constant dense<-1> : vector<16xi32>
        %not3A_889 = arith.xori %bitcast_convert_type3A_884, %not3A_888 : vector<16xi32>
        %xor3A_890 = arith.constant -2147483648 : i32
        %xor3A_891 = vector.broadcast %xor3A_890 : i32 to vector<16xi32>
        %xor3A_892 = arith.xori %not3A_889, %xor3A_891 : vector<16xi32>
        %select_n3A_893 = arith.select %lt3A_887, %xor3A_892, %bitcast_convert_type3A_884 : vector<16xi1>, vector<16xi32>
        %bitcast_convert_type3A_894 = tpu.bitcast %select_n3A_893 : vector<16xi32> -> vector<16xf32>
        %mul3A_895 = arith.constant 16 : i32
        %mul3A_896 = arith.muli %scan3A_32, %mul3A_895 : i32
        %swap3A_897 = arith.constant 37 : i32
        %swap3A_898 = arith.index_cast %swap3A_897 : i32 to index
        %swap3A_899 = arith.index_cast %mul3A_896 : i32 to index
        %swap3A_900 = tpu.vector_load %arg5[%swap3A_898, %swap3A_899] {strides = array<i32>} : memref<64x512xf32, #tpu.memory_space<vmem>>, vector<16xf32>,
        tpu.vector_store %arg5[%swap3A_898, %swap3A_899], %bitcast_convert_type3A_894 {strides = array<i32>} : memref<64x512xf32, #tpu.memory_space<vmem>>, vector<16xf32>,
        %mul3A_901 = arith.constant 16 : i32
        %mul3A_902 = arith.muli %scan3A_32, %mul3A_901 : i32
        %get3A_903 = arith.constant 38 : i32
        %get3A_904 = arith.index_cast %get3A_903 : i32 to index
        %get3A_905 = arith.index_cast %mul3A_902 : i32 to index
        %get3A_906 = tpu.vector_load %arg5[%get3A_904, %get3A_905] {strides = array<i32>} : memref<64x512xf32, #tpu.memory_space<vmem>>, vector<16xf32>,
        %bitcast_convert_type3A_907 = tpu.bitcast %get3A_906 : vector<16xf32> -> vector<16xi32>
        %lt3A_908 = arith.constant 0 : i32
        %lt3A_909 = vector.broadcast %lt3A_908 : i32 to vector<16xi32>
        %lt3A_910 = arith.cmpi slt, %bitcast_convert_type3A_907, %lt3A_909 : vector<16xi32>
        %not3A_911 = arith.constant dense<-1> : vector<16xi32>
        %not3A_912 = arith.xori %bitcast_convert_type3A_907, %not3A_911 : vector<16xi32>
        %xor3A_913 = arith.constant -2147483648 : i32
        %xor3A_914 = vector.broadcast %xor3A_913 : i32 to vector<16xi32>
        %xor3A_915 = arith.xori %not3A_912, %xor3A_914 : vector<16xi32>
        %select_n3A_916 = arith.select %lt3A_910, %xor3A_915, %bitcast_convert_type3A_907 : vector<16xi1>, vector<16xi32>
        %bitcast_convert_type3A_917 = tpu.bitcast %select_n3A_916 : vector<16xi32> -> vector<16xf32>
        %mul3A_918 = arith.constant 16 : i32
        %mul3A_919 = arith.muli %scan3A_32, %mul3A_918 : i32
        %swap3A_920 = arith.constant 38 : i32
        %swap3A_921 = arith.index_cast %swap3A_920 : i32 to index
        %swap3A_922 = arith.index_cast %mul3A_919 : i32 to index
        %swap3A_923 = tpu.vector_load %arg5[%swap3A_921, %swap3A_922] {strides = array<i32>} : memref<64x512xf32, #tpu.memory_space<vmem>>, vector<16xf32>,
        tpu.vector_store %arg5[%swap3A_921, %swap3A_922], %bitcast_convert_type3A_917 {strides = array<i32>} : memref<64x512xf32, #tpu.memory_space<vmem>>, vector<16xf32>,
        %mul3A_924 = arith.constant 16 : i32
        %mul3A_925 = arith.muli %scan3A_32, %mul3A_924 : i32
        %get3A_926 = arith.constant 39 : i32
        %get3A_927 = arith.index_cast %get3A_926 : i32 to index
        %get3A_928 = arith.index_cast %mul3A_925 : i32 to index
        %get3A_929 = tpu.vector_load %arg5[%get3A_927, %get3A_928] {strides = array<i32>} : memref<64x512xf32, #tpu.memory_space<vmem>>, vector<16xf32>,
        %bitcast_convert_type3A_930 = tpu.bitcast %get3A_929 : vector<16xf32> -> vector<16xi32>
        %lt3A_931 = arith.constant 0 : i32
        %lt3A_932 = vector.broadcast %lt3A_931 : i32 to vector<16xi32>
        %lt3A_933 = arith.cmpi slt, %bitcast_convert_type3A_930, %lt3A_932 : vector<16xi32>
        %not3A_934 = arith.constant dense<-1> : vector<16xi32>
        %not3A_935 = arith.xori %bitcast_convert_type3A_930, %not3A_934 : vector<16xi32>
        %xor3A_936 = arith.constant -2147483648 : i32
        %xor3A_937 = vector.broadcast %xor3A_936 : i32 to vector<16xi32>
        %xor3A_938 = arith.xori %not3A_935, %xor3A_937 : vector<16xi32>
        %select_n3A_939 = arith.select %lt3A_933, %xor3A_938, %bitcast_convert_type3A_930 : vector<16xi1>, vector<16xi32>
        %bitcast_convert_type3A_940 = tpu.bitcast %select_n3A_939 : vector<16xi32> -> vector<16xf32>
        %mul3A_941 = arith.constant 16 : i32
        %mul3A_942 = arith.muli %scan3A_32, %mul3A_941 : i32
        %swap3A_943 = arith.constant 39 : i32
        %swap3A_944 = arith.index_cast %swap3A_943 : i32 to index
        %swap3A_945 = arith.index_cast %mul3A_942 : i32 to index
        %swap3A_946 = tpu.vector_load %arg5[%swap3A_944, %swap3A_945] {strides = array<i32>} : memref<64x512xf32, #tpu.memory_space<vmem>>, vector<16xf32>,
        tpu.vector_store %arg5[%swap3A_944, %swap3A_945], %bitcast_convert_type3A_940 {strides = array<i32>} : memref<64x512xf32, #tpu.memory_space<vmem>>, vector<16xf32>,
        %mul3A_947 = arith.constant 16 : i32
        %mul3A_948 = arith.muli %scan3A_32, %mul3A_947 : i32
        %get3A_949 = arith.constant 40 : i32
        %get3A_950 = arith.index_cast %get3A_949 : i32 to index
        %get3A_951 = arith.index_cast %mul3A_948 : i32 to index
        %get3A_952 = tpu.vector_load %arg5[%get3A_950, %get3A_951] {strides = array<i32>} : memref<64x512xf32, #tpu.memory_space<vmem>>, vector<16xf32>,
        %bitcast_convert_type3A_953 = tpu.bitcast %get3A_952 : vector<16xf32> -> vector<16xi32>
        %lt3A_954 = arith.constant 0 : i32
        %lt3A_955 = vector.broadcast %lt3A_954 : i32 to vector<16xi32>
        %lt3A_956 = arith.cmpi slt, %bitcast_convert_type3A_953, %lt3A_955 : vector<16xi32>
        %not3A_957 = arith.constant dense<-1> : vector<16xi32>
        %not3A_958 = arith.xori %bitcast_convert_type3A_953, %not3A_957 : vector<16xi32>
        %xor3A_959 = arith.constant -2147483648 : i32
        %xor3A_960 = vector.broadcast %xor3A_959 : i32 to vector<16xi32>
        %xor3A_961 = arith.xori %not3A_958, %xor3A_960 : vector<16xi32>
        %select_n3A_962 = arith.select %lt3A_956, %xor3A_961, %bitcast_convert_type3A_953 : vector<16xi1>, vector<16xi32>
        %bitcast_convert_type3A_963 = tpu.bitcast %select_n3A_962 : vector<16xi32> -> vector<16xf32>
        %mul3A_964 = arith.constant 16 : i32
        %mul3A_965 = arith.muli %scan3A_32, %mul3A_964 : i32
        %swap3A_966 = arith.constant 40 : i32
        %swap3A_967 = arith.index_cast %swap3A_966 : i32 to index
        %swap3A_968 = arith.index_cast %mul3A_965 : i32 to index
        %swap3A_969 = tpu.vector_load %arg5[%swap3A_967, %swap3A_968] {strides = array<i32>} : memref<64x512xf32, #tpu.memory_space<vmem>>, vector<16xf32>,
        tpu.vector_store %arg5[%swap3A_967, %swap3A_968], %bitcast_convert_type3A_963 {strides = array<i32>} : memref<64x512xf32, #tpu.memory_space<vmem>>, vector<16xf32>,
        %mul3A_970 = arith.constant 16 : i32
        %mul3A_971 = arith.muli %scan3A_32, %mul3A_970 : i32
        %get3A_972 = arith.constant 41 : i32
        %get3A_973 = arith.index_cast %get3A_972 : i32 to index
        %get3A_974 = arith.index_cast %mul3A_971 : i32 to index
        %get3A_975 = tpu.vector_load %arg5[%get3A_973, %get3A_974] {strides = array<i32>} : memref<64x512xf32, #tpu.memory_space<vmem>>, vector<16xf32>,
        %bitcast_convert_type3A_976 = tpu.bitcast %get3A_975 : vector<16xf32> -> vector<16xi32>
        %lt3A_977 = arith.constant 0 : i32
        %lt3A_978 = vector.broadcast %lt3A_977 : i32 to vector<16xi32>
        %lt3A_979 = arith.cmpi slt, %bitcast_convert_type3A_976, %lt3A_978 : vector<16xi32>
        %not3A_980 = arith.constant dense<-1> : vector<16xi32>
        %not3A_981 = arith.xori %bitcast_convert_type3A_976, %not3A_980 : vector<16xi32>
        %xor3A_982 = arith.constant -2147483648 : i32
        %xor3A_983 = vector.broadcast %xor3A_982 : i32 to vector<16xi32>
        %xor3A_984 = arith.xori %not3A_981, %xor3A_983 : vector<16xi32>
        %select_n3A_985 = arith.select %lt3A_979, %xor3A_984, %bitcast_convert_type3A_976 : vector<16xi1>, vector<16xi32>
        %bitcast_convert_type3A_986 = tpu.bitcast %select_n3A_985 : vector<16xi32> -> vector<16xf32>
        %mul3A_987 = arith.constant 16 : i32
        %mul3A_988 = arith.muli %scan3A_32, %mul3A_987 : i32
        %swap3A_989 = arith.constant 41 : i32
        %swap3A_990 = arith.index_cast %swap3A_989 : i32 to index
        %swap3A_991 = arith.index_cast %mul3A_988 : i32 to index
        %swap3A_992 = tpu.vector_load %arg5[%swap3A_990, %swap3A_991] {strides = array<i32>} : memref<64x512xf32, #tpu.memory_space<vmem>>, vector<16xf32>,
        tpu.vector_store %arg5[%swap3A_990, %swap3A_991], %bitcast_convert_type3A_986 {strides = array<i32>} : memref<64x512xf32, #tpu.memory_space<vmem>>, vector<16xf32>,
        %mul3A_993 = arith.constant 16 : i32
        %mul3A_994 = arith.muli %scan3A_32, %mul3A_993 : i32
        %get3A_995 = arith.constant 42 : i32
        %get3A_996 = arith.index_cast %get3A_995 : i32 to index
        %get3A_997 = arith.index_cast %mul3A_994 : i32 to index
        %get3A_998 = tpu.vector_load %arg5[%get3A_996, %get3A_997] {strides = array<i32>} : memref<64x512xf32, #tpu.memory_space<vmem>>, vector<16xf32>,
        %bitcast_convert_type3A_999 = tpu.bitcast %get3A_998 : vector<16xf32> -> vector<16xi32>
        %lt3A_1000 = arith.constant 0 : i32
        %lt3A_1001 = vector.broadcast %lt3A_1000 : i32 to vector<16xi32>
        %lt3A_1002 = arith.cmpi slt, %bitcast_convert_type3A_999, %lt3A_1001 : vector<16xi32>
        %not3A_1003 = arith.constant dense<-1> : vector<16xi32>
        %not3A_1004 = arith.xori %bitcast_convert_type3A_999, %not3A_1003 : vector<16xi32>
        %xor3A_1005 = arith.constant -2147483648 : i32
        %xor3A_1006 = vector.broadcast %xor3A_1005 : i32 to vector<16xi32>
        %xor3A_1007 = arith.xori %not3A_1004, %xor3A_1006 : vector<16xi32>
        %select_n3A_1008 = arith.select %lt3A_1002, %xor3A_1007, %bitcast_convert_type3A_999 : vector<16xi1>, vector<16xi32>
        %bitcast_convert_type3A_1009 = tpu.bitcast %select_n3A_1008 : vector<16xi32> -> vector<16xf32>
        %mul3A_1010 = arith.constant 16 : i32
        %mul3A_1011 = arith.muli %scan3A_32, %mul3A_1010 : i32
        %swap3A_1012 = arith.constant 42 : i32
        %swap3A_1013 = arith.index_cast %swap3A_1012 : i32 to index
        %swap3A_1014 = arith.index_cast %mul3A_1011 : i32 to index
        %swap3A_1015 = tpu.vector_load %arg5[%swap3A_1013, %swap3A_1014] {strides = array<i32>} : memref<64x512xf32, #tpu.memory_space<vmem>>, vector<16xf32>,
        tpu.vector_store %arg5[%swap3A_1013, %swap3A_1014], %bitcast_convert_type3A_1009 {strides = array<i32>} : memref<64x512xf32, #tpu.memory_space<vmem>>, vector<16xf32>,
        %mul3A_1016 = arith.constant 16 : i32
        %mul3A_1017 = arith.muli %scan3A_32, %mul3A_1016 : i32
        %get3A_1018 = arith.constant 43 : i32
        %get3A_1019 = arith.index_cast %get3A_1018 : i32 to index
        %get3A_1020 = arith.index_cast %mul3A_1017 : i32 to index
        %get3A_1021 = tpu.vector_load %arg5[%get3A_1019, %get3A_1020] {strides = array<i32>} : memref<64x512xf32, #tpu.memory_space<vmem>>, vector<16xf32>,
        %bitcast_convert_type3A_1022 = tpu.bitcast %get3A_1021 : vector<16xf32> -> vector<16xi32>
        %lt3A_1023 = arith.constant 0 : i32
        %lt3A_1024 = vector.broadcast %lt3A_1023 : i32 to vector<16xi32>
        %lt3A_1025 = arith.cmpi slt, %bitcast_convert_type3A_1022, %lt3A_1024 : vector<16xi32>
        %not3A_1026 = arith.constant dense<-1> : vector<16xi32>
        %not3A_1027 = arith.xori %bitcast_convert_type3A_1022, %not3A_1026 : vector<16xi32>
        %xor3A_1028 = arith.constant -2147483648 : i32
        %xor3A_1029 = vector.broadcast %xor3A_1028 : i32 to vector<16xi32>
        %xor3A_1030 = arith.xori %not3A_1027, %xor3A_1029 : vector<16xi32>
        %select_n3A_1031 = arith.select %lt3A_1025, %xor3A_1030, %bitcast_convert_type3A_1022 : vector<16xi1>, vector<16xi32>
        %bitcast_convert_type3A_1032 = tpu.bitcast %select_n3A_1031 : vector<16xi32> -> vector<16xf32>
        %mul3A_1033 = arith.constant 16 : i32
        %mul3A_1034 = arith.muli %scan3A_32, %mul3A_1033 : i32
        %swap3A_1035 = arith.constant 43 : i32
        %swap3A_1036 = arith.index_cast %swap3A_1035 : i32 to index
        %swap3A_1037 = arith.index_cast %mul3A_1034 : i32 to index
        %swap3A_1038 = tpu.vector_load %arg5[%swap3A_1036, %swap3A_1037] {strides = array<i32>} : memref<64x512xf32, #tpu.memory_space<vmem>>, vector<16xf32>,
        tpu.vector_store %arg5[%swap3A_1036, %swap3A_1037], %bitcast_convert_type3A_1032 {strides = array<i32>} : memref<64x512xf32, #tpu.memory_space<vmem>>, vector<16xf32>,
        %mul3A_1039 = arith.constant 16 : i32
        %mul3A_1040 = arith.muli %scan3A_32, %mul3A_1039 : i32
        %get3A_1041 = arith.constant 44 : i32
        %get3A_1042 = arith.index_cast %get3A_1041 : i32 to index
        %get3A_1043 = arith.index_cast %mul3A_1040 : i32 to index
        %get3A_1044 = tpu.vector_load %arg5[%get3A_1042, %get3A_1043] {strides = array<i32>} : memref<64x512xf32, #tpu.memory_space<vmem>>, vector<16xf32>,
        %bitcast_convert_type3A_1045 = tpu.bitcast %get3A_1044 : vector<16xf32> -> vector<16xi32>
        %lt3A_1046 = arith.constant 0 : i32
        %lt3A_1047 = vector.broadcast %lt3A_1046 : i32 to vector<16xi32>
        %lt3A_1048 = arith.cmpi slt, %bitcast_convert_type3A_1045, %lt3A_1047 : vector<16xi32>
        %not3A_1049 = arith.constant dense<-1> : vector<16xi32>
        %not3A_1050 = arith.xori %bitcast_convert_type3A_1045, %not3A_1049 : vector<16xi32>
        %xor3A_1051 = arith.constant -2147483648 : i32
        %xor3A_1052 = vector.broadcast %xor3A_1051 : i32 to vector<16xi32>
        %xor3A_1053 = arith.xori %not3A_1050, %xor3A_1052 : vector<16xi32>
        %select_n3A_1054 = arith.select %lt3A_1048, %xor3A_1053, %bitcast_convert_type3A_1045 : vector<16xi1>, vector<16xi32>
        %bitcast_convert_type3A_1055 = tpu.bitcast %select_n3A_1054 : vector<16xi32> -> vector<16xf32>
        %mul3A_1056 = arith.constant 16 : i32
        %mul3A_1057 = arith.muli %scan3A_32, %mul3A_1056 : i32
        %swap3A_1058 = arith.constant 44 : i32
        %swap3A_1059 = arith.index_cast %swap3A_1058 : i32 to index
        %swap3A_1060 = arith.index_cast %mul3A_1057 : i32 to index
        %swap3A_1061 = tpu.vector_load %arg5[%swap3A_1059, %swap3A_1060] {strides = array<i32>} : memref<64x512xf32, #tpu.memory_space<vmem>>, vector<16xf32>,
        tpu.vector_store %arg5[%swap3A_1059, %swap3A_1060], %bitcast_convert_type3A_1055 {strides = array<i32>} : memref<64x512xf32, #tpu.memory_space<vmem>>, vector<16xf32>,
        %mul3A_1062 = arith.constant 16 : i32
        %mul3A_1063 = arith.muli %scan3A_32, %mul3A_1062 : i32
        %get3A_1064 = arith.constant 45 : i32
        %get3A_1065 = arith.index_cast %get3A_1064 : i32 to index
        %get3A_1066 = arith.index_cast %mul3A_1063 : i32 to index
        %get3A_1067 = tpu.vector_load %arg5[%get3A_1065, %get3A_1066] {strides = array<i32>} : memref<64x512xf32, #tpu.memory_space<vmem>>, vector<16xf32>,
        %bitcast_convert_type3A_1068 = tpu.bitcast %get3A_1067 : vector<16xf32> -> vector<16xi32>
        %lt3A_1069 = arith.constant 0 : i32
        %lt3A_1070 = vector.broadcast %lt3A_1069 : i32 to vector<16xi32>
        %lt3A_1071 = arith.cmpi slt, %bitcast_convert_type3A_1068, %lt3A_1070 : vector<16xi32>
        %not3A_1072 = arith.constant dense<-1> : vector<16xi32>
        %not3A_1073 = arith.xori %bitcast_convert_type3A_1068, %not3A_1072 : vector<16xi32>
        %xor3A_1074 = arith.constant -2147483648 : i32
        %xor3A_1075 = vector.broadcast %xor3A_1074 : i32 to vector<16xi32>
        %xor3A_1076 = arith.xori %not3A_1073, %xor3A_1075 : vector<16xi32>
        %select_n3A_1077 = arith.select %lt3A_1071, %xor3A_1076, %bitcast_convert_type3A_1068 : vector<16xi1>, vector<16xi32>
        %bitcast_convert_type3A_1078 = tpu.bitcast %select_n3A_1077 : vector<16xi32> -> vector<16xf32>
        %mul3A_1079 = arith.constant 16 : i32
        %mul3A_1080 = arith.muli %scan3A_32, %mul3A_1079 : i32
        %swap3A_1081 = arith.constant 45 : i32
        %swap3A_1082 = arith.index_cast %swap3A_1081 : i32 to index
        %swap3A_1083 = arith.index_cast %mul3A_1080 : i32 to index
        %swap3A_1084 = tpu.vector_load %arg5[%swap3A_1082, %swap3A_1083] {strides = array<i32>} : memref<64x512xf32, #tpu.memory_space<vmem>>, vector<16xf32>,
        tpu.vector_store %arg5[%swap3A_1082, %swap3A_1083], %bitcast_convert_type3A_1078 {strides = array<i32>} : memref<64x512xf32, #tpu.memory_space<vmem>>, vector<16xf32>,
        %mul3A_1085 = arith.constant 16 : i32
        %mul3A_1086 = arith.muli %scan3A_32, %mul3A_1085 : i32
        %get3A_1087 = arith.constant 46 : i32
        %get3A_1088 = arith.index_cast %get3A_1087 : i32 to index
        %get3A_1089 = arith.index_cast %mul3A_1086 : i32 to index
        %get3A_1090 = tpu.vector_load %arg5[%get3A_1088, %get3A_1089] {strides = array<i32>} : memref<64x512xf32, #tpu.memory_space<vmem>>, vector<16xf32>,
        %bitcast_convert_type3A_1091 = tpu.bitcast %get3A_1090 : vector<16xf32> -> vector<16xi32>
        %lt3A_1092 = arith.constant 0 : i32
        %lt3A_1093 = vector.broadcast %lt3A_1092 : i32 to vector<16xi32>
        %lt3A_1094 = arith.cmpi slt, %bitcast_convert_type3A_1091, %lt3A_1093 : vector<16xi32>
        %not3A_1095 = arith.constant dense<-1> : vector<16xi32>
        %not3A_1096 = arith.xori %bitcast_convert_type3A_1091, %not3A_1095 : vector<16xi32>
        %xor3A_1097 = arith.constant -2147483648 : i32
        %xor3A_1098 = vector.broadcast %xor3A_1097 : i32 to vector<16xi32>
        %xor3A_1099 = arith.xori %not3A_1096, %xor3A_1098 : vector<16xi32>
        %select_n3A_1100 = arith.select %lt3A_1094, %xor3A_1099, %bitcast_convert_type3A_1091 : vector<16xi1>, vector<16xi32>
        %bitcast_convert_type3A_1101 = tpu.bitcast %select_n3A_1100 : vector<16xi32> -> vector<16xf32>
        %mul3A_1102 = arith.constant 16 : i32
        %mul3A_1103 = arith.muli %scan3A_32, %mul3A_1102 : i32
        %swap3A_1104 = arith.constant 46 : i32
        %swap3A_1105 = arith.index_cast %swap3A_1104 : i32 to index
        %swap3A_1106 = arith.index_cast %mul3A_1103 : i32 to index
        %swap3A_1107 = tpu.vector_load %arg5[%swap3A_1105, %swap3A_1106] {strides = array<i32>} : memref<64x512xf32, #tpu.memory_space<vmem>>, vector<16xf32>,
        tpu.vector_store %arg5[%swap3A_1105, %swap3A_1106], %bitcast_convert_type3A_1101 {strides = array<i32>} : memref<64x512xf32, #tpu.memory_space<vmem>>, vector<16xf32>,
        %mul3A_1108 = arith.constant 16 : i32
        %mul3A_1109 = arith.muli %scan3A_32, %mul3A_1108 : i32
        %get3A_1110 = arith.constant 47 : i32
        %get3A_1111 = arith.index_cast %get3A_1110 : i32 to index
        %get3A_1112 = arith.index_cast %mul3A_1109 : i32 to index
        %get3A_1113 = tpu.vector_load %arg5[%get3A_1111, %get3A_1112] {strides = array<i32>} : memref<64x512xf32, #tpu.memory_space<vmem>>, vector<16xf32>,
        %bitcast_convert_type3A_1114 = tpu.bitcast %get3A_1113 : vector<16xf32> -> vector<16xi32>
        %lt3A_1115 = arith.constant 0 : i32
        %lt3A_1116 = vector.broadcast %lt3A_1115 : i32 to vector<16xi32>
        %lt3A_1117 = arith.cmpi slt, %bitcast_convert_type3A_1114, %lt3A_1116 : vector<16xi32>
        %not3A_1118 = arith.constant dense<-1> : vector<16xi32>
        %not3A_1119 = arith.xori %bitcast_convert_type3A_1114, %not3A_1118 : vector<16xi32>
        %xor3A_1120 = arith.constant -2147483648 : i32
        %xor3A_1121 = vector.broadcast %xor3A_1120 : i32 to vector<16xi32>
        %xor3A_1122 = arith.xori %not3A_1119, %xor3A_1121 : vector<16xi32>
        %select_n3A_1123 = arith.select %lt3A_1117, %xor3A_1122, %bitcast_convert_type3A_1114 : vector<16xi1>, vector<16xi32>
        %bitcast_convert_type3A_1124 = tpu.bitcast %select_n3A_1123 : vector<16xi32> -> vector<16xf32>
        %mul3A_1125 = arith.constant 16 : i32
        %mul3A_1126 = arith.muli %scan3A_32, %mul3A_1125 : i32
        %swap3A_1127 = arith.constant 47 : i32
        %swap3A_1128 = arith.index_cast %swap3A_1127 : i32 to index
        %swap3A_1129 = arith.index_cast %mul3A_1126 : i32 to index
        %swap3A_1130 = tpu.vector_load %arg5[%swap3A_1128, %swap3A_1129] {strides = array<i32>} : memref<64x512xf32, #tpu.memory_space<vmem>>, vector<16xf32>,
        tpu.vector_store %arg5[%swap3A_1128, %swap3A_1129], %bitcast_convert_type3A_1124 {strides = array<i32>} : memref<64x512xf32, #tpu.memory_space<vmem>>, vector<16xf32>,
        %mul3A_1131 = arith.constant 16 : i32
        %mul3A_1132 = arith.muli %scan3A_32, %mul3A_1131 : i32
        %get3A_1133 = arith.constant 48 : i32
        %get3A_1134 = arith.index_cast %get3A_1133 : i32 to index
        %get3A_1135 = arith.index_cast %mul3A_1132 : i32 to index
        %get3A_1136 = tpu.vector_load %arg5[%get3A_1134, %get3A_1135] {strides = array<i32>} : memref<64x512xf32, #tpu.memory_space<vmem>>, vector<16xf32>,
        %bitcast_convert_type3A_1137 = tpu.bitcast %get3A_1136 : vector<16xf32> -> vector<16xi32>
        %lt3A_1138 = arith.constant 0 : i32
        %lt3A_1139 = vector.broadcast %lt3A_1138 : i32 to vector<16xi32>
        %lt3A_1140 = arith.cmpi slt, %bitcast_convert_type3A_1137, %lt3A_1139 : vector<16xi32>
        %not3A_1141 = arith.constant dense<-1> : vector<16xi32>
        %not3A_1142 = arith.xori %bitcast_convert_type3A_1137, %not3A_1141 : vector<16xi32>
        %xor3A_1143 = arith.constant -2147483648 : i32
        %xor3A_1144 = vector.broadcast %xor3A_1143 : i32 to vector<16xi32>
        %xor3A_1145 = arith.xori %not3A_1142, %xor3A_1144 : vector<16xi32>
        %select_n3A_1146 = arith.select %lt3A_1140, %xor3A_1145, %bitcast_convert_type3A_1137 : vector<16xi1>, vector<16xi32>
        %bitcast_convert_type3A_1147 = tpu.bitcast %select_n3A_1146 : vector<16xi32> -> vector<16xf32>
        %mul3A_1148 = arith.constant 16 : i32
        %mul3A_1149 = arith.muli %scan3A_32, %mul3A_1148 : i32
        %swap3A_1150 = arith.constant 48 : i32
        %swap3A_1151 = arith.index_cast %swap3A_1150 : i32 to index
        %swap3A_1152 = arith.index_cast %mul3A_1149 : i32 to index
        %swap3A_1153 = tpu.vector_load %arg5[%swap3A_1151, %swap3A_1152] {strides = array<i32>} : memref<64x512xf32, #tpu.memory_space<vmem>>, vector<16xf32>,
        tpu.vector_store %arg5[%swap3A_1151, %swap3A_1152], %bitcast_convert_type3A_1147 {strides = array<i32>} : memref<64x512xf32, #tpu.memory_space<vmem>>, vector<16xf32>,
        %mul3A_1154 = arith.constant 16 : i32
        %mul3A_1155 = arith.muli %scan3A_32, %mul3A_1154 : i32
        %get3A_1156 = arith.constant 49 : i32
        %get3A_1157 = arith.index_cast %get3A_1156 : i32 to index
        %get3A_1158 = arith.index_cast %mul3A_1155 : i32 to index
        %get3A_1159 = tpu.vector_load %arg5[%get3A_1157, %get3A_1158] {strides = array<i32>} : memref<64x512xf32, #tpu.memory_space<vmem>>, vector<16xf32>,
        %bitcast_convert_type3A_1160 = tpu.bitcast %get3A_1159 : vector<16xf32> -> vector<16xi32>
        %lt3A_1161 = arith.constant 0 : i32
        %lt3A_1162 = vector.broadcast %lt3A_1161 : i32 to vector<16xi32>
        %lt3A_1163 = arith.cmpi slt, %bitcast_convert_type3A_1160, %lt3A_1162 : vector<16xi32>
        %not3A_1164 = arith.constant dense<-1> : vector<16xi32>
        %not3A_1165 = arith.xori %bitcast_convert_type3A_1160, %not3A_1164 : vector<16xi32>
        %xor3A_1166 = arith.constant -2147483648 : i32
        %xor3A_1167 = vector.broadcast %xor3A_1166 : i32 to vector<16xi32>
        %xor3A_1168 = arith.xori %not3A_1165, %xor3A_1167 : vector<16xi32>
        %select_n3A_1169 = arith.select %lt3A_1163, %xor3A_1168, %bitcast_convert_type3A_1160 : vector<16xi1>, vector<16xi32>
        %bitcast_convert_type3A_1170 = tpu.bitcast %select_n3A_1169 : vector<16xi32> -> vector<16xf32>
        %mul3A_1171 = arith.constant 16 : i32
        %mul3A_1172 = arith.muli %scan3A_32, %mul3A_1171 : i32
        %swap3A_1173 = arith.constant 49 : i32
        %swap3A_1174 = arith.index_cast %swap3A_1173 : i32 to index
        %swap3A_1175 = arith.index_cast %mul3A_1172 : i32 to index
        %swap3A_1176 = tpu.vector_load %arg5[%swap3A_1174, %swap3A_1175] {strides = array<i32>} : memref<64x512xf32, #tpu.memory_space<vmem>>, vector<16xf32>,
        tpu.vector_store %arg5[%swap3A_1174, %swap3A_1175], %bitcast_convert_type3A_1170 {strides = array<i32>} : memref<64x512xf32, #tpu.memory_space<vmem>>, vector<16xf32>,
        %mul3A_1177 = arith.constant 16 : i32
        %mul3A_1178 = arith.muli %scan3A_32, %mul3A_1177 : i32
        %get3A_1179 = arith.constant 50 : i32
        %get3A_1180 = arith.index_cast %get3A_1179 : i32 to index
        %get3A_1181 = arith.index_cast %mul3A_1178 : i32 to index
        %get3A_1182 = tpu.vector_load %arg5[%get3A_1180, %get3A_1181] {strides = array<i32>} : memref<64x512xf32, #tpu.memory_space<vmem>>, vector<16xf32>,
        %bitcast_convert_type3A_1183 = tpu.bitcast %get3A_1182 : vector<16xf32> -> vector<16xi32>
        %lt3A_1184 = arith.constant 0 : i32
        %lt3A_1185 = vector.broadcast %lt3A_1184 : i32 to vector<16xi32>
        %lt3A_1186 = arith.cmpi slt, %bitcast_convert_type3A_1183, %lt3A_1185 : vector<16xi32>
        %not3A_1187 = arith.constant dense<-1> : vector<16xi32>
        %not3A_1188 = arith.xori %bitcast_convert_type3A_1183, %not3A_1187 : vector<16xi32>
        %xor3A_1189 = arith.constant -2147483648 : i32
        %xor3A_1190 = vector.broadcast %xor3A_1189 : i32 to vector<16xi32>
        %xor3A_1191 = arith.xori %not3A_1188, %xor3A_1190 : vector<16xi32>
        %select_n3A_1192 = arith.select %lt3A_1186, %xor3A_1191, %bitcast_convert_type3A_1183 : vector<16xi1>, vector<16xi32>
        %bitcast_convert_type3A_1193 = tpu.bitcast %select_n3A_1192 : vector<16xi32> -> vector<16xf32>
        %mul3A_1194 = arith.constant 16 : i32
        %mul3A_1195 = arith.muli %scan3A_32, %mul3A_1194 : i32
        %swap3A_1196 = arith.constant 50 : i32
        %swap3A_1197 = arith.index_cast %swap3A_1196 : i32 to index
        %swap3A_1198 = arith.index_cast %mul3A_1195 : i32 to index
        %swap3A_1199 = tpu.vector_load %arg5[%swap3A_1197, %swap3A_1198] {strides = array<i32>} : memref<64x512xf32, #tpu.memory_space<vmem>>, vector<16xf32>,
        tpu.vector_store %arg5[%swap3A_1197, %swap3A_1198], %bitcast_convert_type3A_1193 {strides = array<i32>} : memref<64x512xf32, #tpu.memory_space<vmem>>, vector<16xf32>,
        %mul3A_1200 = arith.constant 16 : i32
        %mul3A_1201 = arith.muli %scan3A_32, %mul3A_1200 : i32
        %get3A_1202 = arith.constant 51 : i32
        %get3A_1203 = arith.index_cast %get3A_1202 : i32 to index
        %get3A_1204 = arith.index_cast %mul3A_1201 : i32 to index
        %get3A_1205 = tpu.vector_load %arg5[%get3A_1203, %get3A_1204] {strides = array<i32>} : memref<64x512xf32, #tpu.memory_space<vmem>>, vector<16xf32>,
        %bitcast_convert_type3A_1206 = tpu.bitcast %get3A_1205 : vector<16xf32> -> vector<16xi32>
        %lt3A_1207 = arith.constant 0 : i32
        %lt3A_1208 = vector.broadcast %lt3A_1207 : i32 to vector<16xi32>
        %lt3A_1209 = arith.cmpi slt, %bitcast_convert_type3A_1206, %lt3A_1208 : vector<16xi32>
        %not3A_1210 = arith.constant dense<-1> : vector<16xi32>
        %not3A_1211 = arith.xori %bitcast_convert_type3A_1206, %not3A_1210 : vector<16xi32>
        %xor3A_1212 = arith.constant -2147483648 : i32
        %xor3A_1213 = vector.broadcast %xor3A_1212 : i32 to vector<16xi32>
        %xor3A_1214 = arith.xori %not3A_1211, %xor3A_1213 : vector<16xi32>
        %select_n3A_1215 = arith.select %lt3A_1209, %xor3A_1214, %bitcast_convert_type3A_1206 : vector<16xi1>, vector<16xi32>
        %bitcast_convert_type3A_1216 = tpu.bitcast %select_n3A_1215 : vector<16xi32> -> vector<16xf32>
        %mul3A_1217 = arith.constant 16 : i32
        %mul3A_1218 = arith.muli %scan3A_32, %mul3A_1217 : i32
        %swap3A_1219 = arith.constant 51 : i32
        %swap3A_1220 = arith.index_cast %swap3A_1219 : i32 to index
        %swap3A_1221 = arith.index_cast %mul3A_1218 : i32 to index
        %swap3A_1222 = tpu.vector_load %arg5[%swap3A_1220, %swap3A_1221] {strides = array<i32>} : memref<64x512xf32, #tpu.memory_space<vmem>>, vector<16xf32>,
        tpu.vector_store %arg5[%swap3A_1220, %swap3A_1221], %bitcast_convert_type3A_1216 {strides = array<i32>} : memref<64x512xf32, #tpu.memory_space<vmem>>, vector<16xf32>,
        %mul3A_1223 = arith.constant 16 : i32
        %mul3A_1224 = arith.muli %scan3A_32, %mul3A_1223 : i32
        %get3A_1225 = arith.constant 52 : i32
        %get3A_1226 = arith.index_cast %get3A_1225 : i32 to index
        %get3A_1227 = arith.index_cast %mul3A_1224 : i32 to index
        %get3A_1228 = tpu.vector_load %arg5[%get3A_1226, %get3A_1227] {strides = array<i32>} : memref<64x512xf32, #tpu.memory_space<vmem>>, vector<16xf32>,
        %bitcast_convert_type3A_1229 = tpu.bitcast %get3A_1228 : vector<16xf32> -> vector<16xi32>
        %lt3A_1230 = arith.constant 0 : i32
        %lt3A_1231 = vector.broadcast %lt3A_1230 : i32 to vector<16xi32>
        %lt3A_1232 = arith.cmpi slt, %bitcast_convert_type3A_1229, %lt3A_1231 : vector<16xi32>
        %not3A_1233 = arith.constant dense<-1> : vector<16xi32>
        %not3A_1234 = arith.xori %bitcast_convert_type3A_1229, %not3A_1233 : vector<16xi32>
        %xor3A_1235 = arith.constant -2147483648 : i32
        %xor3A_1236 = vector.broadcast %xor3A_1235 : i32 to vector<16xi32>
        %xor3A_1237 = arith.xori %not3A_1234, %xor3A_1236 : vector<16xi32>
        %select_n3A_1238 = arith.select %lt3A_1232, %xor3A_1237, %bitcast_convert_type3A_1229 : vector<16xi1>, vector<16xi32>
        %bitcast_convert_type3A_1239 = tpu.bitcast %select_n3A_1238 : vector<16xi32> -> vector<16xf32>
        %mul3A_1240 = arith.constant 16 : i32
        %mul3A_1241 = arith.muli %scan3A_32, %mul3A_1240 : i32
        %swap3A_1242 = arith.constant 52 : i32
        %swap3A_1243 = arith.index_cast %swap3A_1242 : i32 to index
        %swap3A_1244 = arith.index_cast %mul3A_1241 : i32 to index
        %swap3A_1245 = tpu.vector_load %arg5[%swap3A_1243, %swap3A_1244] {strides = array<i32>} : memref<64x512xf32, #tpu.memory_space<vmem>>, vector<16xf32>,
        tpu.vector_store %arg5[%swap3A_1243, %swap3A_1244], %bitcast_convert_type3A_1239 {strides = array<i32>} : memref<64x512xf32, #tpu.memory_space<vmem>>, vector<16xf32>,
        %mul3A_1246 = arith.constant 16 : i32
        %mul3A_1247 = arith.muli %scan3A_32, %mul3A_1246 : i32
        %get3A_1248 = arith.constant 53 : i32
        %get3A_1249 = arith.index_cast %get3A_1248 : i32 to index
        %get3A_1250 = arith.index_cast %mul3A_1247 : i32 to index
        %get3A_1251 = tpu.vector_load %arg5[%get3A_1249, %get3A_1250] {strides = array<i32>} : memref<64x512xf32, #tpu.memory_space<vmem>>, vector<16xf32>,
        %bitcast_convert_type3A_1252 = tpu.bitcast %get3A_1251 : vector<16xf32> -> vector<16xi32>
        %lt3A_1253 = arith.constant 0 : i32
        %lt3A_1254 = vector.broadcast %lt3A_1253 : i32 to vector<16xi32>
        %lt3A_1255 = arith.cmpi slt, %bitcast_convert_type3A_1252, %lt3A_1254 : vector<16xi32>
        %not3A_1256 = arith.constant dense<-1> : vector<16xi32>
        %not3A_1257 = arith.xori %bitcast_convert_type3A_1252, %not3A_1256 : vector<16xi32>
        %xor3A_1258 = arith.constant -2147483648 : i32
        %xor3A_1259 = vector.broadcast %xor3A_1258 : i32 to vector<16xi32>
        %xor3A_1260 = arith.xori %not3A_1257, %xor3A_1259 : vector<16xi32>
        %select_n3A_1261 = arith.select %lt3A_1255, %xor3A_1260, %bitcast_convert_type3A_1252 : vector<16xi1>, vector<16xi32>
        %bitcast_convert_type3A_1262 = tpu.bitcast %select_n3A_1261 : vector<16xi32> -> vector<16xf32>
        %mul3A_1263 = arith.constant 16 : i32
        %mul3A_1264 = arith.muli %scan3A_32, %mul3A_1263 : i32
        %swap3A_1265 = arith.constant 53 : i32
        %swap3A_1266 = arith.index_cast %swap3A_1265 : i32 to index
        %swap3A_1267 = arith.index_cast %mul3A_1264 : i32 to index
        %swap3A_1268 = tpu.vector_load %arg5[%swap3A_1266, %swap3A_1267] {strides = array<i32>} : memref<64x512xf32, #tpu.memory_space<vmem>>, vector<16xf32>,
        tpu.vector_store %arg5[%swap3A_1266, %swap3A_1267], %bitcast_convert_type3A_1262 {strides = array<i32>} : memref<64x512xf32, #tpu.memory_space<vmem>>, vector<16xf32>,
        %mul3A_1269 = arith.constant 16 : i32
        %mul3A_1270 = arith.muli %scan3A_32, %mul3A_1269 : i32
        %get3A_1271 = arith.constant 54 : i32
        %get3A_1272 = arith.index_cast %get3A_1271 : i32 to index
        %get3A_1273 = arith.index_cast %mul3A_1270 : i32 to index
        %get3A_1274 = tpu.vector_load %arg5[%get3A_1272, %get3A_1273] {strides = array<i32>} : memref<64x512xf32, #tpu.memory_space<vmem>>, vector<16xf32>,
        %bitcast_convert_type3A_1275 = tpu.bitcast %get3A_1274 : vector<16xf32> -> vector<16xi32>
        %lt3A_1276 = arith.constant 0 : i32
        %lt3A_1277 = vector.broadcast %lt3A_1276 : i32 to vector<16xi32>
        %lt3A_1278 = arith.cmpi slt, %bitcast_convert_type3A_1275, %lt3A_1277 : vector<16xi32>
        %not3A_1279 = arith.constant dense<-1> : vector<16xi32>
        %not3A_1280 = arith.xori %bitcast_convert_type3A_1275, %not3A_1279 : vector<16xi32>
        %xor3A_1281 = arith.constant -2147483648 : i32
        %xor3A_1282 = vector.broadcast %xor3A_1281 : i32 to vector<16xi32>
        %xor3A_1283 = arith.xori %not3A_1280, %xor3A_1282 : vector<16xi32>
        %select_n3A_1284 = arith.select %lt3A_1278, %xor3A_1283, %bitcast_convert_type3A_1275 : vector<16xi1>, vector<16xi32>
        %bitcast_convert_type3A_1285 = tpu.bitcast %select_n3A_1284 : vector<16xi32> -> vector<16xf32>
        %mul3A_1286 = arith.constant 16 : i32
        %mul3A_1287 = arith.muli %scan3A_32, %mul3A_1286 : i32
        %swap3A_1288 = arith.constant 54 : i32
        %swap3A_1289 = arith.index_cast %swap3A_1288 : i32 to index
        %swap3A_1290 = arith.index_cast %mul3A_1287 : i32 to index
        %swap3A_1291 = tpu.vector_load %arg5[%swap3A_1289, %swap3A_1290] {strides = array<i32>} : memref<64x512xf32, #tpu.memory_space<vmem>>, vector<16xf32>,
        tpu.vector_store %arg5[%swap3A_1289, %swap3A_1290], %bitcast_convert_type3A_1285 {strides = array<i32>} : memref<64x512xf32, #tpu.memory_space<vmem>>, vector<16xf32>,
        %mul3A_1292 = arith.constant 16 : i32
        %mul3A_1293 = arith.muli %scan3A_32, %mul3A_1292 : i32
        %get3A_1294 = arith.constant 55 : i32
        %get3A_1295 = arith.index_cast %get3A_1294 : i32 to index
        %get3A_1296 = arith.index_cast %mul3A_1293 : i32 to index
        %get3A_1297 = tpu.vector_load %arg5[%get3A_1295, %get3A_1296] {strides = array<i32>} : memref<64x512xf32, #tpu.memory_space<vmem>>, vector<16xf32>,
        %bitcast_convert_type3A_1298 = tpu.bitcast %get3A_1297 : vector<16xf32> -> vector<16xi32>
        %lt3A_1299 = arith.constant 0 : i32
        %lt3A_1300 = vector.broadcast %lt3A_1299 : i32 to vector<16xi32>
        %lt3A_1301 = arith.cmpi slt, %bitcast_convert_type3A_1298, %lt3A_1300 : vector<16xi32>
        %not3A_1302 = arith.constant dense<-1> : vector<16xi32>
        %not3A_1303 = arith.xori %bitcast_convert_type3A_1298, %not3A_1302 : vector<16xi32>
        %xor3A_1304 = arith.constant -2147483648 : i32
        %xor3A_1305 = vector.broadcast %xor3A_1304 : i32 to vector<16xi32>
        %xor3A_1306 = arith.xori %not3A_1303, %xor3A_1305 : vector<16xi32>
        %select_n3A_1307 = arith.select %lt3A_1301, %xor3A_1306, %bitcast_convert_type3A_1298 : vector<16xi1>, vector<16xi32>
        %bitcast_convert_type3A_1308 = tpu.bitcast %select_n3A_1307 : vector<16xi32> -> vector<16xf32>
        %mul3A_1309 = arith.constant 16 : i32
        %mul3A_1310 = arith.muli %scan3A_32, %mul3A_1309 : i32
        %swap3A_1311 = arith.constant 55 : i32
        %swap3A_1312 = arith.index_cast %swap3A_1311 : i32 to index
        %swap3A_1313 = arith.index_cast %mul3A_1310 : i32 to index
        %swap3A_1314 = tpu.vector_load %arg5[%swap3A_1312, %swap3A_1313] {strides = array<i32>} : memref<64x512xf32, #tpu.memory_space<vmem>>, vector<16xf32>,
        tpu.vector_store %arg5[%swap3A_1312, %swap3A_1313], %bitcast_convert_type3A_1308 {strides = array<i32>} : memref<64x512xf32, #tpu.memory_space<vmem>>, vector<16xf32>,
        %mul3A_1315 = arith.constant 16 : i32
        %mul3A_1316 = arith.muli %scan3A_32, %mul3A_1315 : i32
        %get3A_1317 = arith.constant 56 : i32
        %get3A_1318 = arith.index_cast %get3A_1317 : i32 to index
        %get3A_1319 = arith.index_cast %mul3A_1316 : i32 to index
        %get3A_1320 = tpu.vector_load %arg5[%get3A_1318, %get3A_1319] {strides = array<i32>} : memref<64x512xf32, #tpu.memory_space<vmem>>, vector<16xf32>,
        %bitcast_convert_type3A_1321 = tpu.bitcast %get3A_1320 : vector<16xf32> -> vector<16xi32>
        %lt3A_1322 = arith.constant 0 : i32
        %lt3A_1323 = vector.broadcast %lt3A_1322 : i32 to vector<16xi32>
        %lt3A_1324 = arith.cmpi slt, %bitcast_convert_type3A_1321, %lt3A_1323 : vector<16xi32>
        %not3A_1325 = arith.constant dense<-1> : vector<16xi32>
        %not3A_1326 = arith.xori %bitcast_convert_type3A_1321, %not3A_1325 : vector<16xi32>
        %xor3A_1327 = arith.constant -2147483648 : i32
        %xor3A_1328 = vector.broadcast %xor3A_1327 : i32 to vector<16xi32>
        %xor3A_1329 = arith.xori %not3A_1326, %xor3A_1328 : vector<16xi32>
        %select_n3A_1330 = arith.select %lt3A_1324, %xor3A_1329, %bitcast_convert_type3A_1321 : vector<16xi1>, vector<16xi32>
        %bitcast_convert_type3A_1331 = tpu.bitcast %select_n3A_1330 : vector<16xi32> -> vector<16xf32>
        %mul3A_1332 = arith.constant 16 : i32
        %mul3A_1333 = arith.muli %scan3A_32, %mul3A_1332 : i32
        %swap3A_1334 = arith.constant 56 : i32
        %swap3A_1335 = arith.index_cast %swap3A_1334 : i32 to index
        %swap3A_1336 = arith.index_cast %mul3A_1333 : i32 to index
        %swap3A_1337 = tpu.vector_load %arg5[%swap3A_1335, %swap3A_1336] {strides = array<i32>} : memref<64x512xf32, #tpu.memory_space<vmem>>, vector<16xf32>,
        tpu.vector_store %arg5[%swap3A_1335, %swap3A_1336], %bitcast_convert_type3A_1331 {strides = array<i32>} : memref<64x512xf32, #tpu.memory_space<vmem>>, vector<16xf32>,
        %mul3A_1338 = arith.constant 16 : i32
        %mul3A_1339 = arith.muli %scan3A_32, %mul3A_1338 : i32
        %get3A_1340 = arith.constant 57 : i32
        %get3A_1341 = arith.index_cast %get3A_1340 : i32 to index
        %get3A_1342 = arith.index_cast %mul3A_1339 : i32 to index
        %get3A_1343 = tpu.vector_load %arg5[%get3A_1341, %get3A_1342] {strides = array<i32>} : memref<64x512xf32, #tpu.memory_space<vmem>>, vector<16xf32>,
        %bitcast_convert_type3A_1344 = tpu.bitcast %get3A_1343 : vector<16xf32> -> vector<16xi32>
        %lt3A_1345 = arith.constant 0 : i32
        %lt3A_1346 = vector.broadcast %lt3A_1345 : i32 to vector<16xi32>
        %lt3A_1347 = arith.cmpi slt, %bitcast_convert_type3A_1344, %lt3A_1346 : vector<16xi32>
        %not3A_1348 = arith.constant dense<-1> : vector<16xi32>
        %not3A_1349 = arith.xori %bitcast_convert_type3A_1344, %not3A_1348 : vector<16xi32>
        %xor3A_1350 = arith.constant -2147483648 : i32
        %xor3A_1351 = vector.broadcast %xor3A_1350 : i32 to vector<16xi32>
        %xor3A_1352 = arith.xori %not3A_1349, %xor3A_1351 : vector<16xi32>
        %select_n3A_1353 = arith.select %lt3A_1347, %xor3A_1352, %bitcast_convert_type3A_1344 : vector<16xi1>, vector<16xi32>
        %bitcast_convert_type3A_1354 = tpu.bitcast %select_n3A_1353 : vector<16xi32> -> vector<16xf32>
        %mul3A_1355 = arith.constant 16 : i32
        %mul3A_1356 = arith.muli %scan3A_32, %mul3A_1355 : i32
        %swap3A_1357 = arith.constant 57 : i32
        %swap3A_1358 = arith.index_cast %swap3A_1357 : i32 to index
        %swap3A_1359 = arith.index_cast %mul3A_1356 : i32 to index
        %swap3A_1360 = tpu.vector_load %arg5[%swap3A_1358, %swap3A_1359] {strides = array<i32>} : memref<64x512xf32, #tpu.memory_space<vmem>>, vector<16xf32>,
        tpu.vector_store %arg5[%swap3A_1358, %swap3A_1359], %bitcast_convert_type3A_1354 {strides = array<i32>} : memref<64x512xf32, #tpu.memory_space<vmem>>, vector<16xf32>,
        %mul3A_1361 = arith.constant 16 : i32
        %mul3A_1362 = arith.muli %scan3A_32, %mul3A_1361 : i32
        %get3A_1363 = arith.constant 58 : i32
        %get3A_1364 = arith.index_cast %get3A_1363 : i32 to index
        %get3A_1365 = arith.index_cast %mul3A_1362 : i32 to index
        %get3A_1366 = tpu.vector_load %arg5[%get3A_1364, %get3A_1365] {strides = array<i32>} : memref<64x512xf32, #tpu.memory_space<vmem>>, vector<16xf32>,
        %bitcast_convert_type3A_1367 = tpu.bitcast %get3A_1366 : vector<16xf32> -> vector<16xi32>
        %lt3A_1368 = arith.constant 0 : i32
        %lt3A_1369 = vector.broadcast %lt3A_1368 : i32 to vector<16xi32>
        %lt3A_1370 = arith.cmpi slt, %bitcast_convert_type3A_1367, %lt3A_1369 : vector<16xi32>
        %not3A_1371 = arith.constant dense<-1> : vector<16xi32>
        %not3A_1372 = arith.xori %bitcast_convert_type3A_1367, %not3A_1371 : vector<16xi32>
        %xor3A_1373 = arith.constant -2147483648 : i32
        %xor3A_1374 = vector.broadcast %xor3A_1373 : i32 to vector<16xi32>
        %xor3A_1375 = arith.xori %not3A_1372, %xor3A_1374 : vector<16xi32>
        %select_n3A_1376 = arith.select %lt3A_1370, %xor3A_1375, %bitcast_convert_type3A_1367 : vector<16xi1>, vector<16xi32>
        %bitcast_convert_type3A_1377 = tpu.bitcast %select_n3A_1376 : vector<16xi32> -> vector<16xf32>
        %mul3A_1378 = arith.constant 16 : i32
        %mul3A_1379 = arith.muli %scan3A_32, %mul3A_1378 : i32
        %swap3A_1380 = arith.constant 58 : i32
        %swap3A_1381 = arith.index_cast %swap3A_1380 : i32 to index
        %swap3A_1382 = arith.index_cast %mul3A_1379 : i32 to index
        %swap3A_1383 = tpu.vector_load %arg5[%swap3A_1381, %swap3A_1382] {strides = array<i32>} : memref<64x512xf32, #tpu.memory_space<vmem>>, vector<16xf32>,
        tpu.vector_store %arg5[%swap3A_1381, %swap3A_1382], %bitcast_convert_type3A_1377 {strides = array<i32>} : memref<64x512xf32, #tpu.memory_space<vmem>>, vector<16xf32>,
        %mul3A_1384 = arith.constant 16 : i32
        %mul3A_1385 = arith.muli %scan3A_32, %mul3A_1384 : i32
        %get3A_1386 = arith.constant 59 : i32
        %get3A_1387 = arith.index_cast %get3A_1386 : i32 to index
        %get3A_1388 = arith.index_cast %mul3A_1385 : i32 to index
        %get3A_1389 = tpu.vector_load %arg5[%get3A_1387, %get3A_1388] {strides = array<i32>} : memref<64x512xf32, #tpu.memory_space<vmem>>, vector<16xf32>,
        %bitcast_convert_type3A_1390 = tpu.bitcast %get3A_1389 : vector<16xf32> -> vector<16xi32>
        %lt3A_1391 = arith.constant 0 : i32
        %lt3A_1392 = vector.broadcast %lt3A_1391 : i32 to vector<16xi32>
        %lt3A_1393 = arith.cmpi slt, %bitcast_convert_type3A_1390, %lt3A_1392 : vector<16xi32>
        %not3A_1394 = arith.constant dense<-1> : vector<16xi32>
        %not3A_1395 = arith.xori %bitcast_convert_type3A_1390, %not3A_1394 : vector<16xi32>
        %xor3A_1396 = arith.constant -2147483648 : i32
        %xor3A_1397 = vector.broadcast %xor3A_1396 : i32 to vector<16xi32>
        %xor3A_1398 = arith.xori %not3A_1395, %xor3A_1397 : vector<16xi32>
        %select_n3A_1399 = arith.select %lt3A_1393, %xor3A_1398, %bitcast_convert_type3A_1390 : vector<16xi1>, vector<16xi32>
        %bitcast_convert_type3A_1400 = tpu.bitcast %select_n3A_1399 : vector<16xi32> -> vector<16xf32>
        %mul3A_1401 = arith.constant 16 : i32
        %mul3A_1402 = arith.muli %scan3A_32, %mul3A_1401 : i32
        %swap3A_1403 = arith.constant 59 : i32
        %swap3A_1404 = arith.index_cast %swap3A_1403 : i32 to index
        %swap3A_1405 = arith.index_cast %mul3A_1402 : i32 to index
        %swap3A_1406 = tpu.vector_load %arg5[%swap3A_1404, %swap3A_1405] {strides = array<i32>} : memref<64x512xf32, #tpu.memory_space<vmem>>, vector<16xf32>,
        tpu.vector_store %arg5[%swap3A_1404, %swap3A_1405], %bitcast_convert_type3A_1400 {strides = array<i32>} : memref<64x512xf32, #tpu.memory_space<vmem>>, vector<16xf32>,
        %mul3A_1407 = arith.constant 16 : i32
        %mul3A_1408 = arith.muli %scan3A_32, %mul3A_1407 : i32
        %get3A_1409 = arith.constant 60 : i32
        %get3A_1410 = arith.index_cast %get3A_1409 : i32 to index
        %get3A_1411 = arith.index_cast %mul3A_1408 : i32 to index
        %get3A_1412 = tpu.vector_load %arg5[%get3A_1410, %get3A_1411] {strides = array<i32>} : memref<64x512xf32, #tpu.memory_space<vmem>>, vector<16xf32>,
        %bitcast_convert_type3A_1413 = tpu.bitcast %get3A_1412 : vector<16xf32> -> vector<16xi32>
        %lt3A_1414 = arith.constant 0 : i32
        %lt3A_1415 = vector.broadcast %lt3A_1414 : i32 to vector<16xi32>
        %lt3A_1416 = arith.cmpi slt, %bitcast_convert_type3A_1413, %lt3A_1415 : vector<16xi32>
        %not3A_1417 = arith.constant dense<-1> : vector<16xi32>
        %not3A_1418 = arith.xori %bitcast_convert_type3A_1413, %not3A_1417 : vector<16xi32>
        %xor3A_1419 = arith.constant -2147483648 : i32
        %xor3A_1420 = vector.broadcast %xor3A_1419 : i32 to vector<16xi32>
        %xor3A_1421 = arith.xori %not3A_1418, %xor3A_1420 : vector<16xi32>
        %select_n3A_1422 = arith.select %lt3A_1416, %xor3A_1421, %bitcast_convert_type3A_1413 : vector<16xi1>, vector<16xi32>
        %bitcast_convert_type3A_1423 = tpu.bitcast %select_n3A_1422 : vector<16xi32> -> vector<16xf32>
        %mul3A_1424 = arith.constant 16 : i32
        %mul3A_1425 = arith.muli %scan3A_32, %mul3A_1424 : i32
        %swap3A_1426 = arith.constant 60 : i32
        %swap3A_1427 = arith.index_cast %swap3A_1426 : i32 to index
        %swap3A_1428 = arith.index_cast %mul3A_1425 : i32 to index
        %swap3A_1429 = tpu.vector_load %arg5[%swap3A_1427, %swap3A_1428] {strides = array<i32>} : memref<64x512xf32, #tpu.memory_space<vmem>>, vector<16xf32>,
        tpu.vector_store %arg5[%swap3A_1427, %swap3A_1428], %bitcast_convert_type3A_1423 {strides = array<i32>} : memref<64x512xf32, #tpu.memory_space<vmem>>, vector<16xf32>,
        %mul3A_1430 = arith.constant 16 : i32
        %mul3A_1431 = arith.muli %scan3A_32, %mul3A_1430 : i32
        %get3A_1432 = arith.constant 61 : i32
        %get3A_1433 = arith.index_cast %get3A_1432 : i32 to index
        %get3A_1434 = arith.index_cast %mul3A_1431 : i32 to index
        %get3A_1435 = tpu.vector_load %arg5[%get3A_1433, %get3A_1434] {strides = array<i32>} : memref<64x512xf32, #tpu.memory_space<vmem>>, vector<16xf32>,
        %bitcast_convert_type3A_1436 = tpu.bitcast %get3A_1435 : vector<16xf32> -> vector<16xi32>
        %lt3A_1437 = arith.constant 0 : i32
        %lt3A_1438 = vector.broadcast %lt3A_1437 : i32 to vector<16xi32>
        %lt3A_1439 = arith.cmpi slt, %bitcast_convert_type3A_1436, %lt3A_1438 : vector<16xi32>
        %not3A_1440 = arith.constant dense<-1> : vector<16xi32>
        %not3A_1441 = arith.xori %bitcast_convert_type3A_1436, %not3A_1440 : vector<16xi32>
        %xor3A_1442 = arith.constant -2147483648 : i32
        %xor3A_1443 = vector.broadcast %xor3A_1442 : i32 to vector<16xi32>
        %xor3A_1444 = arith.xori %not3A_1441, %xor3A_1443 : vector<16xi32>
        %select_n3A_1445 = arith.select %lt3A_1439, %xor3A_1444, %bitcast_convert_type3A_1436 : vector<16xi1>, vector<16xi32>
        %bitcast_convert_type3A_1446 = tpu.bitcast %select_n3A_1445 : vector<16xi32> -> vector<16xf32>
        %mul3A_1447 = arith.constant 16 : i32
        %mul3A_1448 = arith.muli %scan3A_32, %mul3A_1447 : i32
        %swap3A_1449 = arith.constant 61 : i32
        %swap3A_1450 = arith.index_cast %swap3A_1449 : i32 to index
        %swap3A_1451 = arith.index_cast %mul3A_1448 : i32 to index
        %swap3A_1452 = tpu.vector_load %arg5[%swap3A_1450, %swap3A_1451] {strides = array<i32>} : memref<64x512xf32, #tpu.memory_space<vmem>>, vector<16xf32>,
        tpu.vector_store %arg5[%swap3A_1450, %swap3A_1451], %bitcast_convert_type3A_1446 {strides = array<i32>} : memref<64x512xf32, #tpu.memory_space<vmem>>, vector<16xf32>,
        %mul3A_1453 = arith.constant 16 : i32
        %mul3A_1454 = arith.muli %scan3A_32, %mul3A_1453 : i32
        %get3A_1455 = arith.constant 62 : i32
        %get3A_1456 = arith.index_cast %get3A_1455 : i32 to index
        %get3A_1457 = arith.index_cast %mul3A_1454 : i32 to index
        %get3A_1458 = tpu.vector_load %arg5[%get3A_1456, %get3A_1457] {strides = array<i32>} : memref<64x512xf32, #tpu.memory_space<vmem>>, vector<16xf32>,
        %bitcast_convert_type3A_1459 = tpu.bitcast %get3A_1458 : vector<16xf32> -> vector<16xi32>
        %lt3A_1460 = arith.constant 0 : i32
        %lt3A_1461 = vector.broadcast %lt3A_1460 : i32 to vector<16xi32>
        %lt3A_1462 = arith.cmpi slt, %bitcast_convert_type3A_1459, %lt3A_1461 : vector<16xi32>
        %not3A_1463 = arith.constant dense<-1> : vector<16xi32>
        %not3A_1464 = arith.xori %bitcast_convert_type3A_1459, %not3A_1463 : vector<16xi32>
        %xor3A_1465 = arith.constant -2147483648 : i32
        %xor3A_1466 = vector.broadcast %xor3A_1465 : i32 to vector<16xi32>
        %xor3A_1467 = arith.xori %not3A_1464, %xor3A_1466 : vector<16xi32>
        %select_n3A_1468 = arith.select %lt3A_1462, %xor3A_1467, %bitcast_convert_type3A_1459 : vector<16xi1>, vector<16xi32>
        %bitcast_convert_type3A_1469 = tpu.bitcast %select_n3A_1468 : vector<16xi32> -> vector<16xf32>
        %mul3A_1470 = arith.constant 16 : i32
        %mul3A_1471 = arith.muli %scan3A_32, %mul3A_1470 : i32
        %swap3A_1472 = arith.constant 62 : i32
        %swap3A_1473 = arith.index_cast %swap3A_1472 : i32 to index
        %swap3A_1474 = arith.index_cast %mul3A_1471 : i32 to index
        %swap3A_1475 = tpu.vector_load %arg5[%swap3A_1473, %swap3A_1474] {strides = array<i32>} : memref<64x512xf32, #tpu.memory_space<vmem>>, vector<16xf32>,
        tpu.vector_store %arg5[%swap3A_1473, %swap3A_1474], %bitcast_convert_type3A_1469 {strides = array<i32>} : memref<64x512xf32, #tpu.memory_space<vmem>>, vector<16xf32>,
        %mul3A_1476 = arith.constant 16 : i32
        %mul3A_1477 = arith.muli %scan3A_32, %mul3A_1476 : i32
        %get3A_1478 = arith.constant 63 : i32
        %get3A_1479 = arith.index_cast %get3A_1478 : i32 to index
        %get3A_1480 = arith.index_cast %mul3A_1477 : i32 to index
        %get3A_1481 = tpu.vector_load %arg5[%get3A_1479, %get3A_1480] {strides = array<i32>} : memref<64x512xf32, #tpu.memory_space<vmem>>, vector<16xf32>,
        %bitcast_convert_type3A_1482 = tpu.bitcast %get3A_1481 : vector<16xf32> -> vector<16xi32>
        %lt3A_1483 = arith.constant 0 : i32
        %lt3A_1484 = vector.broadcast %lt3A_1483 : i32 to vector<16xi32>
        %lt3A_1485 = arith.cmpi slt, %bitcast_convert_type3A_1482, %lt3A_1484 : vector<16xi32>
        %not3A_1486 = arith.constant dense<-1> : vector<16xi32>
        %not3A_1487 = arith.xori %bitcast_convert_type3A_1482, %not3A_1486 : vector<16xi32>
        %xor3A_1488 = arith.constant -2147483648 : i32
        %xor3A_1489 = vector.broadcast %xor3A_1488 : i32 to vector<16xi32>
        %xor3A_1490 = arith.xori %not3A_1487, %xor3A_1489 : vector<16xi32>
        %select_n3A_1491 = arith.select %lt3A_1485, %xor3A_1490, %bitcast_convert_type3A_1482 : vector<16xi1>, vector<16xi32>
        %bitcast_convert_type3A_1492 = tpu.bitcast %select_n3A_1491 : vector<16xi32> -> vector<16xf32>
        %mul3A_1493 = arith.constant 16 : i32
        %mul3A_1494 = arith.muli %scan3A_32, %mul3A_1493 : i32
        %swap3A_1495 = arith.constant 63 : i32
        %swap3A_1496 = arith.index_cast %swap3A_1495 : i32 to index
        %swap3A_1497 = arith.index_cast %mul3A_1494 : i32 to index
        %swap3A_1498 = tpu.vector_load %arg5[%swap3A_1496, %swap3A_1497] {strides = array<i32>} : memref<64x512xf32, #tpu.memory_space<vmem>>, vector<16xf32>,
        tpu.vector_store %arg5[%swap3A_1496, %swap3A_1497], %bitcast_convert_type3A_1492 {strides = array<i32>} : memref<64x512xf32, #tpu.memory_space<vmem>>, vector<16xf32>,
        %scan3A_1499 = arith.constant 0 : i32
        scf.yield %scan3A_1499 : i32
      }
      %scan3A_22 = arith.constant 32 : i32
      %broadcast_in_dim3A = arith.constant 0 : i32
      %broadcast_in_dim3A_23 = vector.broadcast %broadcast_in_dim3A : i32 to vector<16xi32>
      %scan3A_24 = arith.constant 0 : i32
      %scan3A_25 = arith.constant 64 : i32
      %scan3A_26 = arith.addi %scan3A_24, %scan3A_25 : i32
      %scan3A_27 = arith.constant 1 : i32
      %scan3A_28 = scf.for %scan3A_32 = %scan3A_24 to %scan3A_26 step %scan3A_27 iter_args(%scan3A_33 = %broadcast_in_dim3A_23) -> (vector<16xi32>)  : i32 {
        %and3A = arith.constant 7 : i32
        %and3A_34 = arith.andi %scan3A_32, %and3A : i32
        %get3A = arith.index_cast %and3A_34 : i32 to index
        %get3A_35 = arith.constant 0 : index
        %get3A_36 = tpu.vector_load %arg6[%get3A, %get3A_35] {strides = array<i32>} : memref<8x16xi32, #tpu.memory_space<vmem>>, vector<16xi32>,
        %broadcast_in_dim3A_37 = arith.constant -2147483648 : i32
        %broadcast_in_dim3A_38 = vector.broadcast %broadcast_in_dim3A_37 : i32 to vector<16xi32>
        %broadcast_in_dim3A_39 = arith.constant 2147483647 : i32
        %broadcast_in_dim3A_40 = vector.broadcast %broadcast_in_dim3A_39 : i32 to vector<16xi32>
        %scan3A_41 = arith.constant 0 : i32
        %scan3A_42 = arith.constant 32 : i32
        %scan3A_43 = arith.addi %scan3A_41, %scan3A_42 : i32
        %scan3A_44 = arith.constant 1 : i32
        %scan3A_45:2 = scf.for %scan3A_1143 = %scan3A_41 to %scan3A_43 step %scan3A_44 iter_args(%scan3A_1144 = %broadcast_in_dim3A_38, %scan3A_1145 = %broadcast_in_dim3A_40) -> (vector<16xi32>, vector<16xi32>)  : i32 {
          %shift_right_arithmetic3A = arith.constant 1 : i32
          %shift_right_arithmetic3A_1146 = vector.broadcast %shift_right_arithmetic3A : i32 to vector<16xi32>
          %shift_right_arithmetic3A_1147 = arith.shrsi %scan3A_1144, %shift_right_arithmetic3A_1146 : vector<16xi32>
          %shift_right_arithmetic3A_1148 = arith.constant 1 : i32
          %shift_right_arithmetic3A_1149 = vector.broadcast %shift_right_arithmetic3A_1148 : i32 to vector<16xi32>
          %shift_right_arithmetic3A_1150 = arith.shrsi %scan3A_1145, %shift_right_arithmetic3A_1149 : vector<16xi32>
          %add3A_1151 = arith.addi %shift_right_arithmetic3A_1147, %shift_right_arithmetic3A_1150 : vector<16xi32>
          %and3A_1152 = arith.andi %scan3A_1144, %scan3A_1145 : vector<16xi32>
          %and3A_1153 = arith.constant 1 : i32
          %and3A_1154 = vector.broadcast %and3A_1153 : i32 to vector<16xi32>
          %and3A_1155 = arith.andi %and3A_1152, %and3A_1154 : vector<16xi32>
          %add3A_1156 = arith.addi %add3A_1151, %and3A_1155 : vector<16xi32>
          %broadcast_in_dim3A_1157 = arith.constant 0 : i32
          %broadcast_in_dim3A_1158 = vector.broadcast %broadcast_in_dim3A_1157 : i32 to vector<16xi32>
          %get3A_1159 = arith.index_cast %scan3A_32 : i32 to index
          %get3A_1160 = arith.constant 0 : index
          %get3A_1161 = tpu.vector_load %arg5[%get3A_1159, %get3A_1160] {strides = array<i32>} : memref<64x512xf32, #tpu.memory_space<vmem>>, vector<16xf32>,
          %bitcast_convert_type3A_1162 = tpu.bitcast %get3A_1161 : vector<16xf32> -> vector<16xi32>
          %gt3A_1163 = arith.cmpi sgt, %bitcast_convert_type3A_1162, %add3A_1156 : vector<16xi32>
          %all_reduce_population_count3A_1164 = tpu.all_reduce %gt3A_1163 {dim = 0 : i64, kind = #tpu.reduction_kind<sum>} : vector<16xi1> -> vector<16xi32>
          %add3A_1165 = arith.addi %broadcast_in_dim3A_1158, %all_reduce_population_count3A_1164 : vector<16xi32>
          %get3A_1166 = arith.index_cast %scan3A_32 : i32 to index
          %get3A_1167 = arith.constant 16 : index
          %get3A_1168 = tpu.vector_load %arg5[%get3A_1166, %get3A_1167] {strides = array<i32>} : memref<64x512xf32, #tpu.memory_space<vmem>>, vector<16xf32>,
          %bitcast_convert_type3A_1169 = tpu.bitcast %get3A_1168 : vector<16xf32> -> vector<16xi32>
          %gt3A_1170 = arith.cmpi sgt, %bitcast_convert_type3A_1169, %add3A_1156 : vector<16xi32>
          %all_reduce_population_count3A_1171 = tpu.all_reduce %gt3A_1170 {dim = 0 : i64, kind = #tpu.reduction_kind<sum>} : vector<16xi1> -> vector<16xi32>
          %add3A_1172 = arith.addi %add3A_1165, %all_reduce_population_count3A_1171 : vector<16xi32>
          %get3A_1173 = arith.index_cast %scan3A_32 : i32 to index
          %get3A_1174 = arith.constant 32 : index
          %get3A_1175 = tpu.vector_load %arg5[%get3A_1173, %get3A_1174] {strides = array<i32>} : memref<64x512xf32, #tpu.memory_space<vmem>>, vector<16xf32>,
          %bitcast_convert_type3A_1176 = tpu.bitcast %get3A_1175 : vector<16xf32> -> vector<16xi32>
          %gt3A_1177 = arith.cmpi sgt, %bitcast_convert_type3A_1176, %add3A_1156 : vector<16xi32>
          %all_reduce_population_count3A_1178 = tpu.all_reduce %gt3A_1177 {dim = 0 : i64, kind = #tpu.reduction_kind<sum>} : vector<16xi1> -> vector<16xi32>
          %add3A_1179 = arith.addi %add3A_1172, %all_reduce_population_count3A_1178 : vector<16xi32>
          %get3A_1180 = arith.index_cast %scan3A_32 : i32 to index
          %get3A_1181 = arith.constant 48 : index
          %get3A_1182 = tpu.vector_load %arg5[%get3A_1180, %get3A_1181] {strides = array<i32>} : memref<64x512xf32, #tpu.memory_space<vmem>>, vector<16xf32>,
          %bitcast_convert_type3A_1183 = tpu.bitcast %get3A_1182 : vector<16xf32> -> vector<16xi32>
          %gt3A_1184 = arith.cmpi sgt, %bitcast_convert_type3A_1183, %add3A_1156 : vector<16xi32>
          %all_reduce_population_count3A_1185 = tpu.all_reduce %gt3A_1184 {dim = 0 : i64, kind = #tpu.reduction_kind<sum>} : vector<16xi1> -> vector<16xi32>
          %add3A_1186 = arith.addi %add3A_1179, %all_reduce_population_count3A_1185 : vector<16xi32>
          %get3A_1187 = arith.index_cast %scan3A_32 : i32 to index
          %get3A_1188 = arith.constant 64 : index
          %get3A_1189 = tpu.vector_load %arg5[%get3A_1187, %get3A_1188] {strides = array<i32>} : memref<64x512xf32, #tpu.memory_space<vmem>>, vector<16xf32>,
          %bitcast_convert_type3A_1190 = tpu.bitcast %get3A_1189 : vector<16xf32> -> vector<16xi32>
          %gt3A_1191 = arith.cmpi sgt, %bitcast_convert_type3A_1190, %add3A_1156 : vector<16xi32>
          %all_reduce_population_count3A_1192 = tpu.all_reduce %gt3A_1191 {dim = 0 : i64, kind = #tpu.reduction_kind<sum>} : vector<16xi1> -> vector<16xi32>
          %add3A_1193 = arith.addi %add3A_1186, %all_reduce_population_count3A_1192 : vector<16xi32>
          %get3A_1194 = arith.index_cast %scan3A_32 : i32 to index
          %get3A_1195 = arith.constant 80 : index
          %get3A_1196 = tpu.vector_load %arg5[%get3A_1194, %get3A_1195] {strides = array<i32>} : memref<64x512xf32, #tpu.memory_space<vmem>>, vector<16xf32>,
          %bitcast_convert_type3A_1197 = tpu.bitcast %get3A_1196 : vector<16xf32> -> vector<16xi32>
          %gt3A_1198 = arith.cmpi sgt, %bitcast_convert_type3A_1197, %add3A_1156 : vector<16xi32>
          %all_reduce_population_count3A_1199 = tpu.all_reduce %gt3A_1198 {dim = 0 : i64, kind = #tpu.reduction_kind<sum>} : vector<16xi1> -> vector<16xi32>
          %add3A_1200 = arith.addi %add3A_1193, %all_reduce_population_count3A_1199 : vector<16xi32>
          %get3A_1201 = arith.index_cast %scan3A_32 : i32 to index
          %get3A_1202 = arith.constant 96 : index
          %get3A_1203 = tpu.vector_load %arg5[%get3A_1201, %get3A_1202] {strides = array<i32>} : memref<64x512xf32, #tpu.memory_space<vmem>>, vector<16xf32>,
          %bitcast_convert_type3A_1204 = tpu.bitcast %get3A_1203 : vector<16xf32> -> vector<16xi32>
          %gt3A_1205 = arith.cmpi sgt, %bitcast_convert_type3A_1204, %add3A_1156 : vector<16xi32>
          %all_reduce_population_count3A_1206 = tpu.all_reduce %gt3A_1205 {dim = 0 : i64, kind = #tpu.reduction_kind<sum>} : vector<16xi1> -> vector<16xi32>
          %add3A_1207 = arith.addi %add3A_1200, %all_reduce_population_count3A_1206 : vector<16xi32>
          %get3A_1208 = arith.index_cast %scan3A_32 : i32 to index
          %get3A_1209 = arith.constant 112 : index
          %get3A_1210 = tpu.vector_load %arg5[%get3A_1208, %get3A_1209] {strides = array<i32>} : memref<64x512xf32, #tpu.memory_space<vmem>>, vector<16xf32>,
          %bitcast_convert_type3A_1211 = tpu.bitcast %get3A_1210 : vector<16xf32> -> vector<16xi32>
          %gt3A_1212 = arith.cmpi sgt, %bitcast_convert_type3A_1211, %add3A_1156 : vector<16xi32>
          %all_reduce_population_count3A_1213 = tpu.all_reduce %gt3A_1212 {dim = 0 : i64, kind = #tpu.reduction_kind<sum>} : vector<16xi1> -> vector<16xi32>
          %add3A_1214 = arith.addi %add3A_1207, %all_reduce_population_count3A_1213 : vector<16xi32>
          %get3A_1215 = arith.index_cast %scan3A_32 : i32 to index
          %get3A_1216 = arith.constant 128 : index
          %get3A_1217 = tpu.vector_load %arg5[%get3A_1215, %get3A_1216] {strides = array<i32>} : memref<64x512xf32, #tpu.memory_space<vmem>>, vector<16xf32>,
          %bitcast_convert_type3A_1218 = tpu.bitcast %get3A_1217 : vector<16xf32> -> vector<16xi32>
          %gt3A_1219 = arith.cmpi sgt, %bitcast_convert_type3A_1218, %add3A_1156 : vector<16xi32>
          %all_reduce_population_count3A_1220 = tpu.all_reduce %gt3A_1219 {dim = 0 : i64, kind = #tpu.reduction_kind<sum>} : vector<16xi1> -> vector<16xi32>
          %add3A_1221 = arith.addi %add3A_1214, %all_reduce_population_count3A_1220 : vector<16xi32>
          %get3A_1222 = arith.index_cast %scan3A_32 : i32 to index
          %get3A_1223 = arith.constant 144 : index
          %get3A_1224 = tpu.vector_load %arg5[%get3A_1222, %get3A_1223] {strides = array<i32>} : memref<64x512xf32, #tpu.memory_space<vmem>>, vector<16xf32>,
          %bitcast_convert_type3A_1225 = tpu.bitcast %get3A_1224 : vector<16xf32> -> vector<16xi32>
          %gt3A_1226 = arith.cmpi sgt, %bitcast_convert_type3A_1225, %add3A_1156 : vector<16xi32>
          %all_reduce_population_count3A_1227 = tpu.all_reduce %gt3A_1226 {dim = 0 : i64, kind = #tpu.reduction_kind<sum>} : vector<16xi1> -> vector<16xi32>
          %add3A_1228 = arith.addi %add3A_1221, %all_reduce_population_count3A_1227 : vector<16xi32>
          %get3A_1229 = arith.index_cast %scan3A_32 : i32 to index
          %get3A_1230 = arith.constant 160 : index
          %get3A_1231 = tpu.vector_load %arg5[%get3A_1229, %get3A_1230] {strides = array<i32>} : memref<64x512xf32, #tpu.memory_space<vmem>>, vector<16xf32>,
          %bitcast_convert_type3A_1232 = tpu.bitcast %get3A_1231 : vector<16xf32> -> vector<16xi32>
          %gt3A_1233 = arith.cmpi sgt, %bitcast_convert_type3A_1232, %add3A_1156 : vector<16xi32>
          %all_reduce_population_count3A_1234 = tpu.all_reduce %gt3A_1233 {dim = 0 : i64, kind = #tpu.reduction_kind<sum>} : vector<16xi1> -> vector<16xi32>
          %add3A_1235 = arith.addi %add3A_1228, %all_reduce_population_count3A_1234 : vector<16xi32>
          %get3A_1236 = arith.index_cast %scan3A_32 : i32 to index
          %get3A_1237 = arith.constant 176 : index
          %get3A_1238 = tpu.vector_load %arg5[%get3A_1236, %get3A_1237] {strides = array<i32>} : memref<64x512xf32, #tpu.memory_space<vmem>>, vector<16xf32>,
          %bitcast_convert_type3A_1239 = tpu.bitcast %get3A_1238 : vector<16xf32> -> vector<16xi32>
          %gt3A_1240 = arith.cmpi sgt, %bitcast_convert_type3A_1239, %add3A_1156 : vector<16xi32>
          %all_reduce_population_count3A_1241 = tpu.all_reduce %gt3A_1240 {dim = 0 : i64, kind = #tpu.reduction_kind<sum>} : vector<16xi1> -> vector<16xi32>
          %add3A_1242 = arith.addi %add3A_1235, %all_reduce_population_count3A_1241 : vector<16xi32>
          %get3A_1243 = arith.index_cast %scan3A_32 : i32 to index
          %get3A_1244 = arith.constant 192 : index
          %get3A_1245 = tpu.vector_load %arg5[%get3A_1243, %get3A_1244] {strides = array<i32>} : memref<64x512xf32, #tpu.memory_space<vmem>>, vector<16xf32>,
          %bitcast_convert_type3A_1246 = tpu.bitcast %get3A_1245 : vector<16xf32> -> vector<16xi32>
          %gt3A_1247 = arith.cmpi sgt, %bitcast_convert_type3A_1246, %add3A_1156 : vector<16xi32>
          %all_reduce_population_count3A_1248 = tpu.all_reduce %gt3A_1247 {dim = 0 : i64, kind = #tpu.reduction_kind<sum>} : vector<16xi1> -> vector<16xi32>
          %add3A_1249 = arith.addi %add3A_1242, %all_reduce_population_count3A_1248 : vector<16xi32>
          %get3A_1250 = arith.index_cast %scan3A_32 : i32 to index
          %get3A_1251 = arith.constant 208 : index
          %get3A_1252 = tpu.vector_load %arg5[%get3A_1250, %get3A_1251] {strides = array<i32>} : memref<64x512xf32, #tpu.memory_space<vmem>>, vector<16xf32>,
          %bitcast_convert_type3A_1253 = tpu.bitcast %get3A_1252 : vector<16xf32> -> vector<16xi32>
          %gt3A_1254 = arith.cmpi sgt, %bitcast_convert_type3A_1253, %add3A_1156 : vector<16xi32>
          %all_reduce_population_count3A_1255 = tpu.all_reduce %gt3A_1254 {dim = 0 : i64, kind = #tpu.reduction_kind<sum>} : vector<16xi1> -> vector<16xi32>
          %add3A_1256 = arith.addi %add3A_1249, %all_reduce_population_count3A_1255 : vector<16xi32>
          %get3A_1257 = arith.index_cast %scan3A_32 : i32 to index
          %get3A_1258 = arith.constant 224 : index
          %get3A_1259 = tpu.vector_load %arg5[%get3A_1257, %get3A_1258] {strides = array<i32>} : memref<64x512xf32, #tpu.memory_space<vmem>>, vector<16xf32>,
          %bitcast_convert_type3A_1260 = tpu.bitcast %get3A_1259 : vector<16xf32> -> vector<16xi32>
          %gt3A_1261 = arith.cmpi sgt, %bitcast_convert_type3A_1260, %add3A_1156 : vector<16xi32>
          %all_reduce_population_count3A_1262 = tpu.all_reduce %gt3A_1261 {dim = 0 : i64, kind = #tpu.reduction_kind<sum>} : vector<16xi1> -> vector<16xi32>
          %add3A_1263 = arith.addi %add3A_1256, %all_reduce_population_count3A_1262 : vector<16xi32>
          %get3A_1264 = arith.index_cast %scan3A_32 : i32 to index
          %get3A_1265 = arith.constant 240 : index
          %get3A_1266 = tpu.vector_load %arg5[%get3A_1264, %get3A_1265] {strides = array<i32>} : memref<64x512xf32, #tpu.memory_space<vmem>>, vector<16xf32>,
          %bitcast_convert_type3A_1267 = tpu.bitcast %get3A_1266 : vector<16xf32> -> vector<16xi32>
          %gt3A_1268 = arith.cmpi sgt, %bitcast_convert_type3A_1267, %add3A_1156 : vector<16xi32>
          %all_reduce_population_count3A_1269 = tpu.all_reduce %gt3A_1268 {dim = 0 : i64, kind = #tpu.reduction_kind<sum>} : vector<16xi1> -> vector<16xi32>
          %add3A_1270 = arith.addi %add3A_1263, %all_reduce_population_count3A_1269 : vector<16xi32>
          %get3A_1271 = arith.index_cast %scan3A_32 : i32 to index
          %get3A_1272 = arith.constant 256 : index
          %get3A_1273 = tpu.vector_load %arg5[%get3A_1271, %get3A_1272] {strides = array<i32>} : memref<64x512xf32, #tpu.memory_space<vmem>>, vector<16xf32>,
          %bitcast_convert_type3A_1274 = tpu.bitcast %get3A_1273 : vector<16xf32> -> vector<16xi32>
          %gt3A_1275 = arith.cmpi sgt, %bitcast_convert_type3A_1274, %add3A_1156 : vector<16xi32>
          %all_reduce_population_count3A_1276 = tpu.all_reduce %gt3A_1275 {dim = 0 : i64, kind = #tpu.reduction_kind<sum>} : vector<16xi1> -> vector<16xi32>
          %add3A_1277 = arith.addi %add3A_1270, %all_reduce_population_count3A_1276 : vector<16xi32>
          %get3A_1278 = arith.index_cast %scan3A_32 : i32 to index
          %get3A_1279 = arith.constant 272 : index
          %get3A_1280 = tpu.vector_load %arg5[%get3A_1278, %get3A_1279] {strides = array<i32>} : memref<64x512xf32, #tpu.memory_space<vmem>>, vector<16xf32>,
          %bitcast_convert_type3A_1281 = tpu.bitcast %get3A_1280 : vector<16xf32> -> vector<16xi32>
          %gt3A_1282 = arith.cmpi sgt, %bitcast_convert_type3A_1281, %add3A_1156 : vector<16xi32>
          %all_reduce_population_count3A_1283 = tpu.all_reduce %gt3A_1282 {dim = 0 : i64, kind = #tpu.reduction_kind<sum>} : vector<16xi1> -> vector<16xi32>
          %add3A_1284 = arith.addi %add3A_1277, %all_reduce_population_count3A_1283 : vector<16xi32>
          %get3A_1285 = arith.index_cast %scan3A_32 : i32 to index
          %get3A_1286 = arith.constant 288 : index
          %get3A_1287 = tpu.vector_load %arg5[%get3A_1285, %get3A_1286] {strides = array<i32>} : memref<64x512xf32, #tpu.memory_space<vmem>>, vector<16xf32>,
          %bitcast_convert_type3A_1288 = tpu.bitcast %get3A_1287 : vector<16xf32> -> vector<16xi32>
          %gt3A_1289 = arith.cmpi sgt, %bitcast_convert_type3A_1288, %add3A_1156 : vector<16xi32>
          %all_reduce_population_count3A_1290 = tpu.all_reduce %gt3A_1289 {dim = 0 : i64, kind = #tpu.reduction_kind<sum>} : vector<16xi1> -> vector<16xi32>
          %add3A_1291 = arith.addi %add3A_1284, %all_reduce_population_count3A_1290 : vector<16xi32>
          %get3A_1292 = arith.index_cast %scan3A_32 : i32 to index
          %get3A_1293 = arith.constant 304 : index
          %get3A_1294 = tpu.vector_load %arg5[%get3A_1292, %get3A_1293] {strides = array<i32>} : memref<64x512xf32, #tpu.memory_space<vmem>>, vector<16xf32>,
          %bitcast_convert_type3A_1295 = tpu.bitcast %get3A_1294 : vector<16xf32> -> vector<16xi32>
          %gt3A_1296 = arith.cmpi sgt, %bitcast_convert_type3A_1295, %add3A_1156 : vector<16xi32>
          %all_reduce_population_count3A_1297 = tpu.all_reduce %gt3A_1296 {dim = 0 : i64, kind = #tpu.reduction_kind<sum>} : vector<16xi1> -> vector<16xi32>
          %add3A_1298 = arith.addi %add3A_1291, %all_reduce_population_count3A_1297 : vector<16xi32>
          %get3A_1299 = arith.index_cast %scan3A_32 : i32 to index
          %get3A_1300 = arith.constant 320 : index
          %get3A_1301 = tpu.vector_load %arg5[%get3A_1299, %get3A_1300] {strides = array<i32>} : memref<64x512xf32, #tpu.memory_space<vmem>>, vector<16xf32>,
          %bitcast_convert_type3A_1302 = tpu.bitcast %get3A_1301 : vector<16xf32> -> vector<16xi32>
          %gt3A_1303 = arith.cmpi sgt, %bitcast_convert_type3A_1302, %add3A_1156 : vector<16xi32>
          %all_reduce_population_count3A_1304 = tpu.all_reduce %gt3A_1303 {dim = 0 : i64, kind = #tpu.reduction_kind<sum>} : vector<16xi1> -> vector<16xi32>
          %add3A_1305 = arith.addi %add3A_1298, %all_reduce_population_count3A_1304 : vector<16xi32>
          %get3A_1306 = arith.index_cast %scan3A_32 : i32 to index
          %get3A_1307 = arith.constant 336 : index
          %get3A_1308 = tpu.vector_load %arg5[%get3A_1306, %get3A_1307] {strides = array<i32>} : memref<64x512xf32, #tpu.memory_space<vmem>>, vector<16xf32>,
          %bitcast_convert_type3A_1309 = tpu.bitcast %get3A_1308 : vector<16xf32> -> vector<16xi32>
          %gt3A_1310 = arith.cmpi sgt, %bitcast_convert_type3A_1309, %add3A_1156 : vector<16xi32>
          %all_reduce_population_count3A_1311 = tpu.all_reduce %gt3A_1310 {dim = 0 : i64, kind = #tpu.reduction_kind<sum>} : vector<16xi1> -> vector<16xi32>
          %add3A_1312 = arith.addi %add3A_1305, %all_reduce_population_count3A_1311 : vector<16xi32>
          %get3A_1313 = arith.index_cast %scan3A_32 : i32 to index
          %get3A_1314 = arith.constant 352 : index
          %get3A_1315 = tpu.vector_load %arg5[%get3A_1313, %get3A_1314] {strides = array<i32>} : memref<64x512xf32, #tpu.memory_space<vmem>>, vector<16xf32>,
          %bitcast_convert_type3A_1316 = tpu.bitcast %get3A_1315 : vector<16xf32> -> vector<16xi32>
          %gt3A_1317 = arith.cmpi sgt, %bitcast_convert_type3A_1316, %add3A_1156 : vector<16xi32>
          %all_reduce_population_count3A_1318 = tpu.all_reduce %gt3A_1317 {dim = 0 : i64, kind = #tpu.reduction_kind<sum>} : vector<16xi1> -> vector<16xi32>
          %add3A_1319 = arith.addi %add3A_1312, %all_reduce_population_count3A_1318 : vector<16xi32>
          %get3A_1320 = arith.index_cast %scan3A_32 : i32 to index
          %get3A_1321 = arith.constant 368 : index
          %get3A_1322 = tpu.vector_load %arg5[%get3A_1320, %get3A_1321] {strides = array<i32>} : memref<64x512xf32, #tpu.memory_space<vmem>>, vector<16xf32>,
          %bitcast_convert_type3A_1323 = tpu.bitcast %get3A_1322 : vector<16xf32> -> vector<16xi32>
          %gt3A_1324 = arith.cmpi sgt, %bitcast_convert_type3A_1323, %add3A_1156 : vector<16xi32>
          %all_reduce_population_count3A_1325 = tpu.all_reduce %gt3A_1324 {dim = 0 : i64, kind = #tpu.reduction_kind<sum>} : vector<16xi1> -> vector<16xi32>
          %add3A_1326 = arith.addi %add3A_1319, %all_reduce_population_count3A_1325 : vector<16xi32>
          %get3A_1327 = arith.index_cast %scan3A_32 : i32 to index
          %get3A_1328 = arith.constant 384 : index
          %get3A_1329 = tpu.vector_load %arg5[%get3A_1327, %get3A_1328] {strides = array<i32>} : memref<64x512xf32, #tpu.memory_space<vmem>>, vector<16xf32>,
          %bitcast_convert_type3A_1330 = tpu.bitcast %get3A_1329 : vector<16xf32> -> vector<16xi32>
          %gt3A_1331 = arith.cmpi sgt, %bitcast_convert_type3A_1330, %add3A_1156 : vector<16xi32>
          %all_reduce_population_count3A_1332 = tpu.all_reduce %gt3A_1331 {dim = 0 : i64, kind = #tpu.reduction_kind<sum>} : vector<16xi1> -> vector<16xi32>
          %add3A_1333 = arith.addi %add3A_1326, %all_reduce_population_count3A_1332 : vector<16xi32>
          %get3A_1334 = arith.index_cast %scan3A_32 : i32 to index
          %get3A_1335 = arith.constant 400 : index
          %get3A_1336 = tpu.vector_load %arg5[%get3A_1334, %get3A_1335] {strides = array<i32>} : memref<64x512xf32, #tpu.memory_space<vmem>>, vector<16xf32>,
          %bitcast_convert_type3A_1337 = tpu.bitcast %get3A_1336 : vector<16xf32> -> vector<16xi32>
          %gt3A_1338 = arith.cmpi sgt, %bitcast_convert_type3A_1337, %add3A_1156 : vector<16xi32>
          %all_reduce_population_count3A_1339 = tpu.all_reduce %gt3A_1338 {dim = 0 : i64, kind = #tpu.reduction_kind<sum>} : vector<16xi1> -> vector<16xi32>
          %add3A_1340 = arith.addi %add3A_1333, %all_reduce_population_count3A_1339 : vector<16xi32>
          %get3A_1341 = arith.index_cast %scan3A_32 : i32 to index
          %get3A_1342 = arith.constant 416 : index
          %get3A_1343 = tpu.vector_load %arg5[%get3A_1341, %get3A_1342] {strides = array<i32>} : memref<64x512xf32, #tpu.memory_space<vmem>>, vector<16xf32>,
          %bitcast_convert_type3A_1344 = tpu.bitcast %get3A_1343 : vector<16xf32> -> vector<16xi32>
          %gt3A_1345 = arith.cmpi sgt, %bitcast_convert_type3A_1344, %add3A_1156 : vector<16xi32>
          %all_reduce_population_count3A_1346 = tpu.all_reduce %gt3A_1345 {dim = 0 : i64, kind = #tpu.reduction_kind<sum>} : vector<16xi1> -> vector<16xi32>
          %add3A_1347 = arith.addi %add3A_1340, %all_reduce_population_count3A_1346 : vector<16xi32>
          %get3A_1348 = arith.index_cast %scan3A_32 : i32 to index
          %get3A_1349 = arith.constant 432 : index
          %get3A_1350 = tpu.vector_load %arg5[%get3A_1348, %get3A_1349] {strides = array<i32>} : memref<64x512xf32, #tpu.memory_space<vmem>>, vector<16xf32>,
          %bitcast_convert_type3A_1351 = tpu.bitcast %get3A_1350 : vector<16xf32> -> vector<16xi32>
          %gt3A_1352 = arith.cmpi sgt, %bitcast_convert_type3A_1351, %add3A_1156 : vector<16xi32>
          %all_reduce_population_count3A_1353 = tpu.all_reduce %gt3A_1352 {dim = 0 : i64, kind = #tpu.reduction_kind<sum>} : vector<16xi1> -> vector<16xi32>
          %add3A_1354 = arith.addi %add3A_1347, %all_reduce_population_count3A_1353 : vector<16xi32>
          %get3A_1355 = arith.index_cast %scan3A_32 : i32 to index
          %get3A_1356 = arith.constant 448 : index
          %get3A_1357 = tpu.vector_load %arg5[%get3A_1355, %get3A_1356] {strides = array<i32>} : memref<64x512xf32, #tpu.memory_space<vmem>>, vector<16xf32>,
          %bitcast_convert_type3A_1358 = tpu.bitcast %get3A_1357 : vector<16xf32> -> vector<16xi32>
          %gt3A_1359 = arith.cmpi sgt, %bitcast_convert_type3A_1358, %add3A_1156 : vector<16xi32>
          %all_reduce_population_count3A_1360 = tpu.all_reduce %gt3A_1359 {dim = 0 : i64, kind = #tpu.reduction_kind<sum>} : vector<16xi1> -> vector<16xi32>
          %add3A_1361 = arith.addi %add3A_1354, %all_reduce_population_count3A_1360 : vector<16xi32>
          %get3A_1362 = arith.index_cast %scan3A_32 : i32 to index
          %get3A_1363 = arith.constant 464 : index
          %get3A_1364 = tpu.vector_load %arg5[%get3A_1362, %get3A_1363] {strides = array<i32>} : memref<64x512xf32, #tpu.memory_space<vmem>>, vector<16xf32>,
          %bitcast_convert_type3A_1365 = tpu.bitcast %get3A_1364 : vector<16xf32> -> vector<16xi32>
          %gt3A_1366 = arith.cmpi sgt, %bitcast_convert_type3A_1365, %add3A_1156 : vector<16xi32>
          %all_reduce_population_count3A_1367 = tpu.all_reduce %gt3A_1366 {dim = 0 : i64, kind = #tpu.reduction_kind<sum>} : vector<16xi1> -> vector<16xi32>
          %add3A_1368 = arith.addi %add3A_1361, %all_reduce_population_count3A_1367 : vector<16xi32>
          %get3A_1369 = arith.index_cast %scan3A_32 : i32 to index
          %get3A_1370 = arith.constant 480 : index
          %get3A_1371 = tpu.vector_load %arg5[%get3A_1369, %get3A_1370] {strides = array<i32>} : memref<64x512xf32, #tpu.memory_space<vmem>>, vector<16xf32>,
          %bitcast_convert_type3A_1372 = tpu.bitcast %get3A_1371 : vector<16xf32> -> vector<16xi32>
          %gt3A_1373 = arith.cmpi sgt, %bitcast_convert_type3A_1372, %add3A_1156 : vector<16xi32>
          %all_reduce_population_count3A_1374 = tpu.all_reduce %gt3A_1373 {dim = 0 : i64, kind = #tpu.reduction_kind<sum>} : vector<16xi1> -> vector<16xi32>
          %add3A_1375 = arith.addi %add3A_1368, %all_reduce_population_count3A_1374 : vector<16xi32>
          %get3A_1376 = arith.index_cast %scan3A_32 : i32 to index
          %get3A_1377 = arith.constant 496 : index
          %get3A_1378 = tpu.vector_load %arg5[%get3A_1376, %get3A_1377] {strides = array<i32>} : memref<64x512xf32, #tpu.memory_space<vmem>>, vector<16xf32>,
          %bitcast_convert_type3A_1379 = tpu.bitcast %get3A_1378 : vector<16xf32> -> vector<16xi32>
          %gt3A_1380 = arith.cmpi sgt, %bitcast_convert_type3A_1379, %add3A_1156 : vector<16xi32>
          %all_reduce_population_count3A_1381 = tpu.all_reduce %gt3A_1380 {dim = 0 : i64, kind = #tpu.reduction_kind<sum>} : vector<16xi1> -> vector<16xi32>
          %add3A_1382 = arith.addi %add3A_1375, %all_reduce_population_count3A_1381 : vector<16xi32>
          %gt3A_1383 = arith.cmpi sgt, %add3A_1382, %get3A_36 : vector<16xi32>
          %add3A_1384 = arith.constant 1 : i32
          %add3A_1385 = vector.broadcast %add3A_1384 : i32 to vector<16xi32>
          %add3A_1386 = arith.addi %add3A_1156, %add3A_1385 : vector<16xi32>
          %select_n3A_1387 = arith.select %gt3A_1383, %add3A_1386, %scan3A_1144 : vector<16xi1>, vector<16xi32>
          %select_n3A_1388 = arith.select %gt3A_1383, %scan3A_1145, %add3A_1156 : vector<16xi1>, vector<16xi32>
          scf.yield %select_n3A_1387, %select_n3A_1388 : vector<16xi32>, vector<16xi32>
        }
        %scan3A_46 = arith.constant 32 : i32
        %broadcast_in_dim3A_47 = arith.constant 0 : i32
        %broadcast_in_dim3A_48 = vector.broadcast %broadcast_in_dim3A_47 : i32 to vector<16xi32>
        %get3A_49 = arith.index_cast %scan3A_32 : i32 to index
        %get3A_50 = arith.constant 0 : index
        %get3A_51 = tpu.vector_load %arg5[%get3A_49, %get3A_50] {strides = array<i32>} : memref<64x512xf32, #tpu.memory_space<vmem>>, vector<16xf32>,
        %bitcast_convert_type3A = tpu.bitcast %get3A_51 : vector<16xf32> -> vector<16xi32>
        %gt3A = arith.cmpi sgt, %bitcast_convert_type3A, %scan3A_45#0 : vector<16xi32>
        %all_reduce_population_count3A = tpu.all_reduce %gt3A {dim = 0 : i64, kind = #tpu.reduction_kind<sum>} : vector<16xi1> -> vector<16xi32>
        %add3A_52 = arith.addi %broadcast_in_dim3A_48, %all_reduce_population_count3A : vector<16xi32>
        %get3A_53 = arith.index_cast %scan3A_32 : i32 to index
        %get3A_54 = arith.constant 16 : index
        %get3A_55 = tpu.vector_load %arg5[%get3A_53, %get3A_54] {strides = array<i32>} : memref<64x512xf32, #tpu.memory_space<vmem>>, vector<16xf32>,
        %bitcast_convert_type3A_56 = tpu.bitcast %get3A_55 : vector<16xf32> -> vector<16xi32>
        %gt3A_57 = arith.cmpi sgt, %bitcast_convert_type3A_56, %scan3A_45#0 : vector<16xi32>
        %all_reduce_population_count3A_58 = tpu.all_reduce %gt3A_57 {dim = 0 : i64, kind = #tpu.reduction_kind<sum>} : vector<16xi1> -> vector<16xi32>
        %add3A_59 = arith.addi %add3A_52, %all_reduce_population_count3A_58 : vector<16xi32>
        %get3A_60 = arith.index_cast %scan3A_32 : i32 to index
        %get3A_61 = arith.constant 32 : index
        %get3A_62 = tpu.vector_load %arg5[%get3A_60, %get3A_61] {strides = array<i32>} : memref<64x512xf32, #tpu.memory_space<vmem>>, vector<16xf32>,
        %bitcast_convert_type3A_63 = tpu.bitcast %get3A_62 : vector<16xf32> -> vector<16xi32>
        %gt3A_64 = arith.cmpi sgt, %bitcast_convert_type3A_63, %scan3A_45#0 : vector<16xi32>
        %all_reduce_population_count3A_65 = tpu.all_reduce %gt3A_64 {dim = 0 : i64, kind = #tpu.reduction_kind<sum>} : vector<16xi1> -> vector<16xi32>
        %add3A_66 = arith.addi %add3A_59, %all_reduce_population_count3A_65 : vector<16xi32>
        %get3A_67 = arith.index_cast %scan3A_32 : i32 to index
        %get3A_68 = arith.constant 48 : index
        %get3A_69 = tpu.vector_load %arg5[%get3A_67, %get3A_68] {strides = array<i32>} : memref<64x512xf32, #tpu.memory_space<vmem>>, vector<16xf32>,
        %bitcast_convert_type3A_70 = tpu.bitcast %get3A_69 : vector<16xf32> -> vector<16xi32>
        %gt3A_71 = arith.cmpi sgt, %bitcast_convert_type3A_70, %scan3A_45#0 : vector<16xi32>
        %all_reduce_population_count3A_72 = tpu.all_reduce %gt3A_71 {dim = 0 : i64, kind = #tpu.reduction_kind<sum>} : vector<16xi1> -> vector<16xi32>
        %add3A_73 = arith.addi %add3A_66, %all_reduce_population_count3A_72 : vector<16xi32>
        %get3A_74 = arith.index_cast %scan3A_32 : i32 to index
        %get3A_75 = arith.constant 64 : index
        %get3A_76 = tpu.vector_load %arg5[%get3A_74, %get3A_75] {strides = array<i32>} : memref<64x512xf32, #tpu.memory_space<vmem>>, vector<16xf32>,
        %bitcast_convert_type3A_77 = tpu.bitcast %get3A_76 : vector<16xf32> -> vector<16xi32>
        %gt3A_78 = arith.cmpi sgt, %bitcast_convert_type3A_77, %scan3A_45#0 : vector<16xi32>
        %all_reduce_population_count3A_79 = tpu.all_reduce %gt3A_78 {dim = 0 : i64, kind = #tpu.reduction_kind<sum>} : vector<16xi1> -> vector<16xi32>
        %add3A_80 = arith.addi %add3A_73, %all_reduce_population_count3A_79 : vector<16xi32>
        %get3A_81 = arith.index_cast %scan3A_32 : i32 to index
        %get3A_82 = arith.constant 80 : index
        %get3A_83 = tpu.vector_load %arg5[%get3A_81, %get3A_82] {strides = array<i32>} : memref<64x512xf32, #tpu.memory_space<vmem>>, vector<16xf32>,
        %bitcast_convert_type3A_84 = tpu.bitcast %get3A_83 : vector<16xf32> -> vector<16xi32>
        %gt3A_85 = arith.cmpi sgt, %bitcast_convert_type3A_84, %scan3A_45#0 : vector<16xi32>
        %all_reduce_population_count3A_86 = tpu.all_reduce %gt3A_85 {dim = 0 : i64, kind = #tpu.reduction_kind<sum>} : vector<16xi1> -> vector<16xi32>
        %add3A_87 = arith.addi %add3A_80, %all_reduce_population_count3A_86 : vector<16xi32>
        %get3A_88 = arith.index_cast %scan3A_32 : i32 to index
        %get3A_89 = arith.constant 96 : index
        %get3A_90 = tpu.vector_load %arg5[%get3A_88, %get3A_89] {strides = array<i32>} : memref<64x512xf32, #tpu.memory_space<vmem>>, vector<16xf32>,
        %bitcast_convert_type3A_91 = tpu.bitcast %get3A_90 : vector<16xf32> -> vector<16xi32>
        %gt3A_92 = arith.cmpi sgt, %bitcast_convert_type3A_91, %scan3A_45#0 : vector<16xi32>
        %all_reduce_population_count3A_93 = tpu.all_reduce %gt3A_92 {dim = 0 : i64, kind = #tpu.reduction_kind<sum>} : vector<16xi1> -> vector<16xi32>
        %add3A_94 = arith.addi %add3A_87, %all_reduce_population_count3A_93 : vector<16xi32>
        %get3A_95 = arith.index_cast %scan3A_32 : i32 to index
        %get3A_96 = arith.constant 112 : index
        %get3A_97 = tpu.vector_load %arg5[%get3A_95, %get3A_96] {strides = array<i32>} : memref<64x512xf32, #tpu.memory_space<vmem>>, vector<16xf32>,
        %bitcast_convert_type3A_98 = tpu.bitcast %get3A_97 : vector<16xf32> -> vector<16xi32>
        %gt3A_99 = arith.cmpi sgt, %bitcast_convert_type3A_98, %scan3A_45#0 : vector<16xi32>
        %all_reduce_population_count3A_100 = tpu.all_reduce %gt3A_99 {dim = 0 : i64, kind = #tpu.reduction_kind<sum>} : vector<16xi1> -> vector<16xi32>
        %add3A_101 = arith.addi %add3A_94, %all_reduce_population_count3A_100 : vector<16xi32>
        %get3A_102 = arith.index_cast %scan3A_32 : i32 to index
        %get3A_103 = arith.constant 128 : index
        %get3A_104 = tpu.vector_load %arg5[%get3A_102, %get3A_103] {strides = array<i32>} : memref<64x512xf32, #tpu.memory_space<vmem>>, vector<16xf32>,
        %bitcast_convert_type3A_105 = tpu.bitcast %get3A_104 : vector<16xf32> -> vector<16xi32>
        %gt3A_106 = arith.cmpi sgt, %bitcast_convert_type3A_105, %scan3A_45#0 : vector<16xi32>
        %all_reduce_population_count3A_107 = tpu.all_reduce %gt3A_106 {dim = 0 : i64, kind = #tpu.reduction_kind<sum>} : vector<16xi1> -> vector<16xi32>
        %add3A_108 = arith.addi %add3A_101, %all_reduce_population_count3A_107 : vector<16xi32>
        %get3A_109 = arith.index_cast %scan3A_32 : i32 to index
        %get3A_110 = arith.constant 144 : index
        %get3A_111 = tpu.vector_load %arg5[%get3A_109, %get3A_110] {strides = array<i32>} : memref<64x512xf32, #tpu.memory_space<vmem>>, vector<16xf32>,
        %bitcast_convert_type3A_112 = tpu.bitcast %get3A_111 : vector<16xf32> -> vector<16xi32>
        %gt3A_113 = arith.cmpi sgt, %bitcast_convert_type3A_112, %scan3A_45#0 : vector<16xi32>
        %all_reduce_population_count3A_114 = tpu.all_reduce %gt3A_113 {dim = 0 : i64, kind = #tpu.reduction_kind<sum>} : vector<16xi1> -> vector<16xi32>
        %add3A_115 = arith.addi %add3A_108, %all_reduce_population_count3A_114 : vector<16xi32>
        %get3A_116 = arith.index_cast %scan3A_32 : i32 to index
        %get3A_117 = arith.constant 160 : index
        %get3A_118 = tpu.vector_load %arg5[%get3A_116, %get3A_117] {strides = array<i32>} : memref<64x512xf32, #tpu.memory_space<vmem>>, vector<16xf32>,
        %bitcast_convert_type3A_119 = tpu.bitcast %get3A_118 : vector<16xf32> -> vector<16xi32>
        %gt3A_120 = arith.cmpi sgt, %bitcast_convert_type3A_119, %scan3A_45#0 : vector<16xi32>
        %all_reduce_population_count3A_121 = tpu.all_reduce %gt3A_120 {dim = 0 : i64, kind = #tpu.reduction_kind<sum>} : vector<16xi1> -> vector<16xi32>
        %add3A_122 = arith.addi %add3A_115, %all_reduce_population_count3A_121 : vector<16xi32>
        %get3A_123 = arith.index_cast %scan3A_32 : i32 to index
        %get3A_124 = arith.constant 176 : index
        %get3A_125 = tpu.vector_load %arg5[%get3A_123, %get3A_124] {strides = array<i32>} : memref<64x512xf32, #tpu.memory_space<vmem>>, vector<16xf32>,
        %bitcast_convert_type3A_126 = tpu.bitcast %get3A_125 : vector<16xf32> -> vector<16xi32>
        %gt3A_127 = arith.cmpi sgt, %bitcast_convert_type3A_126, %scan3A_45#0 : vector<16xi32>
        %all_reduce_population_count3A_128 = tpu.all_reduce %gt3A_127 {dim = 0 : i64, kind = #tpu.reduction_kind<sum>} : vector<16xi1> -> vector<16xi32>
        %add3A_129 = arith.addi %add3A_122, %all_reduce_population_count3A_128 : vector<16xi32>
        %get3A_130 = arith.index_cast %scan3A_32 : i32 to index
        %get3A_131 = arith.constant 192 : index
        %get3A_132 = tpu.vector_load %arg5[%get3A_130, %get3A_131] {strides = array<i32>} : memref<64x512xf32, #tpu.memory_space<vmem>>, vector<16xf32>,
        %bitcast_convert_type3A_133 = tpu.bitcast %get3A_132 : vector<16xf32> -> vector<16xi32>
        %gt3A_134 = arith.cmpi sgt, %bitcast_convert_type3A_133, %scan3A_45#0 : vector<16xi32>
        %all_reduce_population_count3A_135 = tpu.all_reduce %gt3A_134 {dim = 0 : i64, kind = #tpu.reduction_kind<sum>} : vector<16xi1> -> vector<16xi32>
        %add3A_136 = arith.addi %add3A_129, %all_reduce_population_count3A_135 : vector<16xi32>
        %get3A_137 = arith.index_cast %scan3A_32 : i32 to index
        %get3A_138 = arith.constant 208 : index
        %get3A_139 = tpu.vector_load %arg5[%get3A_137, %get3A_138] {strides = array<i32>} : memref<64x512xf32, #tpu.memory_space<vmem>>, vector<16xf32>,
        %bitcast_convert_type3A_140 = tpu.bitcast %get3A_139 : vector<16xf32> -> vector<16xi32>
        %gt3A_141 = arith.cmpi sgt, %bitcast_convert_type3A_140, %scan3A_45#0 : vector<16xi32>
        %all_reduce_population_count3A_142 = tpu.all_reduce %gt3A_141 {dim = 0 : i64, kind = #tpu.reduction_kind<sum>} : vector<16xi1> -> vector<16xi32>
        %add3A_143 = arith.addi %add3A_136, %all_reduce_population_count3A_142 : vector<16xi32>
        %get3A_144 = arith.index_cast %scan3A_32 : i32 to index
        %get3A_145 = arith.constant 224 : index
        %get3A_146 = tpu.vector_load %arg5[%get3A_144, %get3A_145] {strides = array<i32>} : memref<64x512xf32, #tpu.memory_space<vmem>>, vector<16xf32>,
        %bitcast_convert_type3A_147 = tpu.bitcast %get3A_146 : vector<16xf32> -> vector<16xi32>
        %gt3A_148 = arith.cmpi sgt, %bitcast_convert_type3A_147, %scan3A_45#0 : vector<16xi32>
        %all_reduce_population_count3A_149 = tpu.all_reduce %gt3A_148 {dim = 0 : i64, kind = #tpu.reduction_kind<sum>} : vector<16xi1> -> vector<16xi32>
        %add3A_150 = arith.addi %add3A_143, %all_reduce_population_count3A_149 : vector<16xi32>
        %get3A_151 = arith.index_cast %scan3A_32 : i32 to index
        %get3A_152 = arith.constant 240 : index
        %get3A_153 = tpu.vector_load %arg5[%get3A_151, %get3A_152] {strides = array<i32>} : memref<64x512xf32, #tpu.memory_space<vmem>>, vector<16xf32>,
        %bitcast_convert_type3A_154 = tpu.bitcast %get3A_153 : vector<16xf32> -> vector<16xi32>
        %gt3A_155 = arith.cmpi sgt, %bitcast_convert_type3A_154, %scan3A_45#0 : vector<16xi32>
        %all_reduce_population_count3A_156 = tpu.all_reduce %gt3A_155 {dim = 0 : i64, kind = #tpu.reduction_kind<sum>} : vector<16xi1> -> vector<16xi32>
        %add3A_157 = arith.addi %add3A_150, %all_reduce_population_count3A_156 : vector<16xi32>
        %get3A_158 = arith.index_cast %scan3A_32 : i32 to index
        %get3A_159 = arith.constant 256 : index
        %get3A_160 = tpu.vector_load %arg5[%get3A_158, %get3A_159] {strides = array<i32>} : memref<64x512xf32, #tpu.memory_space<vmem>>, vector<16xf32>,
        %bitcast_convert_type3A_161 = tpu.bitcast %get3A_160 : vector<16xf32> -> vector<16xi32>
        %gt3A_162 = arith.cmpi sgt, %bitcast_convert_type3A_161, %scan3A_45#0 : vector<16xi32>
        %all_reduce_population_count3A_163 = tpu.all_reduce %gt3A_162 {dim = 0 : i64, kind = #tpu.reduction_kind<sum>} : vector<16xi1> -> vector<16xi32>
        %add3A_164 = arith.addi %add3A_157, %all_reduce_population_count3A_163 : vector<16xi32>
        %get3A_165 = arith.index_cast %scan3A_32 : i32 to index
        %get3A_166 = arith.constant 272 : index
        %get3A_167 = tpu.vector_load %arg5[%get3A_165, %get3A_166] {strides = array<i32>} : memref<64x512xf32, #tpu.memory_space<vmem>>, vector<16xf32>,
        %bitcast_convert_type3A_168 = tpu.bitcast %get3A_167 : vector<16xf32> -> vector<16xi32>
        %gt3A_169 = arith.cmpi sgt, %bitcast_convert_type3A_168, %scan3A_45#0 : vector<16xi32>
        %all_reduce_population_count3A_170 = tpu.all_reduce %gt3A_169 {dim = 0 : i64, kind = #tpu.reduction_kind<sum>} : vector<16xi1> -> vector<16xi32>
        %add3A_171 = arith.addi %add3A_164, %all_reduce_population_count3A_170 : vector<16xi32>
        %get3A_172 = arith.index_cast %scan3A_32 : i32 to index
        %get3A_173 = arith.constant 288 : index
        %get3A_174 = tpu.vector_load %arg5[%get3A_172, %get3A_173] {strides = array<i32>} : memref<64x512xf32, #tpu.memory_space<vmem>>, vector<16xf32>,
        %bitcast_convert_type3A_175 = tpu.bitcast %get3A_174 : vector<16xf32> -> vector<16xi32>
        %gt3A_176 = arith.cmpi sgt, %bitcast_convert_type3A_175, %scan3A_45#0 : vector<16xi32>
        %all_reduce_population_count3A_177 = tpu.all_reduce %gt3A_176 {dim = 0 : i64, kind = #tpu.reduction_kind<sum>} : vector<16xi1> -> vector<16xi32>
        %add3A_178 = arith.addi %add3A_171, %all_reduce_population_count3A_177 : vector<16xi32>
        %get3A_179 = arith.index_cast %scan3A_32 : i32 to index
        %get3A_180 = arith.constant 304 : index
        %get3A_181 = tpu.vector_load %arg5[%get3A_179, %get3A_180] {strides = array<i32>} : memref<64x512xf32, #tpu.memory_space<vmem>>, vector<16xf32>,
        %bitcast_convert_type3A_182 = tpu.bitcast %get3A_181 : vector<16xf32> -> vector<16xi32>
        %gt3A_183 = arith.cmpi sgt, %bitcast_convert_type3A_182, %scan3A_45#0 : vector<16xi32>
        %all_reduce_population_count3A_184 = tpu.all_reduce %gt3A_183 {dim = 0 : i64, kind = #tpu.reduction_kind<sum>} : vector<16xi1> -> vector<16xi32>
        %add3A_185 = arith.addi %add3A_178, %all_reduce_population_count3A_184 : vector<16xi32>
        %get3A_186 = arith.index_cast %scan3A_32 : i32 to index
        %get3A_187 = arith.constant 320 : index
        %get3A_188 = tpu.vector_load %arg5[%get3A_186, %get3A_187] {strides = array<i32>} : memref<64x512xf32, #tpu.memory_space<vmem>>, vector<16xf32>,
        %bitcast_convert_type3A_189 = tpu.bitcast %get3A_188 : vector<16xf32> -> vector<16xi32>
        %gt3A_190 = arith.cmpi sgt, %bitcast_convert_type3A_189, %scan3A_45#0 : vector<16xi32>
        %all_reduce_population_count3A_191 = tpu.all_reduce %gt3A_190 {dim = 0 : i64, kind = #tpu.reduction_kind<sum>} : vector<16xi1> -> vector<16xi32>
        %add3A_192 = arith.addi %add3A_185, %all_reduce_population_count3A_191 : vector<16xi32>
        %get3A_193 = arith.index_cast %scan3A_32 : i32 to index
        %get3A_194 = arith.constant 336 : index
        %get3A_195 = tpu.vector_load %arg5[%get3A_193, %get3A_194] {strides = array<i32>} : memref<64x512xf32, #tpu.memory_space<vmem>>, vector<16xf32>,
        %bitcast_convert_type3A_196 = tpu.bitcast %get3A_195 : vector<16xf32> -> vector<16xi32>
        %gt3A_197 = arith.cmpi sgt, %bitcast_convert_type3A_196, %scan3A_45#0 : vector<16xi32>
        %all_reduce_population_count3A_198 = tpu.all_reduce %gt3A_197 {dim = 0 : i64, kind = #tpu.reduction_kind<sum>} : vector<16xi1> -> vector<16xi32>
        %add3A_199 = arith.addi %add3A_192, %all_reduce_population_count3A_198 : vector<16xi32>
        %get3A_200 = arith.index_cast %scan3A_32 : i32 to index
        %get3A_201 = arith.constant 352 : index
        %get3A_202 = tpu.vector_load %arg5[%get3A_200, %get3A_201] {strides = array<i32>} : memref<64x512xf32, #tpu.memory_space<vmem>>, vector<16xf32>,
        %bitcast_convert_type3A_203 = tpu.bitcast %get3A_202 : vector<16xf32> -> vector<16xi32>
        %gt3A_204 = arith.cmpi sgt, %bitcast_convert_type3A_203, %scan3A_45#0 : vector<16xi32>
        %all_reduce_population_count3A_205 = tpu.all_reduce %gt3A_204 {dim = 0 : i64, kind = #tpu.reduction_kind<sum>} : vector<16xi1> -> vector<16xi32>
        %add3A_206 = arith.addi %add3A_199, %all_reduce_population_count3A_205 : vector<16xi32>
        %get3A_207 = arith.index_cast %scan3A_32 : i32 to index
        %get3A_208 = arith.constant 368 : index
        %get3A_209 = tpu.vector_load %arg5[%get3A_207, %get3A_208] {strides = array<i32>} : memref<64x512xf32, #tpu.memory_space<vmem>>, vector<16xf32>,
        %bitcast_convert_type3A_210 = tpu.bitcast %get3A_209 : vector<16xf32> -> vector<16xi32>
        %gt3A_211 = arith.cmpi sgt, %bitcast_convert_type3A_210, %scan3A_45#0 : vector<16xi32>
        %all_reduce_population_count3A_212 = tpu.all_reduce %gt3A_211 {dim = 0 : i64, kind = #tpu.reduction_kind<sum>} : vector<16xi1> -> vector<16xi32>
        %add3A_213 = arith.addi %add3A_206, %all_reduce_population_count3A_212 : vector<16xi32>
        %get3A_214 = arith.index_cast %scan3A_32 : i32 to index
        %get3A_215 = arith.constant 384 : index
        %get3A_216 = tpu.vector_load %arg5[%get3A_214, %get3A_215] {strides = array<i32>} : memref<64x512xf32, #tpu.memory_space<vmem>>, vector<16xf32>,
        %bitcast_convert_type3A_217 = tpu.bitcast %get3A_216 : vector<16xf32> -> vector<16xi32>
        %gt3A_218 = arith.cmpi sgt, %bitcast_convert_type3A_217, %scan3A_45#0 : vector<16xi32>
        %all_reduce_population_count3A_219 = tpu.all_reduce %gt3A_218 {dim = 0 : i64, kind = #tpu.reduction_kind<sum>} : vector<16xi1> -> vector<16xi32>
        %add3A_220 = arith.addi %add3A_213, %all_reduce_population_count3A_219 : vector<16xi32>
        %get3A_221 = arith.index_cast %scan3A_32 : i32 to index
        %get3A_222 = arith.constant 400 : index
        %get3A_223 = tpu.vector_load %arg5[%get3A_221, %get3A_222] {strides = array<i32>} : memref<64x512xf32, #tpu.memory_space<vmem>>, vector<16xf32>,
        %bitcast_convert_type3A_224 = tpu.bitcast %get3A_223 : vector<16xf32> -> vector<16xi32>
        %gt3A_225 = arith.cmpi sgt, %bitcast_convert_type3A_224, %scan3A_45#0 : vector<16xi32>
        %all_reduce_population_count3A_226 = tpu.all_reduce %gt3A_225 {dim = 0 : i64, kind = #tpu.reduction_kind<sum>} : vector<16xi1> -> vector<16xi32>
        %add3A_227 = arith.addi %add3A_220, %all_reduce_population_count3A_226 : vector<16xi32>
        %get3A_228 = arith.index_cast %scan3A_32 : i32 to index
        %get3A_229 = arith.constant 416 : index
        %get3A_230 = tpu.vector_load %arg5[%get3A_228, %get3A_229] {strides = array<i32>} : memref<64x512xf32, #tpu.memory_space<vmem>>, vector<16xf32>,
        %bitcast_convert_type3A_231 = tpu.bitcast %get3A_230 : vector<16xf32> -> vector<16xi32>
        %gt3A_232 = arith.cmpi sgt, %bitcast_convert_type3A_231, %scan3A_45#0 : vector<16xi32>
        %all_reduce_population_count3A_233 = tpu.all_reduce %gt3A_232 {dim = 0 : i64, kind = #tpu.reduction_kind<sum>} : vector<16xi1> -> vector<16xi32>
        %add3A_234 = arith.addi %add3A_227, %all_reduce_population_count3A_233 : vector<16xi32>
        %get3A_235 = arith.index_cast %scan3A_32 : i32 to index
        %get3A_236 = arith.constant 432 : index
        %get3A_237 = tpu.vector_load %arg5[%get3A_235, %get3A_236] {strides = array<i32>} : memref<64x512xf32, #tpu.memory_space<vmem>>, vector<16xf32>,
        %bitcast_convert_type3A_238 = tpu.bitcast %get3A_237 : vector<16xf32> -> vector<16xi32>
        %gt3A_239 = arith.cmpi sgt, %bitcast_convert_type3A_238, %scan3A_45#0 : vector<16xi32>
        %all_reduce_population_count3A_240 = tpu.all_reduce %gt3A_239 {dim = 0 : i64, kind = #tpu.reduction_kind<sum>} : vector<16xi1> -> vector<16xi32>
        %add3A_241 = arith.addi %add3A_234, %all_reduce_population_count3A_240 : vector<16xi32>
        %get3A_242 = arith.index_cast %scan3A_32 : i32 to index
        %get3A_243 = arith.constant 448 : index
        %get3A_244 = tpu.vector_load %arg5[%get3A_242, %get3A_243] {strides = array<i32>} : memref<64x512xf32, #tpu.memory_space<vmem>>, vector<16xf32>,
        %bitcast_convert_type3A_245 = tpu.bitcast %get3A_244 : vector<16xf32> -> vector<16xi32>
        %gt3A_246 = arith.cmpi sgt, %bitcast_convert_type3A_245, %scan3A_45#0 : vector<16xi32>
        %all_reduce_population_count3A_247 = tpu.all_reduce %gt3A_246 {dim = 0 : i64, kind = #tpu.reduction_kind<sum>} : vector<16xi1> -> vector<16xi32>
        %add3A_248 = arith.addi %add3A_241, %all_reduce_population_count3A_247 : vector<16xi32>
        %get3A_249 = arith.index_cast %scan3A_32 : i32 to index
        %get3A_250 = arith.constant 464 : index
        %get3A_251 = tpu.vector_load %arg5[%get3A_249, %get3A_250] {strides = array<i32>} : memref<64x512xf32, #tpu.memory_space<vmem>>, vector<16xf32>,
        %bitcast_convert_type3A_252 = tpu.bitcast %get3A_251 : vector<16xf32> -> vector<16xi32>
        %gt3A_253 = arith.cmpi sgt, %bitcast_convert_type3A_252, %scan3A_45#0 : vector<16xi32>
        %all_reduce_population_count3A_254 = tpu.all_reduce %gt3A_253 {dim = 0 : i64, kind = #tpu.reduction_kind<sum>} : vector<16xi1> -> vector<16xi32>
        %add3A_255 = arith.addi %add3A_248, %all_reduce_population_count3A_254 : vector<16xi32>
        %get3A_256 = arith.index_cast %scan3A_32 : i32 to index
        %get3A_257 = arith.constant 480 : index
        %get3A_258 = tpu.vector_load %arg5[%get3A_256, %get3A_257] {strides = array<i32>} : memref<64x512xf32, #tpu.memory_space<vmem>>, vector<16xf32>,
        %bitcast_convert_type3A_259 = tpu.bitcast %get3A_258 : vector<16xf32> -> vector<16xi32>
        %gt3A_260 = arith.cmpi sgt, %bitcast_convert_type3A_259, %scan3A_45#0 : vector<16xi32>
        %all_reduce_population_count3A_261 = tpu.all_reduce %gt3A_260 {dim = 0 : i64, kind = #tpu.reduction_kind<sum>} : vector<16xi1> -> vector<16xi32>
        %add3A_262 = arith.addi %add3A_255, %all_reduce_population_count3A_261 : vector<16xi32>
        %get3A_263 = arith.index_cast %scan3A_32 : i32 to index
        %get3A_264 = arith.constant 496 : index
        %get3A_265 = tpu.vector_load %arg5[%get3A_263, %get3A_264] {strides = array<i32>} : memref<64x512xf32, #tpu.memory_space<vmem>>, vector<16xf32>,
        %bitcast_convert_type3A_266 = tpu.bitcast %get3A_265 : vector<16xf32> -> vector<16xi32>
        %gt3A_267 = arith.cmpi sgt, %bitcast_convert_type3A_266, %scan3A_45#0 : vector<16xi32>
        %all_reduce_population_count3A_268 = tpu.all_reduce %gt3A_267 {dim = 0 : i64, kind = #tpu.reduction_kind<sum>} : vector<16xi1> -> vector<16xi32>
        %add3A_269 = arith.addi %add3A_262, %all_reduce_population_count3A_268 : vector<16xi32>
        %sub3A_270 = arith.subi %get3A_36, %add3A_269 : vector<16xi32>
        %broadcast_in_dim3A_271 = arith.constant 0 : i32
        %broadcast_in_dim3A_272 = vector.broadcast %broadcast_in_dim3A_271 : i32 to vector<16xi32>
        %broadcast_in_dim3A_273 = arith.constant 0 : i32
        %broadcast_in_dim3A_274 = vector.broadcast %broadcast_in_dim3A_273 : i32 to vector<16xi32>
        %get3A_275 = arith.index_cast %scan3A_32 : i32 to index
        %get3A_276 = arith.constant 0 : index
        %get3A_277 = tpu.vector_load %arg5[%get3A_275, %get3A_276] {strides = array<i32>} : memref<64x512xf32, #tpu.memory_space<vmem>>, vector<16xf32>,
        %bitcast_convert_type3A_278 = tpu.bitcast %get3A_277 : vector<16xf32> -> vector<16xi32>
        %eq3A = arith.cmpi eq, %bitcast_convert_type3A_278, %scan3A_45#0 : vector<16xi32>
        %jit3A = arith.constant 1 : i32
        %jit3A_279 = arith.constant 0 : i32
        %broadcast_in_dim3A_280 = vector.broadcast %jit3A : i32 to vector<16xi32>
        %broadcast_in_dim3A_281 = vector.broadcast %jit3A_279 : i32 to vector<16xi32>
        %select_n3A = arith.select %eq3A, %broadcast_in_dim3A_280, %broadcast_in_dim3A_281 : vector<16xi1>, vector<16xi32>
        %broadcast_in_dim3A_282 = arith.constant true
        %broadcast_in_dim3A_283 = vector.broadcast %broadcast_in_dim3A_282 : i1 to vector<16xi1>
        %masked_cumsum3A = tpu.scan <sum>, %select_n3A masked %broadcast_in_dim3A_283 : vector<16xi32>, vector<16xi1> -> vector<16xi32>
        %sub3A_284 = arith.subi %masked_cumsum3A, %select_n3A : vector<16xi32>
        %add3A_285 = arith.addi %sub3A_284, %broadcast_in_dim3A_274 : vector<16xi32>
        %eq3A_286 = arith.cmpi eq, %add3A_285, %sub3A_270 : vector<16xi32>
        %and3A_287 = arith.andi %eq3A, %eq3A_286 : vector<16xi1>
        %all_reduce_ffs3A = tpu.all_reduce %and3A_287 {dim = 0 : i64, kind = #tpu.reduction_kind<find_first_set>} : vector<16xi1> -> vector<16xi32>
        %lt3A = arith.constant 16 : i32
        %lt3A_288 = vector.broadcast %lt3A : i32 to vector<16xi32>
        %lt3A_289 = arith.cmpi slt, %all_reduce_ffs3A, %lt3A_288 : vector<16xi32>
        %add3A_290 = arith.constant 0 : i32
        %add3A_291 = vector.broadcast %add3A_290 : i32 to vector<16xi32>
        %add3A_292 = arith.addi %add3A_291, %all_reduce_ffs3A : vector<16xi32>
        %select_n3A_293 = arith.select %lt3A_289, %add3A_292, %broadcast_in_dim3A_272 : vector<16xi1>, vector<16xi32>
        %all_reduce_population_count3A_294 = tpu.all_reduce %eq3A {dim = 0 : i64, kind = #tpu.reduction_kind<sum>} : vector<16xi1> -> vector<16xi32>
        %add3A_295 = arith.addi %broadcast_in_dim3A_274, %all_reduce_population_count3A_294 : vector<16xi32>
        %get3A_296 = arith.index_cast %scan3A_32 : i32 to index
        %get3A_297 = arith.constant 16 : index
        %get3A_298 = tpu.vector_load %arg5[%get3A_296, %get3A_297] {strides = array<i32>} : memref<64x512xf32, #tpu.memory_space<vmem>>, vector<16xf32>,
        %bitcast_convert_type3A_299 = tpu.bitcast %get3A_298 : vector<16xf32> -> vector<16xi32>
        %eq3A_300 = arith.cmpi eq, %bitcast_convert_type3A_299, %scan3A_45#0 : vector<16xi32>
        %jit3A_301 = arith.constant 1 : i32
        %jit3A_302 = arith.constant 0 : i32
        %broadcast_in_dim3A_303 = vector.broadcast %jit3A_301 : i32 to vector<16xi32>
        %broadcast_in_dim3A_304 = vector.broadcast %jit3A_302 : i32 to vector<16xi32>
        %select_n3A_305 = arith.select %eq3A_300, %broadcast_in_dim3A_303, %broadcast_in_dim3A_304 : vector<16xi1>, vector<16xi32>
        %broadcast_in_dim3A_306 = arith.constant true
        %broadcast_in_dim3A_307 = vector.broadcast %broadcast_in_dim3A_306 : i1 to vector<16xi1>
        %masked_cumsum3A_308 = tpu.scan <sum>, %select_n3A_305 masked %broadcast_in_dim3A_307 : vector<16xi32>, vector<16xi1> -> vector<16xi32>
        %sub3A_309 = arith.subi %masked_cumsum3A_308, %select_n3A_305 : vector<16xi32>
        %add3A_310 = arith.addi %sub3A_309, %add3A_295 : vector<16xi32>
        %eq3A_311 = arith.cmpi eq, %add3A_310, %sub3A_270 : vector<16xi32>
        %and3A_312 = arith.andi %eq3A_300, %eq3A_311 : vector<16xi1>
        %all_reduce_ffs3A_313 = tpu.all_reduce %and3A_312 {dim = 0 : i64, kind = #tpu.reduction_kind<find_first_set>} : vector<16xi1> -> vector<16xi32>
        %lt3A_314 = arith.constant 16 : i32
        %lt3A_315 = vector.broadcast %lt3A_314 : i32 to vector<16xi32>
        %lt3A_316 = arith.cmpi slt, %all_reduce_ffs3A_313, %lt3A_315 : vector<16xi32>
        %add3A_317 = arith.constant 16 : i32
        %add3A_318 = vector.broadcast %add3A_317 : i32 to vector<16xi32>
        %add3A_319 = arith.addi %add3A_318, %all_reduce_ffs3A_313 : vector<16xi32>
        %select_n3A_320 = arith.select %lt3A_316, %add3A_319, %select_n3A_293 : vector<16xi1>, vector<16xi32>
        %all_reduce_population_count3A_321 = tpu.all_reduce %eq3A_300 {dim = 0 : i64, kind = #tpu.reduction_kind<sum>} : vector<16xi1> -> vector<16xi32>
        %add3A_322 = arith.addi %add3A_295, %all_reduce_population_count3A_321 : vector<16xi32>
        %get3A_323 = arith.index_cast %scan3A_32 : i32 to index
        %get3A_324 = arith.constant 32 : index
        %get3A_325 = tpu.vector_load %arg5[%get3A_323, %get3A_324] {strides = array<i32>} : memref<64x512xf32, #tpu.memory_space<vmem>>, vector<16xf32>,
        %bitcast_convert_type3A_326 = tpu.bitcast %get3A_325 : vector<16xf32> -> vector<16xi32>
        %eq3A_327 = arith.cmpi eq, %bitcast_convert_type3A_326, %scan3A_45#0 : vector<16xi32>
        %jit3A_328 = arith.constant 1 : i32
        %jit3A_329 = arith.constant 0 : i32
        %broadcast_in_dim3A_330 = vector.broadcast %jit3A_328 : i32 to vector<16xi32>
        %broadcast_in_dim3A_331 = vector.broadcast %jit3A_329 : i32 to vector<16xi32>
        %select_n3A_332 = arith.select %eq3A_327, %broadcast_in_dim3A_330, %broadcast_in_dim3A_331 : vector<16xi1>, vector<16xi32>
        %broadcast_in_dim3A_333 = arith.constant true
        %broadcast_in_dim3A_334 = vector.broadcast %broadcast_in_dim3A_333 : i1 to vector<16xi1>
        %masked_cumsum3A_335 = tpu.scan <sum>, %select_n3A_332 masked %broadcast_in_dim3A_334 : vector<16xi32>, vector<16xi1> -> vector<16xi32>
        %sub3A_336 = arith.subi %masked_cumsum3A_335, %select_n3A_332 : vector<16xi32>
        %add3A_337 = arith.addi %sub3A_336, %add3A_322 : vector<16xi32>
        %eq3A_338 = arith.cmpi eq, %add3A_337, %sub3A_270 : vector<16xi32>
        %and3A_339 = arith.andi %eq3A_327, %eq3A_338 : vector<16xi1>
        %all_reduce_ffs3A_340 = tpu.all_reduce %and3A_339 {dim = 0 : i64, kind = #tpu.reduction_kind<find_first_set>} : vector<16xi1> -> vector<16xi32>
        %lt3A_341 = arith.constant 16 : i32
        %lt3A_342 = vector.broadcast %lt3A_341 : i32 to vector<16xi32>
        %lt3A_343 = arith.cmpi slt, %all_reduce_ffs3A_340, %lt3A_342 : vector<16xi32>
        %add3A_344 = arith.constant 32 : i32
        %add3A_345 = vector.broadcast %add3A_344 : i32 to vector<16xi32>
        %add3A_346 = arith.addi %add3A_345, %all_reduce_ffs3A_340 : vector<16xi32>
        %select_n3A_347 = arith.select %lt3A_343, %add3A_346, %select_n3A_320 : vector<16xi1>, vector<16xi32>
        %all_reduce_population_count3A_348 = tpu.all_reduce %eq3A_327 {dim = 0 : i64, kind = #tpu.reduction_kind<sum>} : vector<16xi1> -> vector<16xi32>
        %add3A_349 = arith.addi %add3A_322, %all_reduce_population_count3A_348 : vector<16xi32>
        %get3A_350 = arith.index_cast %scan3A_32 : i32 to index
        %get3A_351 = arith.constant 48 : index
        %get3A_352 = tpu.vector_load %arg5[%get3A_350, %get3A_351] {strides = array<i32>} : memref<64x512xf32, #tpu.memory_space<vmem>>, vector<16xf32>,
        %bitcast_convert_type3A_353 = tpu.bitcast %get3A_352 : vector<16xf32> -> vector<16xi32>
        %eq3A_354 = arith.cmpi eq, %bitcast_convert_type3A_353, %scan3A_45#0 : vector<16xi32>
        %jit3A_355 = arith.constant 1 : i32
        %jit3A_356 = arith.constant 0 : i32
        %broadcast_in_dim3A_357 = vector.broadcast %jit3A_355 : i32 to vector<16xi32>
        %broadcast_in_dim3A_358 = vector.broadcast %jit3A_356 : i32 to vector<16xi32>
        %select_n3A_359 = arith.select %eq3A_354, %broadcast_in_dim3A_357, %broadcast_in_dim3A_358 : vector<16xi1>, vector<16xi32>
        %broadcast_in_dim3A_360 = arith.constant true
        %broadcast_in_dim3A_361 = vector.broadcast %broadcast_in_dim3A_360 : i1 to vector<16xi1>
        %masked_cumsum3A_362 = tpu.scan <sum>, %select_n3A_359 masked %broadcast_in_dim3A_361 : vector<16xi32>, vector<16xi1> -> vector<16xi32>
        %sub3A_363 = arith.subi %masked_cumsum3A_362, %select_n3A_359 : vector<16xi32>
        %add3A_364 = arith.addi %sub3A_363, %add3A_349 : vector<16xi32>
        %eq3A_365 = arith.cmpi eq, %add3A_364, %sub3A_270 : vector<16xi32>
        %and3A_366 = arith.andi %eq3A_354, %eq3A_365 : vector<16xi1>
        %all_reduce_ffs3A_367 = tpu.all_reduce %and3A_366 {dim = 0 : i64, kind = #tpu.reduction_kind<find_first_set>} : vector<16xi1> -> vector<16xi32>
        %lt3A_368 = arith.constant 16 : i32
        %lt3A_369 = vector.broadcast %lt3A_368 : i32 to vector<16xi32>
        %lt3A_370 = arith.cmpi slt, %all_reduce_ffs3A_367, %lt3A_369 : vector<16xi32>
        %add3A_371 = arith.constant 48 : i32
        %add3A_372 = vector.broadcast %add3A_371 : i32 to vector<16xi32>
        %add3A_373 = arith.addi %add3A_372, %all_reduce_ffs3A_367 : vector<16xi32>
        %select_n3A_374 = arith.select %lt3A_370, %add3A_373, %select_n3A_347 : vector<16xi1>, vector<16xi32>
        %all_reduce_population_count3A_375 = tpu.all_reduce %eq3A_354 {dim = 0 : i64, kind = #tpu.reduction_kind<sum>} : vector<16xi1> -> vector<16xi32>
        %add3A_376 = arith.addi %add3A_349, %all_reduce_population_count3A_375 : vector<16xi32>
        %get3A_377 = arith.index_cast %scan3A_32 : i32 to index
        %get3A_378 = arith.constant 64 : index
        %get3A_379 = tpu.vector_load %arg5[%get3A_377, %get3A_378] {strides = array<i32>} : memref<64x512xf32, #tpu.memory_space<vmem>>, vector<16xf32>,
        %bitcast_convert_type3A_380 = tpu.bitcast %get3A_379 : vector<16xf32> -> vector<16xi32>
        %eq3A_381 = arith.cmpi eq, %bitcast_convert_type3A_380, %scan3A_45#0 : vector<16xi32>
        %jit3A_382 = arith.constant 1 : i32
        %jit3A_383 = arith.constant 0 : i32
        %broadcast_in_dim3A_384 = vector.broadcast %jit3A_382 : i32 to vector<16xi32>
        %broadcast_in_dim3A_385 = vector.broadcast %jit3A_383 : i32 to vector<16xi32>
        %select_n3A_386 = arith.select %eq3A_381, %broadcast_in_dim3A_384, %broadcast_in_dim3A_385 : vector<16xi1>, vector<16xi32>
        %broadcast_in_dim3A_387 = arith.constant true
        %broadcast_in_dim3A_388 = vector.broadcast %broadcast_in_dim3A_387 : i1 to vector<16xi1>
        %masked_cumsum3A_389 = tpu.scan <sum>, %select_n3A_386 masked %broadcast_in_dim3A_388 : vector<16xi32>, vector<16xi1> -> vector<16xi32>
        %sub3A_390 = arith.subi %masked_cumsum3A_389, %select_n3A_386 : vector<16xi32>
        %add3A_391 = arith.addi %sub3A_390, %add3A_376 : vector<16xi32>
        %eq3A_392 = arith.cmpi eq, %add3A_391, %sub3A_270 : vector<16xi32>
        %and3A_393 = arith.andi %eq3A_381, %eq3A_392 : vector<16xi1>
        %all_reduce_ffs3A_394 = tpu.all_reduce %and3A_393 {dim = 0 : i64, kind = #tpu.reduction_kind<find_first_set>} : vector<16xi1> -> vector<16xi32>
        %lt3A_395 = arith.constant 16 : i32
        %lt3A_396 = vector.broadcast %lt3A_395 : i32 to vector<16xi32>
        %lt3A_397 = arith.cmpi slt, %all_reduce_ffs3A_394, %lt3A_396 : vector<16xi32>
        %add3A_398 = arith.constant 64 : i32
        %add3A_399 = vector.broadcast %add3A_398 : i32 to vector<16xi32>
        %add3A_400 = arith.addi %add3A_399, %all_reduce_ffs3A_394 : vector<16xi32>
        %select_n3A_401 = arith.select %lt3A_397, %add3A_400, %select_n3A_374 : vector<16xi1>, vector<16xi32>
        %all_reduce_population_count3A_402 = tpu.all_reduce %eq3A_381 {dim = 0 : i64, kind = #tpu.reduction_kind<sum>} : vector<16xi1> -> vector<16xi32>
        %add3A_403 = arith.addi %add3A_376, %all_reduce_population_count3A_402 : vector<16xi32>
        %get3A_404 = arith.index_cast %scan3A_32 : i32 to index
        %get3A_405 = arith.constant 80 : index
        %get3A_406 = tpu.vector_load %arg5[%get3A_404, %get3A_405] {strides = array<i32>} : memref<64x512xf32, #tpu.memory_space<vmem>>, vector<16xf32>,
        %bitcast_convert_type3A_407 = tpu.bitcast %get3A_406 : vector<16xf32> -> vector<16xi32>
        %eq3A_408 = arith.cmpi eq, %bitcast_convert_type3A_407, %scan3A_45#0 : vector<16xi32>
        %jit3A_409 = arith.constant 1 : i32
        %jit3A_410 = arith.constant 0 : i32
        %broadcast_in_dim3A_411 = vector.broadcast %jit3A_409 : i32 to vector<16xi32>
        %broadcast_in_dim3A_412 = vector.broadcast %jit3A_410 : i32 to vector<16xi32>
        %select_n3A_413 = arith.select %eq3A_408, %broadcast_in_dim3A_411, %broadcast_in_dim3A_412 : vector<16xi1>, vector<16xi32>
        %broadcast_in_dim3A_414 = arith.constant true
        %broadcast_in_dim3A_415 = vector.broadcast %broadcast_in_dim3A_414 : i1 to vector<16xi1>
        %masked_cumsum3A_416 = tpu.scan <sum>, %select_n3A_413 masked %broadcast_in_dim3A_415 : vector<16xi32>, vector<16xi1> -> vector<16xi32>
        %sub3A_417 = arith.subi %masked_cumsum3A_416, %select_n3A_413 : vector<16xi32>
        %add3A_418 = arith.addi %sub3A_417, %add3A_403 : vector<16xi32>
        %eq3A_419 = arith.cmpi eq, %add3A_418, %sub3A_270 : vector<16xi32>
        %and3A_420 = arith.andi %eq3A_408, %eq3A_419 : vector<16xi1>
        %all_reduce_ffs3A_421 = tpu.all_reduce %and3A_420 {dim = 0 : i64, kind = #tpu.reduction_kind<find_first_set>} : vector<16xi1> -> vector<16xi32>
        %lt3A_422 = arith.constant 16 : i32
        %lt3A_423 = vector.broadcast %lt3A_422 : i32 to vector<16xi32>
        %lt3A_424 = arith.cmpi slt, %all_reduce_ffs3A_421, %lt3A_423 : vector<16xi32>
        %add3A_425 = arith.constant 80 : i32
        %add3A_426 = vector.broadcast %add3A_425 : i32 to vector<16xi32>
        %add3A_427 = arith.addi %add3A_426, %all_reduce_ffs3A_421 : vector<16xi32>
        %select_n3A_428 = arith.select %lt3A_424, %add3A_427, %select_n3A_401 : vector<16xi1>, vector<16xi32>
        %all_reduce_population_count3A_429 = tpu.all_reduce %eq3A_408 {dim = 0 : i64, kind = #tpu.reduction_kind<sum>} : vector<16xi1> -> vector<16xi32>
        %add3A_430 = arith.addi %add3A_403, %all_reduce_population_count3A_429 : vector<16xi32>
        %get3A_431 = arith.index_cast %scan3A_32 : i32 to index
        %get3A_432 = arith.constant 96 : index
        %get3A_433 = tpu.vector_load %arg5[%get3A_431, %get3A_432] {strides = array<i32>} : memref<64x512xf32, #tpu.memory_space<vmem>>, vector<16xf32>,
        %bitcast_convert_type3A_434 = tpu.bitcast %get3A_433 : vector<16xf32> -> vector<16xi32>
        %eq3A_435 = arith.cmpi eq, %bitcast_convert_type3A_434, %scan3A_45#0 : vector<16xi32>
        %jit3A_436 = arith.constant 1 : i32
        %jit3A_437 = arith.constant 0 : i32
        %broadcast_in_dim3A_438 = vector.broadcast %jit3A_436 : i32 to vector<16xi32>
        %broadcast_in_dim3A_439 = vector.broadcast %jit3A_437 : i32 to vector<16xi32>
        %select_n3A_440 = arith.select %eq3A_435, %broadcast_in_dim3A_438, %broadcast_in_dim3A_439 : vector<16xi1>, vector<16xi32>
        %broadcast_in_dim3A_441 = arith.constant true
        %broadcast_in_dim3A_442 = vector.broadcast %broadcast_in_dim3A_441 : i1 to vector<16xi1>
        %masked_cumsum3A_443 = tpu.scan <sum>, %select_n3A_440 masked %broadcast_in_dim3A_442 : vector<16xi32>, vector<16xi1> -> vector<16xi32>
        %sub3A_444 = arith.subi %masked_cumsum3A_443, %select_n3A_440 : vector<16xi32>
        %add3A_445 = arith.addi %sub3A_444, %add3A_430 : vector<16xi32>
        %eq3A_446 = arith.cmpi eq, %add3A_445, %sub3A_270 : vector<16xi32>
        %and3A_447 = arith.andi %eq3A_435, %eq3A_446 : vector<16xi1>
        %all_reduce_ffs3A_448 = tpu.all_reduce %and3A_447 {dim = 0 : i64, kind = #tpu.reduction_kind<find_first_set>} : vector<16xi1> -> vector<16xi32>
        %lt3A_449 = arith.constant 16 : i32
        %lt3A_450 = vector.broadcast %lt3A_449 : i32 to vector<16xi32>
        %lt3A_451 = arith.cmpi slt, %all_reduce_ffs3A_448, %lt3A_450 : vector<16xi32>
        %add3A_452 = arith.constant 96 : i32
        %add3A_453 = vector.broadcast %add3A_452 : i32 to vector<16xi32>
        %add3A_454 = arith.addi %add3A_453, %all_reduce_ffs3A_448 : vector<16xi32>
        %select_n3A_455 = arith.select %lt3A_451, %add3A_454, %select_n3A_428 : vector<16xi1>, vector<16xi32>
        %all_reduce_population_count3A_456 = tpu.all_reduce %eq3A_435 {dim = 0 : i64, kind = #tpu.reduction_kind<sum>} : vector<16xi1> -> vector<16xi32>
        %add3A_457 = arith.addi %add3A_430, %all_reduce_population_count3A_456 : vector<16xi32>
        %get3A_458 = arith.index_cast %scan3A_32 : i32 to index
        %get3A_459 = arith.constant 112 : index
        %get3A_460 = tpu.vector_load %arg5[%get3A_458, %get3A_459] {strides = array<i32>} : memref<64x512xf32, #tpu.memory_space<vmem>>, vector<16xf32>,
        %bitcast_convert_type3A_461 = tpu.bitcast %get3A_460 : vector<16xf32> -> vector<16xi32>
        %eq3A_462 = arith.cmpi eq, %bitcast_convert_type3A_461, %scan3A_45#0 : vector<16xi32>
        %jit3A_463 = arith.constant 1 : i32
        %jit3A_464 = arith.constant 0 : i32
        %broadcast_in_dim3A_465 = vector.broadcast %jit3A_463 : i32 to vector<16xi32>
        %broadcast_in_dim3A_466 = vector.broadcast %jit3A_464 : i32 to vector<16xi32>
        %select_n3A_467 = arith.select %eq3A_462, %broadcast_in_dim3A_465, %broadcast_in_dim3A_466 : vector<16xi1>, vector<16xi32>
        %broadcast_in_dim3A_468 = arith.constant true
        %broadcast_in_dim3A_469 = vector.broadcast %broadcast_in_dim3A_468 : i1 to vector<16xi1>
        %masked_cumsum3A_470 = tpu.scan <sum>, %select_n3A_467 masked %broadcast_in_dim3A_469 : vector<16xi32>, vector<16xi1> -> vector<16xi32>
        %sub3A_471 = arith.subi %masked_cumsum3A_470, %select_n3A_467 : vector<16xi32>
        %add3A_472 = arith.addi %sub3A_471, %add3A_457 : vector<16xi32>
        %eq3A_473 = arith.cmpi eq, %add3A_472, %sub3A_270 : vector<16xi32>
        %and3A_474 = arith.andi %eq3A_462, %eq3A_473 : vector<16xi1>
        %all_reduce_ffs3A_475 = tpu.all_reduce %and3A_474 {dim = 0 : i64, kind = #tpu.reduction_kind<find_first_set>} : vector<16xi1> -> vector<16xi32>
        %lt3A_476 = arith.constant 16 : i32
        %lt3A_477 = vector.broadcast %lt3A_476 : i32 to vector<16xi32>
        %lt3A_478 = arith.cmpi slt, %all_reduce_ffs3A_475, %lt3A_477 : vector<16xi32>
        %add3A_479 = arith.constant 112 : i32
        %add3A_480 = vector.broadcast %add3A_479 : i32 to vector<16xi32>
        %add3A_481 = arith.addi %add3A_480, %all_reduce_ffs3A_475 : vector<16xi32>
        %select_n3A_482 = arith.select %lt3A_478, %add3A_481, %select_n3A_455 : vector<16xi1>, vector<16xi32>
        %all_reduce_population_count3A_483 = tpu.all_reduce %eq3A_462 {dim = 0 : i64, kind = #tpu.reduction_kind<sum>} : vector<16xi1> -> vector<16xi32>
        %add3A_484 = arith.addi %add3A_457, %all_reduce_population_count3A_483 : vector<16xi32>
        %get3A_485 = arith.index_cast %scan3A_32 : i32 to index
        %get3A_486 = arith.constant 128 : index
        %get3A_487 = tpu.vector_load %arg5[%get3A_485, %get3A_486] {strides = array<i32>} : memref<64x512xf32, #tpu.memory_space<vmem>>, vector<16xf32>,
        %bitcast_convert_type3A_488 = tpu.bitcast %get3A_487 : vector<16xf32> -> vector<16xi32>
        %eq3A_489 = arith.cmpi eq, %bitcast_convert_type3A_488, %scan3A_45#0 : vector<16xi32>
        %jit3A_490 = arith.constant 1 : i32
        %jit3A_491 = arith.constant 0 : i32
        %broadcast_in_dim3A_492 = vector.broadcast %jit3A_490 : i32 to vector<16xi32>
        %broadcast_in_dim3A_493 = vector.broadcast %jit3A_491 : i32 to vector<16xi32>
        %select_n3A_494 = arith.select %eq3A_489, %broadcast_in_dim3A_492, %broadcast_in_dim3A_493 : vector<16xi1>, vector<16xi32>
        %broadcast_in_dim3A_495 = arith.constant true
        %broadcast_in_dim3A_496 = vector.broadcast %broadcast_in_dim3A_495 : i1 to vector<16xi1>
        %masked_cumsum3A_497 = tpu.scan <sum>, %select_n3A_494 masked %broadcast_in_dim3A_496 : vector<16xi32>, vector<16xi1> -> vector<16xi32>
        %sub3A_498 = arith.subi %masked_cumsum3A_497, %select_n3A_494 : vector<16xi32>
        %add3A_499 = arith.addi %sub3A_498, %add3A_484 : vector<16xi32>
        %eq3A_500 = arith.cmpi eq, %add3A_499, %sub3A_270 : vector<16xi32>
        %and3A_501 = arith.andi %eq3A_489, %eq3A_500 : vector<16xi1>
        %all_reduce_ffs3A_502 = tpu.all_reduce %and3A_501 {dim = 0 : i64, kind = #tpu.reduction_kind<find_first_set>} : vector<16xi1> -> vector<16xi32>
        %lt3A_503 = arith.constant 16 : i32
        %lt3A_504 = vector.broadcast %lt3A_503 : i32 to vector<16xi32>
        %lt3A_505 = arith.cmpi slt, %all_reduce_ffs3A_502, %lt3A_504 : vector<16xi32>
        %add3A_506 = arith.constant 128 : i32
        %add3A_507 = vector.broadcast %add3A_506 : i32 to vector<16xi32>
        %add3A_508 = arith.addi %add3A_507, %all_reduce_ffs3A_502 : vector<16xi32>
        %select_n3A_509 = arith.select %lt3A_505, %add3A_508, %select_n3A_482 : vector<16xi1>, vector<16xi32>
        %all_reduce_population_count3A_510 = tpu.all_reduce %eq3A_489 {dim = 0 : i64, kind = #tpu.reduction_kind<sum>} : vector<16xi1> -> vector<16xi32>
        %add3A_511 = arith.addi %add3A_484, %all_reduce_population_count3A_510 : vector<16xi32>
        %get3A_512 = arith.index_cast %scan3A_32 : i32 to index
        %get3A_513 = arith.constant 144 : index
        %get3A_514 = tpu.vector_load %arg5[%get3A_512, %get3A_513] {strides = array<i32>} : memref<64x512xf32, #tpu.memory_space<vmem>>, vector<16xf32>,
        %bitcast_convert_type3A_515 = tpu.bitcast %get3A_514 : vector<16xf32> -> vector<16xi32>
        %eq3A_516 = arith.cmpi eq, %bitcast_convert_type3A_515, %scan3A_45#0 : vector<16xi32>
        %jit3A_517 = arith.constant 1 : i32
        %jit3A_518 = arith.constant 0 : i32
        %broadcast_in_dim3A_519 = vector.broadcast %jit3A_517 : i32 to vector<16xi32>
        %broadcast_in_dim3A_520 = vector.broadcast %jit3A_518 : i32 to vector<16xi32>
        %select_n3A_521 = arith.select %eq3A_516, %broadcast_in_dim3A_519, %broadcast_in_dim3A_520 : vector<16xi1>, vector<16xi32>
        %broadcast_in_dim3A_522 = arith.constant true
        %broadcast_in_dim3A_523 = vector.broadcast %broadcast_in_dim3A_522 : i1 to vector<16xi1>
        %masked_cumsum3A_524 = tpu.scan <sum>, %select_n3A_521 masked %broadcast_in_dim3A_523 : vector<16xi32>, vector<16xi1> -> vector<16xi32>
        %sub3A_525 = arith.subi %masked_cumsum3A_524, %select_n3A_521 : vector<16xi32>
        %add3A_526 = arith.addi %sub3A_525, %add3A_511 : vector<16xi32>
        %eq3A_527 = arith.cmpi eq, %add3A_526, %sub3A_270 : vector<16xi32>
        %and3A_528 = arith.andi %eq3A_516, %eq3A_527 : vector<16xi1>
        %all_reduce_ffs3A_529 = tpu.all_reduce %and3A_528 {dim = 0 : i64, kind = #tpu.reduction_kind<find_first_set>} : vector<16xi1> -> vector<16xi32>
        %lt3A_530 = arith.constant 16 : i32
        %lt3A_531 = vector.broadcast %lt3A_530 : i32 to vector<16xi32>
        %lt3A_532 = arith.cmpi slt, %all_reduce_ffs3A_529, %lt3A_531 : vector<16xi32>
        %add3A_533 = arith.constant 144 : i32
        %add3A_534 = vector.broadcast %add3A_533 : i32 to vector<16xi32>
        %add3A_535 = arith.addi %add3A_534, %all_reduce_ffs3A_529 : vector<16xi32>
        %select_n3A_536 = arith.select %lt3A_532, %add3A_535, %select_n3A_509 : vector<16xi1>, vector<16xi32>
        %all_reduce_population_count3A_537 = tpu.all_reduce %eq3A_516 {dim = 0 : i64, kind = #tpu.reduction_kind<sum>} : vector<16xi1> -> vector<16xi32>
        %add3A_538 = arith.addi %add3A_511, %all_reduce_population_count3A_537 : vector<16xi32>
        %get3A_539 = arith.index_cast %scan3A_32 : i32 to index
        %get3A_540 = arith.constant 160 : index
        %get3A_541 = tpu.vector_load %arg5[%get3A_539, %get3A_540] {strides = array<i32>} : memref<64x512xf32, #tpu.memory_space<vmem>>, vector<16xf32>,
        %bitcast_convert_type3A_542 = tpu.bitcast %get3A_541 : vector<16xf32> -> vector<16xi32>
        %eq3A_543 = arith.cmpi eq, %bitcast_convert_type3A_542, %scan3A_45#0 : vector<16xi32>
        %jit3A_544 = arith.constant 1 : i32
        %jit3A_545 = arith.constant 0 : i32
        %broadcast_in_dim3A_546 = vector.broadcast %jit3A_544 : i32 to vector<16xi32>
        %broadcast_in_dim3A_547 = vector.broadcast %jit3A_545 : i32 to vector<16xi32>
        %select_n3A_548 = arith.select %eq3A_543, %broadcast_in_dim3A_546, %broadcast_in_dim3A_547 : vector<16xi1>, vector<16xi32>
        %broadcast_in_dim3A_549 = arith.constant true
        %broadcast_in_dim3A_550 = vector.broadcast %broadcast_in_dim3A_549 : i1 to vector<16xi1>
        %masked_cumsum3A_551 = tpu.scan <sum>, %select_n3A_548 masked %broadcast_in_dim3A_550 : vector<16xi32>, vector<16xi1> -> vector<16xi32>
        %sub3A_552 = arith.subi %masked_cumsum3A_551, %select_n3A_548 : vector<16xi32>
        %add3A_553 = arith.addi %sub3A_552, %add3A_538 : vector<16xi32>
        %eq3A_554 = arith.cmpi eq, %add3A_553, %sub3A_270 : vector<16xi32>
        %and3A_555 = arith.andi %eq3A_543, %eq3A_554 : vector<16xi1>
        %all_reduce_ffs3A_556 = tpu.all_reduce %and3A_555 {dim = 0 : i64, kind = #tpu.reduction_kind<find_first_set>} : vector<16xi1> -> vector<16xi32>
        %lt3A_557 = arith.constant 16 : i32
        %lt3A_558 = vector.broadcast %lt3A_557 : i32 to vector<16xi32>
        %lt3A_559 = arith.cmpi slt, %all_reduce_ffs3A_556, %lt3A_558 : vector<16xi32>
        %add3A_560 = arith.constant 160 : i32
        %add3A_561 = vector.broadcast %add3A_560 : i32 to vector<16xi32>
        %add3A_562 = arith.addi %add3A_561, %all_reduce_ffs3A_556 : vector<16xi32>
        %select_n3A_563 = arith.select %lt3A_559, %add3A_562, %select_n3A_536 : vector<16xi1>, vector<16xi32>
        %all_reduce_population_count3A_564 = tpu.all_reduce %eq3A_543 {dim = 0 : i64, kind = #tpu.reduction_kind<sum>} : vector<16xi1> -> vector<16xi32>
        %add3A_565 = arith.addi %add3A_538, %all_reduce_population_count3A_564 : vector<16xi32>
        %get3A_566 = arith.index_cast %scan3A_32 : i32 to index
        %get3A_567 = arith.constant 176 : index
        %get3A_568 = tpu.vector_load %arg5[%get3A_566, %get3A_567] {strides = array<i32>} : memref<64x512xf32, #tpu.memory_space<vmem>>, vector<16xf32>,
        %bitcast_convert_type3A_569 = tpu.bitcast %get3A_568 : vector<16xf32> -> vector<16xi32>
        %eq3A_570 = arith.cmpi eq, %bitcast_convert_type3A_569, %scan3A_45#0 : vector<16xi32>
        %jit3A_571 = arith.constant 1 : i32
        %jit3A_572 = arith.constant 0 : i32
        %broadcast_in_dim3A_573 = vector.broadcast %jit3A_571 : i32 to vector<16xi32>
        %broadcast_in_dim3A_574 = vector.broadcast %jit3A_572 : i32 to vector<16xi32>
        %select_n3A_575 = arith.select %eq3A_570, %broadcast_in_dim3A_573, %broadcast_in_dim3A_574 : vector<16xi1>, vector<16xi32>
        %broadcast_in_dim3A_576 = arith.constant true
        %broadcast_in_dim3A_577 = vector.broadcast %broadcast_in_dim3A_576 : i1 to vector<16xi1>
        %masked_cumsum3A_578 = tpu.scan <sum>, %select_n3A_575 masked %broadcast_in_dim3A_577 : vector<16xi32>, vector<16xi1> -> vector<16xi32>
        %sub3A_579 = arith.subi %masked_cumsum3A_578, %select_n3A_575 : vector<16xi32>
        %add3A_580 = arith.addi %sub3A_579, %add3A_565 : vector<16xi32>
        %eq3A_581 = arith.cmpi eq, %add3A_580, %sub3A_270 : vector<16xi32>
        %and3A_582 = arith.andi %eq3A_570, %eq3A_581 : vector<16xi1>
        %all_reduce_ffs3A_583 = tpu.all_reduce %and3A_582 {dim = 0 : i64, kind = #tpu.reduction_kind<find_first_set>} : vector<16xi1> -> vector<16xi32>
        %lt3A_584 = arith.constant 16 : i32
        %lt3A_585 = vector.broadcast %lt3A_584 : i32 to vector<16xi32>
        %lt3A_586 = arith.cmpi slt, %all_reduce_ffs3A_583, %lt3A_585 : vector<16xi32>
        %add3A_587 = arith.constant 176 : i32
        %add3A_588 = vector.broadcast %add3A_587 : i32 to vector<16xi32>
        %add3A_589 = arith.addi %add3A_588, %all_reduce_ffs3A_583 : vector<16xi32>
        %select_n3A_590 = arith.select %lt3A_586, %add3A_589, %select_n3A_563 : vector<16xi1>, vector<16xi32>
        %all_reduce_population_count3A_591 = tpu.all_reduce %eq3A_570 {dim = 0 : i64, kind = #tpu.reduction_kind<sum>} : vector<16xi1> -> vector<16xi32>
        %add3A_592 = arith.addi %add3A_565, %all_reduce_population_count3A_591 : vector<16xi32>
        %get3A_593 = arith.index_cast %scan3A_32 : i32 to index
        %get3A_594 = arith.constant 192 : index
        %get3A_595 = tpu.vector_load %arg5[%get3A_593, %get3A_594] {strides = array<i32>} : memref<64x512xf32, #tpu.memory_space<vmem>>, vector<16xf32>,
        %bitcast_convert_type3A_596 = tpu.bitcast %get3A_595 : vector<16xf32> -> vector<16xi32>
        %eq3A_597 = arith.cmpi eq, %bitcast_convert_type3A_596, %scan3A_45#0 : vector<16xi32>
        %jit3A_598 = arith.constant 1 : i32
        %jit3A_599 = arith.constant 0 : i32
        %broadcast_in_dim3A_600 = vector.broadcast %jit3A_598 : i32 to vector<16xi32>
        %broadcast_in_dim3A_601 = vector.broadcast %jit3A_599 : i32 to vector<16xi32>
        %select_n3A_602 = arith.select %eq3A_597, %broadcast_in_dim3A_600, %broadcast_in_dim3A_601 : vector<16xi1>, vector<16xi32>
        %broadcast_in_dim3A_603 = arith.constant true
        %broadcast_in_dim3A_604 = vector.broadcast %broadcast_in_dim3A_603 : i1 to vector<16xi1>
        %masked_cumsum3A_605 = tpu.scan <sum>, %select_n3A_602 masked %broadcast_in_dim3A_604 : vector<16xi32>, vector<16xi1> -> vector<16xi32>
        %sub3A_606 = arith.subi %masked_cumsum3A_605, %select_n3A_602 : vector<16xi32>
        %add3A_607 = arith.addi %sub3A_606, %add3A_592 : vector<16xi32>
        %eq3A_608 = arith.cmpi eq, %add3A_607, %sub3A_270 : vector<16xi32>
        %and3A_609 = arith.andi %eq3A_597, %eq3A_608 : vector<16xi1>
        %all_reduce_ffs3A_610 = tpu.all_reduce %and3A_609 {dim = 0 : i64, kind = #tpu.reduction_kind<find_first_set>} : vector<16xi1> -> vector<16xi32>
        %lt3A_611 = arith.constant 16 : i32
        %lt3A_612 = vector.broadcast %lt3A_611 : i32 to vector<16xi32>
        %lt3A_613 = arith.cmpi slt, %all_reduce_ffs3A_610, %lt3A_612 : vector<16xi32>
        %add3A_614 = arith.constant 192 : i32
        %add3A_615 = vector.broadcast %add3A_614 : i32 to vector<16xi32>
        %add3A_616 = arith.addi %add3A_615, %all_reduce_ffs3A_610 : vector<16xi32>
        %select_n3A_617 = arith.select %lt3A_613, %add3A_616, %select_n3A_590 : vector<16xi1>, vector<16xi32>
        %all_reduce_population_count3A_618 = tpu.all_reduce %eq3A_597 {dim = 0 : i64, kind = #tpu.reduction_kind<sum>} : vector<16xi1> -> vector<16xi32>
        %add3A_619 = arith.addi %add3A_592, %all_reduce_population_count3A_618 : vector<16xi32>
        %get3A_620 = arith.index_cast %scan3A_32 : i32 to index
        %get3A_621 = arith.constant 208 : index
        %get3A_622 = tpu.vector_load %arg5[%get3A_620, %get3A_621] {strides = array<i32>} : memref<64x512xf32, #tpu.memory_space<vmem>>, vector<16xf32>,
        %bitcast_convert_type3A_623 = tpu.bitcast %get3A_622 : vector<16xf32> -> vector<16xi32>
        %eq3A_624 = arith.cmpi eq, %bitcast_convert_type3A_623, %scan3A_45#0 : vector<16xi32>
        %jit3A_625 = arith.constant 1 : i32
        %jit3A_626 = arith.constant 0 : i32
        %broadcast_in_dim3A_627 = vector.broadcast %jit3A_625 : i32 to vector<16xi32>
        %broadcast_in_dim3A_628 = vector.broadcast %jit3A_626 : i32 to vector<16xi32>
        %select_n3A_629 = arith.select %eq3A_624, %broadcast_in_dim3A_627, %broadcast_in_dim3A_628 : vector<16xi1>, vector<16xi32>
        %broadcast_in_dim3A_630 = arith.constant true
        %broadcast_in_dim3A_631 = vector.broadcast %broadcast_in_dim3A_630 : i1 to vector<16xi1>
        %masked_cumsum3A_632 = tpu.scan <sum>, %select_n3A_629 masked %broadcast_in_dim3A_631 : vector<16xi32>, vector<16xi1> -> vector<16xi32>
        %sub3A_633 = arith.subi %masked_cumsum3A_632, %select_n3A_629 : vector<16xi32>
        %add3A_634 = arith.addi %sub3A_633, %add3A_619 : vector<16xi32>
        %eq3A_635 = arith.cmpi eq, %add3A_634, %sub3A_270 : vector<16xi32>
        %and3A_636 = arith.andi %eq3A_624, %eq3A_635 : vector<16xi1>
        %all_reduce_ffs3A_637 = tpu.all_reduce %and3A_636 {dim = 0 : i64, kind = #tpu.reduction_kind<find_first_set>} : vector<16xi1> -> vector<16xi32>
        %lt3A_638 = arith.constant 16 : i32
        %lt3A_639 = vector.broadcast %lt3A_638 : i32 to vector<16xi32>
        %lt3A_640 = arith.cmpi slt, %all_reduce_ffs3A_637, %lt3A_639 : vector<16xi32>
        %add3A_641 = arith.constant 208 : i32
        %add3A_642 = vector.broadcast %add3A_641 : i32 to vector<16xi32>
        %add3A_643 = arith.addi %add3A_642, %all_reduce_ffs3A_637 : vector<16xi32>
        %select_n3A_644 = arith.select %lt3A_640, %add3A_643, %select_n3A_617 : vector<16xi1>, vector<16xi32>
        %all_reduce_population_count3A_645 = tpu.all_reduce %eq3A_624 {dim = 0 : i64, kind = #tpu.reduction_kind<sum>} : vector<16xi1> -> vector<16xi32>
        %add3A_646 = arith.addi %add3A_619, %all_reduce_population_count3A_645 : vector<16xi32>
        %get3A_647 = arith.index_cast %scan3A_32 : i32 to index
        %get3A_648 = arith.constant 224 : index
        %get3A_649 = tpu.vector_load %arg5[%get3A_647, %get3A_648] {strides = array<i32>} : memref<64x512xf32, #tpu.memory_space<vmem>>, vector<16xf32>,
        %bitcast_convert_type3A_650 = tpu.bitcast %get3A_649 : vector<16xf32> -> vector<16xi32>
        %eq3A_651 = arith.cmpi eq, %bitcast_convert_type3A_650, %scan3A_45#0 : vector<16xi32>
        %jit3A_652 = arith.constant 1 : i32
        %jit3A_653 = arith.constant 0 : i32
        %broadcast_in_dim3A_654 = vector.broadcast %jit3A_652 : i32 to vector<16xi32>
        %broadcast_in_dim3A_655 = vector.broadcast %jit3A_653 : i32 to vector<16xi32>
        %select_n3A_656 = arith.select %eq3A_651, %broadcast_in_dim3A_654, %broadcast_in_dim3A_655 : vector<16xi1>, vector<16xi32>
        %broadcast_in_dim3A_657 = arith.constant true
        %broadcast_in_dim3A_658 = vector.broadcast %broadcast_in_dim3A_657 : i1 to vector<16xi1>
        %masked_cumsum3A_659 = tpu.scan <sum>, %select_n3A_656 masked %broadcast_in_dim3A_658 : vector<16xi32>, vector<16xi1> -> vector<16xi32>
        %sub3A_660 = arith.subi %masked_cumsum3A_659, %select_n3A_656 : vector<16xi32>
        %add3A_661 = arith.addi %sub3A_660, %add3A_646 : vector<16xi32>
        %eq3A_662 = arith.cmpi eq, %add3A_661, %sub3A_270 : vector<16xi32>
        %and3A_663 = arith.andi %eq3A_651, %eq3A_662 : vector<16xi1>
        %all_reduce_ffs3A_664 = tpu.all_reduce %and3A_663 {dim = 0 : i64, kind = #tpu.reduction_kind<find_first_set>} : vector<16xi1> -> vector<16xi32>
        %lt3A_665 = arith.constant 16 : i32
        %lt3A_666 = vector.broadcast %lt3A_665 : i32 to vector<16xi32>
        %lt3A_667 = arith.cmpi slt, %all_reduce_ffs3A_664, %lt3A_666 : vector<16xi32>
        %add3A_668 = arith.constant 224 : i32
        %add3A_669 = vector.broadcast %add3A_668 : i32 to vector<16xi32>
        %add3A_670 = arith.addi %add3A_669, %all_reduce_ffs3A_664 : vector<16xi32>
        %select_n3A_671 = arith.select %lt3A_667, %add3A_670, %select_n3A_644 : vector<16xi1>, vector<16xi32>
        %all_reduce_population_count3A_672 = tpu.all_reduce %eq3A_651 {dim = 0 : i64, kind = #tpu.reduction_kind<sum>} : vector<16xi1> -> vector<16xi32>
        %add3A_673 = arith.addi %add3A_646, %all_reduce_population_count3A_672 : vector<16xi32>
        %get3A_674 = arith.index_cast %scan3A_32 : i32 to index
        %get3A_675 = arith.constant 240 : index
        %get3A_676 = tpu.vector_load %arg5[%get3A_674, %get3A_675] {strides = array<i32>} : memref<64x512xf32, #tpu.memory_space<vmem>>, vector<16xf32>,
        %bitcast_convert_type3A_677 = tpu.bitcast %get3A_676 : vector<16xf32> -> vector<16xi32>
        %eq3A_678 = arith.cmpi eq, %bitcast_convert_type3A_677, %scan3A_45#0 : vector<16xi32>
        %jit3A_679 = arith.constant 1 : i32
        %jit3A_680 = arith.constant 0 : i32
        %broadcast_in_dim3A_681 = vector.broadcast %jit3A_679 : i32 to vector<16xi32>
        %broadcast_in_dim3A_682 = vector.broadcast %jit3A_680 : i32 to vector<16xi32>
        %select_n3A_683 = arith.select %eq3A_678, %broadcast_in_dim3A_681, %broadcast_in_dim3A_682 : vector<16xi1>, vector<16xi32>
        %broadcast_in_dim3A_684 = arith.constant true
        %broadcast_in_dim3A_685 = vector.broadcast %broadcast_in_dim3A_684 : i1 to vector<16xi1>
        %masked_cumsum3A_686 = tpu.scan <sum>, %select_n3A_683 masked %broadcast_in_dim3A_685 : vector<16xi32>, vector<16xi1> -> vector<16xi32>
        %sub3A_687 = arith.subi %masked_cumsum3A_686, %select_n3A_683 : vector<16xi32>
        %add3A_688 = arith.addi %sub3A_687, %add3A_673 : vector<16xi32>
        %eq3A_689 = arith.cmpi eq, %add3A_688, %sub3A_270 : vector<16xi32>
        %and3A_690 = arith.andi %eq3A_678, %eq3A_689 : vector<16xi1>
        %all_reduce_ffs3A_691 = tpu.all_reduce %and3A_690 {dim = 0 : i64, kind = #tpu.reduction_kind<find_first_set>} : vector<16xi1> -> vector<16xi32>
        %lt3A_692 = arith.constant 16 : i32
        %lt3A_693 = vector.broadcast %lt3A_692 : i32 to vector<16xi32>
        %lt3A_694 = arith.cmpi slt, %all_reduce_ffs3A_691, %lt3A_693 : vector<16xi32>
        %add3A_695 = arith.constant 240 : i32
        %add3A_696 = vector.broadcast %add3A_695 : i32 to vector<16xi32>
        %add3A_697 = arith.addi %add3A_696, %all_reduce_ffs3A_691 : vector<16xi32>
        %select_n3A_698 = arith.select %lt3A_694, %add3A_697, %select_n3A_671 : vector<16xi1>, vector<16xi32>
        %all_reduce_population_count3A_699 = tpu.all_reduce %eq3A_678 {dim = 0 : i64, kind = #tpu.reduction_kind<sum>} : vector<16xi1> -> vector<16xi32>
        %add3A_700 = arith.addi %add3A_673, %all_reduce_population_count3A_699 : vector<16xi32>
        %get3A_701 = arith.index_cast %scan3A_32 : i32 to index
        %get3A_702 = arith.constant 256 : index
        %get3A_703 = tpu.vector_load %arg5[%get3A_701, %get3A_702] {strides = array<i32>} : memref<64x512xf32, #tpu.memory_space<vmem>>, vector<16xf32>,
        %bitcast_convert_type3A_704 = tpu.bitcast %get3A_703 : vector<16xf32> -> vector<16xi32>
        %eq3A_705 = arith.cmpi eq, %bitcast_convert_type3A_704, %scan3A_45#0 : vector<16xi32>
        %jit3A_706 = arith.constant 1 : i32
        %jit3A_707 = arith.constant 0 : i32
        %broadcast_in_dim3A_708 = vector.broadcast %jit3A_706 : i32 to vector<16xi32>
        %broadcast_in_dim3A_709 = vector.broadcast %jit3A_707 : i32 to vector<16xi32>
        %select_n3A_710 = arith.select %eq3A_705, %broadcast_in_dim3A_708, %broadcast_in_dim3A_709 : vector<16xi1>, vector<16xi32>
        %broadcast_in_dim3A_711 = arith.constant true
        %broadcast_in_dim3A_712 = vector.broadcast %broadcast_in_dim3A_711 : i1 to vector<16xi1>
        %masked_cumsum3A_713 = tpu.scan <sum>, %select_n3A_710 masked %broadcast_in_dim3A_712 : vector<16xi32>, vector<16xi1> -> vector<16xi32>
        %sub3A_714 = arith.subi %masked_cumsum3A_713, %select_n3A_710 : vector<16xi32>
        %add3A_715 = arith.addi %sub3A_714, %add3A_700 : vector<16xi32>
        %eq3A_716 = arith.cmpi eq, %add3A_715, %sub3A_270 : vector<16xi32>
        %and3A_717 = arith.andi %eq3A_705, %eq3A_716 : vector<16xi1>
        %all_reduce_ffs3A_718 = tpu.all_reduce %and3A_717 {dim = 0 : i64, kind = #tpu.reduction_kind<find_first_set>} : vector<16xi1> -> vector<16xi32>
        %lt3A_719 = arith.constant 16 : i32
        %lt3A_720 = vector.broadcast %lt3A_719 : i32 to vector<16xi32>
        %lt3A_721 = arith.cmpi slt, %all_reduce_ffs3A_718, %lt3A_720 : vector<16xi32>
        %add3A_722 = arith.constant 256 : i32
        %add3A_723 = vector.broadcast %add3A_722 : i32 to vector<16xi32>
        %add3A_724 = arith.addi %add3A_723, %all_reduce_ffs3A_718 : vector<16xi32>
        %select_n3A_725 = arith.select %lt3A_721, %add3A_724, %select_n3A_698 : vector<16xi1>, vector<16xi32>
        %all_reduce_population_count3A_726 = tpu.all_reduce %eq3A_705 {dim = 0 : i64, kind = #tpu.reduction_kind<sum>} : vector<16xi1> -> vector<16xi32>
        %add3A_727 = arith.addi %add3A_700, %all_reduce_population_count3A_726 : vector<16xi32>
        %get3A_728 = arith.index_cast %scan3A_32 : i32 to index
        %get3A_729 = arith.constant 272 : index
        %get3A_730 = tpu.vector_load %arg5[%get3A_728, %get3A_729] {strides = array<i32>} : memref<64x512xf32, #tpu.memory_space<vmem>>, vector<16xf32>,
        %bitcast_convert_type3A_731 = tpu.bitcast %get3A_730 : vector<16xf32> -> vector<16xi32>
        %eq3A_732 = arith.cmpi eq, %bitcast_convert_type3A_731, %scan3A_45#0 : vector<16xi32>
        %jit3A_733 = arith.constant 1 : i32
        %jit3A_734 = arith.constant 0 : i32
        %broadcast_in_dim3A_735 = vector.broadcast %jit3A_733 : i32 to vector<16xi32>
        %broadcast_in_dim3A_736 = vector.broadcast %jit3A_734 : i32 to vector<16xi32>
        %select_n3A_737 = arith.select %eq3A_732, %broadcast_in_dim3A_735, %broadcast_in_dim3A_736 : vector<16xi1>, vector<16xi32>
        %broadcast_in_dim3A_738 = arith.constant true
        %broadcast_in_dim3A_739 = vector.broadcast %broadcast_in_dim3A_738 : i1 to vector<16xi1>
        %masked_cumsum3A_740 = tpu.scan <sum>, %select_n3A_737 masked %broadcast_in_dim3A_739 : vector<16xi32>, vector<16xi1> -> vector<16xi32>
        %sub3A_741 = arith.subi %masked_cumsum3A_740, %select_n3A_737 : vector<16xi32>
        %add3A_742 = arith.addi %sub3A_741, %add3A_727 : vector<16xi32>
        %eq3A_743 = arith.cmpi eq, %add3A_742, %sub3A_270 : vector<16xi32>
        %and3A_744 = arith.andi %eq3A_732, %eq3A_743 : vector<16xi1>
        %all_reduce_ffs3A_745 = tpu.all_reduce %and3A_744 {dim = 0 : i64, kind = #tpu.reduction_kind<find_first_set>} : vector<16xi1> -> vector<16xi32>
        %lt3A_746 = arith.constant 16 : i32
        %lt3A_747 = vector.broadcast %lt3A_746 : i32 to vector<16xi32>
        %lt3A_748 = arith.cmpi slt, %all_reduce_ffs3A_745, %lt3A_747 : vector<16xi32>
        %add3A_749 = arith.constant 272 : i32
        %add3A_750 = vector.broadcast %add3A_749 : i32 to vector<16xi32>
        %add3A_751 = arith.addi %add3A_750, %all_reduce_ffs3A_745 : vector<16xi32>
        %select_n3A_752 = arith.select %lt3A_748, %add3A_751, %select_n3A_725 : vector<16xi1>, vector<16xi32>
        %all_reduce_population_count3A_753 = tpu.all_reduce %eq3A_732 {dim = 0 : i64, kind = #tpu.reduction_kind<sum>} : vector<16xi1> -> vector<16xi32>
        %add3A_754 = arith.addi %add3A_727, %all_reduce_population_count3A_753 : vector<16xi32>
        %get3A_755 = arith.index_cast %scan3A_32 : i32 to index
        %get3A_756 = arith.constant 288 : index
        %get3A_757 = tpu.vector_load %arg5[%get3A_755, %get3A_756] {strides = array<i32>} : memref<64x512xf32, #tpu.memory_space<vmem>>, vector<16xf32>,
        %bitcast_convert_type3A_758 = tpu.bitcast %get3A_757 : vector<16xf32> -> vector<16xi32>
        %eq3A_759 = arith.cmpi eq, %bitcast_convert_type3A_758, %scan3A_45#0 : vector<16xi32>
        %jit3A_760 = arith.constant 1 : i32
        %jit3A_761 = arith.constant 0 : i32
        %broadcast_in_dim3A_762 = vector.broadcast %jit3A_760 : i32 to vector<16xi32>
        %broadcast_in_dim3A_763 = vector.broadcast %jit3A_761 : i32 to vector<16xi32>
        %select_n3A_764 = arith.select %eq3A_759, %broadcast_in_dim3A_762, %broadcast_in_dim3A_763 : vector<16xi1>, vector<16xi32>
        %broadcast_in_dim3A_765 = arith.constant true
        %broadcast_in_dim3A_766 = vector.broadcast %broadcast_in_dim3A_765 : i1 to vector<16xi1>
        %masked_cumsum3A_767 = tpu.scan <sum>, %select_n3A_764 masked %broadcast_in_dim3A_766 : vector<16xi32>, vector<16xi1> -> vector<16xi32>
        %sub3A_768 = arith.subi %masked_cumsum3A_767, %select_n3A_764 : vector<16xi32>
        %add3A_769 = arith.addi %sub3A_768, %add3A_754 : vector<16xi32>
        %eq3A_770 = arith.cmpi eq, %add3A_769, %sub3A_270 : vector<16xi32>
        %and3A_771 = arith.andi %eq3A_759, %eq3A_770 : vector<16xi1>
        %all_reduce_ffs3A_772 = tpu.all_reduce %and3A_771 {dim = 0 : i64, kind = #tpu.reduction_kind<find_first_set>} : vector<16xi1> -> vector<16xi32>
        %lt3A_773 = arith.constant 16 : i32
        %lt3A_774 = vector.broadcast %lt3A_773 : i32 to vector<16xi32>
        %lt3A_775 = arith.cmpi slt, %all_reduce_ffs3A_772, %lt3A_774 : vector<16xi32>
        %add3A_776 = arith.constant 288 : i32
        %add3A_777 = vector.broadcast %add3A_776 : i32 to vector<16xi32>
        %add3A_778 = arith.addi %add3A_777, %all_reduce_ffs3A_772 : vector<16xi32>
        %select_n3A_779 = arith.select %lt3A_775, %add3A_778, %select_n3A_752 : vector<16xi1>, vector<16xi32>
        %all_reduce_population_count3A_780 = tpu.all_reduce %eq3A_759 {dim = 0 : i64, kind = #tpu.reduction_kind<sum>} : vector<16xi1> -> vector<16xi32>
        %add3A_781 = arith.addi %add3A_754, %all_reduce_population_count3A_780 : vector<16xi32>
        %get3A_782 = arith.index_cast %scan3A_32 : i32 to index
        %get3A_783 = arith.constant 304 : index
        %get3A_784 = tpu.vector_load %arg5[%get3A_782, %get3A_783] {strides = array<i32>} : memref<64x512xf32, #tpu.memory_space<vmem>>, vector<16xf32>,
        %bitcast_convert_type3A_785 = tpu.bitcast %get3A_784 : vector<16xf32> -> vector<16xi32>
        %eq3A_786 = arith.cmpi eq, %bitcast_convert_type3A_785, %scan3A_45#0 : vector<16xi32>
        %jit3A_787 = arith.constant 1 : i32
        %jit3A_788 = arith.constant 0 : i32
        %broadcast_in_dim3A_789 = vector.broadcast %jit3A_787 : i32 to vector<16xi32>
        %broadcast_in_dim3A_790 = vector.broadcast %jit3A_788 : i32 to vector<16xi32>
        %select_n3A_791 = arith.select %eq3A_786, %broadcast_in_dim3A_789, %broadcast_in_dim3A_790 : vector<16xi1>, vector<16xi32>
        %broadcast_in_dim3A_792 = arith.constant true
        %broadcast_in_dim3A_793 = vector.broadcast %broadcast_in_dim3A_792 : i1 to vector<16xi1>
        %masked_cumsum3A_794 = tpu.scan <sum>, %select_n3A_791 masked %broadcast_in_dim3A_793 : vector<16xi32>, vector<16xi1> -> vector<16xi32>
        %sub3A_795 = arith.subi %masked_cumsum3A_794, %select_n3A_791 : vector<16xi32>
        %add3A_796 = arith.addi %sub3A_795, %add3A_781 : vector<16xi32>
        %eq3A_797 = arith.cmpi eq, %add3A_796, %sub3A_270 : vector<16xi32>
        %and3A_798 = arith.andi %eq3A_786, %eq3A_797 : vector<16xi1>
        %all_reduce_ffs3A_799 = tpu.all_reduce %and3A_798 {dim = 0 : i64, kind = #tpu.reduction_kind<find_first_set>} : vector<16xi1> -> vector<16xi32>
        %lt3A_800 = arith.constant 16 : i32
        %lt3A_801 = vector.broadcast %lt3A_800 : i32 to vector<16xi32>
        %lt3A_802 = arith.cmpi slt, %all_reduce_ffs3A_799, %lt3A_801 : vector<16xi32>
        %add3A_803 = arith.constant 304 : i32
        %add3A_804 = vector.broadcast %add3A_803 : i32 to vector<16xi32>
        %add3A_805 = arith.addi %add3A_804, %all_reduce_ffs3A_799 : vector<16xi32>
        %select_n3A_806 = arith.select %lt3A_802, %add3A_805, %select_n3A_779 : vector<16xi1>, vector<16xi32>
        %all_reduce_population_count3A_807 = tpu.all_reduce %eq3A_786 {dim = 0 : i64, kind = #tpu.reduction_kind<sum>} : vector<16xi1> -> vector<16xi32>
        %add3A_808 = arith.addi %add3A_781, %all_reduce_population_count3A_807 : vector<16xi32>
        %get3A_809 = arith.index_cast %scan3A_32 : i32 to index
        %get3A_810 = arith.constant 320 : index
        %get3A_811 = tpu.vector_load %arg5[%get3A_809, %get3A_810] {strides = array<i32>} : memref<64x512xf32, #tpu.memory_space<vmem>>, vector<16xf32>,
        %bitcast_convert_type3A_812 = tpu.bitcast %get3A_811 : vector<16xf32> -> vector<16xi32>
        %eq3A_813 = arith.cmpi eq, %bitcast_convert_type3A_812, %scan3A_45#0 : vector<16xi32>
        %jit3A_814 = arith.constant 1 : i32
        %jit3A_815 = arith.constant 0 : i32
        %broadcast_in_dim3A_816 = vector.broadcast %jit3A_814 : i32 to vector<16xi32>
        %broadcast_in_dim3A_817 = vector.broadcast %jit3A_815 : i32 to vector<16xi32>
        %select_n3A_818 = arith.select %eq3A_813, %broadcast_in_dim3A_816, %broadcast_in_dim3A_817 : vector<16xi1>, vector<16xi32>
        %broadcast_in_dim3A_819 = arith.constant true
        %broadcast_in_dim3A_820 = vector.broadcast %broadcast_in_dim3A_819 : i1 to vector<16xi1>
        %masked_cumsum3A_821 = tpu.scan <sum>, %select_n3A_818 masked %broadcast_in_dim3A_820 : vector<16xi32>, vector<16xi1> -> vector<16xi32>
        %sub3A_822 = arith.subi %masked_cumsum3A_821, %select_n3A_818 : vector<16xi32>
        %add3A_823 = arith.addi %sub3A_822, %add3A_808 : vector<16xi32>
        %eq3A_824 = arith.cmpi eq, %add3A_823, %sub3A_270 : vector<16xi32>
        %and3A_825 = arith.andi %eq3A_813, %eq3A_824 : vector<16xi1>
        %all_reduce_ffs3A_826 = tpu.all_reduce %and3A_825 {dim = 0 : i64, kind = #tpu.reduction_kind<find_first_set>} : vector<16xi1> -> vector<16xi32>
        %lt3A_827 = arith.constant 16 : i32
        %lt3A_828 = vector.broadcast %lt3A_827 : i32 to vector<16xi32>
        %lt3A_829 = arith.cmpi slt, %all_reduce_ffs3A_826, %lt3A_828 : vector<16xi32>
        %add3A_830 = arith.constant 320 : i32
        %add3A_831 = vector.broadcast %add3A_830 : i32 to vector<16xi32>
        %add3A_832 = arith.addi %add3A_831, %all_reduce_ffs3A_826 : vector<16xi32>
        %select_n3A_833 = arith.select %lt3A_829, %add3A_832, %select_n3A_806 : vector<16xi1>, vector<16xi32>
        %all_reduce_population_count3A_834 = tpu.all_reduce %eq3A_813 {dim = 0 : i64, kind = #tpu.reduction_kind<sum>} : vector<16xi1> -> vector<16xi32>
        %add3A_835 = arith.addi %add3A_808, %all_reduce_population_count3A_834 : vector<16xi32>
        %get3A_836 = arith.index_cast %scan3A_32 : i32 to index
        %get3A_837 = arith.constant 336 : index
        %get3A_838 = tpu.vector_load %arg5[%get3A_836, %get3A_837] {strides = array<i32>} : memref<64x512xf32, #tpu.memory_space<vmem>>, vector<16xf32>,
        %bitcast_convert_type3A_839 = tpu.bitcast %get3A_838 : vector<16xf32> -> vector<16xi32>
        %eq3A_840 = arith.cmpi eq, %bitcast_convert_type3A_839, %scan3A_45#0 : vector<16xi32>
        %jit3A_841 = arith.constant 1 : i32
        %jit3A_842 = arith.constant 0 : i32
        %broadcast_in_dim3A_843 = vector.broadcast %jit3A_841 : i32 to vector<16xi32>
        %broadcast_in_dim3A_844 = vector.broadcast %jit3A_842 : i32 to vector<16xi32>
        %select_n3A_845 = arith.select %eq3A_840, %broadcast_in_dim3A_843, %broadcast_in_dim3A_844 : vector<16xi1>, vector<16xi32>
        %broadcast_in_dim3A_846 = arith.constant true
        %broadcast_in_dim3A_847 = vector.broadcast %broadcast_in_dim3A_846 : i1 to vector<16xi1>
        %masked_cumsum3A_848 = tpu.scan <sum>, %select_n3A_845 masked %broadcast_in_dim3A_847 : vector<16xi32>, vector<16xi1> -> vector<16xi32>
        %sub3A_849 = arith.subi %masked_cumsum3A_848, %select_n3A_845 : vector<16xi32>
        %add3A_850 = arith.addi %sub3A_849, %add3A_835 : vector<16xi32>
        %eq3A_851 = arith.cmpi eq, %add3A_850, %sub3A_270 : vector<16xi32>
        %and3A_852 = arith.andi %eq3A_840, %eq3A_851 : vector<16xi1>
        %all_reduce_ffs3A_853 = tpu.all_reduce %and3A_852 {dim = 0 : i64, kind = #tpu.reduction_kind<find_first_set>} : vector<16xi1> -> vector<16xi32>
        %lt3A_854 = arith.constant 16 : i32
        %lt3A_855 = vector.broadcast %lt3A_854 : i32 to vector<16xi32>
        %lt3A_856 = arith.cmpi slt, %all_reduce_ffs3A_853, %lt3A_855 : vector<16xi32>
        %add3A_857 = arith.constant 336 : i32
        %add3A_858 = vector.broadcast %add3A_857 : i32 to vector<16xi32>
        %add3A_859 = arith.addi %add3A_858, %all_reduce_ffs3A_853 : vector<16xi32>
        %select_n3A_860 = arith.select %lt3A_856, %add3A_859, %select_n3A_833 : vector<16xi1>, vector<16xi32>
        %all_reduce_population_count3A_861 = tpu.all_reduce %eq3A_840 {dim = 0 : i64, kind = #tpu.reduction_kind<sum>} : vector<16xi1> -> vector<16xi32>
        %add3A_862 = arith.addi %add3A_835, %all_reduce_population_count3A_861 : vector<16xi32>
        %get3A_863 = arith.index_cast %scan3A_32 : i32 to index
        %get3A_864 = arith.constant 352 : index
        %get3A_865 = tpu.vector_load %arg5[%get3A_863, %get3A_864] {strides = array<i32>} : memref<64x512xf32, #tpu.memory_space<vmem>>, vector<16xf32>,
        %bitcast_convert_type3A_866 = tpu.bitcast %get3A_865 : vector<16xf32> -> vector<16xi32>
        %eq3A_867 = arith.cmpi eq, %bitcast_convert_type3A_866, %scan3A_45#0 : vector<16xi32>
        %jit3A_868 = arith.constant 1 : i32
        %jit3A_869 = arith.constant 0 : i32
        %broadcast_in_dim3A_870 = vector.broadcast %jit3A_868 : i32 to vector<16xi32>
        %broadcast_in_dim3A_871 = vector.broadcast %jit3A_869 : i32 to vector<16xi32>
        %select_n3A_872 = arith.select %eq3A_867, %broadcast_in_dim3A_870, %broadcast_in_dim3A_871 : vector<16xi1>, vector<16xi32>
        %broadcast_in_dim3A_873 = arith.constant true
        %broadcast_in_dim3A_874 = vector.broadcast %broadcast_in_dim3A_873 : i1 to vector<16xi1>
        %masked_cumsum3A_875 = tpu.scan <sum>, %select_n3A_872 masked %broadcast_in_dim3A_874 : vector<16xi32>, vector<16xi1> -> vector<16xi32>
        %sub3A_876 = arith.subi %masked_cumsum3A_875, %select_n3A_872 : vector<16xi32>
        %add3A_877 = arith.addi %sub3A_876, %add3A_862 : vector<16xi32>
        %eq3A_878 = arith.cmpi eq, %add3A_877, %sub3A_270 : vector<16xi32>
        %and3A_879 = arith.andi %eq3A_867, %eq3A_878 : vector<16xi1>
        %all_reduce_ffs3A_880 = tpu.all_reduce %and3A_879 {dim = 0 : i64, kind = #tpu.reduction_kind<find_first_set>} : vector<16xi1> -> vector<16xi32>
        %lt3A_881 = arith.constant 16 : i32
        %lt3A_882 = vector.broadcast %lt3A_881 : i32 to vector<16xi32>
        %lt3A_883 = arith.cmpi slt, %all_reduce_ffs3A_880, %lt3A_882 : vector<16xi32>
        %add3A_884 = arith.constant 352 : i32
        %add3A_885 = vector.broadcast %add3A_884 : i32 to vector<16xi32>
        %add3A_886 = arith.addi %add3A_885, %all_reduce_ffs3A_880 : vector<16xi32>
        %select_n3A_887 = arith.select %lt3A_883, %add3A_886, %select_n3A_860 : vector<16xi1>, vector<16xi32>
        %all_reduce_population_count3A_888 = tpu.all_reduce %eq3A_867 {dim = 0 : i64, kind = #tpu.reduction_kind<sum>} : vector<16xi1> -> vector<16xi32>
        %add3A_889 = arith.addi %add3A_862, %all_reduce_population_count3A_888 : vector<16xi32>
        %get3A_890 = arith.index_cast %scan3A_32 : i32 to index
        %get3A_891 = arith.constant 368 : index
        %get3A_892 = tpu.vector_load %arg5[%get3A_890, %get3A_891] {strides = array<i32>} : memref<64x512xf32, #tpu.memory_space<vmem>>, vector<16xf32>,
        %bitcast_convert_type3A_893 = tpu.bitcast %get3A_892 : vector<16xf32> -> vector<16xi32>
        %eq3A_894 = arith.cmpi eq, %bitcast_convert_type3A_893, %scan3A_45#0 : vector<16xi32>
        %jit3A_895 = arith.constant 1 : i32
        %jit3A_896 = arith.constant 0 : i32
        %broadcast_in_dim3A_897 = vector.broadcast %jit3A_895 : i32 to vector<16xi32>
        %broadcast_in_dim3A_898 = vector.broadcast %jit3A_896 : i32 to vector<16xi32>
        %select_n3A_899 = arith.select %eq3A_894, %broadcast_in_dim3A_897, %broadcast_in_dim3A_898 : vector<16xi1>, vector<16xi32>
        %broadcast_in_dim3A_900 = arith.constant true
        %broadcast_in_dim3A_901 = vector.broadcast %broadcast_in_dim3A_900 : i1 to vector<16xi1>
        %masked_cumsum3A_902 = tpu.scan <sum>, %select_n3A_899 masked %broadcast_in_dim3A_901 : vector<16xi32>, vector<16xi1> -> vector<16xi32>
        %sub3A_903 = arith.subi %masked_cumsum3A_902, %select_n3A_899 : vector<16xi32>
        %add3A_904 = arith.addi %sub3A_903, %add3A_889 : vector<16xi32>
        %eq3A_905 = arith.cmpi eq, %add3A_904, %sub3A_270 : vector<16xi32>
        %and3A_906 = arith.andi %eq3A_894, %eq3A_905 : vector<16xi1>
        %all_reduce_ffs3A_907 = tpu.all_reduce %and3A_906 {dim = 0 : i64, kind = #tpu.reduction_kind<find_first_set>} : vector<16xi1> -> vector<16xi32>
        %lt3A_908 = arith.constant 16 : i32
        %lt3A_909 = vector.broadcast %lt3A_908 : i32 to vector<16xi32>
        %lt3A_910 = arith.cmpi slt, %all_reduce_ffs3A_907, %lt3A_909 : vector<16xi32>
        %add3A_911 = arith.constant 368 : i32
        %add3A_912 = vector.broadcast %add3A_911 : i32 to vector<16xi32>
        %add3A_913 = arith.addi %add3A_912, %all_reduce_ffs3A_907 : vector<16xi32>
        %select_n3A_914 = arith.select %lt3A_910, %add3A_913, %select_n3A_887 : vector<16xi1>, vector<16xi32>
        %all_reduce_population_count3A_915 = tpu.all_reduce %eq3A_894 {dim = 0 : i64, kind = #tpu.reduction_kind<sum>} : vector<16xi1> -> vector<16xi32>
        %add3A_916 = arith.addi %add3A_889, %all_reduce_population_count3A_915 : vector<16xi32>
        %get3A_917 = arith.index_cast %scan3A_32 : i32 to index
        %get3A_918 = arith.constant 384 : index
        %get3A_919 = tpu.vector_load %arg5[%get3A_917, %get3A_918] {strides = array<i32>} : memref<64x512xf32, #tpu.memory_space<vmem>>, vector<16xf32>,
        %bitcast_convert_type3A_920 = tpu.bitcast %get3A_919 : vector<16xf32> -> vector<16xi32>
        %eq3A_921 = arith.cmpi eq, %bitcast_convert_type3A_920, %scan3A_45#0 : vector<16xi32>
        %jit3A_922 = arith.constant 1 : i32
        %jit3A_923 = arith.constant 0 : i32
        %broadcast_in_dim3A_924 = vector.broadcast %jit3A_922 : i32 to vector<16xi32>
        %broadcast_in_dim3A_925 = vector.broadcast %jit3A_923 : i32 to vector<16xi32>
        %select_n3A_926 = arith.select %eq3A_921, %broadcast_in_dim3A_924, %broadcast_in_dim3A_925 : vector<16xi1>, vector<16xi32>
        %broadcast_in_dim3A_927 = arith.constant true
        %broadcast_in_dim3A_928 = vector.broadcast %broadcast_in_dim3A_927 : i1 to vector<16xi1>
        %masked_cumsum3A_929 = tpu.scan <sum>, %select_n3A_926 masked %broadcast_in_dim3A_928 : vector<16xi32>, vector<16xi1> -> vector<16xi32>
        %sub3A_930 = arith.subi %masked_cumsum3A_929, %select_n3A_926 : vector<16xi32>
        %add3A_931 = arith.addi %sub3A_930, %add3A_916 : vector<16xi32>
        %eq3A_932 = arith.cmpi eq, %add3A_931, %sub3A_270 : vector<16xi32>
        %and3A_933 = arith.andi %eq3A_921, %eq3A_932 : vector<16xi1>
        %all_reduce_ffs3A_934 = tpu.all_reduce %and3A_933 {dim = 0 : i64, kind = #tpu.reduction_kind<find_first_set>} : vector<16xi1> -> vector<16xi32>
        %lt3A_935 = arith.constant 16 : i32
        %lt3A_936 = vector.broadcast %lt3A_935 : i32 to vector<16xi32>
        %lt3A_937 = arith.cmpi slt, %all_reduce_ffs3A_934, %lt3A_936 : vector<16xi32>
        %add3A_938 = arith.constant 384 : i32
        %add3A_939 = vector.broadcast %add3A_938 : i32 to vector<16xi32>
        %add3A_940 = arith.addi %add3A_939, %all_reduce_ffs3A_934 : vector<16xi32>
        %select_n3A_941 = arith.select %lt3A_937, %add3A_940, %select_n3A_914 : vector<16xi1>, vector<16xi32>
        %all_reduce_population_count3A_942 = tpu.all_reduce %eq3A_921 {dim = 0 : i64, kind = #tpu.reduction_kind<sum>} : vector<16xi1> -> vector<16xi32>
        %add3A_943 = arith.addi %add3A_916, %all_reduce_population_count3A_942 : vector<16xi32>
        %get3A_944 = arith.index_cast %scan3A_32 : i32 to index
        %get3A_945 = arith.constant 400 : index
        %get3A_946 = tpu.vector_load %arg5[%get3A_944, %get3A_945] {strides = array<i32>} : memref<64x512xf32, #tpu.memory_space<vmem>>, vector<16xf32>,
        %bitcast_convert_type3A_947 = tpu.bitcast %get3A_946 : vector<16xf32> -> vector<16xi32>
        %eq3A_948 = arith.cmpi eq, %bitcast_convert_type3A_947, %scan3A_45#0 : vector<16xi32>
        %jit3A_949 = arith.constant 1 : i32
        %jit3A_950 = arith.constant 0 : i32
        %broadcast_in_dim3A_951 = vector.broadcast %jit3A_949 : i32 to vector<16xi32>
        %broadcast_in_dim3A_952 = vector.broadcast %jit3A_950 : i32 to vector<16xi32>
        %select_n3A_953 = arith.select %eq3A_948, %broadcast_in_dim3A_951, %broadcast_in_dim3A_952 : vector<16xi1>, vector<16xi32>
        %broadcast_in_dim3A_954 = arith.constant true
        %broadcast_in_dim3A_955 = vector.broadcast %broadcast_in_dim3A_954 : i1 to vector<16xi1>
        %masked_cumsum3A_956 = tpu.scan <sum>, %select_n3A_953 masked %broadcast_in_dim3A_955 : vector<16xi32>, vector<16xi1> -> vector<16xi32>
        %sub3A_957 = arith.subi %masked_cumsum3A_956, %select_n3A_953 : vector<16xi32>
        %add3A_958 = arith.addi %sub3A_957, %add3A_943 : vector<16xi32>
        %eq3A_959 = arith.cmpi eq, %add3A_958, %sub3A_270 : vector<16xi32>
        %and3A_960 = arith.andi %eq3A_948, %eq3A_959 : vector<16xi1>
        %all_reduce_ffs3A_961 = tpu.all_reduce %and3A_960 {dim = 0 : i64, kind = #tpu.reduction_kind<find_first_set>} : vector<16xi1> -> vector<16xi32>
        %lt3A_962 = arith.constant 16 : i32
        %lt3A_963 = vector.broadcast %lt3A_962 : i32 to vector<16xi32>
        %lt3A_964 = arith.cmpi slt, %all_reduce_ffs3A_961, %lt3A_963 : vector<16xi32>
        %add3A_965 = arith.constant 400 : i32
        %add3A_966 = vector.broadcast %add3A_965 : i32 to vector<16xi32>
        %add3A_967 = arith.addi %add3A_966, %all_reduce_ffs3A_961 : vector<16xi32>
        %select_n3A_968 = arith.select %lt3A_964, %add3A_967, %select_n3A_941 : vector<16xi1>, vector<16xi32>
        %all_reduce_population_count3A_969 = tpu.all_reduce %eq3A_948 {dim = 0 : i64, kind = #tpu.reduction_kind<sum>} : vector<16xi1> -> vector<16xi32>
        %add3A_970 = arith.addi %add3A_943, %all_reduce_population_count3A_969 : vector<16xi32>
        %get3A_971 = arith.index_cast %scan3A_32 : i32 to index
        %get3A_972 = arith.constant 416 : index
        %get3A_973 = tpu.vector_load %arg5[%get3A_971, %get3A_972] {strides = array<i32>} : memref<64x512xf32, #tpu.memory_space<vmem>>, vector<16xf32>,
        %bitcast_convert_type3A_974 = tpu.bitcast %get3A_973 : vector<16xf32> -> vector<16xi32>
        %eq3A_975 = arith.cmpi eq, %bitcast_convert_type3A_974, %scan3A_45#0 : vector<16xi32>
        %jit3A_976 = arith.constant 1 : i32
        %jit3A_977 = arith.constant 0 : i32
        %broadcast_in_dim3A_978 = vector.broadcast %jit3A_976 : i32 to vector<16xi32>
        %broadcast_in_dim3A_979 = vector.broadcast %jit3A_977 : i32 to vector<16xi32>
        %select_n3A_980 = arith.select %eq3A_975, %broadcast_in_dim3A_978, %broadcast_in_dim3A_979 : vector<16xi1>, vector<16xi32>
        %broadcast_in_dim3A_981 = arith.constant true
        %broadcast_in_dim3A_982 = vector.broadcast %broadcast_in_dim3A_981 : i1 to vector<16xi1>
        %masked_cumsum3A_983 = tpu.scan <sum>, %select_n3A_980 masked %broadcast_in_dim3A_982 : vector<16xi32>, vector<16xi1> -> vector<16xi32>
        %sub3A_984 = arith.subi %masked_cumsum3A_983, %select_n3A_980 : vector<16xi32>
        %add3A_985 = arith.addi %sub3A_984, %add3A_970 : vector<16xi32>
        %eq3A_986 = arith.cmpi eq, %add3A_985, %sub3A_270 : vector<16xi32>
        %and3A_987 = arith.andi %eq3A_975, %eq3A_986 : vector<16xi1>
        %all_reduce_ffs3A_988 = tpu.all_reduce %and3A_987 {dim = 0 : i64, kind = #tpu.reduction_kind<find_first_set>} : vector<16xi1> -> vector<16xi32>
        %lt3A_989 = arith.constant 16 : i32
        %lt3A_990 = vector.broadcast %lt3A_989 : i32 to vector<16xi32>
        %lt3A_991 = arith.cmpi slt, %all_reduce_ffs3A_988, %lt3A_990 : vector<16xi32>
        %add3A_992 = arith.constant 416 : i32
        %add3A_993 = vector.broadcast %add3A_992 : i32 to vector<16xi32>
        %add3A_994 = arith.addi %add3A_993, %all_reduce_ffs3A_988 : vector<16xi32>
        %select_n3A_995 = arith.select %lt3A_991, %add3A_994, %select_n3A_968 : vector<16xi1>, vector<16xi32>
        %all_reduce_population_count3A_996 = tpu.all_reduce %eq3A_975 {dim = 0 : i64, kind = #tpu.reduction_kind<sum>} : vector<16xi1> -> vector<16xi32>
        %add3A_997 = arith.addi %add3A_970, %all_reduce_population_count3A_996 : vector<16xi32>
        %get3A_998 = arith.index_cast %scan3A_32 : i32 to index
        %get3A_999 = arith.constant 432 : index
        %get3A_1000 = tpu.vector_load %arg5[%get3A_998, %get3A_999] {strides = array<i32>} : memref<64x512xf32, #tpu.memory_space<vmem>>, vector<16xf32>,
        %bitcast_convert_type3A_1001 = tpu.bitcast %get3A_1000 : vector<16xf32> -> vector<16xi32>
        %eq3A_1002 = arith.cmpi eq, %bitcast_convert_type3A_1001, %scan3A_45#0 : vector<16xi32>
        %jit3A_1003 = arith.constant 1 : i32
        %jit3A_1004 = arith.constant 0 : i32
        %broadcast_in_dim3A_1005 = vector.broadcast %jit3A_1003 : i32 to vector<16xi32>
        %broadcast_in_dim3A_1006 = vector.broadcast %jit3A_1004 : i32 to vector<16xi32>
        %select_n3A_1007 = arith.select %eq3A_1002, %broadcast_in_dim3A_1005, %broadcast_in_dim3A_1006 : vector<16xi1>, vector<16xi32>
        %broadcast_in_dim3A_1008 = arith.constant true
        %broadcast_in_dim3A_1009 = vector.broadcast %broadcast_in_dim3A_1008 : i1 to vector<16xi1>
        %masked_cumsum3A_1010 = tpu.scan <sum>, %select_n3A_1007 masked %broadcast_in_dim3A_1009 : vector<16xi32>, vector<16xi1> -> vector<16xi32>
        %sub3A_1011 = arith.subi %masked_cumsum3A_1010, %select_n3A_1007 : vector<16xi32>
        %add3A_1012 = arith.addi %sub3A_1011, %add3A_997 : vector<16xi32>
        %eq3A_1013 = arith.cmpi eq, %add3A_1012, %sub3A_270 : vector<16xi32>
        %and3A_1014 = arith.andi %eq3A_1002, %eq3A_1013 : vector<16xi1>
        %all_reduce_ffs3A_1015 = tpu.all_reduce %and3A_1014 {dim = 0 : i64, kind = #tpu.reduction_kind<find_first_set>} : vector<16xi1> -> vector<16xi32>
        %lt3A_1016 = arith.constant 16 : i32
        %lt3A_1017 = vector.broadcast %lt3A_1016 : i32 to vector<16xi32>
        %lt3A_1018 = arith.cmpi slt, %all_reduce_ffs3A_1015, %lt3A_1017 : vector<16xi32>
        %add3A_1019 = arith.constant 432 : i32
        %add3A_1020 = vector.broadcast %add3A_1019 : i32 to vector<16xi32>
        %add3A_1021 = arith.addi %add3A_1020, %all_reduce_ffs3A_1015 : vector<16xi32>
        %select_n3A_1022 = arith.select %lt3A_1018, %add3A_1021, %select_n3A_995 : vector<16xi1>, vector<16xi32>
        %all_reduce_population_count3A_1023 = tpu.all_reduce %eq3A_1002 {dim = 0 : i64, kind = #tpu.reduction_kind<sum>} : vector<16xi1> -> vector<16xi32>
        %add3A_1024 = arith.addi %add3A_997, %all_reduce_population_count3A_1023 : vector<16xi32>
        %get3A_1025 = arith.index_cast %scan3A_32 : i32 to index
        %get3A_1026 = arith.constant 448 : index
        %get3A_1027 = tpu.vector_load %arg5[%get3A_1025, %get3A_1026] {strides = array<i32>} : memref<64x512xf32, #tpu.memory_space<vmem>>, vector<16xf32>,
        %bitcast_convert_type3A_1028 = tpu.bitcast %get3A_1027 : vector<16xf32> -> vector<16xi32>
        %eq3A_1029 = arith.cmpi eq, %bitcast_convert_type3A_1028, %scan3A_45#0 : vector<16xi32>
        %jit3A_1030 = arith.constant 1 : i32
        %jit3A_1031 = arith.constant 0 : i32
        %broadcast_in_dim3A_1032 = vector.broadcast %jit3A_1030 : i32 to vector<16xi32>
        %broadcast_in_dim3A_1033 = vector.broadcast %jit3A_1031 : i32 to vector<16xi32>
        %select_n3A_1034 = arith.select %eq3A_1029, %broadcast_in_dim3A_1032, %broadcast_in_dim3A_1033 : vector<16xi1>, vector<16xi32>
        %broadcast_in_dim3A_1035 = arith.constant true
        %broadcast_in_dim3A_1036 = vector.broadcast %broadcast_in_dim3A_1035 : i1 to vector<16xi1>
        %masked_cumsum3A_1037 = tpu.scan <sum>, %select_n3A_1034 masked %broadcast_in_dim3A_1036 : vector<16xi32>, vector<16xi1> -> vector<16xi32>
        %sub3A_1038 = arith.subi %masked_cumsum3A_1037, %select_n3A_1034 : vector<16xi32>
        %add3A_1039 = arith.addi %sub3A_1038, %add3A_1024 : vector<16xi32>
        %eq3A_1040 = arith.cmpi eq, %add3A_1039, %sub3A_270 : vector<16xi32>
        %and3A_1041 = arith.andi %eq3A_1029, %eq3A_1040 : vector<16xi1>
        %all_reduce_ffs3A_1042 = tpu.all_reduce %and3A_1041 {dim = 0 : i64, kind = #tpu.reduction_kind<find_first_set>} : vector<16xi1> -> vector<16xi32>
        %lt3A_1043 = arith.constant 16 : i32
        %lt3A_1044 = vector.broadcast %lt3A_1043 : i32 to vector<16xi32>
        %lt3A_1045 = arith.cmpi slt, %all_reduce_ffs3A_1042, %lt3A_1044 : vector<16xi32>
        %add3A_1046 = arith.constant 448 : i32
        %add3A_1047 = vector.broadcast %add3A_1046 : i32 to vector<16xi32>
        %add3A_1048 = arith.addi %add3A_1047, %all_reduce_ffs3A_1042 : vector<16xi32>
        %select_n3A_1049 = arith.select %lt3A_1045, %add3A_1048, %select_n3A_1022 : vector<16xi1>, vector<16xi32>
        %all_reduce_population_count3A_1050 = tpu.all_reduce %eq3A_1029 {dim = 0 : i64, kind = #tpu.reduction_kind<sum>} : vector<16xi1> -> vector<16xi32>
        %add3A_1051 = arith.addi %add3A_1024, %all_reduce_population_count3A_1050 : vector<16xi32>
        %get3A_1052 = arith.index_cast %scan3A_32 : i32 to index
        %get3A_1053 = arith.constant 464 : index
        %get3A_1054 = tpu.vector_load %arg5[%get3A_1052, %get3A_1053] {strides = array<i32>} : memref<64x512xf32, #tpu.memory_space<vmem>>, vector<16xf32>,
        %bitcast_convert_type3A_1055 = tpu.bitcast %get3A_1054 : vector<16xf32> -> vector<16xi32>
        %eq3A_1056 = arith.cmpi eq, %bitcast_convert_type3A_1055, %scan3A_45#0 : vector<16xi32>
        %jit3A_1057 = arith.constant 1 : i32
        %jit3A_1058 = arith.constant 0 : i32
        %broadcast_in_dim3A_1059 = vector.broadcast %jit3A_1057 : i32 to vector<16xi32>
        %broadcast_in_dim3A_1060 = vector.broadcast %jit3A_1058 : i32 to vector<16xi32>
        %select_n3A_1061 = arith.select %eq3A_1056, %broadcast_in_dim3A_1059, %broadcast_in_dim3A_1060 : vector<16xi1>, vector<16xi32>
        %broadcast_in_dim3A_1062 = arith.constant true
        %broadcast_in_dim3A_1063 = vector.broadcast %broadcast_in_dim3A_1062 : i1 to vector<16xi1>
        %masked_cumsum3A_1064 = tpu.scan <sum>, %select_n3A_1061 masked %broadcast_in_dim3A_1063 : vector<16xi32>, vector<16xi1> -> vector<16xi32>
        %sub3A_1065 = arith.subi %masked_cumsum3A_1064, %select_n3A_1061 : vector<16xi32>
        %add3A_1066 = arith.addi %sub3A_1065, %add3A_1051 : vector<16xi32>
        %eq3A_1067 = arith.cmpi eq, %add3A_1066, %sub3A_270 : vector<16xi32>
        %and3A_1068 = arith.andi %eq3A_1056, %eq3A_1067 : vector<16xi1>
        %all_reduce_ffs3A_1069 = tpu.all_reduce %and3A_1068 {dim = 0 : i64, kind = #tpu.reduction_kind<find_first_set>} : vector<16xi1> -> vector<16xi32>
        %lt3A_1070 = arith.constant 16 : i32
        %lt3A_1071 = vector.broadcast %lt3A_1070 : i32 to vector<16xi32>
        %lt3A_1072 = arith.cmpi slt, %all_reduce_ffs3A_1069, %lt3A_1071 : vector<16xi32>
        %add3A_1073 = arith.constant 464 : i32
        %add3A_1074 = vector.broadcast %add3A_1073 : i32 to vector<16xi32>
        %add3A_1075 = arith.addi %add3A_1074, %all_reduce_ffs3A_1069 : vector<16xi32>
        %select_n3A_1076 = arith.select %lt3A_1072, %add3A_1075, %select_n3A_1049 : vector<16xi1>, vector<16xi32>
        %all_reduce_population_count3A_1077 = tpu.all_reduce %eq3A_1056 {dim = 0 : i64, kind = #tpu.reduction_kind<sum>} : vector<16xi1> -> vector<16xi32>
        %add3A_1078 = arith.addi %add3A_1051, %all_reduce_population_count3A_1077 : vector<16xi32>
        %get3A_1079 = arith.index_cast %scan3A_32 : i32 to index
        %get3A_1080 = arith.constant 480 : index
        %get3A_1081 = tpu.vector_load %arg5[%get3A_1079, %get3A_1080] {strides = array<i32>} : memref<64x512xf32, #tpu.memory_space<vmem>>, vector<16xf32>,
        %bitcast_convert_type3A_1082 = tpu.bitcast %get3A_1081 : vector<16xf32> -> vector<16xi32>
        %eq3A_1083 = arith.cmpi eq, %bitcast_convert_type3A_1082, %scan3A_45#0 : vector<16xi32>
        %jit3A_1084 = arith.constant 1 : i32
        %jit3A_1085 = arith.constant 0 : i32
        %broadcast_in_dim3A_1086 = vector.broadcast %jit3A_1084 : i32 to vector<16xi32>
        %broadcast_in_dim3A_1087 = vector.broadcast %jit3A_1085 : i32 to vector<16xi32>
        %select_n3A_1088 = arith.select %eq3A_1083, %broadcast_in_dim3A_1086, %broadcast_in_dim3A_1087 : vector<16xi1>, vector<16xi32>
        %broadcast_in_dim3A_1089 = arith.constant true
        %broadcast_in_dim3A_1090 = vector.broadcast %broadcast_in_dim3A_1089 : i1 to vector<16xi1>
        %masked_cumsum3A_1091 = tpu.scan <sum>, %select_n3A_1088 masked %broadcast_in_dim3A_1090 : vector<16xi32>, vector<16xi1> -> vector<16xi32>
        %sub3A_1092 = arith.subi %masked_cumsum3A_1091, %select_n3A_1088 : vector<16xi32>
        %add3A_1093 = arith.addi %sub3A_1092, %add3A_1078 : vector<16xi32>
        %eq3A_1094 = arith.cmpi eq, %add3A_1093, %sub3A_270 : vector<16xi32>
        %and3A_1095 = arith.andi %eq3A_1083, %eq3A_1094 : vector<16xi1>
        %all_reduce_ffs3A_1096 = tpu.all_reduce %and3A_1095 {dim = 0 : i64, kind = #tpu.reduction_kind<find_first_set>} : vector<16xi1> -> vector<16xi32>
        %lt3A_1097 = arith.constant 16 : i32
        %lt3A_1098 = vector.broadcast %lt3A_1097 : i32 to vector<16xi32>
        %lt3A_1099 = arith.cmpi slt, %all_reduce_ffs3A_1096, %lt3A_1098 : vector<16xi32>
        %add3A_1100 = arith.constant 480 : i32
        %add3A_1101 = vector.broadcast %add3A_1100 : i32 to vector<16xi32>
        %add3A_1102 = arith.addi %add3A_1101, %all_reduce_ffs3A_1096 : vector<16xi32>
        %select_n3A_1103 = arith.select %lt3A_1099, %add3A_1102, %select_n3A_1076 : vector<16xi1>, vector<16xi32>
        %all_reduce_population_count3A_1104 = tpu.all_reduce %eq3A_1083 {dim = 0 : i64, kind = #tpu.reduction_kind<sum>} : vector<16xi1> -> vector<16xi32>
        %add3A_1105 = arith.addi %add3A_1078, %all_reduce_population_count3A_1104 : vector<16xi32>
        %get3A_1106 = arith.index_cast %scan3A_32 : i32 to index
        %get3A_1107 = arith.constant 496 : index
        %get3A_1108 = tpu.vector_load %arg5[%get3A_1106, %get3A_1107] {strides = array<i32>} : memref<64x512xf32, #tpu.memory_space<vmem>>, vector<16xf32>,
        %bitcast_convert_type3A_1109 = tpu.bitcast %get3A_1108 : vector<16xf32> -> vector<16xi32>
        %eq3A_1110 = arith.cmpi eq, %bitcast_convert_type3A_1109, %scan3A_45#0 : vector<16xi32>
        %jit3A_1111 = arith.constant 1 : i32
        %jit3A_1112 = arith.constant 0 : i32
        %broadcast_in_dim3A_1113 = vector.broadcast %jit3A_1111 : i32 to vector<16xi32>
        %broadcast_in_dim3A_1114 = vector.broadcast %jit3A_1112 : i32 to vector<16xi32>
        %select_n3A_1115 = arith.select %eq3A_1110, %broadcast_in_dim3A_1113, %broadcast_in_dim3A_1114 : vector<16xi1>, vector<16xi32>
        %broadcast_in_dim3A_1116 = arith.constant true
        %broadcast_in_dim3A_1117 = vector.broadcast %broadcast_in_dim3A_1116 : i1 to vector<16xi1>
        %masked_cumsum3A_1118 = tpu.scan <sum>, %select_n3A_1115 masked %broadcast_in_dim3A_1117 : vector<16xi32>, vector<16xi1> -> vector<16xi32>
        %sub3A_1119 = arith.subi %masked_cumsum3A_1118, %select_n3A_1115 : vector<16xi32>
        %add3A_1120 = arith.addi %sub3A_1119, %add3A_1105 : vector<16xi32>
        %eq3A_1121 = arith.cmpi eq, %add3A_1120, %sub3A_270 : vector<16xi32>
        %and3A_1122 = arith.andi %eq3A_1110, %eq3A_1121 : vector<16xi1>
        %all_reduce_ffs3A_1123 = tpu.all_reduce %and3A_1122 {dim = 0 : i64, kind = #tpu.reduction_kind<find_first_set>} : vector<16xi1> -> vector<16xi32>
        %lt3A_1124 = arith.constant 16 : i32
        %lt3A_1125 = vector.broadcast %lt3A_1124 : i32 to vector<16xi32>
        %lt3A_1126 = arith.cmpi slt, %all_reduce_ffs3A_1123, %lt3A_1125 : vector<16xi32>
        %add3A_1127 = arith.constant 496 : i32
        %add3A_1128 = vector.broadcast %add3A_1127 : i32 to vector<16xi32>
        %add3A_1129 = arith.addi %add3A_1128, %all_reduce_ffs3A_1123 : vector<16xi32>
        %select_n3A_1130 = arith.select %lt3A_1126, %add3A_1129, %select_n3A_1103 : vector<16xi1>, vector<16xi32>
        %all_reduce_population_count3A_1131 = tpu.all_reduce %eq3A_1110 {dim = 0 : i64, kind = #tpu.reduction_kind<sum>} : vector<16xi1> -> vector<16xi32>
        %add3A_1132 = arith.addi %add3A_1105, %all_reduce_population_count3A_1131 : vector<16xi32>
        %and3A_1133 = arith.constant 15 : i32
        %and3A_1134 = arith.andi %scan3A_32, %and3A_1133 : i32
        %eq3A_1135 = vector.broadcast %and3A_1134 : i32 to vector<16xi32>
        %eq3A_1136 = arith.cmpi eq, %iota3A, %eq3A_1135 : vector<16xi32>
        %select_n3A_1137 = arith.select %eq3A_1136, %select_n3A_1130, %scan3A_33 : vector<16xi1>, vector<16xi32>
        %and3A_1138 = arith.constant 15 : i32
        %and3A_1139 = arith.andi %scan3A_32, %and3A_1138 : i32
        %eq3A_1140 = arith.constant 15 : i32
        %eq3A_1141 = arith.cmpi eq, %and3A_1139, %eq3A_1140 : i32
        %convert_element_type3A = arith.extui %eq3A_1141 : i1 to i32
        %cond3A = arith.constant 0 : i32
        %cond3A_1142 = arith.cmpi ne, %convert_element_type3A, %cond3A : i32
        scf.if %cond3A_1142 {
          %jit3A_1143 = arith.constant 16 : i32
          %div3A = arith.divsi %scan3A_32, %jit3A_1143 : i32
          %sign3A = arith.constant 0 : i32
          %sign3A_1144 = arith.cmpi sgt, %scan3A_32, %sign3A : i32
          %sign3A_1145 = arith.extui %sign3A_1144 : i1 to i32
          %sign3A_1146 = arith.constant 0 : i32
          %sign3A_1147 = arith.cmpi slt, %scan3A_32, %sign3A_1146 : i32
          %sign3A_1148 = arith.extui %sign3A_1147 : i1 to i32
          %sign3A_1149 = arith.subi %sign3A_1145, %sign3A_1148 : i32
          %sign3A_1150 = arith.constant 0 : i32
          %sign3A_1151 = arith.cmpi sgt, %jit3A_1143, %sign3A_1150 : i32
          %sign3A_1152 = arith.extui %sign3A_1151 : i1 to i32
          %sign3A_1153 = arith.constant 0 : i32
          %sign3A_1154 = arith.cmpi slt, %jit3A_1143, %sign3A_1153 : i32
          %sign3A_1155 = arith.extui %sign3A_1154 : i1 to i32
          %sign3A_1156 = arith.subi %sign3A_1152, %sign3A_1155 : i32
          %ne3A = arith.cmpi ne, %sign3A_1149, %sign3A_1156 : i32
          %rem3A = arith.remsi %scan3A_32, %jit3A_1143 : i32
          %ne3A_1157 = arith.constant 0 : i32
          %ne3A_1158 = arith.cmpi ne, %rem3A, %ne3A_1157 : i32
          %and3A_1159 = arith.andi %ne3A, %ne3A_1158 : i1
          %sub3A_1160 = arith.constant 1 : i32
          %sub3A_1161 = arith.subi %div3A, %sub3A_1160 : i32
          %select_n3A_1162 = arith.select %and3A_1159, %sub3A_1161, %div3A : i32
          %mul3A_1163 = arith.constant 16 : i32
          %mul3A_1164 = arith.muli %select_n3A_1162, %mul3A_1163 : i32
          %swap3A = arith.index_cast %mul3A_1164 : i32 to index
          %swap3A_1165 = tpu.vector_load %arg7[%swap3A] {strides = array<i32>} : memref<64xi32, #tpu.memory_space<vmem>>, vector<16xi32>,
          tpu.vector_store %arg7[%swap3A], %select_n3A_1137 {strides = array<i32>} : memref<64xi32, #tpu.memory_space<vmem>>, vector<16xi32>,
        } else {
        }
        scf.yield %select_n3A_1137 : vector<16xi32>
      }
      %scan3A_29 = arith.constant 64 : i32
      %sub3A = arith.constant 45056 : i32
      %sub3A_30 = arith.subi %add3A_15, %sub3A : i32
      "tpu.region"() ({
        %run_scoped3A = tpu.sem_alloc : memref<!tpu.dma_semaphore, #tpu.memory_space<semaphore_mem>>
        %dma_start3A = tpu.memref_slice %arg4[%sub3A_30] : memref<20480xi32, #tpu.memory_space<hbm>> -> memref<64xi32, #tpu.memory_space<hbm>>
        %dma_start3A_32 = tpu.memref_slice %arg4[%sub3A_30] : memref<20480xi32, #tpu.memory_space<hbm>> -> memref<64xi32, #tpu.memory_space<hbm>>
        tpu.enqueue_dma source(%arg7 : memref<64xi32, #tpu.memory_space<vmem>>) target(%dma_start3A_32 : memref<64xi32, #tpu.memory_space<hbm>>) target_semaphore(%run_scoped3A : memref<!tpu.dma_semaphore, #tpu.memory_space<semaphore_mem>>)
        %dma_wait3A = tpu.memref_slice %arg4[%sub3A_30] : memref<20480xi32, #tpu.memory_space<hbm>> -> memref<64xi32, #tpu.memory_space<hbm>>
        %dma_wait3A_33 = tpu.memref_slice %arg4[%sub3A_30] : memref<20480xi32, #tpu.memory_space<hbm>> -> memref<64xi32, #tpu.memory_space<hbm>>
        tpu.wait_dma2 semaphore(%run_scoped3A : memref<!tpu.dma_semaphore, #tpu.memory_space<semaphore_mem>>) src(%arg7 : memref<64xi32, #tpu.memory_space<vmem>>) dst(%dma_wait3A_33 : memref<64xi32, #tpu.memory_space<hbm>>)
        tpu.yield
      }) : () -> ()
      %scan3A_31 = arith.constant 0 : i32
      scf.yield %scan3A_31 : i32
    }
    %scan3A_10 = arith.constant 10 : i32
    return
  }
}

module attributes {stable_mosaic.version = 14 : i64} {
  func.func @_select_kernel(%arg0: i32, %arg1: memref<1024x512xf32, #tpu.memory_space<vmem>>, %arg2: memref<1x1x1024xi32, #tpu.memory_space<vmem>>, %arg3: memref<1024x512xf32, #tpu.memory_space<vmem>>) attributes {dimension_semantics = [#tpu.dimension_semantics<arbitrary>], iteration_bounds = array<i64: 44>, scalar_prefetch = 0 : i64, scratch_operands = 0 : i64, tpu.core_type = #tpu.core_type<tc>, window_params = [{transform_indices = @transform_0, window_bounds = array<i64: 1024, 512>}, {transform_indices = @transform_1, window_bounds = array<i64: 1, 1, 1024>}, {transform_indices = @transform_2, window_bounds = array<i64: 1024, 512>}]} {
    %get3A = arith.constant 0 : index
    %get3A_0 = arith.constant 0 : index
    %get3A_1 = vector.load %arg1[%get3A, %get3A_0] : memref<1024x512xf32, #tpu.memory_space<vmem>>, vector<1024x512xf32>
    %get3A_2 = arith.constant 0 : index
    %get3A_3 = arith.constant 0 : index
    %get3A_4 = arith.constant 0 : index
    %get3A_5 = vector.load %arg2[%get3A_2, %get3A_3, %get3A_4] : memref<1x1x1024xi32, #tpu.memory_space<vmem>>, vector<1x1x1024xi32>
    %get3A_6 = vector.shape_cast %get3A_5 : vector<1x1x1024xi32> to vector<1x1024xi32>
    %transpose3A = tpu.transpose %get3A_1, [1, 0] : vector<1024x512xf32> -> vector<512x1024xf32>
    %bitcast_convert_type3A = tpu.bitcast %transpose3A : vector<512x1024xf32> -> vector<512x1024xi32>
    %lt3A = arith.constant 0 : i32
    %lt3A_7 = vector.broadcast %lt3A : i32 to vector<512x1024xi32>
    %lt3A_8 = arith.cmpi slt, %bitcast_convert_type3A, %lt3A_7 : vector<512x1024xi32>
    %not3A = arith.constant dense<-1> : vector<512x1024xi32>
    %not3A_9 = arith.xori %bitcast_convert_type3A, %not3A : vector<512x1024xi32>
    %xor3A = arith.constant -2147483648 : i32
    %xor3A_10 = vector.broadcast %xor3A : i32 to vector<512x1024xi32>
    %xor3A_11 = arith.xori %not3A_9, %xor3A_10 : vector<512x1024xi32>
    %select_n3A = arith.select %lt3A_8, %xor3A_11, %bitcast_convert_type3A : vector<512x1024xi1>, vector<512x1024xi32>
    %convert_element_type3A = arith.sitofp %get3A_6 : vector<1x1024xi32> to vector<1x1024xf32>
    %broadcast_in_dim3A = arith.constant -2147483648 : i32
    %broadcast_in_dim3A_12 = vector.broadcast %broadcast_in_dim3A : i32 to vector<1x1024xi32>
    %broadcast_in_dim3A_13 = arith.constant 2147483647 : i32
    %broadcast_in_dim3A_14 = vector.broadcast %broadcast_in_dim3A_13 : i32 to vector<1x1024xi32>
    %scan3A = arith.constant 0 : i32
    %scan3A_15 = arith.constant 32 : i32
    %scan3A_16 = arith.addi %scan3A, %scan3A_15 : i32
    %scan3A_17 = arith.constant 1 : i32
    %scan3A_18:2 = scf.for %scan3A_52 = %scan3A to %scan3A_16 step %scan3A_17 iter_args(%scan3A_53 = %broadcast_in_dim3A_12, %scan3A_54 = %broadcast_in_dim3A_14) -> (vector<1x1024xi32>, vector<1x1024xi32>)  : i32 {
      %shift_right_arithmetic3A = arith.constant 1 : i32
      %shift_right_arithmetic3A_55 = vector.broadcast %shift_right_arithmetic3A : i32 to vector<1x1024xi32>
      %shift_right_arithmetic3A_56 = arith.shrsi %scan3A_53, %shift_right_arithmetic3A_55 : vector<1x1024xi32>
      %shift_right_arithmetic3A_57 = arith.constant 1 : i32
      %shift_right_arithmetic3A_58 = vector.broadcast %shift_right_arithmetic3A_57 : i32 to vector<1x1024xi32>
      %shift_right_arithmetic3A_59 = arith.shrsi %scan3A_54, %shift_right_arithmetic3A_58 : vector<1x1024xi32>
      %add3A = arith.addi %shift_right_arithmetic3A_56, %shift_right_arithmetic3A_59 : vector<1x1024xi32>
      %and3A_60 = arith.andi %scan3A_53, %scan3A_54 : vector<1x1024xi32>
      %and3A_61 = arith.constant 1 : i32
      %and3A_62 = vector.broadcast %and3A_61 : i32 to vector<1x1024xi32>
      %and3A_63 = arith.andi %and3A_60, %and3A_62 : vector<1x1024xi32>
      %add3A_64 = arith.addi %add3A, %and3A_63 : vector<1x1024xi32>
      %gt3A_65 = vector.broadcast %add3A_64 : vector<1x1024xi32> to vector<512x1024xi32>
      %gt3A_66 = arith.cmpi sgt, %select_n3A, %gt3A_65 : vector<512x1024xi32>
      %jit3A_67 = arith.constant 1.000000e+00 : f32
      %jit3A_68 = arith.constant 0.000000e+00 : f32
      %broadcast_in_dim3A_69 = vector.broadcast %jit3A_67 : f32 to vector<512x1024xf32>
      %broadcast_in_dim3A_70 = vector.broadcast %jit3A_68 : f32 to vector<512x1024xf32>
      %select_n3A_71 = arith.select %gt3A_66, %broadcast_in_dim3A_69, %broadcast_in_dim3A_70 : vector<512x1024xi1>, vector<512x1024xf32>
      %reduce_sum3A_72 = arith.constant dense<0.000000e+00> : vector<1024xf32>
      %reduce_sum3A_73 = vector.multi_reduction <add>, %select_n3A_71, %reduce_sum3A_72 [0] : vector<512x1024xf32> to vector<1024xf32>
      %broadcast_in_dim3A_74 = vector.shape_cast %reduce_sum3A_73 : vector<1024xf32> to vector<1x1024xf32>
      %gt3A_75 = arith.cmpf ogt, %broadcast_in_dim3A_74, %convert_element_type3A : vector<1x1024xf32>
      %add3A_76 = arith.constant 1 : i32
      %add3A_77 = vector.broadcast %add3A_76 : i32 to vector<1x1024xi32>
      %add3A_78 = arith.addi %add3A_64, %add3A_77 : vector<1x1024xi32>
      %select_n3A_79 = arith.select %gt3A_75, %add3A_78, %scan3A_53 : vector<1x1024xi1>, vector<1x1024xi32>
      %select_n3A_80 = arith.select %gt3A_75, %scan3A_54, %add3A_64 : vector<1x1024xi1>, vector<1x1024xi32>
      scf.yield %select_n3A_79, %select_n3A_80 : vector<1x1024xi32>, vector<1x1024xi32>
    }
    %eq3A = vector.broadcast %scan3A_18#0 : vector<1x1024xi32> to vector<512x1024xi32>
    %eq3A_19 = arith.cmpi eq, %select_n3A, %eq3A : vector<512x1024xi32>
    %gt3A = vector.broadcast %scan3A_18#0 : vector<1x1024xi32> to vector<512x1024xi32>
    %gt3A_20 = arith.cmpi sgt, %select_n3A, %gt3A : vector<512x1024xi32>
    %jit3A = arith.constant 1.000000e+00 : f32
    %jit3A_21 = arith.constant 0.000000e+00 : f32
    %broadcast_in_dim3A_22 = vector.broadcast %jit3A : f32 to vector<512x1024xf32>
    %broadcast_in_dim3A_23 = vector.broadcast %jit3A_21 : f32 to vector<512x1024xf32>
    %select_n3A_24 = arith.select %gt3A_20, %broadcast_in_dim3A_22, %broadcast_in_dim3A_23 : vector<512x1024xi1>, vector<512x1024xf32>
    %reduce_sum3A = arith.constant dense<0.000000e+00> : vector<1024xf32>
    %reduce_sum3A_25 = vector.multi_reduction <add>, %select_n3A_24, %reduce_sum3A [0] : vector<512x1024xf32> to vector<1024xf32>
    %broadcast_in_dim3A_26 = vector.shape_cast %reduce_sum3A_25 : vector<1024xf32> to vector<1x1024xf32>
    %iota3A = tpu.iota {dimensions = array<i32: 0>} : vector<512x512xi32>
    %iota3A_27 = tpu.iota {dimensions = array<i32: 1>} : vector<512x512xi32>
    %lt3A_28 = arith.cmpi slt, %iota3A_27, %iota3A : vector<512x512xi32>
    %jit3A_29 = arith.constant 1.000000e+00 : f32
    %jit3A_30 = arith.constant 0.000000e+00 : f32
    %broadcast_in_dim3A_31 = vector.broadcast %jit3A_29 : f32 to vector<512x512xf32>
    %broadcast_in_dim3A_32 = vector.broadcast %jit3A_30 : f32 to vector<512x512xf32>
    %select_n3A_33 = arith.select %lt3A_28, %broadcast_in_dim3A_31, %broadcast_in_dim3A_32 : vector<512x512xi1>, vector<512x512xf32>
    %convert_element_type3A_34 = arith.truncf %select_n3A_33 : vector<512x512xf32> to vector<512x512xbf16>
    %jit3A_35 = arith.constant 1.000000e+00 : f32
    %jit3A_36 = arith.constant 0.000000e+00 : f32
    %broadcast_in_dim3A_37 = vector.broadcast %jit3A_35 : f32 to vector<512x1024xf32>
    %broadcast_in_dim3A_38 = vector.broadcast %jit3A_36 : f32 to vector<512x1024xf32>
    %select_n3A_39 = arith.select %eq3A_19, %broadcast_in_dim3A_37, %broadcast_in_dim3A_38 : vector<512x1024xi1>, vector<512x1024xf32>
    %convert_element_type3A_40 = arith.truncf %select_n3A_39 : vector<512x1024xf32> to vector<512x1024xbf16>
    %dot_general3A = arith.constant dense<0.000000e+00> : vector<512x1024xf32>
    %dot_general3A_41 = tpu.matmul %convert_element_type3A_34, %convert_element_type3A_40, %dot_general3A {dimension_numbers = #tpu.dot_dimension_numbers<[1], [0], [0], [1], [0, 0, 1, 1], [], []>, transpose_lhs_hint = false} : vector<512x512xbf16>, vector<512x1024xbf16>, vector<512x1024xf32> -> vector<512x1024xf32>
    %sub3A = arith.subf %convert_element_type3A, %broadcast_in_dim3A_26 : vector<1x1024xf32>
    %eq3A_42 = vector.broadcast %sub3A : vector<1x1024xf32> to vector<512x1024xf32>
    %eq3A_43 = arith.cmpf oeq, %dot_general3A_41, %eq3A_42 : vector<512x1024xf32>
    %and3A = arith.andi %eq3A_19, %eq3A_43 : vector<512x1024xi1>
    %jit3A_44 = arith.constant 1.000000e+00 : f32
    %jit3A_45 = arith.constant 0.000000e+00 : f32
    %broadcast_in_dim3A_46 = vector.broadcast %jit3A_44 : f32 to vector<512x1024xf32>
    %broadcast_in_dim3A_47 = vector.broadcast %jit3A_45 : f32 to vector<512x1024xf32>
    %select_n3A_48 = arith.select %and3A, %broadcast_in_dim3A_46, %broadcast_in_dim3A_47 : vector<512x1024xi1>, vector<512x1024xf32>
    %transpose3A_49 = tpu.transpose %select_n3A_48, [1, 0] : vector<512x1024xf32> -> vector<1024x512xf32>
    %swap3A = arith.constant 0 : index
    %swap3A_50 = arith.constant 0 : index
    %swap3A_51 = vector.load %arg3[%swap3A, %swap3A_50] : memref<1024x512xf32, #tpu.memory_space<vmem>>, vector<1024x512xf32>
    tpu.vector_store %arg3[%swap3A, %swap3A_50], %transpose3A_49 {strides = array<i32>} : memref<1024x512xf32, #tpu.memory_space<vmem>>, vector<1024x512xf32>,
    return
  }
  func.func @transform_0(%arg0: i32) -> (i32, i32) {
    %c0_i32 = arith.constant 0 : i32
    %c0_i32_0 = arith.constant 0 : i32
    return %arg0, %c0_i32 : i32, i32
  }
  func.func @transform_1(%arg0: i32) -> (i32, i32, i32) {
    %c0_i32 = arith.constant 0 : i32
    %c0_i32_0 = arith.constant 0 : i32
    %c0_i32_1 = arith.constant 0 : i32
    return %arg0, %c0_i32, %c0_i32_0 : i32, i32, i32
  }
  func.func @transform_2(%arg0: i32) -> (i32, i32) {
    %c0_i32 = arith.constant 0 : i32
    %c0_i32_0 = arith.constant 0 : i32
    return %arg0, %c0_i32 : i32, i32
  }
}

module attributes {stable_mosaic.version = 14 : i64} {
  func.func @_expand_kernel(%arg0: i32, %arg1: memref<65536x512xf32, #tpu.memory_space<any>>, %arg2: memref<512x1xi32, #tpu.memory_space<vmem>>, %arg3: memref<512x512xf32, #tpu.memory_space<vmem>>) attributes {dimension_semantics = [#tpu.dimension_semantics<arbitrary>], iteration_bounds = array<i64: 40>, scalar_prefetch = 0 : i64, scratch_operands = 0 : i64, tpu.core_type = #tpu.core_type<tc>, window_params = [{}, {transform_indices = @transform_1, window_bounds = array<i64: 512, 1>}, {transform_indices = @transform_2, window_bounds = array<i64: 512, 512>}]} {
    %get3A = arith.constant 0 : index
    %get3A_0 = arith.constant 0 : index
    %get3A_1 = vector.load %arg2[%get3A, %get3A_0] : memref<512x1xi32, #tpu.memory_space<vmem>>, vector<512x1xi32>
    %iota3A = tpu.iota {dimensions = array<i32: 1>} : vector<512x512xi32>
    %eq3A = vector.broadcast %get3A_1 : vector<512x1xi32> to vector<512x512xi32>
    %eq3A_2 = arith.cmpi eq, %iota3A, %eq3A : vector<512x512xi32>
    %jit3A = arith.constant 1.000000e+00 : f32
    %jit3A_3 = arith.constant 0.000000e+00 : f32
    %broadcast_in_dim3A = vector.broadcast %jit3A : f32 to vector<512x512xf32>
    %broadcast_in_dim3A_4 = vector.broadcast %jit3A_3 : f32 to vector<512x512xf32>
    %select_n3A = arith.select %eq3A_2, %broadcast_in_dim3A, %broadcast_in_dim3A_4 : vector<512x512xi1>, vector<512x512xf32>
    %swap3A = arith.constant 0 : index
    %swap3A_5 = arith.constant 0 : index
    %swap3A_6 = vector.load %arg3[%swap3A, %swap3A_5] : memref<512x512xf32, #tpu.memory_space<vmem>>, vector<512x512xf32>
    tpu.vector_store %arg3[%swap3A, %swap3A_5], %select_n3A {strides = array<i32>} : memref<512x512xf32, #tpu.memory_space<vmem>>, vector<512x512xf32>,
    return
  }
  func.func @transform_1(%arg0: i32) -> (i32, i32) {
    %c0_i32 = arith.constant 0 : i32
    %c0_i32_0 = arith.constant 0 : i32
    return %arg0, %c0_i32 : i32, i32
  }
  func.func @transform_2(%arg0: i32) -> (i32, i32) {
    %add3A = arith.constant 88 : i32
    %add3A_0 = arith.addi %arg0, %add3A : i32
    %c0_i32 = arith.constant 0 : i32
    %c0_i32_1 = arith.constant 0 : i32
    return %add3A_0, %c0_i32 : i32, i32
  }
}

</mosaic_0001>

<sc_bundles>
// kernel: kernel.5.cloned.1.call-start
scs
__scs_entry_jumppad:
0x0: {  	(pc) =	sbr.rel $0x88, $3  }
0x1: {  	(tag) =	ssettag $0x0;
	lr =	simm.s32 $0x1  }
0x2: {  	[smem:$0x3F9F] =	sst lr;
	_ =	strace $0xD0000000  }
0x3: {  	_ = 	snop  }
0x4: {  	_ = 	snop  }
0x5: {  	_ = 	snop  }
0x6: {  	_ = 	snop  }
0x7: {  	_ = 	snop  }
__scs_overlays_trampoline_lowered:
0x8: {  	[smem:$0x3FAE] =	sst s0  }
0x9: {  	[smem:$0x3FAF] =	sst s1  }
0xa: {  	[smem:$0x3FB0] =	sst s2  }
0xb: {  	[smem:$0x3FB1] =	sst s3  }
0xc: {  	[smem:$0x3FB2] =	sst s4  }
0xd: {  	[smem:$0x3FB3] =	sst s5  }
0xe: {  	[smem:$0x3FB4] =	sst s6  }
0xf: {  	[smem:$0x3FB5] =	sst s7  }
0x10: {  	[smem:$0x3FB6] =	sst s8  }
0x11: {  	[smem:$0x3FB7] =	sst s9;
	s0 =	simm.s32 @!p0 $0x0  }
0x12: {  	s1 =	sld [smem:$0x3F9D];
	s0 =	simm.s32 @p0 $0x1  }
0x13: {  	[smem:$0x3FB8] =	sst s0;
	s0 =	simm.s32 @!p1 $0x0  }
0x14: {  	s2 =	sld [smem:$0x3F9C];
	s0 =	simm.s32 @p1 $0x1  }
0x15: {  	[smem:$0x3FB9] =	sst s0;
	s0 =	simm.s32 @!p2 $0x0  }
0x16: {  	s3 =	sld [smem:$0x3FDB];
	s0 =	simm.s32 @p2 $0x1  }
0x17: {  	s4 =	simm.s32 $0x1BF5;
	[smem:$0x3FBB] =	sst s0  }
0x18: {  	s0 =	sld [smem:$0x3F9E];
	_ =	swait.ge [sflag:s4], $0x0  }
0x19: {  	s7 =	sld [smem:$0x3F9F]  }
0x1a: {  	s8 =	sadd.s32 $0xFFFFE003, lr  }
0x1b: {  	s9 =	sadd.s32 $0xFFFFFEF7, lr;
	s5 =	simm.s32 $0xFFFFFFFF;
	p2 =	slt.u32 s8, $0xFFFFF086  }
0x1c: {  	p1 =	slt.u32 s9, $0xF7A;
	s5 =	simm.s32 @!p2 $0x0  }
0x1d: {  	s5 =	simm.s32 @p1 $0x1;
	p0 =	seq.s32 s7, s2  }
0x1e: {  	s7 =	smul.u32 @!p0 $0xF7A, s2;
	p2 =	seq.s32 @!p0 s5, $0x0  }
0x1f: {  	s9 =	smul.u32 $0xF7A, s1;
	s8 =	simm.s32 @!p0 $0x1BF5;
	p2 =	por !p2, p0  }
0x20: {  	[sflag:s8] =	ssyncset.s32 @!p0 $0xFFFFF086;
	s6 =	sadd.s32 @!p0 s3, s7;
	s7 =	simm.s32 @!p0 $0x108  }
0x21: {  	s3 =	sadd.s32 s3, s9;
	s6 =	sadd.s32 @!p0 $0x88, s6;
	s7 =	simm.s32 @p2 $0x1082  }
0x22: {  	[simem:s7], [sflag:s8] =	dma.local @!p0 [hbm:s6], $0xF7A  }
0x23: {  	s9 =	sor.u32 $0xD0000000, s2;
	s6 =	simm.s32 $0x108;
	_ =	swait.ge @!p0 [sflag:s8], $0x0  }
0x24: {  	s3 =	sadd.s32 $0x88, s3;
	s6 =	simm.s32 @!p1 $0x1082;
	[sflag:s4] =	ssyncset.s32 $0xFFFFF086  }
0x25: {  	[simem:s6], [sflag:s4] =	dma.local [hbm:s3], $0xF7A  }
0x26: {  	[smem:$0x3F9F] =	sst s1;
	(tag) =	ssettag s2;
	_ =	strace s9  }
0x27: {  	s1 =	sld [smem:$0x3FAF]  }
0x28: {  	s2 =	sld [smem:$0x3FB0]  }
0x29: {  	s4 =	sld [smem:$0x3FB2]  }
0x2a: {  	p0 =	seq.s32 s5, $0x0;
	s5 =	sld [smem:$0x3FB3]  }
0x2b: {  	s6 =	sld [smem:$0x3FB4]  }
0x2c: {  	s7 =	sld [smem:$0x3FB5]  }
0x2d: {  	s3 =	simm.s32 $0x108;
	s8 =	sld [smem:$0x3FB6]  }
0x2e: {  	s3 =	simm.s32 @!p0 $0x1082;
	s9 =	sld [smem:$0x3FB7]  }
0x2f: {  	lr =	sadd.s32 s0, s3;
	s0 =	sld [smem:$0x3FAE]  }
0x30: {  	s3 =	sld [smem:$0x3FB1]  }
0x31: {  	[smem:$0x3FBA] =	sst s10  }
0x32: {  	s10 =	sld [smem:$0x3FB8];
	_ =	sdelay $0x3  }
0x33: {  	p0 =	seq.s32 s10, $0x1;
	s10 =	sld [smem:$0x3FBA];
	_ =	sdelay $0x3  }
0x34: {  	[smem:$0x3FBA] =	sst s10  }
0x35: {  	s10 =	sld [smem:$0x3FB9];
	_ =	sdelay $0x3  }
0x36: {  	p1 =	seq.s32 s10, $0x1;
	s10 =	sld [smem:$0x3FBA];
	_ =	sdelay $0x3  }
0x37: {  	[smem:$0x3FBA] =	sst s10  }
0x38: {  	s10 =	sld [smem:$0x3FBB]  }
0x39: {  	_ = 	snop;
	(pc) =	sbr.ind lr, $3  }
0x3a: {  	_ = 	snop  }
0x3b: {  	_ = 	snop  }
0x3c: {  	p2 =	seq.s32 s10, $0x1;
	s10 =	sld [smem:$0x3FBA]  }
0x3d: {  	_ =	shalt  }
0x3e: {  	_ =	shalt  }
0x3f: {  	_ =	shalt  }
0x40: {  	_ =	shalt  }
0x41: {  	_ =	shalt  }
0x42: {  	_ =	shalt  }
0x43: {  	_ =	shalt  }
0x44: {  	_ =	shalt  }
0x45: {  	_ =	shalt  }
0x46: {  	_ =	shalt  }
0x47: {  	_ =	shalt  }
0x48: {  	_ =	shalt  }
0x49: {  	_ =	shalt  }
0x4a: {  	_ =	shalt  }
0x4b: {  	_ =	shalt  }
0x4c: {  	_ =	shalt  }
0x4d: {  	_ =	shalt  }
0x4e: {  	_ =	shalt  }
0x4f: {  	_ =	shalt  }
0x50: {  	_ =	shalt  }
0x51: {  	_ =	shalt  }
0x52: {  	_ =	shalt  }
0x53: {  	_ =	shalt  }
0x54: {  	_ =	shalt  }
0x55: {  	_ =	shalt  }
0x56: {  	_ =	shalt  }
0x57: {  	_ =	shalt  }
0x58: {  	_ =	shalt  }
0x59: {  	_ =	shalt  }
0x5a: {  	_ =	shalt  }
0x5b: {  	_ =	shalt  }
0x5c: {  	_ =	shalt  }
0x5d: {  	_ =	shalt  }
0x5e: {  	_ =	shalt  }
0x5f: {  	_ =	shalt  }
0x60: {  	_ =	shalt  }
0x61: {  	_ =	shalt  }
0x62: {  	_ =	shalt  }
0x63: {  	_ =	shalt  }
0x64: {  	_ =	shalt  }
0x65: {  	_ =	shalt  }
0x66: {  	_ =	shalt  }
0x67: {  	_ =	shalt  }
0x68: {  	_ =	shalt  }
0x69: {  	_ =	shalt  }
0x6a: {  	_ =	shalt  }
0x6b: {  	_ =	shalt  }
0x6c: {  	_ =	shalt  }
0x6d: {  	_ =	shalt  }
0x6e: {  	_ =	shalt  }
0x6f: {  	_ =	shalt  }
0x70: {  	_ =	shalt  }
0x71: {  	_ =	shalt  }
0x72: {  	_ =	shalt  }
0x73: {  	_ =	shalt  }
0x74: {  	_ =	shalt  }
0x75: {  	_ =	shalt  }
0x76: {  	_ =	shalt  }
0x77: {  	_ =	shalt  }
0x78: {  	_ =	shalt  }
0x79: {  	_ =	shalt  }
0x7a: {  	_ =	shalt  }
0x7b: {  	_ =	shalt  }
0x7c: {  	_ =	shalt  }
0x7d: {  	_ =	shalt  }
0x7e: {  	_ =	shalt  }
0x7f: {  	_ =	shalt  }
0x80: {  	_ =	shalt  }
0x81: {  	_ =	shalt  }
0x82: {  	_ =	shalt  }
0x83: {  	_ =	shalt  }
0x84: {  	_ =	shalt  }
0x85: {  	_ =	shalt  }
0x86: {  	_ =	shalt  }
0x87: {  	_ =	shalt  }
.Lfunc_end0:
.L_simem_size_0:
called_computation_lowered:
.L_overlay_start_0:
0x88: {  	s2 =	sld [smem:$0x3FD9]  }
0x89: {  	s3 =	sld [smem:$0x3FFE];
	_ =	sdelay $0x1  }
0x8a: {  	s1 =	srdreg.scid  }
0x8b: {  	s0 =	sand.u32 $0x1, s1  }
0x8c: {  	s17 =	sshll.u32 s0, $0xA;
	s2 =	sadd.s32 s3, s2  }
0x8d: {  	s2 =	sadd.s32 s2, s17  }
0x8e: {  	[smem:$0x3FC6] =	sst s2  }
0x8f: {  	_ = 	snop  }
0x90: {  	s2 =	sld [smem:$0x3FD0];
	(tm) =	ssettm $0x1  }
0x91: {  	s18 =	sld [smem:$0x3FFB];
	_ =	sdelay $0x3  }
0x92: {  	_ =	strace s18  }
0x93: {  	s3 =	sld [smem:$0x3FFC];
	_ =	sdelay $0x3  }
0x94: {  	_ =	strace s3  }
0x95: {  	s3 =	sld [smem:$0x3FFD];
	_ =	sdelay $0x3  }
0x96: {  	_ =	strace s3  }
0x97: {  	_ =	strace $0x8FFFFFFF  }
0x98: {  	s19 =	sld [smem:$0x3FDB];
	_ =	sdelay $0x1  }
0x99: {  	s4 =	simm.s32 $_scs_section_size  }
0x9a: {  	s5 =	simm.s32 $_size__tile_overlayer_lowered;
	s6 =	simm.s32 $_tile_overlayer_lowered  }
0x9b: {  	s22 =	simm.s32 $0x1BFF;
	s21 =	sshll.u32 s6, $0x1;
	s3 =	sadd.s32 s4, s19  }
0x9c: {  	s7 =	simm.s32 $0x0;
	s20 =	sshll.u32 s5, $0x1;
	s5 =	sadd.s32 s21, s3  }
0x9d: {  	[timem:s7], [sflag:s22] =	dma.local [hbm:s5], s20  }
0x9e: {  	_ =	swait.ge [sflag:s22], s20  }
0x9f: {  	s4 =	ssub.s32 $0x0, s20;
	[sflag:s22] =	ssyncset.done $0x0  }
0xa0: {  	[sflag:s22] =	ssyncadd.s32 s4;
	_ =	sdelay $0x1  }
0xa1: {  	s23 =	simm.s32 $0x1B8B  }
0xa2: {  	_ =	swait.ge [sflag:s23], $0x1  }
0xa3: {  	[sflag:s23] =	ssyncset.done $0x0  }
0xa4: {  	s25 =	simm.s32 $0x1B8E;
	s24 =	sld [smem:$0x3FFE];
	[sflag:s23] =	ssyncadd.s32 $0xFFFFFFFF  }
0xa5: {  	s26 =	simm.s32 $execute0_lowered;
	[smem:$0x3FD2] =	sst s25  }
0xa6: {  	s5 =	sshll.u32 s26, $0x1;
	_ =	strace $0x80000046;
	[dreg:$0x1] =	wrdreg $0xFFFFFFFF  }
0xa7: {  	s28 =	simm.s32 $_size_execute0_lowered;
	s3 =	sadd.s32 s3, s5;
	[dreg:$0x0] =	wrdreg $0x0  }
0xa8: {  	s5 =	sshll.u32 s28, $0x1;
	[dreg:$0x2] =	wrdreg s3  }
0xa9: {  	[dreg:$0x3] =	wrdreg s5  }
0xaa: {  	[dreg:$0x4] =	wrdreg $0xC0  }
0xab: {  	_ =	task [dreg:s7], $0x5FFFF  }
0xac: {  	[dreg:$0x1] =	wrdreg $0xFFFFFFFF  }
0xad: {  	[dreg:$0x0] =	wrdreg $0x60  }
0xae: {  	[dreg:$0x2] =	wrdreg s2  }
0xaf: {  	[dreg:$0x3] =	wrdreg s24  }
0xb0: {  	[dreg:$0x4] =	wrdreg $0x9  }
0xb1: {  	_ =	task.clear_ibuf [dreg:s7], $0x5FFFF;
	_ =	strace $0x90000046  }
0xb2: {  	s29 =	simm.s32 $0x9;
	_ =	strace $0x80000048  }
0xb3: {  	_ =	swait.ge [sflag:s29], $0x1  }
0xb4: {  	[sflag:s29] =	ssyncadd.s32 $0xFFFFFFFF  }
0xb5: {  	_ =	strace $0x90000048  }
0xb6: {  	_ =	sfence  }
0xb7: {  	s30 =	sld [smem:$0x0];
	_ =	sdelay $0x2  }
0xb8: {  	s31 =	sshll.u32 s1, $0xD;
	s1 =	sshrl.u32 s1, $0x2  }
0xb9: {  	s3 =	sand.u32 $0x4000, s31;
	s1 =	sadd.s32 s1, s30  }
0xba: {  	s0 =	sor.u32 s3, s0;
	s1 =	sshll.u32 s1, $0x11  }
0xbb: {  	s0 =	sor.u32 s1, s0  }
0xbc: {  	s0 =	sadd.s32 $0x8F2B, s0  }
0xbd: {  	[sflag:s0] =	ssyncadd.remote.s32 $0x1  }
0xbe: {  	_ =	sfence.sel $0xFFFF  }
0xbf: {  	[dreg:$0x0] =	wrdreg $0xFFFFFFFF;
	(pc) =	sbr.abs _section_cstart, $3  }
0xc0: {  	[dreg:$0x1] =	wrdreg $0xFFFFFFFF  }
0xc1: {  	_ =	task.clear_ibuf [dreg:s7], $0x2FFFF;
	_ =	strace $0x9FFFFFFF  }
0xc2: {  	(tm) =	ssettm $0x7FFFFFFF  }
0xc3: {  	_ =	shalt  }
tec
execute0_lowered:
.L_overlay_start_1:
0x0: {  	(tag) =	ssettag $0x1  }
0x1: {  	s2 =	rddreg [dreg:$0x0]  }
0x2: {  	s6 =	rddreg [dreg:$0x1]  }
0x3: {  	s0 =	rddreg [dreg:$0x2]  }
0x4: {  	s4 =	srdreg.scid;
	s1 =	stileid.u32  }
0x5: {  	s3 =	simm.s32 $0x0;
	s9 =	simm.s32 $0x8000;
	s10 =	simm.s32 $0x1  }
0x6: {  	s11 =	simm.s32 $0x8400;
	s4 =	sand.u32 $0x1, s4;
	s5 =	sshll.u32 s1, $0x1  }
0x7: {  	s12 =	simm.s32 $0x0;
	s7 =	ssub.s32 $0x2, s4;
	s4 =	sor.u32 s4, s5  }
0x8: {  	[smem:$0x7FF] =	sst s3;
	s8 =	sshrl.u32 s7, $0x1;
	s4 =	smul.u32 $0x280, s4  }
0x9: {  	_ =	strace $0x80000047;
	s5 =	sadd.s32 $0x600, s6;
	s8 =	ssub.s32 s7, s8  }
0xa: {  	v0 =	vimm.s32 $0x0;
	v1 =	vlaneseq.u32;
	s6 =	sadd.s32 $0x800, s6;
	s7 =	sadd.s32 $0xB000, s4;
	s8 =	smax.u32 s8, $0x1  }
.LBB2_1:
0xb: {  	[tilespmem:s9], [sflag:$0x1] =	stream.linear.gather [hbm4b:s5+s3], $0x400, $0x38;
	[tilespmem:$0x8480] =	vst v63  }
0xc: {  	_ =	swait.ge [sflag:s10], $0x400  }
0xd: {  	[sflag:s10] =	ssyncset.done $0x0  }
0xe: {  	s13 =	simm.s32 $0x0;
	[sflag:s10] =	ssyncadd.s32 $0xFFFFFC00  }
.LBB2_2:
0xf: {  	s14 =	sshll.u32 s13, $0x6  }
0x10: {  	s15 =	sadd.s32 s14, s7  }
0x11: {  	s15 =	sshll.u32 s15, $0x6  }
0x12: {  	s16 =	sadd.s32 s2, s15;
	s15 =	simm.s32 $0x0  }
0x13: {  	[tilespmem:s15], [sflag:$0x1] =	stream.linear.gather [hbm4b:s16+s15], $0x8000, $0x38;
	[tilespmem:$0x8480] =	vst v63  }
0x14: {  	_ =	swait.ge [sflag:s10], $0x8000  }
0x15: {  	[sflag:s10] =	ssyncset.done $0x0  }
0x16: {  	s17 =	simm.s32 $0x0;
	s16 =	simm.s32 $0x0;
	[sflag:s10] =	ssyncadd.s32 $0xFFFF8000  }
.LBB2_3:
0x17: {  	s18 =	sand.u32 $0x70, s17;
	s19 =	sand.u32 $0xC00, s16  }
0x18: {  	s18 =	sor.u32 s18, s19  }
0x19: {  	v2 =	vld [tilespmem:s18+$0x0]  }
0x1a: {  	v3 =	vld [tilespmem:s18+$0x80]  }
0x1b: {  	v4 =	vld [tilespmem:s18+$0x100]  }
0x1c: {  	v5 =	vld [tilespmem:s18+$0x180]  }
0x1d: {  	v6 =	vld [tilespmem:s18+$0x200]  }
0x1e: {  	v8 =	vld [tilespmem:s18+$0x280];
	vm0 =	vlt.s32 v2, $0x0;
	v7 =	vxor.u32 $0x7FFFFFFF, v2  }
0x1f: {  	v9 =	vld [tilespmem:s18+$0x300];
	vm13 =	vlt.s32 v3, $0x0;
	v59 =	vxor.u32 $0x7FFFFFFF, v3;
	v2 =	vsel vm0, v7, v2  }
0x20: {  	vm14 =	vlt.s32 v4, $0x0;
	[tilespmem:s18+$0x0] =	vst v2;
	v2 =	vsel vm13, v59, v3;
	v3 =	vxor.u32 $0x7FFFFFFF, v4  }
0x21: {  	vm15 =	vlt.s32 v5, $0x0;
	[tilespmem:s18+$0x80] =	vst v2;
	v2 =	vsel vm14, v3, v4;
	v3 =	vxor.u32 $0x7FFFFFFF, v5  }
0x22: {  	vm4 =	vlt.s32 v6, $0x0;
	[tilespmem:s18+$0x100] =	vst v2;
	v2 =	vsel vm15, v3, v5;
	v3 =	vxor.u32 $0x7FFFFFFF, v6  }
0x23: {  	vm5 =	vlt.s32 v8, $0x0;
	[tilespmem:s18+$0x180] =	vst v2;
	v2 =	vsel vm4, v3, v6;
	v3 =	vxor.u32 $0x7FFFFFFF, v8  }
0x24: {  	vm6 =	vlt.s32 v9, $0x0;
	[tilespmem:s18+$0x200] =	vst v2;
	v2 =	vsel vm5, v3, v8;
	v3 =	vxor.u32 $0x7FFFFFFF, v9  }
0x25: {  	s31 =	sor.u32 s16, s17;
	[tilespmem:s18+$0x280] =	vst v2;
	v2 =	vsel vm6, v3, v9  }
0x26: {  	s19 =	sor.u32 $0x380, s31;
	[tilespmem:s18+$0x300] =	vst v2  }
0x27: {  	v2 =	vld [tilespmem:s19+$0x0];
	_ =	sdelay $0x4  }
0x28: {  	vm7 =	vlt.s32 v2, $0x0;
	v3 =	vxor.u32 $0x7FFFFFFF, v2  }
0x29: {  	v2 =	vsel vm7, v3, v2  }
0x2a: {  	[tilespmem:s19+$0x0] =	vst v2  }
0x2b: {  	v2 =	vld [tilespmem:s18+$0x1000]  }
0x2c: {  	v3 =	vld [tilespmem:s18+$0x1080]  }
0x2d: {  	v60 =	vld [tilespmem:s18+$0x1100]  }
0x2e: {  	v61 =	vld [tilespmem:s18+$0x1180]  }
0x2f: {  	v62 =	vld [tilespmem:s18+$0x1200]  }
0x30: {  	v12 =	vld [tilespmem:s18+$0x1280];
	vm8 =	vlt.s32 v2, $0x0;
	v63 =	vxor.u32 $0x7FFFFFFF, v2  }
0x31: {  	v14 =	vld [tilespmem:s18+$0x1300];
	vm9 =	vlt.s32 v3, $0x0;
	v13 =	vxor.u32 $0x7FFFFFFF, v3;
	v2 =	vsel vm8, v63, v2  }
0x32: {  	v15 =	vld [tilespmem:s18+$0x1380];
	vm10 =	vlt.s32 v60, $0x0;
	[tilespmem:s18+$0x1000] =	vst v2;
	v2 =	vsel vm9, v13, v3;
	v3 =	vxor.u32 $0x7FFFFFFF, v60  }
0x33: {  	v16 =	vld [tilespmem:s18+$0x2000];
	vm11 =	vlt.s32 v61, $0x0;
	[tilespmem:s18+$0x1080] =	vst v2;
	v2 =	vsel vm10, v3, v60;
	v3 =	vxor.u32 $0x7FFFFFFF, v61  }
0x34: {  	v17 =	vld [tilespmem:s18+$0x2080];
	vm12 =	vlt.s32 v62, $0x0;
	[tilespmem:s18+$0x1100] =	vst v2;
	v2 =	vsel vm11, v3, v61;
	v3 =	vxor.u32 $0x7FFFFFFF, v62  }
0x35: {  	v18 =	vld [tilespmem:s18+$0x2100];
	vm13 =	vlt.s32 v12, $0x0;
	[tilespmem:s18+$0x1180] =	vst v2;
	v2 =	vsel vm12, v3, v62;
	v3 =	vxor.u32 $0x7FFFFFFF, v12  }
0x36: {  	v19 =	vld [tilespmem:s18+$0x2180];
	vm14 =	vlt.s32 v14, $0x0;
	[tilespmem:s18+$0x1200] =	vst v2;
	v2 =	vsel vm13, v3, v12;
	v3 =	vxor.u32 $0x7FFFFFFF, v14  }
0x37: {  	v20 =	vld [tilespmem:s18+$0x2200];
	vm15 =	vlt.s32 v15, $0x0;
	[tilespmem:s18+$0x1280] =	vst v2;
	v2 =	vsel vm14, v3, v14;
	v3 =	vxor.u32 $0x7FFFFFFF, v15  }
0x38: {  	v21 =	vld [tilespmem:s18+$0x2280];
	vm4 =	vlt.s32 v16, $0x0;
	[tilespmem:s18+$0x1300] =	vst v2;
	v2 =	vsel vm15, v3, v15;
	v3 =	vxor.u32 $0x7FFFFFFF, v16  }
0x39: {  	v22 =	vld [tilespmem:s18+$0x2300];
	vm5 =	vlt.s32 v17, $0x0;
	[tilespmem:s18+$0x1380] =	vst v2;
	v2 =	vsel vm4, v3, v16;
	v3 =	vxor.u32 $0x7FFFFFFF, v17  }
0x3a: {  	v23 =	vld [tilespmem:s18+$0x2380];
	vm6 =	vlt.s32 v18, $0x0;
	[tilespmem:s18+$0x2000] =	vst v2;
	v2 =	vsel vm5, v3, v17;
	v3 =	vxor.u32 $0x7FFFFFFF, v18  }
0x3b: {  	v24 =	vld [tilespmem:s18+$0x3000];
	vm7 =	vlt.s32 v19, $0x0;
	[tilespmem:s18+$0x2080] =	vst v2;
	v2 =	vsel vm6, v3, v18;
	v3 =	vxor.u32 $0x7FFFFFFF, v19  }
0x3c: {  	v25 =	vld [tilespmem:s18+$0x3080];
	vm8 =	vlt.s32 v20, $0x0;
	[tilespmem:s18+$0x2100] =	vst v2;
	v2 =	vsel vm7, v3, v19;
	v3 =	vxor.u32 $0x7FFFFFFF, v20  }
0x3d: {  	v26 =	vld [tilespmem:s18+$0x3100];
	vm9 =	vlt.s32 v21, $0x0;
	[tilespmem:s18+$0x2180] =	vst v2;
	v2 =	vsel vm8, v3, v20;
	v3 =	vxor.u32 $0x7FFFFFFF, v21  }
0x3e: {  	v27 =	vld [tilespmem:s18+$0x3180];
	vm10 =	vlt.s32 v22, $0x0;
	[tilespmem:s18+$0x2200] =	vst v2;
	v2 =	vsel vm9, v3, v21;
	v3 =	vxor.u32 $0x7FFFFFFF, v22  }
0x3f: {  	v28 =	vld [tilespmem:s18+$0x3200];
	vm11 =	vlt.s32 v23, $0x0;
	[tilespmem:s18+$0x2280] =	vst v2;
	v2 =	vsel vm10, v3, v22;
	v3 =	vxor.u32 $0x7FFFFFFF, v23  }
0x40: {  	v29 =	vld [tilespmem:s18+$0x3280];
	vm12 =	vlt.s32 v24, $0x0;
	[tilespmem:s18+$0x2300] =	vst v2;
	v2 =	vsel vm11, v3, v23;
	v3 =	vxor.u32 $0x7FFFFFFF, v24  }
0x41: {  	v30 =	vld [tilespmem:s18+$0x3300];
	vm13 =	vlt.s32 v25, $0x0;
	[tilespmem:s18+$0x2380] =	vst v2;
	v2 =	vsel vm12, v3, v24;
	v3 =	vxor.u32 $0x7FFFFFFF, v25  }
0x42: {  	v31 =	vld [tilespmem:s18+$0x3380];
	vm14 =	vlt.s32 v26, $0x0;
	[tilespmem:s18+$0x3000] =	vst v2;
	v2 =	vsel vm13, v3, v25;
	v3 =	vxor.u32 $0x7FFFFFFF, v26  }
0x43: {  	v32 =	vld [tilespmem:s18+$0x4000];
	vm15 =	vlt.s32 v27, $0x0;
	[tilespmem:s18+$0x3080] =	vst v2;
	v2 =	vsel vm14, v3, v26;
	v3 =	vxor.u32 $0x7FFFFFFF, v27  }
0x44: {  	v33 =	vld [tilespmem:s18+$0x4080];
	vm4 =	vlt.s32 v28, $0x0;
	[tilespmem:s18+$0x3100] =	vst v2;
	v2 =	vsel vm15, v3, v27;
	v3 =	vxor.u32 $0x7FFFFFFF, v28  }
0x45: {  	v34 =	vld [tilespmem:s18+$0x4100];
	vm5 =	vlt.s32 v29, $0x0;
	[tilespmem:s18+$0x3180] =	vst v2;
	v2 =	vsel vm4, v3, v28;
	v3 =	vxor.u32 $0x7FFFFFFF, v29  }
0x46: {  	v35 =	vld [tilespmem:s18+$0x4180];
	vm6 =	vlt.s32 v30, $0x0;
	[tilespmem:s18+$0x3200] =	vst v2;
	v2 =	vsel vm5, v3, v29;
	v3 =	vxor.u32 $0x7FFFFFFF, v30  }
0x47: {  	v36 =	vld [tilespmem:s18+$0x4200];
	vm7 =	vlt.s32 v31, $0x0;
	[tilespmem:s18+$0x3280] =	vst v2;
	v2 =	vsel vm6, v3, v30;
	v3 =	vxor.u32 $0x7FFFFFFF, v31  }
0x48: {  	v37 =	vld [tilespmem:s18+$0x4280];
	vm8 =	vlt.s32 v32, $0x0;
	[tilespmem:s18+$0x3300] =	vst v2;
	v2 =	vsel vm7, v3, v31;
	v3 =	vxor.u32 $0x7FFFFFFF, v32  }
0x49: {  	v38 =	vld [tilespmem:s18+$0x4300];
	vm9 =	vlt.s32 v33, $0x0;
	[tilespmem:s18+$0x3380] =	vst v2;
	v2 =	vsel vm8, v3, v32;
	v3 =	vxor.u32 $0x7FFFFFFF, v33  }
0x4a: {  	v39 =	vld [tilespmem:s18+$0x4380];
	vm10 =	vlt.s32 v34, $0x0;
	[tilespmem:s18+$0x4000] =	vst v2;
	v2 =	vsel vm9, v3, v33;
	v3 =	vxor.u32 $0x7FFFFFFF, v34  }
0x4b: {  	v40 =	vld [tilespmem:s18+$0x5000];
	vm11 =	vlt.s32 v35, $0x0;
	[tilespmem:s18+$0x4080] =	vst v2;
	v2 =	vsel vm10, v3, v34;
	v3 =	vxor.u32 $0x7FFFFFFF, v35  }
0x4c: {  	v41 =	vld [tilespmem:s18+$0x5080];
	vm12 =	vlt.s32 v36, $0x0;
	[tilespmem:s18+$0x4100] =	vst v2;
	v2 =	vsel vm11, v3, v35;
	v3 =	vxor.u32 $0x7FFFFFFF, v36  }
0x4d: {  	v42 =	vld [tilespmem:s18+$0x5100];
	vm13 =	vlt.s32 v37, $0x0;
	[tilespmem:s18+$0x4180] =	vst v2;
	v2 =	vsel vm12, v3, v36;
	v3 =	vxor.u32 $0x7FFFFFFF, v37  }
0x4e: {  	v43 =	vld [tilespmem:s18+$0x5180];
	vm14 =	vlt.s32 v38, $0x0;
	[tilespmem:s18+$0x4200] =	vst v2;
	v2 =	vsel vm13, v3, v37;
	v3 =	vxor.u32 $0x7FFFFFFF, v38  }
0x4f: {  	v44 =	vld [tilespmem:s18+$0x5200];
	vm15 =	vlt.s32 v39, $0x0;
	[tilespmem:s18+$0x4280] =	vst v2;
	v2 =	vsel vm14, v3, v38;
	v3 =	vxor.u32 $0x7FFFFFFF, v39  }
0x50: {  	v45 =	vld [tilespmem:s18+$0x5280];
	vm4 =	vlt.s32 v40, $0x0;
	[tilespmem:s18+$0x4300] =	vst v2;
	v2 =	vsel vm15, v3, v39;
	v3 =	vxor.u32 $0x7FFFFFFF, v40  }
0x51: {  	v46 =	vld [tilespmem:s18+$0x5300];
	vm5 =	vlt.s32 v41, $0x0;
	[tilespmem:s18+$0x4380] =	vst v2;
	v2 =	vsel vm4, v3, v40;
	v3 =	vxor.u32 $0x7FFFFFFF, v41  }
0x52: {  	v47 =	vld [tilespmem:s18+$0x5380];
	vm6 =	vlt.s32 v42, $0x0;
	[tilespmem:s18+$0x5000] =	vst v2;
	v2 =	vsel vm5, v3, v41;
	v3 =	vxor.u32 $0x7FFFFFFF, v42  }
0x53: {  	v48 =	vld [tilespmem:s18+$0x6000];
	vm7 =	vlt.s32 v43, $0x0;
	[tilespmem:s18+$0x5080] =	vst v2;
	v2 =	vsel vm6, v3, v42;
	v3 =	vxor.u32 $0x7FFFFFFF, v43  }
0x54: {  	v49 =	vld [tilespmem:s18+$0x6080];
	vm8 =	vlt.s32 v44, $0x0;
	[tilespmem:s18+$0x5100] =	vst v2;
	v2 =	vsel vm7, v3, v43;
	v3 =	vxor.u32 $0x7FFFFFFF, v44  }
0x55: {  	v50 =	vld [tilespmem:s18+$0x6100];
	vm9 =	vlt.s32 v45, $0x0;
	[tilespmem:s18+$0x5180] =	vst v2;
	v2 =	vsel vm8, v3, v44;
	v3 =	vxor.u32 $0x7FFFFFFF, v45  }
0x56: {  	v51 =	vld [tilespmem:s18+$0x6180];
	vm10 =	vlt.s32 v46, $0x0;
	[tilespmem:s18+$0x5200] =	vst v2;
	v2 =	vsel vm9, v3, v45;
	v3 =	vxor.u32 $0x7FFFFFFF, v46  }
0x57: {  	v52 =	vld [tilespmem:s18+$0x6200];
	vm11 =	vlt.s32 v47, $0x0;
	[tilespmem:s18+$0x5280] =	vst v2;
	v2 =	vsel vm10, v3, v46;
	v3 =	vxor.u32 $0x7FFFFFFF, v47  }
0x58: {  	v53 =	vld [tilespmem:s18+$0x6280];
	vm12 =	vlt.s32 v48, $0x0;
	[tilespmem:s18+$0x5300] =	vst v2;
	v2 =	vsel vm11, v3, v47;
	v3 =	vxor.u32 $0x7FFFFFFF, v48  }
0x59: {  	v54 =	vld [tilespmem:s18+$0x6300];
	vm13 =	vlt.s32 v49, $0x0;
	[tilespmem:s18+$0x5380] =	vst v2;
	v2 =	vsel vm12, v3, v48;
	v3 =	vxor.u32 $0x7FFFFFFF, v49  }
0x5a: {  	v55 =	vld [tilespmem:s18+$0x6380];
	vm14 =	vlt.s32 v50, $0x0;
	[tilespmem:s18+$0x6000] =	vst v2;
	v2 =	vsel vm13, v3, v49;
	v3 =	vxor.u32 $0x7FFFFFFF, v50  }
0x5b: {  	v56 =	vld [tilespmem:s18+$0x7000];
	vm15 =	vlt.s32 v51, $0x0;
	[tilespmem:s18+$0x6080] =	vst v2;
	v2 =	vsel vm14, v3, v50;
	v3 =	vxor.u32 $0x7FFFFFFF, v51  }
0x5c: {  	v57 =	vld [tilespmem:s18+$0x7080];
	vm4 =	vlt.s32 v52, $0x0;
	[tilespmem:s18+$0x6100] =	vst v2;
	v2 =	vsel vm15, v3, v51;
	v3 =	vxor.u32 $0x7FFFFFFF, v52  }
0x5d: {  	v58 =	vld [tilespmem:s18+$0x7100];
	vm5 =	vlt.s32 v53, $0x0;
	[tilespmem:s18+$0x6180] =	vst v2;
	v2 =	vsel vm4, v3, v52;
	v3 =	vxor.u32 $0x7FFFFFFF, v53  }
0x5e: {  	v59 =	vld [tilespmem:s18+$0x7180];
	vm6 =	vlt.s32 v54, $0x0;
	[tilespmem:s18+$0x6200] =	vst v2;
	v2 =	vsel vm5, v3, v53;
	v3 =	vxor.u32 $0x7FFFFFFF, v54  }
0x5f: {  	v60 =	vld [tilespmem:s18+$0x7200];
	vm7 =	vlt.s32 v55, $0x0;
	[tilespmem:s18+$0x6280] =	vst v2;
	v2 =	vsel vm6, v3, v54;
	v3 =	vxor.u32 $0x7FFFFFFF, v55  }
0x60: {  	v61 =	vld [tilespmem:s18+$0x7280];
	vm8 =	vlt.s32 v56, $0x0;
	[tilespmem:s18+$0x6300] =	vst v2;
	v2 =	vsel vm7, v3, v55;
	v3 =	vxor.u32 $0x7FFFFFFF, v56  }
0x61: {  	v62 =	vld [tilespmem:s18+$0x7300];
	vm9 =	vlt.s32 v57, $0x0;
	[tilespmem:s18+$0x6380] =	vst v2;
	v2 =	vsel vm8, v3, v56;
	v3 =	vxor.u32 $0x7FFFFFFF, v57  }
0x62: {  	v63 =	vld [tilespmem:s18+$0x7380];
	vm10 =	vlt.s32 v58, $0x0;
	[tilespmem:s18+$0x7000] =	vst v2;
	v2 =	vsel vm9, v3, v57;
	v3 =	vxor.u32 $0x7FFFFFFF, v58  }
0x63: {  	vm11 =	vlt.s32 v59, $0x0;
	[tilespmem:s18+$0x7080] =	vst v2;
	v2 =	vsel vm10, v3, v58;
	v3 =	vxor.u32 $0x7FFFFFFF, v59  }
0x64: {  	p0 =	sne.s32 s17, $0x1F0;
	vm12 =	vlt.s32 v60, $0x0;
	[tilespmem:s18+$0x7100] =	vst v2;
	v2 =	vsel vm11, v3, v59;
	v3 =	vxor.u32 $0x7FFFFFFF, v60  }
.Ltmp0:
0x65: {  	vm13 =	vlt.s32 v61, $0x0;
	[tilespmem:s18+$0x7180] =	vst v2;
	v2 =	vsel vm12, v3, v60;
	v3 =	vxor.u32 $0x7FFFFFFF, v61;
	(pc) =	sbr.rel @p0 .LBB2_3-.Ltmp0, $4  }
0x66: {  	vm14 =	vlt.s32 v62, $0x0;
	[tilespmem:s18+$0x7200] =	vst v2;
	v2 =	vsel vm13, v3, v61;
	v3 =	vxor.u32 $0x7FFFFFFF, v62  }
0x67: {  	vm15 =	vlt.s32 v63, $0x0;
	[tilespmem:s18+$0x7280] =	vst v2;
	v2 =	vsel vm14, v3, v62;
	v3 =	vxor.u32 $0x7FFFFFFF, v63  }
0x68: {  	[tilespmem:s18+$0x7300] =	vst v2;
	v2 =	vsel vm15, v3, v63  }
0x69: {  	s16 =	sadd.s32 $0x80, s16;
	s17 =	sadd.s32 $0x10, s17;
	[tilespmem:s18+$0x7380] =	vst v2  }
0x6a: {  	v2 =	vimm.s32 $0x0  }
.LBB2_5:
0x6b: {  	s16 =	sshll.u32 s15, $0x7;
	s18 =	sshll.u32 s15, $0x9  }
0x6c: {  	s17 =	sand.u32 $0x380, s16;
	s31 =	sand.u32 $0x7000, s18  }
0x6d: {  	s16 =	sor.u32 s17, s31  }
0x6e: {  	v3 =	vld [tilespmem:s16+$0x0]  }
0x6f: {  	v7 =	vld [tilespmem:s16+$0x10]  }
0x70: {  	v4 =	vimm.s32 $0x80000000;
	v5 =	vimm.s32 $0x7FFFFFFF;
	v8 =	vld [tilespmem:s16+$0x20]  }
0x71: {  	v6 =	vxor.u32 v5, v4;
	v9 =	vld [tilespmem:s16+$0x30]  }
0x72: {  	v10 =	vand.u32 v5, v4;
	v6 =	vshra.s32 v6, $0x1;
	v11 =	vld [tilespmem:s16+$0x40]  }
0x73: {  	v6 =	vadd.s32 v6, v10;
	v47 =	vld [tilespmem:s16+$0x50]  }
0x74: {  	vm0 =	vgt.s32 v3, v6;
	vm1 =	vgt.s32 v7, v6;
	v7 =	vld [tilespmem:s16+$0x60]  }
0x75: {  	v12 =	vmpcnt.ones.xlane vm0;
	v13 =	vmpcnt.ones.xlane vm1;
	vm0 =	vgt.s32 v8, v6;
	v8 =	vld [tilespmem:s16+$0x70]  }
0x76: {  	v48 =	vld [tilespmem:s16+$0x400];
	v14 =	vmpcnt.ones.xlane vm0;
	vm0 =	vgt.s32 v9, v6  }
0x77: {  	v49 =	vld [tilespmem:s16+$0x410];
	v12 =	vadd.s32 v12, v13;
	v13 =	vmpcnt.ones.xlane vm0;
	vm0 =	vgt.s32 v11, v6  }
0x78: {  	v50 =	vld [tilespmem:s16+$0x420];
	v12 =	vadd.s32 v14, v12;
	v14 =	vmpcnt.ones.xlane vm0;
	vm0 =	vgt.s32 v47, v6  }
0x79: {  	v12 =	vadd.s32 v13, v12;
	v13 =	vmpcnt.ones.xlane vm0;
	vm0 =	vgt.s32 v7, v6;
	v7 =	vld [tilespmem:s16+$0x430]  }
0x7a: {  	v12 =	vadd.s32 v14, v12;
	v14 =	vmpcnt.ones.xlane vm0;
	vm0 =	vgt.s32 v8, v6;
	v8 =	vld [tilespmem:s16+$0x440]  }
0x7b: {  	v51 =	vld [tilespmem:s16+$0x450];
	v12 =	vadd.s32 v13, v12;
	v13 =	vmpcnt.ones.xlane vm0;
	vm0 =	vgt.s32 v48, v6  }
0x7c: {  	v52 =	vld [tilespmem:s16+$0x460];
	v12 =	vadd.s32 v14, v12;
	v14 =	vmpcnt.ones.xlane vm0;
	vm0 =	vgt.s32 v49, v6  }
0x7d: {  	v53 =	vld [tilespmem:s16+$0x470];
	v12 =	vadd.s32 v13, v12;
	v13 =	vmpcnt.ones.xlane vm0;
	vm0 =	vgt.s32 v50, v6  }
0x7e: {  	v12 =	vadd.s32 v14, v12;
	v14 =	vmpcnt.ones.xlane vm0;
	vm0 =	vgt.s32 v7, v6;
	v7 =	vld [tilespmem:s16+$0x800]  }
0x7f: {  	v12 =	vadd.s32 v13, v12;
	v13 =	vmpcnt.ones.xlane vm0;
	vm0 =	vgt.s32 v8, v6;
	v8 =	vld [tilespmem:s16+$0x810]  }
0x80: {  	v54 =	vld [tilespmem:s16+$0x820];
	v12 =	vadd.s32 v14, v12;
	v14 =	vmpcnt.ones.xlane vm0;
	vm0 =	vgt.s32 v51, v6  }
0x81: {  	v55 =	vld [tilespmem:s16+$0x830];
	v12 =	vadd.s32 v13, v12;
	v13 =	vmpcnt.ones.xlane vm0;
	vm0 =	vgt.s32 v52, v6  }
0x82: {  	v56 =	vld [tilespmem:s16+$0x840];
	v12 =	vadd.s32 v14, v12;
	v14 =	vmpcnt.ones.xlane vm0;
	vm0 =	vgt.s32 v53, v6  }
0x83: {  	v12 =	vadd.s32 v13, v12;
	v13 =	vmpcnt.ones.xlane vm0;
	vm0 =	vgt.s32 v7, v6;
	v7 =	vld [tilespmem:s16+$0x850]  }
0x84: {  	v12 =	vadd.s32 v14, v12;
	v14 =	vmpcnt.ones.xlane vm0;
	vm0 =	vgt.s32 v8, v6;
	v8 =	vld [tilespmem:s16+$0x860]  }
0x85: {  	v57 =	vld [tilespmem:s16+$0x870];
	v12 =	vadd.s32 v13, v12;
	v13 =	vmpcnt.ones.xlane vm0;
	vm0 =	vgt.s32 v54, v6  }
0x86: {  	v58 =	vld [tilespmem:s16+$0xC00];
	v12 =	vadd.s32 v14, v12;
	v14 =	vmpcnt.ones.xlane vm0;
	vm0 =	vgt.s32 v55, v6  }
0x87: {  	v59 =	vld [tilespmem:s16+$0xC10];
	v12 =	vadd.s32 v13, v12;
	v13 =	vmpcnt.ones.xlane vm0;
	vm0 =	vgt.s32 v56, v6  }
0x88: {  	v12 =	vadd.s32 v14, v12;
	v14 =	vmpcnt.ones.xlane vm0;
	vm0 =	vgt.s32 v7, v6;
	v7 =	vld [tilespmem:s16+$0xC20]  }
0x89: {  	v12 =	vadd.s32 v13, v12;
	v13 =	vmpcnt.ones.xlane vm0;
	vm0 =	vgt.s32 v8, v6;
	v8 =	vld [tilespmem:s16+$0xC30]  }
0x8a: {  	v60 =	vld [tilespmem:s16+$0xC40];
	v12 =	vadd.s32 v14, v12;
	v14 =	vmpcnt.ones.xlane vm0;
	vm0 =	vgt.s32 v57, v6  }
0x8b: {  	v61 =	vld [tilespmem:s16+$0xC50];
	v12 =	vadd.s32 v13, v12;
	v13 =	vmpcnt.ones.xlane vm0;
	vm0 =	vgt.s32 v58, v6  }
0x8c: {  	v62 =	vld [tilespmem:s16+$0xC60];
	v12 =	vadd.s32 v14, v12;
	v14 =	vmpcnt.ones.xlane vm0;
	vm0 =	vgt.s32 v59, v6  }
0x8d: {  	v12 =	vadd.s32 v13, v12;
	v13 =	vmpcnt.ones.xlane vm0;
	vm0 =	vgt.s32 v7, v6;
	v7 =	vld [tilespmem:s16+$0xC70]  }
0x8e: {  	v12 =	vadd.s32 v14, v12;
	v14 =	vmpcnt.ones.xlane vm0;
	vm0 =	vgt.s32 v8, v6  }
0x8f: {  	v8 =	vadd.s32 v13, v12;
	v12 =	vmpcnt.ones.xlane vm0;
	vm0 =	vgt.s32 v60, v6  }
0x90: {  	v8 =	vadd.s32 v14, v8;
	v9 =	vmpcnt.ones.xlane vm0;
	vm0 =	vgt.s32 v61, v6  }
0x91: {  	v14 =	vld [tilespmem:s17+$0x8000];
	v8 =	vadd.s32 v12, v8;
	v11 =	vmpcnt.ones.xlane vm0;
	vm0 =	vgt.s32 v62, v6  }
0x92: {  	v8 =	vadd.s32 v9, v8;
	v63 =	vmpcnt.ones.xlane vm0;
	vm0 =	vgt.s32 v7, v6  }
0x93: {  	v7 =	vadd.s32 v11, v8;
	v8 =	vmpcnt.ones.xlane vm0  }
0x94: {  	v7 =	vadd.s32 v63, v7  }
0x95: {  	v7 =	vadd.s32 v8, v7  }
0x96: {  	v33 =	vld [tilespmem:s16+$0x10];
	s17 =	simm.s32 $0x1E;
	vm0 =	vgt.s32 v7, v14;
	v7 =	vadd.s32 $0x1, v6  }
.LBB2_6:
0x97: {  	p0 =	sne.s32 s17, $0x1;
	v8 =	vld [tilespmem:s16+$0x20];
	v4 =	vsel vm0, v7, v4;
	v5 =	vsel vm0, v5, v6  }
0x98: {  	v6 =	vxor.u32 v5, v4;
	v7 =	vld [tilespmem:s16+$0x30]  }
0x99: {  	v9 =	vand.u32 v5, v4;
	v6 =	vshra.s32 v6, $0x1;
	v10 =	vld [tilespmem:s16+$0x40]  }
0x9a: {  	v6 =	vadd.s32 v6, v9;
	v9 =	vld [tilespmem:s16+$0x50]  }
0x9b: {  	vm0 =	vgt.s32 v3, v6;
	vm1 =	vgt.s32 v33, v6;
	v11 =	vld [tilespmem:s16+$0x60]  }
0x9c: {  	v12 =	vmpcnt.ones.xlane vm0;
	v13 =	vmpcnt.ones.xlane vm1;
	vm0 =	vgt.s32 v8, v6;
	v8 =	vld [tilespmem:s16+$0x70]  }
0x9d: {  	v15 =	vmpcnt.ones.xlane vm0;
	vm0 =	vgt.s32 v7, v6;
	v7 =	vld [tilespmem:s16+$0x400]  }
0x9e: {  	v12 =	vadd.s32 v12, v13;
	v13 =	vmpcnt.ones.xlane vm0;
	vm0 =	vgt.s32 v10, v6;
	v10 =	vld [tilespmem:s16+$0x410]  }
0x9f: {  	v12 =	vadd.s32 v15, v12;
	v15 =	vmpcnt.ones.xlane vm0;
	vm0 =	vgt.s32 v9, v6;
	v9 =	vld [tilespmem:s16+$0x420]  }
0xa0: {  	v12 =	vadd.s32 v13, v12;
	v13 =	vmpcnt.ones.xlane vm0;
	vm0 =	vgt.s32 v11, v6;
	v11 =	vld [tilespmem:s16+$0x430]  }
0xa1: {  	v12 =	vadd.s32 v15, v12;
	v15 =	vmpcnt.ones.xlane vm0;
	vm0 =	vgt.s32 v8, v6;
	v8 =	vld [tilespmem:s16+$0x440]  }
0xa2: {  	v12 =	vadd.s32 v13, v12;
	v13 =	vmpcnt.ones.xlane vm0;
	vm0 =	vgt.s32 v7, v6;
	v7 =	vld [tilespmem:s16+$0x450]  }
0xa3: {  	v12 =	vadd.s32 v15, v12;
	v15 =	vmpcnt.ones.xlane vm0;
	vm0 =	vgt.s32 v10, v6;
	v10 =	vld [tilespmem:s16+$0x460]  }
0xa4: {  	v12 =	vadd.s32 v13, v12;
	v13 =	vmpcnt.ones.xlane vm0;
	vm0 =	vgt.s32 v9, v6;
	v9 =	vld [tilespmem:s16+$0x470]  }
0xa5: {  	v12 =	vadd.s32 v15, v12;
	v15 =	vmpcnt.ones.xlane vm0;
	vm0 =	vgt.s32 v11, v6;
	v11 =	vld [tilespmem:s16+$0x800]  }
0xa6: {  	v12 =	vadd.s32 v13, v12;
	v13 =	vmpcnt.ones.xlane vm0;
	vm0 =	vgt.s32 v8, v6;
	v8 =	vld [tilespmem:s16+$0x810]  }
0xa7: {  	v12 =	vadd.s32 v15, v12;
	v15 =	vmpcnt.ones.xlane vm0;
	vm0 =	vgt.s32 v7, v6;
	v7 =	vld [tilespmem:s16+$0x820]  }
0xa8: {  	v12 =	vadd.s32 v13, v12;
	v13 =	vmpcnt.ones.xlane vm0;
	vm0 =	vgt.s32 v10, v6;
	v10 =	vld [tilespmem:s16+$0x830]  }
0xa9: {  	v12 =	vadd.s32 v15, v12;
	v15 =	vmpcnt.ones.xlane vm0;
	vm0 =	vgt.s32 v9, v6;
	v9 =	vld [tilespmem:s16+$0x840]  }
0xaa: {  	v12 =	vadd.s32 v13, v12;
	v13 =	vmpcnt.ones.xlane vm0;
	vm0 =	vgt.s32 v11, v6;
	v11 =	vld [tilespmem:s16+$0x850]  }
0xab: {  	v12 =	vadd.s32 v15, v12;
	v15 =	vmpcnt.ones.xlane vm0;
	vm0 =	vgt.s32 v8, v6;
	v8 =	vld [tilespmem:s16+$0x860]  }
0xac: {  	v12 =	vadd.s32 v13, v12;
	v13 =	vmpcnt.ones.xlane vm0;
	vm0 =	vgt.s32 v7, v6;
	v7 =	vld [tilespmem:s16+$0x870]  }
0xad: {  	v12 =	vadd.s32 v15, v12;
	v15 =	vmpcnt.ones.xlane vm0;
	vm0 =	vgt.s32 v10, v6;
	v10 =	vld [tilespmem:s16+$0xC00]  }
0xae: {  	v12 =	vadd.s32 v13, v12;
	v13 =	vmpcnt.ones.xlane vm0;
	vm0 =	vgt.s32 v9, v6;
	v9 =	vld [tilespmem:s16+$0xC10]  }
0xaf: {  	v12 =	vadd.s32 v15, v12;
	v15 =	vmpcnt.ones.xlane vm0;
	vm0 =	vgt.s32 v11, v6;
	v11 =	vld [tilespmem:s16+$0xC20]  }
0xb0: {  	v12 =	vadd.s32 v13, v12;
	v13 =	vmpcnt.ones.xlane vm0;
	vm0 =	vgt.s32 v8, v6;
	v8 =	vld [tilespmem:s16+$0xC30]  }
0xb1: {  	v12 =	vadd.s32 v15, v12;
	v15 =	vmpcnt.ones.xlane vm0;
	vm0 =	vgt.s32 v7, v6;
	v7 =	vld [tilespmem:s16+$0xC40]  }
0xb2: {  	v12 =	vadd.s32 v13, v12;
	v13 =	vmpcnt.ones.xlane vm0;
	vm0 =	vgt.s32 v10, v6;
	v10 =	vld [tilespmem:s16+$0xC50]  }
0xb3: {  	v12 =	vadd.s32 v15, v12;
	v15 =	vmpcnt.ones.xlane vm0;
	vm0 =	vgt.s32 v9, v6;
	v9 =	vld [tilespmem:s16+$0xC60]  }
0xb4: {  	v12 =	vadd.s32 v13, v12;
	v13 =	vmpcnt.ones.xlane vm0;
	vm0 =	vgt.s32 v11, v6;
	v11 =	vld [tilespmem:s16+$0xC70]  }
0xb5: {  	v12 =	vadd.s32 v15, v12;
	v15 =	vmpcnt.ones.xlane vm0;
	vm0 =	vgt.s32 v8, v6  }
0xb6: {  	v8 =	vadd.s32 v13, v12;
	v12 =	vmpcnt.ones.xlane vm0;
	vm0 =	vgt.s32 v7, v6  }
0xb7: {  	v7 =	vadd.s32 v15, v8;
	v8 =	vmpcnt.ones.xlane vm0;
	vm0 =	vgt.s32 v10, v6  }
0xb8: {  	v7 =	vadd.s32 v12, v7;
	v10 =	vmpcnt.ones.xlane vm0;
	vm0 =	vgt.s32 v9, v6  }
.Ltmp1:
0xb9: {  	v7 =	vadd.s32 v8, v7;
	v8 =	vmpcnt.ones.xlane vm0;
	vm0 =	vgt.s32 v11, v6;
	(pc) =	sbr.rel @p0 .LBB2_6-.Ltmp1, $4  }
0xba: {  	v7 =	vadd.s32 v10, v7;
	v9 =	vmpcnt.ones.xlane vm0  }
0xbb: {  	v7 =	vadd.s32 v8, v7  }
0xbc: {  	v7 =	vadd.s32 v9, v7  }
0xbd: {  	s17 =	sadd.s32 $0xFFFFFFFF, s17;
	v33 =	vld [tilespmem:s16+$0x10];
	vm0 =	vgt.s32 v7, v14;
	v7 =	vadd.s32 $0x1, v6  }
0xbe: {  	v35 =	vld [tilespmem:s16+$0x20];
	v7 =	vsel vm0, v7, v4;
	v18 =	vsel vm0, v5, v6  }
0xbf: {  	v34 =	vld [tilespmem:s16+$0x30];
	v5 =	vxor.u32 v18, v7  }
0xc0: {  	v32 =	vld [tilespmem:s16+$0x40];
	v4 =	vand.u32 v18, v7;
	v5 =	vshra.s32 v5, $0x1  }
0xc1: {  	v31 =	vld [tilespmem:s16+$0x50];
	v36 =	vadd.s32 v5, v4  }
0xc2: {  	v30 =	vld [tilespmem:s16+$0x60];
	vm15 =	vgt.s32 v3, v36;
	vm1 =	vgt.s32 v33, v36  }
0xc3: {  	v29 =	vld [tilespmem:s16+$0x70];
	v3 =	vmpcnt.ones.xlane vm15;
	v19 =	vmpcnt.ones.xlane vm1;
	vm4 =	vgt.s32 v35, v36  }
0xc4: {  	v28 =	vld [tilespmem:s16+$0x400];
	vm5 =	vgt.s32 v34, v36;
	v20 =	vmpcnt.ones.xlane vm4  }
0xc5: {  	v27 =	vld [tilespmem:s16+$0x410];
	vm6 =	vgt.s32 v32, v36;
	v21 =	vmpcnt.ones.xlane vm5;
	v3 =	vadd.s32 v3, v19  }
0xc6: {  	v26 =	vld [tilespmem:s16+$0x420];
	vm7 =	vgt.s32 v31, v36;
	v22 =	vmpcnt.ones.xlane vm6;
	v3 =	vadd.s32 v20, v3  }
0xc7: {  	v25 =	vld [tilespmem:s16+$0x430];
	vm8 =	vgt.s32 v30, v36;
	v23 =	vmpcnt.ones.xlane vm7;
	v3 =	vadd.s32 v21, v3  }
0xc8: {  	v24 =	vld [tilespmem:s16+$0x440];
	vm9 =	vgt.s32 v29, v36;
	v37 =	vmpcnt.ones.xlane vm8;
	v3 =	vadd.s32 v22, v3  }
0xc9: {  	vm10 =	vgt.s32 v28, v36;
	v38 =	vmpcnt.ones.xlane vm9;
	v3 =	vadd.s32 v23, v3;
	v23 =	vld [tilespmem:s16+$0x450]  }
0xca: {  	vm11 =	vgt.s32 v27, v36;
	v39 =	vmpcnt.ones.xlane vm10;
	v22 =	vld [tilespmem:s16+$0x460];
	v3 =	vadd.s32 v37, v3  }
0xcb: {  	vm12 =	vgt.s32 v26, v36;
	v40 =	vmpcnt.ones.xlane vm11;
	v21 =	vld [tilespmem:s16+$0x470];
	v3 =	vadd.s32 v38, v3  }
0xcc: {  	vm13 =	vgt.s32 v25, v36;
	v41 =	vmpcnt.ones.xlane vm12;
	v20 =	vld [tilespmem:s16+$0x800];
	v3 =	vadd.s32 v39, v3  }
0xcd: {  	vm14 =	vgt.s32 v24, v36;
	v42 =	vmpcnt.ones.xlane vm13;
	v19 =	vld [tilespmem:s16+$0x810];
	v3 =	vadd.s32 v40, v3  }
0xce: {  	v18 =	vld [tilespmem:s16+$0x820];
	v43 =	vmpcnt.ones.xlane vm14;
	v3 =	vadd.s32 v41, v3;
	vm15 =	vgt.s32 v23, v36  }
0xcf: {  	v17 =	vld [tilespmem:s16+$0x830];
	vm4 =	vgt.s32 v22, v36;
	v3 =	vadd.s32 v42, v3;
	v44 =	vmpcnt.ones.xlane vm15  }
0xd0: {  	v16 =	vld [tilespmem:s16+$0x840];
	vm5 =	vgt.s32 v21, v36;
	v45 =	vmpcnt.ones.xlane vm4;
	v3 =	vadd.s32 v43, v3  }
0xd1: {  	v15 =	vld [tilespmem:s16+$0x850];
	vm6 =	vgt.s32 v20, v36;
	v46 =	vmpcnt.ones.xlane vm5;
	v3 =	vadd.s32 v44, v3  }
0xd2: {  	v13 =	vld [tilespmem:s16+$0x860];
	vm7 =	vgt.s32 v19, v36;
	v47 =	vmpcnt.ones.xlane vm6;
	v3 =	vadd.s32 v45, v3  }
0xd3: {  	v12 =	vld [tilespmem:s16+$0x870];
	vm8 =	vgt.s32 v18, v36;
	v48 =	vmpcnt.ones.xlane vm7;
	v3 =	vadd.s32 v46, v3  }
0xd4: {  	v11 =	vld [tilespmem:s16+$0xC00];
	vm9 =	vgt.s32 v17, v36;
	v49 =	vmpcnt.ones.xlane vm8;
	v3 =	vadd.s32 v47, v3  }
0xd5: {  	v10 =	vld [tilespmem:s16+$0xC10];
	vm10 =	vgt.s32 v16, v36;
	v50 =	vmpcnt.ones.xlane vm9;
	v3 =	vadd.s32 v48, v3  }
0xd6: {  	v9 =	vld [tilespmem:s16+$0xC20];
	vm11 =	vgt.s32 v15, v36;
	v51 =	vmpcnt.ones.xlane vm10;
	v3 =	vadd.s32 v49, v3  }
0xd7: {  	v8 =	vld [tilespmem:s16+$0xC30];
	vm12 =	vgt.s32 v13, v36;
	v52 =	vmpcnt.ones.xlane vm11;
	v3 =	vadd.s32 v50, v3  }
0xd8: {  	v6 =	vld [tilespmem:s16+$0xC40];
	vm13 =	vgt.s32 v12, v36;
	v37 =	vmpcnt.ones.xlane vm12;
	v3 =	vadd.s32 v51, v3  }
0xd9: {  	v5 =	vld [tilespmem:s16+$0xC50];
	vm14 =	vgt.s32 v11, v36;
	v38 =	vmpcnt.ones.xlane vm13;
	v3 =	vadd.s32 v52, v3  }
0xda: {  	v4 =	vld [tilespmem:s16+$0xC60];
	v53 =	vmpcnt.ones.xlane vm14;
	vm15 =	vgt.s32 v10, v36;
	v3 =	vadd.s32 v37, v3  }
0xdb: {  	vm4 =	vgt.s32 v9, v36;
	v39 =	vmpcnt.ones.xlane vm15;
	v38 =	vadd.s32 v38, v3;
	v3 =	vld [tilespmem:s16+$0xC70]  }
0xdc: {  	vm5 =	vgt.s32 v8, v36;
	v54 =	vmpcnt.ones.xlane vm4;
	v37 =	vadd.s32 v53, v38  }
0xdd: {  	vm6 =	vgt.s32 v6, v36;
	v55 =	vmpcnt.ones.xlane vm5;
	v37 =	vadd.s32 v39, v37  }
0xde: {  	vm7 =	vgt.s32 v5, v36;
	v56 =	vmpcnt.ones.xlane vm6;
	v37 =	vadd.s32 v54, v37  }
0xdf: {  	vm8 =	vgt.s32 v4, v36;
	v57 =	vmpcnt.ones.xlane vm7;
	v37 =	vadd.s32 v55, v37  }
0xe0: {  	v58 =	vmpcnt.ones.xlane vm8;
	v37 =	vadd.s32 v56, v37;
	vm9 =	vgt.s32 v3, v36  }
0xe1: {  	v40 =	vld [tilespmem:s16+$0x0];
	v37 =	vadd.s32 v57, v37;
	v59 =	vmpcnt.ones.xlane vm9  }
0xe2: {  	v37 =	vadd.s32 v58, v37  }
0xe3: {  	v37 =	vadd.s32 v59, v37  }
0xe4: {  	v36 =	vadd.s32 $0x1, v36;
	vm10 =	vgt.s32 v37, v14  }
0xe5: {  	v7 =	vsel vm10, v36, v7  }
0xe6: {  	vm0 =	vgt.s32 v40, v7;
	vm11 =	vgt.s32 v33, v7  }
0xe7: {  	vm12 =	vgt.s32 v35, v7;
	vm13 =	vgt.s32 v34, v7;
	vm14 =	vgt.s32 v32, v7  }
0xe8: {  	vm15 =	vgt.s32 v31, v7;
	vm4 =	vgt.s32 v30, v7;
	vm5 =	vgt.s32 v29, v7  }
0xe9: {  	vm6 =	vgt.s32 v28, v7;
	vm7 =	vgt.s32 v27, v7;
	v60 =	vmpcnt.ones.xlane vm0  }
0xea: {  	vm8 =	vgt.s32 v26, v7;
	v61 =	vmpcnt.ones.xlane vm11;
	v62 =	vmpcnt.ones.xlane vm12  }
0xeb: {  	vm9 =	vgt.s32 v25, v7;
	v63 =	vmpcnt.ones.xlane vm13;
	v41 =	vmpcnt.ones.xlane vm14  }
0xec: {  	vm10 =	vgt.s32 v24, v7;
	v42 =	vmpcnt.ones.xlane vm15;
	v43 =	vmpcnt.ones.xlane vm4  }
0xed: {  	vm2 =	veq.s32 v40, v7;
	v44 =	vmpcnt.ones.xlane vm5;
	v45 =	vmpcnt.ones.xlane vm6  }
0xee: {  	v46 =	vmpcnt.ones.xlane vm7;
	v47 =	vmpcnt.ones.xlane vm8;
	v36 =	vadd.s32 v61, v60  }
0xef: {  	v48 =	vmpcnt.ones.xlane vm9;
	v49 =	vmpcnt.ones.xlane vm10;
	v36 =	vadd.s32 v62, v36  }
0xf0: {  	vm11 =	vgt.s32 v23, v7;
	vm12 =	vgt.s32 v22, v7;
	v36 =	vadd.s32 v63, v36  }
0xf1: {  	vm13 =	vgt.s32 v21, v7;
	vm14 =	vgt.s32 v20, v7;
	v36 =	vadd.s32 v41, v36  }
0xf2: {  	vm15 =	vgt.s32 v19, v7;
	vm4 =	vgt.s32 v18, v7;
	v36 =	vadd.s32 v42, v36  }
0xf3: {  	vm5 =	vgt.s32 v17, v7;
	vm6 =	vgt.s32 v16, v7;
	v36 =	vadd.s32 v43, v36  }
0xf4: {  	vm7 =	vgt.s32 v15, v7;
	vm8 =	vgt.s32 v13, v7;
	v36 =	vadd.s32 v44, v36  }
0xf5: {  	vm9 =	vgt.s32 v12, v7;
	vm10 =	vgt.s32 v11, v7;
	v36 =	vadd.s32 v45, v36  }
0xf6: {  	v50 =	vmpcnt.ones.xlane vm11;
	v51 =	vmpcnt.ones.xlane vm12;
	v36 =	vadd.s32 v46, v36  }
0xf7: {  	v52 =	vmpcnt.ones.xlane vm13;
	v53 =	vmpcnt.ones.xlane vm14;
	v36 =	vadd.s32 v47, v36  }
0xf8: {  	v54 =	vmpcnt.ones.xlane vm15;
	v55 =	vmpcnt.ones.xlane vm4;
	v36 =	vadd.s32 v48, v36  }
0xf9: {  	v56 =	vmpcnt.ones.xlane vm5;
	v57 =	vmpcnt.ones.xlane vm6;
	v36 =	vadd.s32 v49, v36  }
0xfa: {  	v58 =	vmpcnt.ones.xlane vm7;
	v59 =	vmpcnt.ones.xlane vm8;
	v36 =	vadd.s32 v50, v36  }
0xfb: {  	vm11 =	vgt.s32 v10, v7;
	vm12 =	vgt.s32 v9, v7;
	v36 =	vadd.s32 v51, v36  }
0xfc: {  	vm15 =	veq.s32 v33, v7;
	v42 =	vsel vm2, $0x1, v0;
	v36 =	vadd.s32 v52, v36  }
0xfd: {  	vm13 =	vgt.s32 v8, v7;
	(xrf0) =	vadd.scan.msk.s32 $0xffff, v42;
	v45 =	vsel vm15, $0x1, v0;
	v36 =	vadd.s32 v53, v36  }
0xfe: {  	vm14 =	vgt.s32 v6, v7;
	vm6 =	vgt.s32 v5, v7;
	(xrf0) =	vadd.scan.msk.s32 $0xffff, v45;
	v36 =	vadd.s32 v54, v36  }
0xff: {  	vm7 =	vgt.s32 v4, v7;
	vm8 =	vgt.s32 v3, v7;
	v36 =	vadd.s32 v55, v36  }
0x100: {  	v60 =	vmpcnt.ones.xlane vm9;
	v61 =	vmpcnt.ones.xlane vm10;
	v36 =	vadd.s32 v56, v36  }
0x101: {  	vm9 =	veq.s32 v35, v7;
	vm10 =	veq.s32 v34, v7;
	v36 =	vadd.s32 v57, v36  }
0x102: {  	v62 =	vmpcnt.ones.xlane vm11;
	v35 =	vsel vm9, $0x1, v0;
	v36 =	vadd.s32 v58, v36  }
0x103: {  	v40 =	vsel vm10, $0xFFFFFFFF, v0;
	v63 =	vmpcnt.ones.xlane vm12;
	v49, _, _ =	vpop (xrf0);
	v36 =	vadd.s32 v59, v36  }
0x104: {  	vm12 =	veq.s32 v32, v7;
	v43 =	vmpcnt.ones.xlane vm13;
	v53, _, _ =	vpop (xrf0);
	(xrf0) =	vadd.scan.msk.s32 $0xffff, v35;
	v36 =	vadd.s32 v60, v36  }
0x105: {  	v44 =	vmpcnt.ones.xlane vm14;
	v46 =	vmpcnt.ones.xlane vm6;
	v36 =	vadd.s32 v61, v36  }
0x106: {  	v47 =	vmpcnt.ones.xlane vm7;
	v48 =	vmpcnt.ones.xlane vm8;
	v36 =	vadd.s32 v62, v36  }
0x107: {  	v50 =	vsub.s32 v49, v42;
	v56 =	vsel vm10, $0x1, v0;
	v36 =	vadd.s32 v63, v36  }
0x108: {  	v51 =	vmpcnt.ones.xlane vm2;
	v52 =	vsel vm15, $0xFFFFFFFF, v0;
	(xrf0) =	vadd.scan.msk.s32 $0xffff, v56;
	v36 =	vadd.s32 v43, v36  }
0x109: {  	v54 =	vadd.s32 v52, v53;
	v63 =	vsel vm12, $0x1, v0;
	v33 =	vadd.s32 v44, v36  }
0x10a: {  	v35 =	vadd.s32 v51, v54;
	v59 =	vsel vm9, $0xFFFFFFFF, v0;
	v60, _, _ =	vpop (xrf0);
	(xrf0) =	vadd.scan.msk.s32 $0xffff, v63;
	v33 =	vadd.s32 v46, v33  }
0x10b: {  	v57 =	vmpcnt.ones.xlane vm15;
	v61 =	vadd.s32 v59, v60;
	v33 =	vadd.s32 v47, v33  }
0x10c: {  	v62 =	vmpcnt.ones.xlane vm9;
	v44 =	vmpcnt.ones.xlane vm10;
	v33 =	vadd.s32 v48, v33  }
0x10d: {  	v46 =	vsel vm12, $0xFFFFFFFF, v0;
	v14 =	vsub.s32 v14, v33;
	v33 =	vadd.s32 v51, v57  }
0x10e: {  	v41, _, _ =	vpop (xrf0);
	vm3 =	veq.s32 v50, v14;
	vm11 =	veq.s32 v35, v14;
	v32 =	vadd.s32 v33, v61  }
0x10f: {  	v39 =	vadd.s32 v33, v62;
	v33 =	vadd.s32 v40, v41;
	v50 =	vmpcnt.ones.xlane vm12  }
0x110: {  	v47, _, _ =	vpop (xrf0);
	vm2 =	vmand vm2, vm3;
	vm14 =	veq.s32 v32, v14;
	v33 =	vadd.s32 v39, v33  }
0x111: {  	v45 =	vadd.s32 v39, v44;
	v32 =	vadd.s32 v46, v47;
	v55 =	vmctz.xlane vm2  }
0x112: {  	vm2 =	vmand vm15, vm11;
	vm1 =	vmand vm9, vm14;
	vm15 =	veq.s32 v31, v7  }
0x113: {  	vm8 =	veq.s32 v33, v14;
	v32 =	vadd.s32 v45, v32;
	v58 =	vmctz.xlane vm2  }
0x114: {  	v42 =	vmctz.xlane vm1;
	v43 =	vsel vm15, $0x1, v0;
	vm3 =	vmand vm10, vm8  }
0x115: {  	vm10 =	veq.s32 v30, v7;
	vm11 =	veq.s32 v32, v14;
	v30 =	vadd.s32 v45, v50  }
0x116: {  	v51 =	vsel vm15, $0xFFFFFFFF, v0;
	vm4 =	vlt.s32 v55, $0x10;
	(xrf0) =	vadd.scan.msk.s32 $0xffff, v43;
	v48 =	vsel vm10, $0x1, v0  }
0x117: {  	v49 =	vmctz.xlane vm3;
	vm2 =	vmand vm12, vm11;
	vm12 =	veq.s32 v29, v7  }
0x118: {  	v57 =	vsel vm10, $0xFFFFFFFF, v0;
	v62 =	vmpcnt.ones.xlane vm10;
	v34 =	vnsel vm4, $0x0, v55;
	(xrf0) =	vadd.scan.msk.s32 $0xffff, v48  }
0x119: {  	vm13 =	vlt.s32 v58, $0x10;
	v36 =	vadd.s32 $0x10, v58;
	vm9 =	vlt.s32 v42, $0x10  }
0x11a: {  	v31 =	vadd.s32 $0x20, v42;
	v53 =	vmctz.xlane vm2;
	v55 =	vmpcnt.ones.xlane vm15  }
0x11b: {  	v56 =	vsel vm12, $0x1, v0;
	v35 =	vsel vm12, $0xFFFFFFFF, v0;
	v39 =	vmpcnt.ones.xlane vm12  }
0x11c: {  	v34 =	vsel vm13, v36, v34;
	vm3 =	vlt.s32 v49, $0x10;
	v33 =	vadd.s32 $0x30, v49;
	v52, _, _ =	vpop (xrf0)  }
0x11d: {  	v31 =	vsel vm9, v31, v34;
	vm14 =	vlt.s32 v53, $0x10;
	v32 =	vadd.s32 v51, v52  }
0x11e: {  	v61 =	vadd.s32 $0x40, v53;
	v31 =	vsel vm3, v33, v31;
	(xrf0) =	vadd.scan.msk.s32 $0xffff, v56;
	v58, _, _ =	vpop (xrf0);
	v54 =	vadd.s32 v30, v32  }
0x11f: {  	v30 =	vadd.s32 v30, v55;
	v29 =	vadd.s32 v57, v58;
	vm13 =	veq.s32 v54, v14  }
0x120: {  	v31 =	vsel vm14, v61, v31;
	v29 =	vadd.s32 v30, v29;
	vm0 =	vmand vm15, vm13  }
0x121: {  	vm15 =	veq.s32 v28, v7;
	vm7 =	veq.s32 v29, v14;
	v29 =	vadd.s32 v30, v62  }
0x122: {  	v59 =	vmctz.xlane vm0;
	v60 =	vsel vm15, $0x1, v0;
	vm0 =	vmand vm10, vm7  }
0x123: {  	v40 =	vsel vm15, $0xFFFFFFFF, v0;
	v44 =	vmpcnt.ones.xlane vm15;
	v63 =	vmctz.xlane vm0  }
0x124: {  	(xrf0) =	vadd.scan.msk.s32 $0xffff, v60;
	vm0 =	veq.s32 v27, v7;
	v36, _, _ =	vpop (xrf0);
	vm8 =	vlt.s32 v59, $0x10;
	v28 =	vadd.s32 $0x50, v59  }
0x125: {  	v27 =	vadd.s32 v35, v36;
	v37 =	vsel vm0, $0x1, v0;
	v46 =	vsel vm0, $0xFFFFFFFF, v0  }
0x126: {  	v52 =	vmpcnt.ones.xlane vm0;
	v28 =	vsel vm8, v28, v31;
	v27 =	vadd.s32 v29, v27  }
0x127: {  	vm9 =	vlt.s32 v63, $0x10;
	(xrf0) =	vadd.scan.msk.s32 $0xffff, v37;
	v38 =	vadd.s32 $0x60, v63;
	vm10 =	veq.s32 v27, v14  }
0x128: {  	v28 =	vsel vm9, v38, v28;
	v27 =	vadd.s32 v29, v39;
	vm11 =	vmand vm12, vm10  }
0x129: {  	vm12 =	veq.s32 v26, v7;
	v26 =	vadd.s32 v27, v44;
	vm10 =	veq.s32 v24, v7  }
0x12a: {  	v43 =	vmctz.xlane vm11;
	v45 =	vsel vm12, $0x1, v0;
	v54 =	vsel vm12, $0xFFFFFFFF, v0;
	v41, _, _ =	vpop (xrf0)  }
0x12b: {  	v57 =	vmpcnt.ones.xlane vm12;
	v58 =	vsel vm10, $0x1, v0;
	(xrf0) =	vadd.scan.msk.s32 $0xffff, v45;
	v42 =	vadd.s32 v40, v41  }
0x12c: {  	v31 =	vsel vm10, $0xFFFFFFFF, v0;
	v35 =	vmpcnt.ones.xlane vm10;
	v29 =	vadd.s32 v27, v42  }
0x12d: {  	vm13 =	vlt.s32 v43, $0x10;
	v49 =	vadd.s32 $0x70, v43;
	v47, _, _ =	vpop (xrf0);
	vm14 =	veq.s32 v29, v14  }
0x12e: {  	v27 =	vadd.s32 v46, v47;
	vm2 =	vmand vm15, vm14;
	vm15 =	veq.s32 v25, v7  }
0x12f: {  	v27 =	vadd.s32 v26, v27;
	v25 =	vsel vm13, v49, v28;
	v50 =	vsel vm15, $0x1, v0  }
0x130: {  	v26 =	vadd.s32 v26, v52;
	v48 =	vmctz.xlane vm2;
	vm9 =	veq.s32 v27, v14;
	(xrf0) =	vadd.scan.msk.s32 $0xffff, v50  }
0x131: {  	v59 =	vadd.s32 v26, v57;
	v60 =	vsel vm15, $0xFFFFFFFF, v0;
	v29 =	vmpcnt.ones.xlane vm15;
	v55, _, _ =	vpop (xrf0)  }
0x132: {  	vm4 =	vmand vm0, vm9;
	vm8 =	vlt.s32 v48, $0x10;
	v56 =	vadd.s32 v54, v55;
	(xrf0) =	vadd.scan.msk.s32 $0xffff, v58  }
0x133: {  	v51 =	vadd.s32 $0x80, v48;
	v53 =	vmctz.xlane vm4;
	v24 =	vadd.s32 v26, v56  }
0x134: {  	v30 =	vadd.s32 v59, v29;
	v25 =	vsel vm8, v51, v25;
	vm11 =	veq.s32 v24, v14  }
0x135: {  	vm4 =	vlt.s32 v53, $0x10;
	v27 =	vadd.s32 $0x90, v53;
	vm1 =	vmand vm12, vm11  }
0x136: {  	vm12 =	veq.s32 v23, v7;
	v25 =	vsel vm4, v27, v25;
	v62 =	vmctz.xlane vm1;
	v61, _, _ =	vpop (xrf0)  }
0x137: {  	v63 =	vsel vm12, $0x1, v0;
	v36 =	vsel vm12, $0xFFFFFFFF, v0;
	v26 =	vadd.s32 v60, v61  }
0x138: {  	v40 =	vmpcnt.ones.xlane vm12;
	vm14 =	vlt.s32 v62, $0x10;
	v32, _, _ =	vpop (xrf0);
	v26 =	vadd.s32 v59, v26  }
0x139: {  	(xrf0) =	vadd.scan.msk.s32 $0xffff, v63;
	v23 =	vadd.s32 $0xA0, v62;
	v24 =	vadd.s32 v31, v32;
	vm13 =	veq.s32 v26, v14  }
0x13a: {  	v23 =	vsel vm14, v23, v25;
	v24 =	vadd.s32 v30, v24;
	vm2 =	vmand vm15, vm13  }
0x13b: {  	vm15 =	veq.s32 v22, v7;
	vm9 =	veq.s32 v24, v14;
	v22 =	vadd.s32 v30, v35  }
0x13c: {  	v33 =	vsel vm15, $0x1, v0;
	v34 =	vmctz.xlane vm2;
	vm2 =	vmand vm10, vm9  }
0x13d: {  	vm10 =	veq.s32 v21, v7;
	v42 =	vsel vm15, $0xFFFFFFFF, v0;
	v47 =	vmpcnt.ones.xlane vm15  }
0x13e: {  	vm9 =	veq.s32 v18, v7;
	v38 =	vmctz.xlane vm2;
	v41 =	vsel vm10, $0x1, v0  }
0x13f: {  	(xrf0) =	vadd.scan.msk.s32 $0xffff, v33;
	v37, _, _ =	vpop (xrf0);
	v49 =	vsel vm10, $0xFFFFFFFF, v0;
	v53 =	vmpcnt.ones.xlane vm10;
	v59 =	vsel vm9, $0x1, v0  }
0x140: {  	v27 =	vsel vm9, $0xFFFFFFFF, v0;
	v30 =	vmpcnt.ones.xlane vm9;
	v24 =	vadd.s32 v36, v37  }
0x141: {  	vm8 =	vlt.s32 v34, $0x10;
	v26 =	vadd.s32 $0xB0, v34;
	v39 =	vadd.s32 v22, v24  }
0x142: {  	v23 =	vsel vm8, v26, v23;
	vm5 =	vlt.s32 v38, $0x10;
	v46 =	vadd.s32 $0xC0, v38  }
0x143: {  	(xrf0) =	vadd.scan.msk.s32 $0xffff, v41;
	v22 =	vadd.s32 v22, v40;
	vm11 =	veq.s32 v39, v14;
	v23 =	vsel vm5, v46, v23  }
0x144: {  	vm0 =	vmand vm12, vm11;
	vm12 =	veq.s32 v20, v7;
	vm11 =	veq.s32 v17, v7  }
0x145: {  	v44 =	vmctz.xlane vm0;
	v45 =	vsel vm12, $0x1, v0;
	v54 =	vsel vm12, $0xFFFFFFFF, v0;
	v43, _, _ =	vpop (xrf0)  }
0x146: {  	v58 =	vmpcnt.ones.xlane vm12;
	v17 =	vsel vm11, $0x1, v0;
	(xrf0) =	vadd.scan.msk.s32 $0xffff, v45;
	v21 =	vadd.s32 v42, v43  }
0x147: {  	v32 =	vsel vm11, $0xFFFFFFFF, v0;
	v34 =	vmpcnt.ones.xlane vm11;
	v21 =	vadd.s32 v22, v21  }
0x148: {  	vm14 =	vlt.s32 v44, $0x10;
	v20 =	vadd.s32 $0xD0, v44;
	vm13 =	veq.s32 v21, v14  }
0x149: {  	v50, _, _ =	vpop (xrf0);
	v20 =	vsel vm14, v20, v23;
	vm0 =	vmand vm15, vm13;
	vm15 =	veq.s32 v19, v7  }
0x14a: {  	v21 =	vadd.s32 v22, v47;
	v19 =	vadd.s32 v49, v50;
	v51 =	vsel vm15, $0x1, v0  }
0x14b: {  	v48 =	vmctz.xlane vm0;
	v19 =	vadd.s32 v21, v19;
	v60 =	vsel vm15, $0xFFFFFFFF, v0;
	(xrf0) =	vadd.scan.msk.s32 $0xffff, v51  }
0x14c: {  	v63 =	vmpcnt.ones.xlane vm15;
	vm0 =	veq.s32 v15, v7;
	vm7 =	veq.s32 v19, v14;
	v55, _, _ =	vpop (xrf0)  }
0x14d: {  	v19 =	vadd.s32 v21, v53;
	v31 =	vsel vm0, $0x1, v0;
	v56 =	vadd.s32 v54, v55  }
0x14e: {  	v39 =	vsel vm0, $0xFFFFFFFF, v0;
	vm6 =	vlt.s32 v48, $0x10;
	(xrf0) =	vadd.scan.msk.s32 $0xffff, v59;
	v21 =	vadd.s32 v19, v56  }
0x14f: {  	v52 =	vadd.s32 $0xE0, v48;
	vm8 =	vmand vm10, vm7;
	vm10 =	veq.s32 v21, v14  }
0x150: {  	v18 =	vadd.s32 v19, v58;
	v57 =	vmctz.xlane vm8;
	(xrf0) =	vadd.scan.msk.s32 $0xffff, v17;
	vm2 =	vmand vm12, vm10  }
0x151: {  	v48 =	vmpcnt.ones.xlane vm0;
	v20 =	vsel vm6, v52, v20;
	v62 =	vmctz.xlane vm2;
	v61, _, _ =	vpop (xrf0)  }
0x152: {  	vm1 =	vlt.s32 v57, $0x10;
	v22 =	vadd.s32 $0xF0, v57;
	v19 =	vadd.s32 v60, v61  }
0x153: {  	v20 =	vsel vm1, v22, v20;
	vm12 =	vlt.s32 v62, $0x10;
	v19 =	vadd.s32 v18, v19  }
0x154: {  	v24 =	vadd.s32 $0x100, v62;
	v28, _, _ =	vpop (xrf0);
	v18 =	vadd.s32 v18, v63;
	vm13 =	veq.s32 v19, v14  }
0x155: {  	v19 =	vadd.s32 v27, v28;
	v15 =	vadd.s32 v18, v30;
	vm14 =	vmand vm15, vm13  }
0x156: {  	v33, _, _ =	vpop (xrf0);
	vm15 =	veq.s32 v16, v7;
	v16 =	vsel vm12, v24, v20;
	v29 =	vadd.s32 v18, v19  }
0x157: {  	v19 =	vadd.s32 v32, v33;
	vm12 =	veq.s32 v12, v7;
	v26 =	vsel vm15, $0x1, v0  }
0x158: {  	v25 =	vmctz.xlane vm14;
	vm8 =	veq.s32 v29, v14;
	v19 =	vadd.s32 v15, v19;
	(xrf0) =	vadd.scan.msk.s32 $0xffff, v26  }
0x159: {  	v15 =	vadd.s32 v15, v34;
	v36 =	vsel vm15, $0xFFFFFFFF, v0;
	v38 =	vmpcnt.ones.xlane vm15  }
0x15a: {  	v44 =	vsel vm12, $0x1, v0;
	v55 =	vsel vm12, $0xFFFFFFFF, v0;
	v59 =	vmpcnt.ones.xlane vm12;
	(xrf0) =	vadd.scan.msk.s32 $0xffff, v31  }
0x15b: {  	vm3 =	vmand vm9, vm8;
	vm9 =	veq.s32 v19, v14;
	vm7 =	vlt.s32 v25, $0x10  }
0x15c: {  	v17 =	vadd.s32 $0x110, v25;
	v35 =	vmctz.xlane vm3;
	vm2 =	vmand vm11, vm9  }
0x15d: {  	vm11 =	veq.s32 v13, v7;
	vm9 =	veq.s32 v10, v7;
	v16 =	vsel vm7, v17, v16  }
0x15e: {  	v41 =	vmctz.xlane vm2;
	v42 =	vsel vm11, $0x1, v0;
	v50 =	vsel vm11, $0xFFFFFFFF, v0;
	v37, _, _ =	vpop (xrf0)  }
0x15f: {  	v53 =	vmpcnt.ones.xlane vm11;
	v62 =	vsel vm9, $0x1, v0;
	v17 =	vadd.s32 v36, v37  }
0x160: {  	vm3 =	vlt.s32 v35, $0x10;
	v18 =	vadd.s32 $0x120, v35;
	(xrf0) =	vadd.scan.msk.s32 $0xffff, v42;
	v40, _, _ =	vpop (xrf0);
	v17 =	vadd.s32 v15, v17  }
0x161: {  	(xrf0) =	vadd.scan.msk.s32 $0xffff, v44;
	v15 =	vadd.s32 v15, v38;
	vm10 =	veq.s32 v17, v14;
	v17 =	vadd.s32 v39, v40  }
0x162: {  	v23 =	vsel vm9, $0xFFFFFFFF, v0;
	v16 =	vsel vm3, v18, v16;
	v17 =	vadd.s32 v15, v17  }
0x163: {  	vm14 =	vlt.s32 v41, $0x10;
	vm1 =	vmand vm15, vm10;
	vm13 =	veq.s32 v17, v14  }
0x164: {  	v13 =	vadd.s32 $0x130, v41;
	v43 =	vmctz.xlane vm1;
	vm1 =	vmand vm0, vm13  }
0x165: {  	v25 =	vmpcnt.ones.xlane vm9;
	v13 =	vsel vm14, v13, v16;
	v45 =	vmctz.xlane vm1  }
0x166: {  	v51, _, _ =	vpop (xrf0);
	vm1 =	veq.s32 v11, v7;
	vm15 =	vlt.s32 v43, $0x10;
	v46 =	vadd.s32 $0x140, v43  }
0x167: {  	v52 =	vadd.s32 v50, v51;
	v56, _, _ =	vpop (xrf0);
	v47 =	vsel vm1, $0x1, v0;
	v11 =	vsel vm15, v46, v13  }
0x168: {  	v13 =	vadd.s32 v15, v48;
	v58 =	vadd.s32 v55, v56;
	v60 =	vsel vm1, $0xFFFFFFFF, v0  }
0x169: {  	vm15 =	veq.s32 v8, v7;
	v21 =	vmpcnt.ones.xlane vm1;
	(xrf0) =	vadd.scan.msk.s32 $0xffff, v47;
	vm6 =	vlt.s32 v45, $0x10  }
0x16a: {  	v49 =	vadd.s32 $0x150, v45;
	v54 =	vadd.s32 v13, v52;
	v57 =	vadd.s32 v13, v53  }
0x16b: {  	v22 =	vsel vm15, $0x1, v0;
	v32 =	vsel vm15, $0xFFFFFFFF, v0;
	v40 =	vmpcnt.ones.xlane vm15  }
0x16c: {  	v11 =	vsel vm6, v49, v11;
	vm7 =	veq.s32 v54, v14;
	v13 =	vadd.s32 v57, v58  }
0x16d: {  	(xrf0) =	vadd.scan.msk.s32 $0xffff, v62;
	vm0 =	vmand vm11, vm7;
	vm8 =	veq.s32 v13, v14;
	vm11 =	veq.s32 v9, v7  }
0x16e: {  	v63 =	vmctz.xlane vm0;
	vm10 =	vmand vm12, vm8;
	v17 =	vsel vm11, $0x1, v0  }
0x16f: {  	v12 =	vadd.s32 v57, v59;
	v26 =	vsel vm11, $0xFFFFFFFF, v0;
	v16 =	vmctz.xlane vm10;
	(xrf0) =	vadd.scan.msk.s32 $0xffff, v17;
	v61, _, _ =	vpop (xrf0)  }
0x170: {  	v29 =	vmpcnt.ones.xlane vm11;
	vm13 =	vlt.s32 v63, $0x10;
	v10 =	vadd.s32 v60, v61  }
0x171: {  	v18 =	vadd.s32 $0x160, v63;
	vm14 =	vlt.s32 v16, $0x10;
	v10 =	vadd.s32 v12, v10  }
0x172: {  	s31 =	sand.u32 $0xF, s15;
	v9 =	vadd.s32 $0x170, v16;
	vm12 =	veq.s32 v10, v14;
	v10 =	vsel vm13, v18, v11  }
0x173: {  	v63 =	vmov s31;
	(xrf0) =	vadd.scan.msk.s32 $0xffff, v22;
	v24, _, _ =	vpop (xrf0);
	vm0 =	vmand vm1, vm12;
	v20 =	vsel vm14, v9, v10  }
0x174: {  	v9 =	vadd.s32 v12, v21;
	v10 =	vadd.s32 v23, v24;
	vm14 =	veq.s32 v3, v7  }
0x175: {  	v27, _, _ =	vpop (xrf0);
	v19 =	vmctz.xlane vm0;
	v10 =	vadd.s32 v9, v10;
	v9 =	vadd.s32 v9, v25  }
0x176: {  	v28 =	vadd.s32 v26, v27;
	v43 =	vsel vm14, $0x1, v0;
	v53 =	vsel vm14, $0xFFFFFFFF, v0  }
0x177: {  	vm7 =	veq.s32 v10, v14;
	v10 =	vadd.s32 v9, v28;
	v31 =	vadd.s32 v9, v29  }
0x178: {  	vm6 =	vlt.s32 v19, $0x10;
	vm1 =	vmand vm9, vm7;
	vm9 =	veq.s32 v6, v7  }
0x179: {  	v33, _, _ =	vpop (xrf0);
	v11 =	vadd.s32 $0x180, v19;
	vm8 =	veq.s32 v10, v14;
	v34 =	vsel vm9, $0x1, v0  }
0x17a: {  	v9 =	vadd.s32 v32, v33;
	v6 =	vadd.s32 v31, v40;
	v8 =	vsel vm6, v11, v20;
	(xrf0) =	vadd.scan.msk.s32 $0xffff, v34  }
0x17b: {  	v30 =	vmctz.xlane vm1;
	vm2 =	vmand vm11, vm8;
	vm1 =	veq.s32 v5, v7  }
0x17c: {  	v9 =	vadd.s32 v31, v9;
	v41 =	vsel vm9, $0xFFFFFFFF, v0;
	v37 =	vsel vm1, $0x1, v0  }
0x17d: {  	v44 =	vmpcnt.ones.xlane vm9;
	v36 =	vmctz.xlane vm2;
	vm2 =	veq.s32 v4, v7;
	(xrf0) =	vadd.scan.msk.s32 $0xffff, v37  }
0x17e: {  	vm11 =	veq.s32 v9, v14;
	v46 =	vsel vm1, $0xFFFFFFFF, v0;
	v39 =	vsel vm2, $0x1, v0  }
0x17f: {  	v48 =	vmpcnt.ones.xlane vm1;
	vm10 =	vlt.s32 v30, $0x10;
	v35 =	vadd.s32 $0x190, v30;
	(xrf0) =	vadd.scan.msk.s32 $0xffff, v39  }
0x180: {  	vm12 =	vmand vm15, vm11;
	v47 =	vadd.s32 v6, v44;
	v8 =	vsel vm10, v35, v8;
	v42, _, _ =	vpop (xrf0);
	(xrf0) =	vadd.scan.msk.s32 $0xffff, v43  }
0x181: {  	v38 =	vmctz.xlane vm12;
	vm13 =	vlt.s32 v36, $0x10;
	v5 =	vadd.s32 $0x1A0, v36  }
0x182: {  	v50 =	vsel vm2, $0xFFFFFFFF, v0;
	v56 =	vmpcnt.ones.xlane vm2;
	v3 =	vsel vm13, v5, v8  }
0x183: {  	vm15 =	vlt.s32 v38, $0x10;
	v4 =	vadd.s32 $0x1B0, v38;
	v5 =	vadd.s32 v41, v42;
	v45, _, _ =	vpop (xrf0)  }
0x184: {  	v3 =	vsel vm15, v4, v3;
	v5 =	vadd.s32 v6, v5;
	v4 =	vadd.s32 v46, v45  }
0x185: {  	v49, _, _ =	vpop (xrf0);
	vm8 =	veq.s32 v5, v14;
	v4 =	vadd.s32 v47, v4;
	v5 =	vadd.s32 v47, v48  }
0x186: {  	v7 =	vadd.s32 v50, v49;
	vm3 =	vmand vm9, vm8;
	vm9 =	veq.s32 v4, v14;
	v54, _, _ =	vpop (xrf0)  }
0x187: {  	v52 =	vadd.s32 v5, v7;
	v51 =	vmctz.xlane vm3;
	v55 =	vadd.s32 v53, v54  }
0x188: {  	vm10 =	veq.s32 v52, v14;
	vm1 =	vmand vm1, vm9;
	v4 =	vadd.s32 v5, v55  }
0x189: {  	v58 =	vmctz.xlane vm1;
	vm2 =	vmand vm2, vm10;
	v4 =	vadd.s32 v56, v4  }
0x18a: {  	p0 =	sne.s32 s31, $0xF;
	vm11 =	vlt.s32 v51, $0x10;
	v57 =	vadd.s32 $0x1C0, v51;
	vm12 =	veq.s32 v4, v14  }
0x18b: {  	s16 =	sand.u32 @!p0 $0x30, s15;
	s15 =	sadd.s32 $0x1, s15;
	v59 =	vmctz.xlane vm2;
	v3 =	vsel vm11, v57, v3;
	vm0 =	vmand vm14, vm12  }
0x18c: {  	p1 =	sne.s32 s15, $0x40;
	vm13 =	vlt.s32 v58, $0x10;
	v60 =	vadd.s32 $0x1D0, v58;
	v61 =	vmctz.xlane vm0  }
.Ltmp2:
0x18d: {  	v3 =	vsel vm13, v60, v3;
	v4 =	vadd.s32 $0x1E0, v59;
	vm14 =	vlt.s32 v59, $0x10;
	(pc) =	sbr.rel @p1 .LBB2_5-.Ltmp2, $4  }
0x18e: {  	v3 =	vsel vm14, v4, v3;
	vm0 =	vlt.s32 v61, $0x10;
	v62 =	vadd.s32 $0x1F0, v61  }
0x18f: {  	vm15 =	veq.s32 v63, v1;
	v3 =	vsel vm0, v62, v3  }
0x190: {  	v2 =	vsel vm15, v3, v2  }
0x191: {  	[tilespmem:s16+$0x8400] =	vst @!p0 v2  }
0x192: {  	s14 =	sadd.s32 s4, s14;
	s13 =	sadd.s32 $0x1, s13  }
0x193: {  	s14 =	sshrl.u32 s14, $0x3;
	p0 =	sne.s32 s13, $0xA  }
.Ltmp3:
0x194: {  	s14 =	sadd.s32 s6, s14;
	(pc) =	sbr.rel @p0 .LBB2_2-.Ltmp3, $4  }
0x195: {  	[hbm4b:s14+s3] =	stream.linear.scatter [tilespmem:s11], [sflag:$0x1], $0x40, $0x38;
	[tilespmem:$0x8480] =	vst v63  }
0x196: {  	_ =	swait.ge [sflag:s10], $0x40  }
0x197: {  	[sflag:s10] =	ssyncset.done $0x0  }
0x198: {  	[sflag:s10] =	ssyncadd.s32 $0xFFFFFFC0  }
0x199: {  	s12 =	sadd.s32 $0x1, s12  }
0x19a: {  	p0 =	sne.s32 s12, s8  }
.Ltmp4:
0x19b: {  	_ = 	snop;
	(pc) =	sbr.rel @p0 .LBB2_1-.Ltmp4, $1  }
0x19c: {  	_ =	sdelay $0x3  }
0x19d: {  	_ =	sfence.sel $0x180000  }
0x19e: {  	[bflag:$0x0] =	sbarrier.arrive $0xFFFF  }
0x19f: {  	p0 =	sne.s32 s1, $0x0;
	_ =	strace $0x90000047  }
0x1a0: {  	s0 =	sadd.s32 @!p0 $0x100000, s0;
	[bflag:$0x2] =	sbarrier.arrive $0xFFFF  }
0x1a1: {  	[sflag:s0] =	ssyncadd.tile.s32 @!p0 $0x1;
	_ =	shalt  }
.Lfunc_end2:
_tile_overlayer_lowered:
.L_overlay_start_2:
0x1a2: {  	(tag) =	ssettag $0x2  }
0x1a3: {  	s0 =	rddreg [dreg:$0x0];
	s2 =	stileid.u32  }
0x1a4: {  	s1 =	rddreg [dreg:$0x1];
	p0 =	sne.s32 s2, $0x0  }
0x1a5: {  	s3 =	rddreg [dreg:$0x2];
	[bflag:$0x3] =	sbarrier.arrive $0xFFFF;
	s2 =	simm.s32 @!p0 $0x1C01  }
0x1a6: {  	[timem:s3], [sflag:s2] =	dma.local @!p0 [hbm:s0], s1  }
0x1a7: {  	s0 =	simm.s32 @!p0 $0x1  }
0x1a8: {  	_ =	swait.ge @!p0 [sflag:s0], s1  }
0x1a9: {  	s1 =	ssub.s32 @!p0 $0x0, s1;
	[sflag:s0] =	ssyncset.done @!p0 $0x0  }
0x1aa: {  	[sflag:s0] =	ssyncadd.s32 @!p0 s1  }
0x1ab: {  	[bflag:$0x3] =	sbarrier.arrive $0xFFFF  }
0x1ac: {  	_ =	shalt  }

</sc_bundles>
